<compile_context>
chip_gen: v7x
topology: tpu7x:2x2x1
jax: 0.10.2.dev20260603
libtpu: 0.0.44.dev20260713+nightly
codegen_flags: <defaults>
</compile_context>

<pallas_src>
import functools
import jax
import jax.numpy as jnp
from jax import lax
from jax.experimental import pallas as pl
from jax.experimental.pallas import tpu as pltpu
from jax.experimental.pallas import tpu_sc as plsc

DIM = 64
BATCH = 16384
LANES = 16
NBLK = 7813
CPB = 5
CHW = CPB * 128
NCHK = 49
NBUF = 3
IPC = 2048
LCAP = 2048
RING = 8

_info = plsc.get_sparse_core_info()
NC = _info.num_cores
NS = _info.num_subcores
NW = NC * NS
BPW = BATCH // NW
NGRP = BPW // LANES
TPAD = 17

_mesh = plsc.VectorSubcoreMesh(core_axis_name="c", subcore_axis_name="s")
_params = pltpu.CompilerParams(needs_layout_passes=False)

_DNUMS = lax.GatherDimensionNumbers(
    offset_dims=(), collapsed_slice_dims=(0,), start_index_map=(0,))


def _dyn_gather(v, j):
    return lax.gather(v, j[:, None], _DNUMS, slice_sizes=(1,),
                      mode=lax.GatherScatterMode.PROMISE_IN_BOUNDS)


@functools.partial(
    pl.kernel,
    mesh=_mesh,
    out_type=jax.ShapeDtypeStruct((BATCH * DIM,), jnp.float32),
    scratch_types=[
        pltpu.VMEM((IPC,), jnp.int32),
        pltpu.VMEM((LCAP + LANES,), jnp.int32),
        pltpu.VMEM((LCAP + LANES,), jnp.int32),
        pltpu.VMEM((NBUF, DIM, CHW), jnp.float32),
        pltpu.VMEM((RING * DIM,), jnp.float32),
        pltpu.SemaphoreType.DMA,
        pltpu.SemaphoreType.DMA,
    ],
    compiler_params=_params,
)
def _scan_gather(iw_hbm, tT_hbm, rows_hbm,
                 idx_v, bl_v, il_v, st_v, rb_v, sem_in, sem_out):
    wid = lax.axis_index("s") * NC + lax.axis_index("c")
    bs = wid * 244 + jnp.minimum(wid, 5)
    bn = 244 + (wid < 5).astype(jnp.int32)
    be = bs + bn

    lane = lax.iota(jnp.int32, LANES)

    def chunk_col(c):
        cb = jnp.minimum(bs + c * CPB, NBLK - CPB)
        return pl.multiple_of(cb * 128, 128)

    def fire(c, buf):
        pltpu.async_copy(tT_hbm.at[:, pl.ds(chunk_col(c), CHW)],
                         st_v.at[buf], sem_in)

    def drain_in():
        pltpu.make_async_copy(tT_hbm.at[:, pl.ds(0, CHW)], st_v.at[0],
                              sem_in).wait()

    for p in range(NBUF - 1):
        fire(jnp.int32(p), p)

    def piece(p, cnt):
        pltpu.sync_copy(iw_hbm.at[pl.ds(p * IPC, IPC)], idx_v)

        def prescan(g, cnt):
            v = idx_v[pl.ds(g * LANES, LANES)]
            blk = v >> 7
            m = (blk >= bs) & (blk < be)
            bl = lane + (p * IPC + g * LANES)
            plsc.store_compressed(bl_v.at[pl.ds(cnt, LANES)], bl, mask=m)
            plsc.store_compressed(il_v.at[pl.ds(cnt, LANES)], v, mask=m)
            return cnt + plsc.all_reduce_population_count(m)[0]

        return lax.fori_loop(0, IPC // LANES, prescan, cnt)

    lcnt = lax.fori_loop(0, BATCH // IPC, piece, jnp.int32(0))
    nlv = (lcnt + LANES - 1) // LANES

    def chunk_body(c, fired):
        buf = lax.rem(c, NBUF)
        @pl.when(c + NBUF - 1 < NCHK)
        def _():
            fire(c + NBUF - 1, lax.rem(c + NBUF - 1, NBUF))
        drain_in()
        col0 = chunk_col(c)
        lo = col0 >> 7
        hi = lo + CPB

        def list_vreg(j, fired):
            vi = il_v[pl.ds(j * LANES, LANES)]
            vb = bl_v[pl.ds(j * LANES, LANES)]
            valid = (lane + j * LANES) < lcnt
            m0 = ((vi >> 7) >= lo) & ((vi >> 7) < hi) & valid

            def member(k, carry):
                m, fired = carry
                j1 = plsc.all_reduce_ffs(m != 0)
                idx_s = _dyn_gather(vi, j1)[0]
                b_s = _dyn_gather(vb, j1)[0]
                col = jnp.full((LANES,), idx_s - col0, jnp.int32)
                slot = lax.rem(fired, RING)
                @pl.when(fired >= RING)
                def _():
                    pltpu.make_async_copy(
                        rb_v.at[pl.ds(0, DIM)],
                        rows_hbm.at[pl.ds(0, DIM)], sem_out).wait()
                for k4 in range(DIM // LANES):
                    rows = lane + (k4 * LANES)
                    rv = plsc.load_gather(st_v.at[buf], [rows, col])
                    rb_v[pl.ds(slot * DIM + k4 * LANES, LANES)] = rv
                pltpu.async_copy(rb_v.at[pl.ds(slot * DIM, DIM)],
                                 rows_hbm.at[pl.ds(b_s * DIM, DIM)], sem_out)
                m = m & (lane != j1[0]).astype(jnp.int32)
                return m, fired + 1

            n0 = plsc.all_reduce_population_count(m0)[0]
            _, fired = lax.fori_loop(0, n0, member,
                                     (m0.astype(jnp.int32), fired))
            return fired

        return lax.fori_loop(0, nlv, list_vreg, fired)

    fired = lax.fori_loop(0, NCHK, chunk_body, jnp.int32(0))

    def drain_out(i, carry):
        @pl.when(i < jnp.minimum(fired, RING))
        def _():
            pltpu.make_async_copy(rb_v.at[pl.ds(0, DIM)],
                                  rows_hbm.at[pl.ds(0, DIM)], sem_out).wait()
        return carry

    lax.fori_loop(0, RING, drain_out, 0)


@functools.partial(
    pl.kernel,
    mesh=_mesh,
    out_type=jax.ShapeDtypeStruct((BATCH,), jnp.float32),
    scratch_types=[
        pltpu.VMEM((BPW * DIM,), jnp.float32),
        pltpu.VMEM((BPW * DIM,), jnp.float32),
        pltpu.VMEM((BPW,), jnp.float32),
        pltpu.VMEM((LANES * TPAD,), jnp.float32),
        pltpu.SemaphoreType.DMA,
    ],
    compiler_params=_params,
)
def _dot_phase(crows_hbm, xrows_hbm, out_hbm, cr_v, xr_v, o_v, tb_v, sem):
    wid = lax.axis_index("s") * NC + lax.axis_index("c")
    base = wid * BPW
    c1 = pltpu.async_copy(crows_hbm.at[pl.ds(base * DIM, BPW * DIM)], cr_v, sem)
    c2 = pltpu.async_copy(xrows_hbm.at[pl.ds(base * DIM, BPW * DIM)], xr_v, sem)
    c1.wait()
    c2.wait()
    lane = lax.iota(jnp.int32, LANES)

    def group(g, carry):
        w0 = g * LANES * DIM
        for j in range(LANES):
            w = w0 + j * DIM
            acc = cr_v[pl.ds(w, LANES)] * xr_v[pl.ds(w, LANES)]
            for k in range(1, DIM // LANES):
                acc = acc + (cr_v[pl.ds(w + k * LANES, LANES)]
                             * xr_v[pl.ds(w + k * LANES, LANES)])
            tb_v[pl.ds(j * TPAD, LANES)] = acc
        tot = plsc.load_gather(tb_v, [lane * TPAD])
        for i in range(1, LANES):
            tot = tot + plsc.load_gather(tb_v, [lane * TPAD + i])
        o_v[pl.ds(g * LANES, LANES)] = tot
        return carry

    lax.fori_loop(0, NGRP, group, 0)
    pltpu.sync_copy(o_v, out_hbm.at[pl.ds(base, BPW)])


def kernel(center_word, context_word, center_table, context_table):
    cw = center_word.astype(jnp.int32)
    xw = context_word.astype(jnp.int32)
    crows = _scan_gather(cw, jnp.transpose(center_table))
    xrows = _scan_gather(xw, jnp.transpose(context_table))
    return _dot_phase(crows, xrows)

# --- scband reference (transcript-rebuilt; emitter-appended) ---
"""Pipeline reference for scband-word2-vec-37744172597345 (READ-ONLY COPY).

The authoritative reference and input builder live on the scoring server;
editing this copy changes nothing except your own understanding.
"""

import jax, jax.numpy as jnp
import numpy as np

VOCAB = 1000000
DIM = 64
BATCH = 16384

def setup_inputs(seed: int = 0) -> dict:
    key = jax.random.key(seed)
    k1, k2, k3, k4 = jax.random.split(key, 4)
    center_word = jax.random.randint(k1, (BATCH,), 0, VOCAB, dtype=jnp.int64 if jax.config.jax_enable_x64 else jnp.int32)
    context_word = jax.random.randint(k2, (BATCH,), 0, VOCAB, dtype=jnp.int64 if jax.config.jax_enable_x64 else jnp.int32)
    center_table = jax.random.normal(k3, (VOCAB, DIM), dtype=jnp.float32)
    context_table = jax.random.normal(k4, (VOCAB, DIM), dtype=jnp.float32)
    return {"center_word": center_word, "context_word": context_word, "center_table": center_table, "context_table": context_table}

def reference(center_word, context_word, center_table, context_table):
    center_embedding = jnp.take(center_table, center_word, axis=0)
    context_embedding = jnp.take(context_table, context_word, axis=0)
    return jnp.sum(center_embedding * context_embedding, axis=1)

if __name__ == "__main__":
    import jax
    _d = setup_inputs()
    print(jax.jit(kernel)(*tuple(_d.values())))

</pallas_src>

<mosaic_0001>
#map = affine_map<(d0, d1) -> (0)>
#map1 = affine_map<(d0, d1) -> (0, 0)>
module attributes {stable_mosaic.version = 14 : i64} {
  func.func @_scan_gather(%arg0: i32, %arg1: i32, %arg2: memref<16384xi32, #tpu.memory_space<hbm>>, %arg3: memref<64x1000000xf32, #tpu.memory_space<hbm>>, %arg4: memref<1048576xf32, #tpu.memory_space<hbm>>, %arg5: memref<2048xi32, #tpu.memory_space<vmem>>, %arg6: memref<2064xi32, #tpu.memory_space<vmem>>, %arg7: memref<2064xi32, #tpu.memory_space<vmem>>, %arg8: memref<3x64x640xf32, #tpu.memory_space<vmem>>, %arg9: memref<512xf32, #tpu.memory_space<vmem>>, %arg10: memref<!tpu.dma_semaphore, #tpu.memory_space<semaphore_mem>>, %arg11: memref<!tpu.dma_semaphore, #tpu.memory_space<semaphore_mem>>) attributes {dimension_semantics = [#tpu.dimension_semantics<core_parallel>, #tpu.dimension_semantics<subcore_parallel>], iteration_bounds = array<i64: 2, 16>, scalar_prefetch = 0 : i64, scratch_operands = 7 : i64, tpu.core_type = #tpu.core_type<sc_vector_subcore>, window_params = [{transform_indices = #map}, {transform_indices = #map1}, {transform_indices = #map}]} {
    %mul3A = arith.constant 2 : i32
    %mul3A_0 = arith.muli %arg1, %mul3A : i32
    %add3A = arith.addi %mul3A_0, %arg0 : i32
    %mul3A_1 = arith.constant 244 : i32
    %mul3A_2 = arith.muli %add3A, %mul3A_1 : i32
    %min3A = arith.constant 5 : i32
    %min3A_3 = arith.minsi %add3A, %min3A : i32
    %add3A_4 = arith.addi %mul3A_2, %min3A_3 : i32
    %lt3A = arith.constant 5 : i32
    %lt3A_5 = arith.cmpi slt, %add3A, %lt3A : i32
    %convert_element_type3A = arith.extui %lt3A_5 : i1 to i32
    %add3A_6 = arith.constant 244 : i32
    %add3A_7 = arith.addi %add3A_6, %convert_element_type3A : i32
    %add3A_8 = arith.addi %add3A_4, %add3A_7 : i32
    %iota3A = tpu.iota {dimensions = array<i32: 0>} : vector<16xi32>
    %mul3A_9 = arith.constant 0 : i32
    %mul3A_10 = arith.constant 5 : i32
    %mul3A_11 = arith.muli %mul3A_9, %mul3A_10 : i32
    %add3A_12 = arith.addi %add3A_4, %mul3A_11 : i32
    %min3A_13 = arith.constant 7808 : i32
    %min3A_14 = arith.minsi %add3A_12, %min3A_13 : i32
    %mul3A_15 = arith.constant 128 : i32
    %mul3A_16 = arith.muli %min3A_14, %mul3A_15 : i32
    %multiple_of3A = tpu.assume_multiple %mul3A_16, 128 : i32
    %dma_start3A = arith.constant 0 : i32
    %dma_start3A_17 = arith.constant 0 : i32
    %dma_start3A_18 = arith.constant 0 : i32
    %dma_start3A_19 = tpu.memref_slice %arg8[%dma_start3A, %dma_start3A_17, %dma_start3A_18] : memref<3x64x640xf32, #tpu.memory_space<vmem>> -> memref<1x64x640xf32, #tpu.memory_space<vmem>>
    %dma_start3A_20 = tpu.memref_squeeze %dma_start3A_19 : memref<1x64x640xf32, #tpu.memory_space<vmem>> -> memref<64x640xf32, #tpu.memory_space<vmem>>
    %dma_start3A_21 = arith.constant 0 : i32
    %dma_start3A_22 = tpu.memref_slice %arg3[%dma_start3A_21, %multiple_of3A] : memref<64x1000000xf32, #tpu.memory_space<hbm>> -> memref<64x640xf32, #tpu.memory_space<hbm>>
    %dma_start3A_23 = arith.constant 0 : i32
    %dma_start3A_24 = arith.constant 0 : i32
    %dma_start3A_25 = tpu.memref_slice %arg8[%dma_start3A, %dma_start3A_23, %dma_start3A_24] : memref<3x64x640xf32, #tpu.memory_space<vmem>> -> memref<1x64x640xf32, #tpu.memory_space<vmem>>
    %dma_start3A_26 = tpu.memref_squeeze %dma_start3A_25 : memref<1x64x640xf32, #tpu.memory_space<vmem>> -> memref<64x640xf32, #tpu.memory_space<vmem>>
    %dma_start3A_27 = arith.constant 0 : i32
    %dma_start3A_28 = tpu.memref_slice %arg3[%dma_start3A_27, %multiple_of3A] : memref<64x1000000xf32, #tpu.memory_space<hbm>> -> memref<64x640xf32, #tpu.memory_space<hbm>>
    tpu.enqueue_dma source(%dma_start3A_28 : memref<64x640xf32, #tpu.memory_space<hbm>>) target(%dma_start3A_26 : memref<64x640xf32, #tpu.memory_space<vmem>>) target_semaphore(%arg10 : memref<!tpu.dma_semaphore, #tpu.memory_space<semaphore_mem>>)
    %mul3A_29 = arith.constant 1 : i32
    %mul3A_30 = arith.constant 5 : i32
    %mul3A_31 = arith.muli %mul3A_29, %mul3A_30 : i32
    %add3A_32 = arith.addi %add3A_4, %mul3A_31 : i32
    %min3A_33 = arith.constant 7808 : i32
    %min3A_34 = arith.minsi %add3A_32, %min3A_33 : i32
    %mul3A_35 = arith.constant 128 : i32
    %mul3A_36 = arith.muli %min3A_34, %mul3A_35 : i32
    %multiple_of3A_37 = tpu.assume_multiple %mul3A_36, 128 : i32
    %dma_start3A_38 = arith.constant 1 : i32
    %dma_start3A_39 = arith.constant 0 : i32
    %dma_start3A_40 = arith.constant 0 : i32
    %dma_start3A_41 = tpu.memref_slice %arg8[%dma_start3A_38, %dma_start3A_39, %dma_start3A_40] : memref<3x64x640xf32, #tpu.memory_space<vmem>> -> memref<1x64x640xf32, #tpu.memory_space<vmem>>
    %dma_start3A_42 = tpu.memref_squeeze %dma_start3A_41 : memref<1x64x640xf32, #tpu.memory_space<vmem>> -> memref<64x640xf32, #tpu.memory_space<vmem>>
    %dma_start3A_43 = arith.constant 0 : i32
    %dma_start3A_44 = tpu.memref_slice %arg3[%dma_start3A_43, %multiple_of3A_37] : memref<64x1000000xf32, #tpu.memory_space<hbm>> -> memref<64x640xf32, #tpu.memory_space<hbm>>
    %dma_start3A_45 = arith.constant 0 : i32
    %dma_start3A_46 = arith.constant 0 : i32
    %dma_start3A_47 = tpu.memref_slice %arg8[%dma_start3A_38, %dma_start3A_45, %dma_start3A_46] : memref<3x64x640xf32, #tpu.memory_space<vmem>> -> memref<1x64x640xf32, #tpu.memory_space<vmem>>
    %dma_start3A_48 = tpu.memref_squeeze %dma_start3A_47 : memref<1x64x640xf32, #tpu.memory_space<vmem>> -> memref<64x640xf32, #tpu.memory_space<vmem>>
    %dma_start3A_49 = arith.constant 0 : i32
    %dma_start3A_50 = tpu.memref_slice %arg3[%dma_start3A_49, %multiple_of3A_37] : memref<64x1000000xf32, #tpu.memory_space<hbm>> -> memref<64x640xf32, #tpu.memory_space<hbm>>
    tpu.enqueue_dma source(%dma_start3A_50 : memref<64x640xf32, #tpu.memory_space<hbm>>) target(%dma_start3A_48 : memref<64x640xf32, #tpu.memory_space<vmem>>) target_semaphore(%arg10 : memref<!tpu.dma_semaphore, #tpu.memory_space<semaphore_mem>>)
    %scan3A = arith.constant 0 : i32
    %scan3A_51 = arith.constant 0 : i32
    %scan3A_52 = arith.constant 8 : i32
    %scan3A_53 = arith.addi %scan3A_51, %scan3A_52 : i32
    %scan3A_54 = arith.constant 1 : i32
    %scan3A_55 = scf.for %scan3A_90 = %scan3A_51 to %scan3A_53 step %scan3A_54 iter_args(%scan3A_91 = %scan3A) -> (i32)  : i32 {
      %mul3A_92 = arith.constant 2048 : i32
      %mul3A_93 = arith.muli %scan3A_90, %mul3A_92 : i32
      "tpu.region"() ({
        %run_scoped3A = tpu.sem_alloc : memref<!tpu.dma_semaphore, #tpu.memory_space<semaphore_mem>>
        %dma_start3A_100 = tpu.memref_slice %arg2[%mul3A_93] : memref<16384xi32, #tpu.memory_space<hbm>> -> memref<2048xi32, #tpu.memory_space<hbm>>
        %dma_start3A_101 = tpu.memref_slice %arg2[%mul3A_93] : memref<16384xi32, #tpu.memory_space<hbm>> -> memref<2048xi32, #tpu.memory_space<hbm>>
        tpu.enqueue_dma source(%dma_start3A_101 : memref<2048xi32, #tpu.memory_space<hbm>>) target(%arg5 : memref<2048xi32, #tpu.memory_space<vmem>>) target_semaphore(%run_scoped3A : memref<!tpu.dma_semaphore, #tpu.memory_space<semaphore_mem>>)
        %dma_wait3A = tpu.memref_slice %arg2[%mul3A_93] : memref<16384xi32, #tpu.memory_space<hbm>> -> memref<2048xi32, #tpu.memory_space<hbm>>
        %dma_wait3A_102 = tpu.memref_slice %arg2[%mul3A_93] : memref<16384xi32, #tpu.memory_space<hbm>> -> memref<2048xi32, #tpu.memory_space<hbm>>
        tpu.wait_dma2 semaphore(%run_scoped3A : memref<!tpu.dma_semaphore, #tpu.memory_space<semaphore_mem>>) src(%dma_wait3A_102 : memref<2048xi32, #tpu.memory_space<hbm>>) dst(%arg5 : memref<2048xi32, #tpu.memory_space<vmem>>)
        tpu.yield
      }) : () -> ()
      %scan3A_94 = arith.constant 0 : i32
      %scan3A_95 = arith.constant 128 : i32
      %scan3A_96 = arith.addi %scan3A_94, %scan3A_95 : i32
      %scan3A_97 = arith.constant 1 : i32
      %scan3A_98 = scf.for %scan3A_100 = %scan3A_94 to %scan3A_96 step %scan3A_97 iter_args(%scan3A_101 = %scan3A_91) -> (i32)  : i32 {
        %mul3A_102 = arith.constant 16 : i32
        %mul3A_103 = arith.muli %scan3A_100, %mul3A_102 : i32
        %get3A = arith.index_cast %mul3A_103 : i32 to index
        %get3A_104 = tpu.vector_load %arg5[%get3A] {strides = array<i32>} : memref<2048xi32, #tpu.memory_space<vmem>>, vector<16xi32>,
        %shift_right_arithmetic3A = arith.constant 7 : i32
        %shift_right_arithmetic3A_105 = vector.broadcast %shift_right_arithmetic3A : i32 to vector<16xi32>
        %shift_right_arithmetic3A_106 = arith.shrsi %get3A_104, %shift_right_arithmetic3A_105 : vector<16xi32>
        %ge3A = vector.broadcast %add3A_4 : i32 to vector<16xi32>
        %ge3A_107 = arith.cmpi sge, %shift_right_arithmetic3A_106, %ge3A : vector<16xi32>
        %lt3A_108 = vector.broadcast %add3A_8 : i32 to vector<16xi32>
        %lt3A_109 = arith.cmpi slt, %shift_right_arithmetic3A_106, %lt3A_108 : vector<16xi32>
        %and3A_110 = arith.andi %ge3A_107, %lt3A_109 : vector<16xi1>
        %mul3A_111 = arith.constant 2048 : i32
        %mul3A_112 = arith.muli %scan3A_90, %mul3A_111 : i32
        %mul3A_113 = arith.constant 16 : i32
        %mul3A_114 = arith.muli %scan3A_100, %mul3A_113 : i32
        %add3A_115 = arith.addi %mul3A_112, %mul3A_114 : i32
        %add3A_116 = vector.broadcast %add3A_115 : i32 to vector<16xi32>
        %add3A_117 = arith.addi %iota3A, %add3A_116 : vector<16xi32>
        %swap3A = arith.index_cast %scan3A_101 : i32 to index
        %swap3A_118 = tpu.vector_load %arg6[%swap3A] masked %and3A_110 {strides = array<i32>} : memref<2064xi32, #tpu.memory_space<vmem>>, vector<16xi32>, vector<16xi1>
        tpu.vector_store %arg6[%swap3A], %add3A_117 masked %and3A_110 {strides = array<i32>} : memref<2064xi32, #tpu.memory_space<vmem>>, vector<16xi32>, vector<16xi1>
        %swap3A_119 = arith.index_cast %scan3A_101 : i32 to index
        %swap3A_120 = tpu.vector_load %arg7[%swap3A_119] masked %and3A_110 {strides = array<i32>} : memref<2064xi32, #tpu.memory_space<vmem>>, vector<16xi32>, vector<16xi1>
        tpu.vector_store %arg7[%swap3A_119], %get3A_104 masked %and3A_110 {strides = array<i32>} : memref<2064xi32, #tpu.memory_space<vmem>>, vector<16xi32>, vector<16xi1>
        %all_reduce_population_count3A = tpu.all_reduce %and3A_110 {dim = 0 : i64, kind = #tpu.reduction_kind<sum>} : vector<16xi1> -> vector<16xi32>
        %slice3A = vector.extract_strided_slice %all_reduce_population_count3A {offsets = [0], sizes = [1], strides = [1]} : vector<16xi32> to vector<1xi32>
        %squeeze3A = vector.extract %slice3A[0] : i32 from vector<1xi32>
        %add3A_121 = arith.addi %scan3A_101, %squeeze3A : i32
        scf.yield %add3A_121 : i32
      }
      %scan3A_99 = arith.constant 128 : i32
      scf.yield %scan3A_98 : i32
    }
    %scan3A_56 = arith.constant 8 : i32
    %add3A_57 = arith.constant 16 : i32
    %add3A_58 = arith.addi %scan3A_55, %add3A_57 : i32
    %sub3A = arith.constant 1 : i32
    %sub3A_59 = arith.subi %add3A_58, %sub3A : i32
    %jit3A = arith.constant 16 : i32
    %div3A = arith.divsi %sub3A_59, %jit3A : i32
    %sign3A = arith.constant 0 : i32
    %sign3A_60 = arith.cmpi sgt, %sub3A_59, %sign3A : i32
    %sign3A_61 = arith.extui %sign3A_60 : i1 to i32
    %sign3A_62 = arith.constant 0 : i32
    %sign3A_63 = arith.cmpi slt, %sub3A_59, %sign3A_62 : i32
    %sign3A_64 = arith.extui %sign3A_63 : i1 to i32
    %sign3A_65 = arith.subi %sign3A_61, %sign3A_64 : i32
    %sign3A_66 = arith.constant 0 : i32
    %sign3A_67 = arith.cmpi sgt, %jit3A, %sign3A_66 : i32
    %sign3A_68 = arith.extui %sign3A_67 : i1 to i32
    %sign3A_69 = arith.constant 0 : i32
    %sign3A_70 = arith.cmpi slt, %jit3A, %sign3A_69 : i32
    %sign3A_71 = arith.extui %sign3A_70 : i1 to i32
    %sign3A_72 = arith.subi %sign3A_68, %sign3A_71 : i32
    %ne3A = arith.cmpi ne, %sign3A_65, %sign3A_72 : i32
    %rem3A = arith.remsi %sub3A_59, %jit3A : i32
    %ne3A_73 = arith.constant 0 : i32
    %ne3A_74 = arith.cmpi ne, %rem3A, %ne3A_73 : i32
    %and3A = arith.andi %ne3A, %ne3A_74 : i1
    %sub3A_75 = arith.constant 1 : i32
    %sub3A_76 = arith.subi %div3A, %sub3A_75 : i32
    %select_n3A = arith.select %and3A, %sub3A_76, %div3A : i32
    %scan3A_77 = arith.constant 0 : i32
    %scan3A_78 = arith.constant 0 : i32
    %scan3A_79 = arith.constant 49 : i32
    %scan3A_80 = arith.addi %scan3A_78, %scan3A_79 : i32
    %scan3A_81 = arith.constant 1 : i32
    %scan3A_82 = scf.for %scan3A_90 = %scan3A_78 to %scan3A_80 step %scan3A_81 iter_args(%scan3A_91 = %scan3A_77) -> (i32)  : i32 {
      %rem3A_92 = arith.constant 3 : i32
      %rem3A_93 = arith.remsi %scan3A_90, %rem3A_92 : i32
      %add3A_94 = arith.constant 3 : i32
      %add3A_95 = arith.addi %scan3A_90, %add3A_94 : i32
      %sub3A_96 = arith.constant 1 : i32
      %sub3A_97 = arith.subi %add3A_95, %sub3A_96 : i32
      %lt3A_98 = arith.constant 49 : i32
      %lt3A_99 = arith.cmpi slt, %sub3A_97, %lt3A_98 : i32
      %convert_element_type3A_100 = arith.extui %lt3A_99 : i1 to i32
      %cond3A = arith.constant 0 : i32
      %cond3A_101 = arith.cmpi ne, %convert_element_type3A_100, %cond3A : i32
      scf.if %cond3A_101 {
        %add3A_137 = arith.constant 3 : i32
        %add3A_138 = arith.addi %scan3A_90, %add3A_137 : i32
        %sub3A_139 = arith.constant 1 : i32
        %sub3A_140 = arith.subi %add3A_138, %sub3A_139 : i32
        %add3A_141 = arith.constant 3 : i32
        %add3A_142 = arith.addi %scan3A_90, %add3A_141 : i32
        %sub3A_143 = arith.constant 1 : i32
        %sub3A_144 = arith.subi %add3A_142, %sub3A_143 : i32
        %rem3A_145 = arith.constant 3 : i32
        %rem3A_146 = arith.remsi %sub3A_144, %rem3A_145 : i32
        %mul3A_147 = arith.constant 5 : i32
        %mul3A_148 = arith.muli %sub3A_140, %mul3A_147 : i32
        %add3A_149 = arith.addi %add3A_4, %mul3A_148 : i32
        %min3A_150 = arith.constant 7808 : i32
        %min3A_151 = arith.minsi %add3A_149, %min3A_150 : i32
        %mul3A_152 = arith.constant 128 : i32
        %mul3A_153 = arith.muli %min3A_151, %mul3A_152 : i32
        %multiple_of3A_154 = tpu.assume_multiple %mul3A_153, 128 : i32
        %dma_start3A_155 = arith.constant 0 : i32
        %dma_start3A_156 = arith.constant 0 : i32
        %dma_start3A_157 = tpu.memref_slice %arg8[%rem3A_146, %dma_start3A_155, %dma_start3A_156] : memref<3x64x640xf32, #tpu.memory_space<vmem>> -> memref<1x64x640xf32, #tpu.memory_space<vmem>>
        %dma_start3A_158 = tpu.memref_squeeze %dma_start3A_157 : memref<1x64x640xf32, #tpu.memory_space<vmem>> -> memref<64x640xf32, #tpu.memory_space<vmem>>
        %dma_start3A_159 = arith.constant 0 : i32
        %dma_start3A_160 = tpu.memref_slice %arg3[%dma_start3A_159, %multiple_of3A_154] : memref<64x1000000xf32, #tpu.memory_space<hbm>> -> memref<64x640xf32, #tpu.memory_space<hbm>>
        %dma_start3A_161 = arith.constant 0 : i32
        %dma_start3A_162 = arith.constant 0 : i32
        %dma_start3A_163 = tpu.memref_slice %arg8[%rem3A_146, %dma_start3A_161, %dma_start3A_162] : memref<3x64x640xf32, #tpu.memory_space<vmem>> -> memref<1x64x640xf32, #tpu.memory_space<vmem>>
        %dma_start3A_164 = tpu.memref_squeeze %dma_start3A_163 : memref<1x64x640xf32, #tpu.memory_space<vmem>> -> memref<64x640xf32, #tpu.memory_space<vmem>>
        %dma_start3A_165 = arith.constant 0 : i32
        %dma_start3A_166 = tpu.memref_slice %arg3[%dma_start3A_165, %multiple_of3A_154] : memref<64x1000000xf32, #tpu.memory_space<hbm>> -> memref<64x640xf32, #tpu.memory_space<hbm>>
        tpu.enqueue_dma source(%dma_start3A_166 : memref<64x640xf32, #tpu.memory_space<hbm>>) target(%dma_start3A_164 : memref<64x640xf32, #tpu.memory_space<vmem>>) target_semaphore(%arg10 : memref<!tpu.dma_semaphore, #tpu.memory_space<semaphore_mem>>)
      } else {
      }
      %dma_wait3A = arith.constant 0 : i32
      %dma_wait3A_102 = arith.constant 0 : i32
      %dma_wait3A_103 = arith.constant 0 : i32
      %dma_wait3A_104 = tpu.memref_slice %arg8[%dma_wait3A, %dma_wait3A_102, %dma_wait3A_103] : memref<3x64x640xf32, #tpu.memory_space<vmem>> -> memref<1x64x640xf32, #tpu.memory_space<vmem>>
      %dma_wait3A_105 = tpu.memref_squeeze %dma_wait3A_104 : memref<1x64x640xf32, #tpu.memory_space<vmem>> -> memref<64x640xf32, #tpu.memory_space<vmem>>
      %dma_wait3A_106 = arith.constant 0 : i32
      %dma_wait3A_107 = arith.constant 0 : i32
      %dma_wait3A_108 = tpu.memref_slice %arg3[%dma_wait3A_106, %dma_wait3A_107] : memref<64x1000000xf32, #tpu.memory_space<hbm>> -> memref<64x640xf32, #tpu.memory_space<hbm>>
      %dma_wait3A_109 = arith.constant 0 : i32
      %dma_wait3A_110 = arith.constant 0 : i32
      %dma_wait3A_111 = tpu.memref_slice %arg8[%dma_wait3A, %dma_wait3A_109, %dma_wait3A_110] : memref<3x64x640xf32, #tpu.memory_space<vmem>> -> memref<1x64x640xf32, #tpu.memory_space<vmem>>
      %dma_wait3A_112 = tpu.memref_squeeze %dma_wait3A_111 : memref<1x64x640xf32, #tpu.memory_space<vmem>> -> memref<64x640xf32, #tpu.memory_space<vmem>>
      %dma_wait3A_113 = arith.constant 0 : i32
      %dma_wait3A_114 = arith.constant 0 : i32
      %dma_wait3A_115 = tpu.memref_slice %arg3[%dma_wait3A_113, %dma_wait3A_114] : memref<64x1000000xf32, #tpu.memory_space<hbm>> -> memref<64x640xf32, #tpu.memory_space<hbm>>
      tpu.wait_dma2 semaphore(%arg10 : memref<!tpu.dma_semaphore, #tpu.memory_space<semaphore_mem>>) src(%dma_wait3A_115 : memref<64x640xf32, #tpu.memory_space<hbm>>) dst(%dma_wait3A_112 : memref<64x640xf32, #tpu.memory_space<vmem>>)
      %mul3A_116 = arith.constant 5 : i32
      %mul3A_117 = arith.muli %scan3A_90, %mul3A_116 : i32
      %add3A_118 = arith.addi %add3A_4, %mul3A_117 : i32
      %min3A_119 = arith.constant 7808 : i32
      %min3A_120 = arith.minsi %add3A_118, %min3A_119 : i32
      %mul3A_121 = arith.constant 128 : i32
      %mul3A_122 = arith.muli %min3A_120, %mul3A_121 : i32
      %multiple_of3A_123 = tpu.assume_multiple %mul3A_122, 128 : i32
      %shift_right_arithmetic3A = arith.constant 7 : i32
      %shift_right_arithmetic3A_124 = arith.shrsi %multiple_of3A_123, %shift_right_arithmetic3A : i32
      %add3A_125 = arith.constant 5 : i32
      %add3A_126 = arith.addi %shift_right_arithmetic3A_124, %add3A_125 : i32
      %while3A = arith.constant 0 : i32
      %while3A_127 = arith.subi %select_n3A, %while3A : i32
      %while3A_128 = arith.addi %while3A, %while3A_127 : i32
      %while3A_129 = arith.constant 1 : i32
      %while3A_130 = arith.divsi %while3A_127, %while3A_129 : i32
      %while3A_131 = arith.muli %while3A_130, %while3A_129 : i32
      %while3A_132 = arith.addi %while3A, %while3A_131 : i32
      %while3A_133 = arith.constant 1 : i32
      %while3A_134 = scf.for %while3A_137 = %while3A to %while3A_132 step %while3A_133 iter_args(%while3A_138 = %scan3A_91) -> (i32)  : i32 {
        %mul3A_139 = arith.constant 16 : i32
        %mul3A_140 = arith.muli %while3A_137, %mul3A_139 : i32
        %get3A = arith.index_cast %mul3A_140 : i32 to index
        %get3A_141 = tpu.vector_load %arg7[%get3A] {strides = array<i32>} : memref<2064xi32, #tpu.memory_space<vmem>>, vector<16xi32>,
        %mul3A_142 = arith.constant 16 : i32
        %mul3A_143 = arith.muli %while3A_137, %mul3A_142 : i32
        %get3A_144 = arith.index_cast %mul3A_143 : i32 to index
        %get3A_145 = tpu.vector_load %arg6[%get3A_144] {strides = array<i32>} : memref<2064xi32, #tpu.memory_space<vmem>>, vector<16xi32>,
        %mul3A_146 = arith.constant 16 : i32
        %mul3A_147 = arith.muli %while3A_137, %mul3A_146 : i32
        %add3A_148 = vector.broadcast %mul3A_147 : i32 to vector<16xi32>
        %add3A_149 = arith.addi %iota3A, %add3A_148 : vector<16xi32>
        %lt3A_150 = vector.broadcast %scan3A_55 : i32 to vector<16xi32>
        %lt3A_151 = arith.cmpi slt, %add3A_149, %lt3A_150 : vector<16xi32>
        %shift_right_arithmetic3A_152 = arith.constant 7 : i32
        %shift_right_arithmetic3A_153 = vector.broadcast %shift_right_arithmetic3A_152 : i32 to vector<16xi32>
        %shift_right_arithmetic3A_154 = arith.shrsi %get3A_141, %shift_right_arithmetic3A_153 : vector<16xi32>
        %ge3A = vector.broadcast %shift_right_arithmetic3A_124 : i32 to vector<16xi32>
        %ge3A_155 = arith.cmpi sge, %shift_right_arithmetic3A_154, %ge3A : vector<16xi32>
        %shift_right_arithmetic3A_156 = arith.constant 7 : i32
        %shift_right_arithmetic3A_157 = vector.broadcast %shift_right_arithmetic3A_156 : i32 to vector<16xi32>
        %shift_right_arithmetic3A_158 = arith.shrsi %get3A_141, %shift_right_arithmetic3A_157 : vector<16xi32>
        %lt3A_159 = vector.broadcast %add3A_126 : i32 to vector<16xi32>
        %lt3A_160 = arith.cmpi slt, %shift_right_arithmetic3A_158, %lt3A_159 : vector<16xi32>
        %and3A_161 = arith.andi %ge3A_155, %lt3A_160 : vector<16xi1>
        %and3A_162 = arith.andi %and3A_161, %lt3A_151 : vector<16xi1>
        %all_reduce_population_count3A = tpu.all_reduce %and3A_162 {dim = 0 : i64, kind = #tpu.reduction_kind<sum>} : vector<16xi1> -> vector<16xi32>
        %slice3A = vector.extract_strided_slice %all_reduce_population_count3A {offsets = [0], sizes = [1], strides = [1]} : vector<16xi32> to vector<1xi32>
        %squeeze3A = vector.extract %slice3A[0] : i32 from vector<1xi32>
        %convert_element_type3A_163 = arith.extui %and3A_162 : vector<16xi1> to vector<16xi32>
        %while3A_164 = arith.constant 0 : i32
        %while3A_165 = arith.subi %squeeze3A, %while3A_164 : i32
        %while3A_166 = arith.addi %while3A_164, %while3A_165 : i32
        %while3A_167 = arith.constant 1 : i32
        %while3A_168 = arith.divsi %while3A_165, %while3A_167 : i32
        %while3A_169 = arith.muli %while3A_168, %while3A_167 : i32
        %while3A_170 = arith.addi %while3A_164, %while3A_169 : i32
        %while3A_171 = arith.constant 1 : i32
        %while3A_172:2 = scf.for %while3A_175 = %while3A_164 to %while3A_170 step %while3A_171 iter_args(%while3A_176 = %convert_element_type3A_163, %while3A_177 = %while3A_138) -> (vector<16xi32>, i32)  : i32 {
          %ne3A_178 = arith.constant 0 : i32
          %ne3A_179 = vector.broadcast %ne3A_178 : i32 to vector<16xi32>
          %ne3A_180 = arith.cmpi ne, %while3A_176, %ne3A_179 : vector<16xi32>
          %all_reduce_ffs3A = tpu.all_reduce %ne3A_180 {dim = 0 : i64, kind = #tpu.reduction_kind<find_first_set>} : vector<16xi1> -> vector<16xi32>
          %broadcast_in_dim3A = vector.shape_cast %all_reduce_ffs3A : vector<16xi32> to vector<16x1xi32>
          %gather3A = vector.shape_cast %broadcast_in_dim3A : vector<16x1xi32> to vector<16xi32>
          %gather3A_181 = tpu.dynamic_gather %get3A_141[%gather3A] in [0] : vector<16xi32>, vector<16xi32> -> vector<16xi32>
          %slice3A_182 = vector.extract_strided_slice %gather3A_181 {offsets = [0], sizes = [1], strides = [1]} : vector<16xi32> to vector<1xi32>
          %squeeze3A_183 = vector.extract %slice3A_182[0] : i32 from vector<1xi32>
          %broadcast_in_dim3A_184 = vector.shape_cast %all_reduce_ffs3A : vector<16xi32> to vector<16x1xi32>
          %gather3A_185 = vector.shape_cast %broadcast_in_dim3A_184 : vector<16x1xi32> to vector<16xi32>
          %gather3A_186 = tpu.dynamic_gather %get3A_145[%gather3A_185] in [0] : vector<16xi32>, vector<16xi32> -> vector<16xi32>
          %slice3A_187 = vector.extract_strided_slice %gather3A_186 {offsets = [0], sizes = [1], strides = [1]} : vector<16xi32> to vector<1xi32>
          %squeeze3A_188 = vector.extract %slice3A_187[0] : i32 from vector<1xi32>
          %sub3A_189 = arith.subi %squeeze3A_183, %multiple_of3A_123 : i32
          %broadcast_in_dim3A_190 = vector.broadcast %sub3A_189 : i32 to vector<16xi32>
          %rem3A_191 = arith.constant 8 : i32
          %rem3A_192 = arith.remsi %while3A_177, %rem3A_191 : i32
          %ge3A_193 = arith.constant 8 : i32
          %ge3A_194 = arith.cmpi sge, %while3A_177, %ge3A_193 : i32
          %convert_element_type3A_195 = arith.extui %ge3A_194 : i1 to i32
          %cond3A_196 = arith.constant 0 : i32
          %cond3A_197 = arith.cmpi ne, %convert_element_type3A_195, %cond3A_196 : i32
          scf.if %cond3A_197 {
            %dma_wait3A_269 = arith.constant 0 : i32
            %dma_wait3A_270 = tpu.memref_slice %arg9[%dma_wait3A_269] : memref<512xf32, #tpu.memory_space<vmem>> -> memref<64xf32, #tpu.memory_space<vmem>>
            %dma_wait3A_271 = arith.constant 0 : i32
            %dma_wait3A_272 = tpu.memref_slice %arg4[%dma_wait3A_271] : memref<1048576xf32, #tpu.memory_space<hbm>> -> memref<64xf32, #tpu.memory_space<hbm>>
            %dma_wait3A_273 = arith.constant 0 : i32
            %dma_wait3A_274 = tpu.memref_slice %arg4[%dma_wait3A_273] : memref<1048576xf32, #tpu.memory_space<hbm>> -> memref<64xf32, #tpu.memory_space<hbm>>
            %dma_wait3A_275 = arith.constant 0 : i32
            %dma_wait3A_276 = tpu.memref_slice %arg9[%dma_wait3A_275] : memref<512xf32, #tpu.memory_space<vmem>> -> memref<64xf32, #tpu.memory_space<vmem>>
            tpu.wait_dma2 semaphore(%arg11 : memref<!tpu.dma_semaphore, #tpu.memory_space<semaphore_mem>>) src(%dma_wait3A_276 : memref<64xf32, #tpu.memory_space<vmem>>) dst(%dma_wait3A_274 : memref<64xf32, #tpu.memory_space<hbm>>)
          } else {
          }
          %add3A_198 = arith.constant 0 : i32
          %add3A_199 = vector.broadcast %add3A_198 : i32 to vector<16xi32>
          %add3A_200 = arith.addi %iota3A, %add3A_199 : vector<16xi32>
          %gather3A_201 = arith.constant 0 : i32
          %gather3A_202 = arith.constant 0 : i32
          %gather3A_203 = tpu.memref_slice %arg8[%rem3A_93, %gather3A_201, %gather3A_202] : memref<3x64x640xf32, #tpu.memory_space<vmem>> -> memref<1x64x640xf32, #tpu.memory_space<vmem>>
          %gather3A_204 = tpu.memref_squeeze %gather3A_203 : memref<1x64x640xf32, #tpu.memory_space<vmem>> -> memref<64x640xf32, #tpu.memory_space<vmem>>
          %gather3A_205 = tpu.vector_load_idx %gather3A_204[%add3A_200, %broadcast_in_dim3A_190] : memref<64x640xf32, #tpu.memory_space<vmem>>[vector<16xi32>, vector<16xi32>], vector<16xf32>,
          %mul3A_206 = arith.constant 64 : i32
          %mul3A_207 = arith.muli %rem3A_192, %mul3A_206 : i32
          %add3A_208 = arith.constant 0 : i32
          %add3A_209 = arith.addi %mul3A_207, %add3A_208 : i32
          %swap3A = arith.index_cast %add3A_209 : i32 to index
          %swap3A_210 = tpu.vector_load %arg9[%swap3A] {strides = array<i32>} : memref<512xf32, #tpu.memory_space<vmem>>, vector<16xf32>,
          tpu.vector_store %arg9[%swap3A], %gather3A_205 {strides = array<i32>} : memref<512xf32, #tpu.memory_space<vmem>>, vector<16xf32>,
          %add3A_211 = arith.constant 16 : i32
          %add3A_212 = vector.broadcast %add3A_211 : i32 to vector<16xi32>
          %add3A_213 = arith.addi %iota3A, %add3A_212 : vector<16xi32>
          %gather3A_214 = arith.constant 0 : i32
          %gather3A_215 = arith.constant 0 : i32
          %gather3A_216 = tpu.memref_slice %arg8[%rem3A_93, %gather3A_214, %gather3A_215] : memref<3x64x640xf32, #tpu.memory_space<vmem>> -> memref<1x64x640xf32, #tpu.memory_space<vmem>>
          %gather3A_217 = tpu.memref_squeeze %gather3A_216 : memref<1x64x640xf32, #tpu.memory_space<vmem>> -> memref<64x640xf32, #tpu.memory_space<vmem>>
          %gather3A_218 = tpu.vector_load_idx %gather3A_217[%add3A_213, %broadcast_in_dim3A_190] : memref<64x640xf32, #tpu.memory_space<vmem>>[vector<16xi32>, vector<16xi32>], vector<16xf32>,
          %mul3A_219 = arith.constant 64 : i32
          %mul3A_220 = arith.muli %rem3A_192, %mul3A_219 : i32
          %add3A_221 = arith.constant 16 : i32
          %add3A_222 = arith.addi %mul3A_220, %add3A_221 : i32
          %swap3A_223 = arith.index_cast %add3A_222 : i32 to index
          %swap3A_224 = tpu.vector_load %arg9[%swap3A_223] {strides = array<i32>} : memref<512xf32, #tpu.memory_space<vmem>>, vector<16xf32>,
          tpu.vector_store %arg9[%swap3A_223], %gather3A_218 {strides = array<i32>} : memref<512xf32, #tpu.memory_space<vmem>>, vector<16xf32>,
          %add3A_225 = arith.constant 32 : i32
          %add3A_226 = vector.broadcast %add3A_225 : i32 to vector<16xi32>
          %add3A_227 = arith.addi %iota3A, %add3A_226 : vector<16xi32>
          %gather3A_228 = arith.constant 0 : i32
          %gather3A_229 = arith.constant 0 : i32
          %gather3A_230 = tpu.memref_slice %arg8[%rem3A_93, %gather3A_228, %gather3A_229] : memref<3x64x640xf32, #tpu.memory_space<vmem>> -> memref<1x64x640xf32, #tpu.memory_space<vmem>>
          %gather3A_231 = tpu.memref_squeeze %gather3A_230 : memref<1x64x640xf32, #tpu.memory_space<vmem>> -> memref<64x640xf32, #tpu.memory_space<vmem>>
          %gather3A_232 = tpu.vector_load_idx %gather3A_231[%add3A_227, %broadcast_in_dim3A_190] : memref<64x640xf32, #tpu.memory_space<vmem>>[vector<16xi32>, vector<16xi32>], vector<16xf32>,
          %mul3A_233 = arith.constant 64 : i32
          %mul3A_234 = arith.muli %rem3A_192, %mul3A_233 : i32
          %add3A_235 = arith.constant 32 : i32
          %add3A_236 = arith.addi %mul3A_234, %add3A_235 : i32
          %swap3A_237 = arith.index_cast %add3A_236 : i32 to index
          %swap3A_238 = tpu.vector_load %arg9[%swap3A_237] {strides = array<i32>} : memref<512xf32, #tpu.memory_space<vmem>>, vector<16xf32>,
          tpu.vector_store %arg9[%swap3A_237], %gather3A_232 {strides = array<i32>} : memref<512xf32, #tpu.memory_space<vmem>>, vector<16xf32>,
          %add3A_239 = arith.constant 48 : i32
          %add3A_240 = vector.broadcast %add3A_239 : i32 to vector<16xi32>
          %add3A_241 = arith.addi %iota3A, %add3A_240 : vector<16xi32>
          %gather3A_242 = arith.constant 0 : i32
          %gather3A_243 = arith.constant 0 : i32
          %gather3A_244 = tpu.memref_slice %arg8[%rem3A_93, %gather3A_242, %gather3A_243] : memref<3x64x640xf32, #tpu.memory_space<vmem>> -> memref<1x64x640xf32, #tpu.memory_space<vmem>>
          %gather3A_245 = tpu.memref_squeeze %gather3A_244 : memref<1x64x640xf32, #tpu.memory_space<vmem>> -> memref<64x640xf32, #tpu.memory_space<vmem>>
          %gather3A_246 = tpu.vector_load_idx %gather3A_245[%add3A_241, %broadcast_in_dim3A_190] : memref<64x640xf32, #tpu.memory_space<vmem>>[vector<16xi32>, vector<16xi32>], vector<16xf32>,
          %mul3A_247 = arith.constant 64 : i32
          %mul3A_248 = arith.muli %rem3A_192, %mul3A_247 : i32
          %add3A_249 = arith.constant 48 : i32
          %add3A_250 = arith.addi %mul3A_248, %add3A_249 : i32
          %swap3A_251 = arith.index_cast %add3A_250 : i32 to index
          %swap3A_252 = tpu.vector_load %arg9[%swap3A_251] {strides = array<i32>} : memref<512xf32, #tpu.memory_space<vmem>>, vector<16xf32>,
          tpu.vector_store %arg9[%swap3A_251], %gather3A_246 {strides = array<i32>} : memref<512xf32, #tpu.memory_space<vmem>>, vector<16xf32>,
          %mul3A_253 = arith.constant 64 : i32
          %mul3A_254 = arith.muli %rem3A_192, %mul3A_253 : i32
          %mul3A_255 = arith.constant 64 : i32
          %mul3A_256 = arith.muli %squeeze3A_188, %mul3A_255 : i32
          %dma_start3A_257 = tpu.memref_slice %arg9[%mul3A_254] : memref<512xf32, #tpu.memory_space<vmem>> -> memref<64xf32, #tpu.memory_space<vmem>>
          %dma_start3A_258 = tpu.memref_slice %arg4[%mul3A_256] : memref<1048576xf32, #tpu.memory_space<hbm>> -> memref<64xf32, #tpu.memory_space<hbm>>
          %dma_start3A_259 = tpu.memref_slice %arg4[%mul3A_256] : memref<1048576xf32, #tpu.memory_space<hbm>> -> memref<64xf32, #tpu.memory_space<hbm>>
          %dma_start3A_260 = tpu.memref_slice %arg9[%mul3A_254] : memref<512xf32, #tpu.memory_space<vmem>> -> memref<64xf32, #tpu.memory_space<vmem>>
          tpu.enqueue_dma source(%dma_start3A_260 : memref<64xf32, #tpu.memory_space<vmem>>) target(%dma_start3A_259 : memref<64xf32, #tpu.memory_space<hbm>>) target_semaphore(%arg11 : memref<!tpu.dma_semaphore, #tpu.memory_space<semaphore_mem>>)
          %slice3A_261 = vector.extract_strided_slice %all_reduce_ffs3A {offsets = [0], sizes = [1], strides = [1]} : vector<16xi32> to vector<1xi32>
          %squeeze3A_262 = vector.extract %slice3A_261[0] : i32 from vector<1xi32>
          %ne3A_263 = vector.broadcast %squeeze3A_262 : i32 to vector<16xi32>
          %ne3A_264 = arith.cmpi ne, %iota3A, %ne3A_263 : vector<16xi32>
          %convert_element_type3A_265 = arith.extui %ne3A_264 : vector<16xi1> to vector<16xi32>
          %and3A_266 = arith.andi %while3A_176, %convert_element_type3A_265 : vector<16xi32>
          %add3A_267 = arith.constant 1 : i32
          %add3A_268 = arith.addi %while3A_177, %add3A_267 : i32
          scf.yield %and3A_266, %add3A_268 : vector<16xi32>, i32
        }
        %while3A_173 = arith.constant 1 : i32
        %while3A_174:2 = scf.for %while3A_175 = %while3A_170 to %while3A_166 step %while3A_173 iter_args(%while3A_176 = %while3A_172#0, %while3A_177 = %while3A_172#1) -> (vector<16xi32>, i32)  : i32 {
          %ne3A_178 = arith.constant 0 : i32
          %ne3A_179 = vector.broadcast %ne3A_178 : i32 to vector<16xi32>
          %ne3A_180 = arith.cmpi ne, %while3A_176, %ne3A_179 : vector<16xi32>
          %all_reduce_ffs3A = tpu.all_reduce %ne3A_180 {dim = 0 : i64, kind = #tpu.reduction_kind<find_first_set>} : vector<16xi1> -> vector<16xi32>
          %broadcast_in_dim3A = vector.shape_cast %all_reduce_ffs3A : vector<16xi32> to vector<16x1xi32>
          %gather3A = vector.shape_cast %broadcast_in_dim3A : vector<16x1xi32> to vector<16xi32>
          %gather3A_181 = tpu.dynamic_gather %get3A_141[%gather3A] in [0] : vector<16xi32>, vector<16xi32> -> vector<16xi32>
          %slice3A_182 = vector.extract_strided_slice %gather3A_181 {offsets = [0], sizes = [1], strides = [1]} : vector<16xi32> to vector<1xi32>
          %squeeze3A_183 = vector.extract %slice3A_182[0] : i32 from vector<1xi32>
          %broadcast_in_dim3A_184 = vector.shape_cast %all_reduce_ffs3A : vector<16xi32> to vector<16x1xi32>
          %gather3A_185 = vector.shape_cast %broadcast_in_dim3A_184 : vector<16x1xi32> to vector<16xi32>
          %gather3A_186 = tpu.dynamic_gather %get3A_145[%gather3A_185] in [0] : vector<16xi32>, vector<16xi32> -> vector<16xi32>
          %slice3A_187 = vector.extract_strided_slice %gather3A_186 {offsets = [0], sizes = [1], strides = [1]} : vector<16xi32> to vector<1xi32>
          %squeeze3A_188 = vector.extract %slice3A_187[0] : i32 from vector<1xi32>
          %sub3A_189 = arith.subi %squeeze3A_183, %multiple_of3A_123 : i32
          %broadcast_in_dim3A_190 = vector.broadcast %sub3A_189 : i32 to vector<16xi32>
          %rem3A_191 = arith.constant 8 : i32
          %rem3A_192 = arith.remsi %while3A_177, %rem3A_191 : i32
          %ge3A_193 = arith.constant 8 : i32
          %ge3A_194 = arith.cmpi sge, %while3A_177, %ge3A_193 : i32
          %convert_element_type3A_195 = arith.extui %ge3A_194 : i1 to i32
          %cond3A_196 = arith.constant 0 : i32
          %cond3A_197 = arith.cmpi ne, %convert_element_type3A_195, %cond3A_196 : i32
          scf.if %cond3A_197 {
            %dma_wait3A_269 = arith.constant 0 : i32
            %dma_wait3A_270 = tpu.memref_slice %arg9[%dma_wait3A_269] : memref<512xf32, #tpu.memory_space<vmem>> -> memref<64xf32, #tpu.memory_space<vmem>>
            %dma_wait3A_271 = arith.constant 0 : i32
            %dma_wait3A_272 = tpu.memref_slice %arg4[%dma_wait3A_271] : memref<1048576xf32, #tpu.memory_space<hbm>> -> memref<64xf32, #tpu.memory_space<hbm>>
            %dma_wait3A_273 = arith.constant 0 : i32
            %dma_wait3A_274 = tpu.memref_slice %arg4[%dma_wait3A_273] : memref<1048576xf32, #tpu.memory_space<hbm>> -> memref<64xf32, #tpu.memory_space<hbm>>
            %dma_wait3A_275 = arith.constant 0 : i32
            %dma_wait3A_276 = tpu.memref_slice %arg9[%dma_wait3A_275] : memref<512xf32, #tpu.memory_space<vmem>> -> memref<64xf32, #tpu.memory_space<vmem>>
            tpu.wait_dma2 semaphore(%arg11 : memref<!tpu.dma_semaphore, #tpu.memory_space<semaphore_mem>>) src(%dma_wait3A_276 : memref<64xf32, #tpu.memory_space<vmem>>) dst(%dma_wait3A_274 : memref<64xf32, #tpu.memory_space<hbm>>)
          } else {
          }
          %add3A_198 = arith.constant 0 : i32
          %add3A_199 = vector.broadcast %add3A_198 : i32 to vector<16xi32>
          %add3A_200 = arith.addi %iota3A, %add3A_199 : vector<16xi32>
          %gather3A_201 = arith.constant 0 : i32
          %gather3A_202 = arith.constant 0 : i32
          %gather3A_203 = tpu.memref_slice %arg8[%rem3A_93, %gather3A_201, %gather3A_202] : memref<3x64x640xf32, #tpu.memory_space<vmem>> -> memref<1x64x640xf32, #tpu.memory_space<vmem>>
          %gather3A_204 = tpu.memref_squeeze %gather3A_203 : memref<1x64x640xf32, #tpu.memory_space<vmem>> -> memref<64x640xf32, #tpu.memory_space<vmem>>
          %gather3A_205 = tpu.vector_load_idx %gather3A_204[%add3A_200, %broadcast_in_dim3A_190] : memref<64x640xf32, #tpu.memory_space<vmem>>[vector<16xi32>, vector<16xi32>], vector<16xf32>,
          %mul3A_206 = arith.constant 64 : i32
          %mul3A_207 = arith.muli %rem3A_192, %mul3A_206 : i32
          %add3A_208 = arith.constant 0 : i32
          %add3A_209 = arith.addi %mul3A_207, %add3A_208 : i32
          %swap3A = arith.index_cast %add3A_209 : i32 to index
          %swap3A_210 = tpu.vector_load %arg9[%swap3A] {strides = array<i32>} : memref<512xf32, #tpu.memory_space<vmem>>, vector<16xf32>,
          tpu.vector_store %arg9[%swap3A], %gather3A_205 {strides = array<i32>} : memref<512xf32, #tpu.memory_space<vmem>>, vector<16xf32>,
          %add3A_211 = arith.constant 16 : i32
          %add3A_212 = vector.broadcast %add3A_211 : i32 to vector<16xi32>
          %add3A_213 = arith.addi %iota3A, %add3A_212 : vector<16xi32>
          %gather3A_214 = arith.constant 0 : i32
          %gather3A_215 = arith.constant 0 : i32
          %gather3A_216 = tpu.memref_slice %arg8[%rem3A_93, %gather3A_214, %gather3A_215] : memref<3x64x640xf32, #tpu.memory_space<vmem>> -> memref<1x64x640xf32, #tpu.memory_space<vmem>>
          %gather3A_217 = tpu.memref_squeeze %gather3A_216 : memref<1x64x640xf32, #tpu.memory_space<vmem>> -> memref<64x640xf32, #tpu.memory_space<vmem>>
          %gather3A_218 = tpu.vector_load_idx %gather3A_217[%add3A_213, %broadcast_in_dim3A_190] : memref<64x640xf32, #tpu.memory_space<vmem>>[vector<16xi32>, vector<16xi32>], vector<16xf32>,
          %mul3A_219 = arith.constant 64 : i32
          %mul3A_220 = arith.muli %rem3A_192, %mul3A_219 : i32
          %add3A_221 = arith.constant 16 : i32
          %add3A_222 = arith.addi %mul3A_220, %add3A_221 : i32
          %swap3A_223 = arith.index_cast %add3A_222 : i32 to index
          %swap3A_224 = tpu.vector_load %arg9[%swap3A_223] {strides = array<i32>} : memref<512xf32, #tpu.memory_space<vmem>>, vector<16xf32>,
          tpu.vector_store %arg9[%swap3A_223], %gather3A_218 {strides = array<i32>} : memref<512xf32, #tpu.memory_space<vmem>>, vector<16xf32>,
          %add3A_225 = arith.constant 32 : i32
          %add3A_226 = vector.broadcast %add3A_225 : i32 to vector<16xi32>
          %add3A_227 = arith.addi %iota3A, %add3A_226 : vector<16xi32>
          %gather3A_228 = arith.constant 0 : i32
          %gather3A_229 = arith.constant 0 : i32
          %gather3A_230 = tpu.memref_slice %arg8[%rem3A_93, %gather3A_228, %gather3A_229] : memref<3x64x640xf32, #tpu.memory_space<vmem>> -> memref<1x64x640xf32, #tpu.memory_space<vmem>>
          %gather3A_231 = tpu.memref_squeeze %gather3A_230 : memref<1x64x640xf32, #tpu.memory_space<vmem>> -> memref<64x640xf32, #tpu.memory_space<vmem>>
          %gather3A_232 = tpu.vector_load_idx %gather3A_231[%add3A_227, %broadcast_in_dim3A_190] : memref<64x640xf32, #tpu.memory_space<vmem>>[vector<16xi32>, vector<16xi32>], vector<16xf32>,
          %mul3A_233 = arith.constant 64 : i32
          %mul3A_234 = arith.muli %rem3A_192, %mul3A_233 : i32
          %add3A_235 = arith.constant 32 : i32
          %add3A_236 = arith.addi %mul3A_234, %add3A_235 : i32
          %swap3A_237 = arith.index_cast %add3A_236 : i32 to index
          %swap3A_238 = tpu.vector_load %arg9[%swap3A_237] {strides = array<i32>} : memref<512xf32, #tpu.memory_space<vmem>>, vector<16xf32>,
          tpu.vector_store %arg9[%swap3A_237], %gather3A_232 {strides = array<i32>} : memref<512xf32, #tpu.memory_space<vmem>>, vector<16xf32>,
          %add3A_239 = arith.constant 48 : i32
          %add3A_240 = vector.broadcast %add3A_239 : i32 to vector<16xi32>
          %add3A_241 = arith.addi %iota3A, %add3A_240 : vector<16xi32>
          %gather3A_242 = arith.constant 0 : i32
          %gather3A_243 = arith.constant 0 : i32
          %gather3A_244 = tpu.memref_slice %arg8[%rem3A_93, %gather3A_242, %gather3A_243] : memref<3x64x640xf32, #tpu.memory_space<vmem>> -> memref<1x64x640xf32, #tpu.memory_space<vmem>>
          %gather3A_245 = tpu.memref_squeeze %gather3A_244 : memref<1x64x640xf32, #tpu.memory_space<vmem>> -> memref<64x640xf32, #tpu.memory_space<vmem>>
          %gather3A_246 = tpu.vector_load_idx %gather3A_245[%add3A_241, %broadcast_in_dim3A_190] : memref<64x640xf32, #tpu.memory_space<vmem>>[vector<16xi32>, vector<16xi32>], vector<16xf32>,
          %mul3A_247 = arith.constant 64 : i32
          %mul3A_248 = arith.muli %rem3A_192, %mul3A_247 : i32
          %add3A_249 = arith.constant 48 : i32
          %add3A_250 = arith.addi %mul3A_248, %add3A_249 : i32
          %swap3A_251 = arith.index_cast %add3A_250 : i32 to index
          %swap3A_252 = tpu.vector_load %arg9[%swap3A_251] {strides = array<i32>} : memref<512xf32, #tpu.memory_space<vmem>>, vector<16xf32>,
          tpu.vector_store %arg9[%swap3A_251], %gather3A_246 {strides = array<i32>} : memref<512xf32, #tpu.memory_space<vmem>>, vector<16xf32>,
          %mul3A_253 = arith.constant 64 : i32
          %mul3A_254 = arith.muli %rem3A_192, %mul3A_253 : i32
          %mul3A_255 = arith.constant 64 : i32
          %mul3A_256 = arith.muli %squeeze3A_188, %mul3A_255 : i32
          %dma_start3A_257 = tpu.memref_slice %arg9[%mul3A_254] : memref<512xf32, #tpu.memory_space<vmem>> -> memref<64xf32, #tpu.memory_space<vmem>>
          %dma_start3A_258 = tpu.memref_slice %arg4[%mul3A_256] : memref<1048576xf32, #tpu.memory_space<hbm>> -> memref<64xf32, #tpu.memory_space<hbm>>
          %dma_start3A_259 = tpu.memref_slice %arg4[%mul3A_256] : memref<1048576xf32, #tpu.memory_space<hbm>> -> memref<64xf32, #tpu.memory_space<hbm>>
          %dma_start3A_260 = tpu.memref_slice %arg9[%mul3A_254] : memref<512xf32, #tpu.memory_space<vmem>> -> memref<64xf32, #tpu.memory_space<vmem>>
          tpu.enqueue_dma source(%dma_start3A_260 : memref<64xf32, #tpu.memory_space<vmem>>) target(%dma_start3A_259 : memref<64xf32, #tpu.memory_space<hbm>>) target_semaphore(%arg11 : memref<!tpu.dma_semaphore, #tpu.memory_space<semaphore_mem>>)
          %slice3A_261 = vector.extract_strided_slice %all_reduce_ffs3A {offsets = [0], sizes = [1], strides = [1]} : vector<16xi32> to vector<1xi32>
          %squeeze3A_262 = vector.extract %slice3A_261[0] : i32 from vector<1xi32>
          %ne3A_263 = vector.broadcast %squeeze3A_262 : i32 to vector<16xi32>
          %ne3A_264 = arith.cmpi ne, %iota3A, %ne3A_263 : vector<16xi32>
          %convert_element_type3A_265 = arith.extui %ne3A_264 : vector<16xi1> to vector<16xi32>
          %and3A_266 = arith.andi %while3A_176, %convert_element_type3A_265 : vector<16xi32>
          %add3A_267 = arith.constant 1 : i32
          %add3A_268 = arith.addi %while3A_177, %add3A_267 : i32
          scf.yield %and3A_266, %add3A_268 : vector<16xi32>, i32
        }
        scf.yield %while3A_174#1 : i32
      }
      %while3A_135 = arith.constant 1 : i32
      %while3A_136 = scf.for %while3A_137 = %while3A_132 to %while3A_128 step %while3A_135 iter_args(%while3A_138 = %while3A_134) -> (i32)  : i32 {
        %mul3A_139 = arith.constant 16 : i32
        %mul3A_140 = arith.muli %while3A_137, %mul3A_139 : i32
        %get3A = arith.index_cast %mul3A_140 : i32 to index
        %get3A_141 = tpu.vector_load %arg7[%get3A] {strides = array<i32>} : memref<2064xi32, #tpu.memory_space<vmem>>, vector<16xi32>,
        %mul3A_142 = arith.constant 16 : i32
        %mul3A_143 = arith.muli %while3A_137, %mul3A_142 : i32
        %get3A_144 = arith.index_cast %mul3A_143 : i32 to index
        %get3A_145 = tpu.vector_load %arg6[%get3A_144] {strides = array<i32>} : memref<2064xi32, #tpu.memory_space<vmem>>, vector<16xi32>,
        %mul3A_146 = arith.constant 16 : i32
        %mul3A_147 = arith.muli %while3A_137, %mul3A_146 : i32
        %add3A_148 = vector.broadcast %mul3A_147 : i32 to vector<16xi32>
        %add3A_149 = arith.addi %iota3A, %add3A_148 : vector<16xi32>
        %lt3A_150 = vector.broadcast %scan3A_55 : i32 to vector<16xi32>
        %lt3A_151 = arith.cmpi slt, %add3A_149, %lt3A_150 : vector<16xi32>
        %shift_right_arithmetic3A_152 = arith.constant 7 : i32
        %shift_right_arithmetic3A_153 = vector.broadcast %shift_right_arithmetic3A_152 : i32 to vector<16xi32>
        %shift_right_arithmetic3A_154 = arith.shrsi %get3A_141, %shift_right_arithmetic3A_153 : vector<16xi32>
        %ge3A = vector.broadcast %shift_right_arithmetic3A_124 : i32 to vector<16xi32>
        %ge3A_155 = arith.cmpi sge, %shift_right_arithmetic3A_154, %ge3A : vector<16xi32>
        %shift_right_arithmetic3A_156 = arith.constant 7 : i32
        %shift_right_arithmetic3A_157 = vector.broadcast %shift_right_arithmetic3A_156 : i32 to vector<16xi32>
        %shift_right_arithmetic3A_158 = arith.shrsi %get3A_141, %shift_right_arithmetic3A_157 : vector<16xi32>
        %lt3A_159 = vector.broadcast %add3A_126 : i32 to vector<16xi32>
        %lt3A_160 = arith.cmpi slt, %shift_right_arithmetic3A_158, %lt3A_159 : vector<16xi32>
        %and3A_161 = arith.andi %ge3A_155, %lt3A_160 : vector<16xi1>
        %and3A_162 = arith.andi %and3A_161, %lt3A_151 : vector<16xi1>
        %all_reduce_population_count3A = tpu.all_reduce %and3A_162 {dim = 0 : i64, kind = #tpu.reduction_kind<sum>} : vector<16xi1> -> vector<16xi32>
        %slice3A = vector.extract_strided_slice %all_reduce_population_count3A {offsets = [0], sizes = [1], strides = [1]} : vector<16xi32> to vector<1xi32>
        %squeeze3A = vector.extract %slice3A[0] : i32 from vector<1xi32>
        %convert_element_type3A_163 = arith.extui %and3A_162 : vector<16xi1> to vector<16xi32>
        %while3A_164 = arith.constant 0 : i32
        %while3A_165 = arith.subi %squeeze3A, %while3A_164 : i32
        %while3A_166 = arith.addi %while3A_164, %while3A_165 : i32
        %while3A_167 = arith.constant 1 : i32
        %while3A_168 = arith.divsi %while3A_165, %while3A_167 : i32
        %while3A_169 = arith.muli %while3A_168, %while3A_167 : i32
        %while3A_170 = arith.addi %while3A_164, %while3A_169 : i32
        %while3A_171 = arith.constant 1 : i32
        %while3A_172:2 = scf.for %while3A_175 = %while3A_164 to %while3A_170 step %while3A_171 iter_args(%while3A_176 = %convert_element_type3A_163, %while3A_177 = %while3A_138) -> (vector<16xi32>, i32)  : i32 {
          %ne3A_178 = arith.constant 0 : i32
          %ne3A_179 = vector.broadcast %ne3A_178 : i32 to vector<16xi32>
          %ne3A_180 = arith.cmpi ne, %while3A_176, %ne3A_179 : vector<16xi32>
          %all_reduce_ffs3A = tpu.all_reduce %ne3A_180 {dim = 0 : i64, kind = #tpu.reduction_kind<find_first_set>} : vector<16xi1> -> vector<16xi32>
          %broadcast_in_dim3A = vector.shape_cast %all_reduce_ffs3A : vector<16xi32> to vector<16x1xi32>
          %gather3A = vector.shape_cast %broadcast_in_dim3A : vector<16x1xi32> to vector<16xi32>
          %gather3A_181 = tpu.dynamic_gather %get3A_141[%gather3A] in [0] : vector<16xi32>, vector<16xi32> -> vector<16xi32>
          %slice3A_182 = vector.extract_strided_slice %gather3A_181 {offsets = [0], sizes = [1], strides = [1]} : vector<16xi32> to vector<1xi32>
          %squeeze3A_183 = vector.extract %slice3A_182[0] : i32 from vector<1xi32>
          %broadcast_in_dim3A_184 = vector.shape_cast %all_reduce_ffs3A : vector<16xi32> to vector<16x1xi32>
          %gather3A_185 = vector.shape_cast %broadcast_in_dim3A_184 : vector<16x1xi32> to vector<16xi32>
          %gather3A_186 = tpu.dynamic_gather %get3A_145[%gather3A_185] in [0] : vector<16xi32>, vector<16xi32> -> vector<16xi32>
          %slice3A_187 = vector.extract_strided_slice %gather3A_186 {offsets = [0], sizes = [1], strides = [1]} : vector<16xi32> to vector<1xi32>
          %squeeze3A_188 = vector.extract %slice3A_187[0] : i32 from vector<1xi32>
          %sub3A_189 = arith.subi %squeeze3A_183, %multiple_of3A_123 : i32
          %broadcast_in_dim3A_190 = vector.broadcast %sub3A_189 : i32 to vector<16xi32>
          %rem3A_191 = arith.constant 8 : i32
          %rem3A_192 = arith.remsi %while3A_177, %rem3A_191 : i32
          %ge3A_193 = arith.constant 8 : i32
          %ge3A_194 = arith.cmpi sge, %while3A_177, %ge3A_193 : i32
          %convert_element_type3A_195 = arith.extui %ge3A_194 : i1 to i32
          %cond3A_196 = arith.constant 0 : i32
          %cond3A_197 = arith.cmpi ne, %convert_element_type3A_195, %cond3A_196 : i32
          scf.if %cond3A_197 {
            %dma_wait3A_269 = arith.constant 0 : i32
            %dma_wait3A_270 = tpu.memref_slice %arg9[%dma_wait3A_269] : memref<512xf32, #tpu.memory_space<vmem>> -> memref<64xf32, #tpu.memory_space<vmem>>
            %dma_wait3A_271 = arith.constant 0 : i32
            %dma_wait3A_272 = tpu.memref_slice %arg4[%dma_wait3A_271] : memref<1048576xf32, #tpu.memory_space<hbm>> -> memref<64xf32, #tpu.memory_space<hbm>>
            %dma_wait3A_273 = arith.constant 0 : i32
            %dma_wait3A_274 = tpu.memref_slice %arg4[%dma_wait3A_273] : memref<1048576xf32, #tpu.memory_space<hbm>> -> memref<64xf32, #tpu.memory_space<hbm>>
            %dma_wait3A_275 = arith.constant 0 : i32
            %dma_wait3A_276 = tpu.memref_slice %arg9[%dma_wait3A_275] : memref<512xf32, #tpu.memory_space<vmem>> -> memref<64xf32, #tpu.memory_space<vmem>>
            tpu.wait_dma2 semaphore(%arg11 : memref<!tpu.dma_semaphore, #tpu.memory_space<semaphore_mem>>) src(%dma_wait3A_276 : memref<64xf32, #tpu.memory_space<vmem>>) dst(%dma_wait3A_274 : memref<64xf32, #tpu.memory_space<hbm>>)
          } else {
          }
          %add3A_198 = arith.constant 0 : i32
          %add3A_199 = vector.broadcast %add3A_198 : i32 to vector<16xi32>
          %add3A_200 = arith.addi %iota3A, %add3A_199 : vector<16xi32>
          %gather3A_201 = arith.constant 0 : i32
          %gather3A_202 = arith.constant 0 : i32
          %gather3A_203 = tpu.memref_slice %arg8[%rem3A_93, %gather3A_201, %gather3A_202] : memref<3x64x640xf32, #tpu.memory_space<vmem>> -> memref<1x64x640xf32, #tpu.memory_space<vmem>>
          %gather3A_204 = tpu.memref_squeeze %gather3A_203 : memref<1x64x640xf32, #tpu.memory_space<vmem>> -> memref<64x640xf32, #tpu.memory_space<vmem>>
          %gather3A_205 = tpu.vector_load_idx %gather3A_204[%add3A_200, %broadcast_in_dim3A_190] : memref<64x640xf32, #tpu.memory_space<vmem>>[vector<16xi32>, vector<16xi32>], vector<16xf32>,
          %mul3A_206 = arith.constant 64 : i32
          %mul3A_207 = arith.muli %rem3A_192, %mul3A_206 : i32
          %add3A_208 = arith.constant 0 : i32
          %add3A_209 = arith.addi %mul3A_207, %add3A_208 : i32
          %swap3A = arith.index_cast %add3A_209 : i32 to index
          %swap3A_210 = tpu.vector_load %arg9[%swap3A] {strides = array<i32>} : memref<512xf32, #tpu.memory_space<vmem>>, vector<16xf32>,
          tpu.vector_store %arg9[%swap3A], %gather3A_205 {strides = array<i32>} : memref<512xf32, #tpu.memory_space<vmem>>, vector<16xf32>,
          %add3A_211 = arith.constant 16 : i32
          %add3A_212 = vector.broadcast %add3A_211 : i32 to vector<16xi32>
          %add3A_213 = arith.addi %iota3A, %add3A_212 : vector<16xi32>
          %gather3A_214 = arith.constant 0 : i32
          %gather3A_215 = arith.constant 0 : i32
          %gather3A_216 = tpu.memref_slice %arg8[%rem3A_93, %gather3A_214, %gather3A_215] : memref<3x64x640xf32, #tpu.memory_space<vmem>> -> memref<1x64x640xf32, #tpu.memory_space<vmem>>
          %gather3A_217 = tpu.memref_squeeze %gather3A_216 : memref<1x64x640xf32, #tpu.memory_space<vmem>> -> memref<64x640xf32, #tpu.memory_space<vmem>>
          %gather3A_218 = tpu.vector_load_idx %gather3A_217[%add3A_213, %broadcast_in_dim3A_190] : memref<64x640xf32, #tpu.memory_space<vmem>>[vector<16xi32>, vector<16xi32>], vector<16xf32>,
          %mul3A_219 = arith.constant 64 : i32
          %mul3A_220 = arith.muli %rem3A_192, %mul3A_219 : i32
          %add3A_221 = arith.constant 16 : i32
          %add3A_222 = arith.addi %mul3A_220, %add3A_221 : i32
          %swap3A_223 = arith.index_cast %add3A_222 : i32 to index
          %swap3A_224 = tpu.vector_load %arg9[%swap3A_223] {strides = array<i32>} : memref<512xf32, #tpu.memory_space<vmem>>, vector<16xf32>,
          tpu.vector_store %arg9[%swap3A_223], %gather3A_218 {strides = array<i32>} : memref<512xf32, #tpu.memory_space<vmem>>, vector<16xf32>,
          %add3A_225 = arith.constant 32 : i32
          %add3A_226 = vector.broadcast %add3A_225 : i32 to vector<16xi32>
          %add3A_227 = arith.addi %iota3A, %add3A_226 : vector<16xi32>
          %gather3A_228 = arith.constant 0 : i32
          %gather3A_229 = arith.constant 0 : i32
          %gather3A_230 = tpu.memref_slice %arg8[%rem3A_93, %gather3A_228, %gather3A_229] : memref<3x64x640xf32, #tpu.memory_space<vmem>> -> memref<1x64x640xf32, #tpu.memory_space<vmem>>
          %gather3A_231 = tpu.memref_squeeze %gather3A_230 : memref<1x64x640xf32, #tpu.memory_space<vmem>> -> memref<64x640xf32, #tpu.memory_space<vmem>>
          %gather3A_232 = tpu.vector_load_idx %gather3A_231[%add3A_227, %broadcast_in_dim3A_190] : memref<64x640xf32, #tpu.memory_space<vmem>>[vector<16xi32>, vector<16xi32>], vector<16xf32>,
          %mul3A_233 = arith.constant 64 : i32
          %mul3A_234 = arith.muli %rem3A_192, %mul3A_233 : i32
          %add3A_235 = arith.constant 32 : i32
          %add3A_236 = arith.addi %mul3A_234, %add3A_235 : i32
          %swap3A_237 = arith.index_cast %add3A_236 : i32 to index
          %swap3A_238 = tpu.vector_load %arg9[%swap3A_237] {strides = array<i32>} : memref<512xf32, #tpu.memory_space<vmem>>, vector<16xf32>,
          tpu.vector_store %arg9[%swap3A_237], %gather3A_232 {strides = array<i32>} : memref<512xf32, #tpu.memory_space<vmem>>, vector<16xf32>,
          %add3A_239 = arith.constant 48 : i32
          %add3A_240 = vector.broadcast %add3A_239 : i32 to vector<16xi32>
          %add3A_241 = arith.addi %iota3A, %add3A_240 : vector<16xi32>
          %gather3A_242 = arith.constant 0 : i32
          %gather3A_243 = arith.constant 0 : i32
          %gather3A_244 = tpu.memref_slice %arg8[%rem3A_93, %gather3A_242, %gather3A_243] : memref<3x64x640xf32, #tpu.memory_space<vmem>> -> memref<1x64x640xf32, #tpu.memory_space<vmem>>
          %gather3A_245 = tpu.memref_squeeze %gather3A_244 : memref<1x64x640xf32, #tpu.memory_space<vmem>> -> memref<64x640xf32, #tpu.memory_space<vmem>>
          %gather3A_246 = tpu.vector_load_idx %gather3A_245[%add3A_241, %broadcast_in_dim3A_190] : memref<64x640xf32, #tpu.memory_space<vmem>>[vector<16xi32>, vector<16xi32>], vector<16xf32>,
          %mul3A_247 = arith.constant 64 : i32
          %mul3A_248 = arith.muli %rem3A_192, %mul3A_247 : i32
          %add3A_249 = arith.constant 48 : i32
          %add3A_250 = arith.addi %mul3A_248, %add3A_249 : i32
          %swap3A_251 = arith.index_cast %add3A_250 : i32 to index
          %swap3A_252 = tpu.vector_load %arg9[%swap3A_251] {strides = array<i32>} : memref<512xf32, #tpu.memory_space<vmem>>, vector<16xf32>,
          tpu.vector_store %arg9[%swap3A_251], %gather3A_246 {strides = array<i32>} : memref<512xf32, #tpu.memory_space<vmem>>, vector<16xf32>,
          %mul3A_253 = arith.constant 64 : i32
          %mul3A_254 = arith.muli %rem3A_192, %mul3A_253 : i32
          %mul3A_255 = arith.constant 64 : i32
          %mul3A_256 = arith.muli %squeeze3A_188, %mul3A_255 : i32
          %dma_start3A_257 = tpu.memref_slice %arg9[%mul3A_254] : memref<512xf32, #tpu.memory_space<vmem>> -> memref<64xf32, #tpu.memory_space<vmem>>
          %dma_start3A_258 = tpu.memref_slice %arg4[%mul3A_256] : memref<1048576xf32, #tpu.memory_space<hbm>> -> memref<64xf32, #tpu.memory_space<hbm>>
          %dma_start3A_259 = tpu.memref_slice %arg4[%mul3A_256] : memref<1048576xf32, #tpu.memory_space<hbm>> -> memref<64xf32, #tpu.memory_space<hbm>>
          %dma_start3A_260 = tpu.memref_slice %arg9[%mul3A_254] : memref<512xf32, #tpu.memory_space<vmem>> -> memref<64xf32, #tpu.memory_space<vmem>>
          tpu.enqueue_dma source(%dma_start3A_260 : memref<64xf32, #tpu.memory_space<vmem>>) target(%dma_start3A_259 : memref<64xf32, #tpu.memory_space<hbm>>) target_semaphore(%arg11 : memref<!tpu.dma_semaphore, #tpu.memory_space<semaphore_mem>>)
          %slice3A_261 = vector.extract_strided_slice %all_reduce_ffs3A {offsets = [0], sizes = [1], strides = [1]} : vector<16xi32> to vector<1xi32>
          %squeeze3A_262 = vector.extract %slice3A_261[0] : i32 from vector<1xi32>
          %ne3A_263 = vector.broadcast %squeeze3A_262 : i32 to vector<16xi32>
          %ne3A_264 = arith.cmpi ne, %iota3A, %ne3A_263 : vector<16xi32>
          %convert_element_type3A_265 = arith.extui %ne3A_264 : vector<16xi1> to vector<16xi32>
          %and3A_266 = arith.andi %while3A_176, %convert_element_type3A_265 : vector<16xi32>
          %add3A_267 = arith.constant 1 : i32
          %add3A_268 = arith.addi %while3A_177, %add3A_267 : i32
          scf.yield %and3A_266, %add3A_268 : vector<16xi32>, i32
        }
        %while3A_173 = arith.constant 1 : i32
        %while3A_174:2 = scf.for %while3A_175 = %while3A_170 to %while3A_166 step %while3A_173 iter_args(%while3A_176 = %while3A_172#0, %while3A_177 = %while3A_172#1) -> (vector<16xi32>, i32)  : i32 {
          %ne3A_178 = arith.constant 0 : i32
          %ne3A_179 = vector.broadcast %ne3A_178 : i32 to vector<16xi32>
          %ne3A_180 = arith.cmpi ne, %while3A_176, %ne3A_179 : vector<16xi32>
          %all_reduce_ffs3A = tpu.all_reduce %ne3A_180 {dim = 0 : i64, kind = #tpu.reduction_kind<find_first_set>} : vector<16xi1> -> vector<16xi32>
          %broadcast_in_dim3A = vector.shape_cast %all_reduce_ffs3A : vector<16xi32> to vector<16x1xi32>
          %gather3A = vector.shape_cast %broadcast_in_dim3A : vector<16x1xi32> to vector<16xi32>
          %gather3A_181 = tpu.dynamic_gather %get3A_141[%gather3A] in [0] : vector<16xi32>, vector<16xi32> -> vector<16xi32>
          %slice3A_182 = vector.extract_strided_slice %gather3A_181 {offsets = [0], sizes = [1], strides = [1]} : vector<16xi32> to vector<1xi32>
          %squeeze3A_183 = vector.extract %slice3A_182[0] : i32 from vector<1xi32>
          %broadcast_in_dim3A_184 = vector.shape_cast %all_reduce_ffs3A : vector<16xi32> to vector<16x1xi32>
          %gather3A_185 = vector.shape_cast %broadcast_in_dim3A_184 : vector<16x1xi32> to vector<16xi32>
          %gather3A_186 = tpu.dynamic_gather %get3A_145[%gather3A_185] in [0] : vector<16xi32>, vector<16xi32> -> vector<16xi32>
          %slice3A_187 = vector.extract_strided_slice %gather3A_186 {offsets = [0], sizes = [1], strides = [1]} : vector<16xi32> to vector<1xi32>
          %squeeze3A_188 = vector.extract %slice3A_187[0] : i32 from vector<1xi32>
          %sub3A_189 = arith.subi %squeeze3A_183, %multiple_of3A_123 : i32
          %broadcast_in_dim3A_190 = vector.broadcast %sub3A_189 : i32 to vector<16xi32>
          %rem3A_191 = arith.constant 8 : i32
          %rem3A_192 = arith.remsi %while3A_177, %rem3A_191 : i32
          %ge3A_193 = arith.constant 8 : i32
          %ge3A_194 = arith.cmpi sge, %while3A_177, %ge3A_193 : i32
          %convert_element_type3A_195 = arith.extui %ge3A_194 : i1 to i32
          %cond3A_196 = arith.constant 0 : i32
          %cond3A_197 = arith.cmpi ne, %convert_element_type3A_195, %cond3A_196 : i32
          scf.if %cond3A_197 {
            %dma_wait3A_269 = arith.constant 0 : i32
            %dma_wait3A_270 = tpu.memref_slice %arg9[%dma_wait3A_269] : memref<512xf32, #tpu.memory_space<vmem>> -> memref<64xf32, #tpu.memory_space<vmem>>
            %dma_wait3A_271 = arith.constant 0 : i32
            %dma_wait3A_272 = tpu.memref_slice %arg4[%dma_wait3A_271] : memref<1048576xf32, #tpu.memory_space<hbm>> -> memref<64xf32, #tpu.memory_space<hbm>>
            %dma_wait3A_273 = arith.constant 0 : i32
            %dma_wait3A_274 = tpu.memref_slice %arg4[%dma_wait3A_273] : memref<1048576xf32, #tpu.memory_space<hbm>> -> memref<64xf32, #tpu.memory_space<hbm>>
            %dma_wait3A_275 = arith.constant 0 : i32
            %dma_wait3A_276 = tpu.memref_slice %arg9[%dma_wait3A_275] : memref<512xf32, #tpu.memory_space<vmem>> -> memref<64xf32, #tpu.memory_space<vmem>>
            tpu.wait_dma2 semaphore(%arg11 : memref<!tpu.dma_semaphore, #tpu.memory_space<semaphore_mem>>) src(%dma_wait3A_276 : memref<64xf32, #tpu.memory_space<vmem>>) dst(%dma_wait3A_274 : memref<64xf32, #tpu.memory_space<hbm>>)
          } else {
          }
          %add3A_198 = arith.constant 0 : i32
          %add3A_199 = vector.broadcast %add3A_198 : i32 to vector<16xi32>
          %add3A_200 = arith.addi %iota3A, %add3A_199 : vector<16xi32>
          %gather3A_201 = arith.constant 0 : i32
          %gather3A_202 = arith.constant 0 : i32
          %gather3A_203 = tpu.memref_slice %arg8[%rem3A_93, %gather3A_201, %gather3A_202] : memref<3x64x640xf32, #tpu.memory_space<vmem>> -> memref<1x64x640xf32, #tpu.memory_space<vmem>>
          %gather3A_204 = tpu.memref_squeeze %gather3A_203 : memref<1x64x640xf32, #tpu.memory_space<vmem>> -> memref<64x640xf32, #tpu.memory_space<vmem>>
          %gather3A_205 = tpu.vector_load_idx %gather3A_204[%add3A_200, %broadcast_in_dim3A_190] : memref<64x640xf32, #tpu.memory_space<vmem>>[vector<16xi32>, vector<16xi32>], vector<16xf32>,
          %mul3A_206 = arith.constant 64 : i32
          %mul3A_207 = arith.muli %rem3A_192, %mul3A_206 : i32
          %add3A_208 = arith.constant 0 : i32
          %add3A_209 = arith.addi %mul3A_207, %add3A_208 : i32
          %swap3A = arith.index_cast %add3A_209 : i32 to index
          %swap3A_210 = tpu.vector_load %arg9[%swap3A] {strides = array<i32>} : memref<512xf32, #tpu.memory_space<vmem>>, vector<16xf32>,
          tpu.vector_store %arg9[%swap3A], %gather3A_205 {strides = array<i32>} : memref<512xf32, #tpu.memory_space<vmem>>, vector<16xf32>,
          %add3A_211 = arith.constant 16 : i32
          %add3A_212 = vector.broadcast %add3A_211 : i32 to vector<16xi32>
          %add3A_213 = arith.addi %iota3A, %add3A_212 : vector<16xi32>
          %gather3A_214 = arith.constant 0 : i32
          %gather3A_215 = arith.constant 0 : i32
          %gather3A_216 = tpu.memref_slice %arg8[%rem3A_93, %gather3A_214, %gather3A_215] : memref<3x64x640xf32, #tpu.memory_space<vmem>> -> memref<1x64x640xf32, #tpu.memory_space<vmem>>
          %gather3A_217 = tpu.memref_squeeze %gather3A_216 : memref<1x64x640xf32, #tpu.memory_space<vmem>> -> memref<64x640xf32, #tpu.memory_space<vmem>>
          %gather3A_218 = tpu.vector_load_idx %gather3A_217[%add3A_213, %broadcast_in_dim3A_190] : memref<64x640xf32, #tpu.memory_space<vmem>>[vector<16xi32>, vector<16xi32>], vector<16xf32>,
          %mul3A_219 = arith.constant 64 : i32
          %mul3A_220 = arith.muli %rem3A_192, %mul3A_219 : i32
          %add3A_221 = arith.constant 16 : i32
          %add3A_222 = arith.addi %mul3A_220, %add3A_221 : i32
          %swap3A_223 = arith.index_cast %add3A_222 : i32 to index
          %swap3A_224 = tpu.vector_load %arg9[%swap3A_223] {strides = array<i32>} : memref<512xf32, #tpu.memory_space<vmem>>, vector<16xf32>,
          tpu.vector_store %arg9[%swap3A_223], %gather3A_218 {strides = array<i32>} : memref<512xf32, #tpu.memory_space<vmem>>, vector<16xf32>,
          %add3A_225 = arith.constant 32 : i32
          %add3A_226 = vector.broadcast %add3A_225 : i32 to vector<16xi32>
          %add3A_227 = arith.addi %iota3A, %add3A_226 : vector<16xi32>
          %gather3A_228 = arith.constant 0 : i32
          %gather3A_229 = arith.constant 0 : i32
          %gather3A_230 = tpu.memref_slice %arg8[%rem3A_93, %gather3A_228, %gather3A_229] : memref<3x64x640xf32, #tpu.memory_space<vmem>> -> memref<1x64x640xf32, #tpu.memory_space<vmem>>
          %gather3A_231 = tpu.memref_squeeze %gather3A_230 : memref<1x64x640xf32, #tpu.memory_space<vmem>> -> memref<64x640xf32, #tpu.memory_space<vmem>>
          %gather3A_232 = tpu.vector_load_idx %gather3A_231[%add3A_227, %broadcast_in_dim3A_190] : memref<64x640xf32, #tpu.memory_space<vmem>>[vector<16xi32>, vector<16xi32>], vector<16xf32>,
          %mul3A_233 = arith.constant 64 : i32
          %mul3A_234 = arith.muli %rem3A_192, %mul3A_233 : i32
          %add3A_235 = arith.constant 32 : i32
          %add3A_236 = arith.addi %mul3A_234, %add3A_235 : i32
          %swap3A_237 = arith.index_cast %add3A_236 : i32 to index
          %swap3A_238 = tpu.vector_load %arg9[%swap3A_237] {strides = array<i32>} : memref<512xf32, #tpu.memory_space<vmem>>, vector<16xf32>,
          tpu.vector_store %arg9[%swap3A_237], %gather3A_232 {strides = array<i32>} : memref<512xf32, #tpu.memory_space<vmem>>, vector<16xf32>,
          %add3A_239 = arith.constant 48 : i32
          %add3A_240 = vector.broadcast %add3A_239 : i32 to vector<16xi32>
          %add3A_241 = arith.addi %iota3A, %add3A_240 : vector<16xi32>
          %gather3A_242 = arith.constant 0 : i32
          %gather3A_243 = arith.constant 0 : i32
          %gather3A_244 = tpu.memref_slice %arg8[%rem3A_93, %gather3A_242, %gather3A_243] : memref<3x64x640xf32, #tpu.memory_space<vmem>> -> memref<1x64x640xf32, #tpu.memory_space<vmem>>
          %gather3A_245 = tpu.memref_squeeze %gather3A_244 : memref<1x64x640xf32, #tpu.memory_space<vmem>> -> memref<64x640xf32, #tpu.memory_space<vmem>>
          %gather3A_246 = tpu.vector_load_idx %gather3A_245[%add3A_241, %broadcast_in_dim3A_190] : memref<64x640xf32, #tpu.memory_space<vmem>>[vector<16xi32>, vector<16xi32>], vector<16xf32>,
          %mul3A_247 = arith.constant 64 : i32
          %mul3A_248 = arith.muli %rem3A_192, %mul3A_247 : i32
          %add3A_249 = arith.constant 48 : i32
          %add3A_250 = arith.addi %mul3A_248, %add3A_249 : i32
          %swap3A_251 = arith.index_cast %add3A_250 : i32 to index
          %swap3A_252 = tpu.vector_load %arg9[%swap3A_251] {strides = array<i32>} : memref<512xf32, #tpu.memory_space<vmem>>, vector<16xf32>,
          tpu.vector_store %arg9[%swap3A_251], %gather3A_246 {strides = array<i32>} : memref<512xf32, #tpu.memory_space<vmem>>, vector<16xf32>,
          %mul3A_253 = arith.constant 64 : i32
          %mul3A_254 = arith.muli %rem3A_192, %mul3A_253 : i32
          %mul3A_255 = arith.constant 64 : i32
          %mul3A_256 = arith.muli %squeeze3A_188, %mul3A_255 : i32
          %dma_start3A_257 = tpu.memref_slice %arg9[%mul3A_254] : memref<512xf32, #tpu.memory_space<vmem>> -> memref<64xf32, #tpu.memory_space<vmem>>
          %dma_start3A_258 = tpu.memref_slice %arg4[%mul3A_256] : memref<1048576xf32, #tpu.memory_space<hbm>> -> memref<64xf32, #tpu.memory_space<hbm>>
          %dma_start3A_259 = tpu.memref_slice %arg4[%mul3A_256] : memref<1048576xf32, #tpu.memory_space<hbm>> -> memref<64xf32, #tpu.memory_space<hbm>>
          %dma_start3A_260 = tpu.memref_slice %arg9[%mul3A_254] : memref<512xf32, #tpu.memory_space<vmem>> -> memref<64xf32, #tpu.memory_space<vmem>>
          tpu.enqueue_dma source(%dma_start3A_260 : memref<64xf32, #tpu.memory_space<vmem>>) target(%dma_start3A_259 : memref<64xf32, #tpu.memory_space<hbm>>) target_semaphore(%arg11 : memref<!tpu.dma_semaphore, #tpu.memory_space<semaphore_mem>>)
          %slice3A_261 = vector.extract_strided_slice %all_reduce_ffs3A {offsets = [0], sizes = [1], strides = [1]} : vector<16xi32> to vector<1xi32>
          %squeeze3A_262 = vector.extract %slice3A_261[0] : i32 from vector<1xi32>
          %ne3A_263 = vector.broadcast %squeeze3A_262 : i32 to vector<16xi32>
          %ne3A_264 = arith.cmpi ne, %iota3A, %ne3A_263 : vector<16xi32>
          %convert_element_type3A_265 = arith.extui %ne3A_264 : vector<16xi1> to vector<16xi32>
          %and3A_266 = arith.andi %while3A_176, %convert_element_type3A_265 : vector<16xi32>
          %add3A_267 = arith.constant 1 : i32
          %add3A_268 = arith.addi %while3A_177, %add3A_267 : i32
          scf.yield %and3A_266, %add3A_268 : vector<16xi32>, i32
        }
        scf.yield %while3A_174#1 : i32
      }
      scf.yield %while3A_136 : i32
    }
    %scan3A_83 = arith.constant 49 : i32
    %scan3A_84 = arith.constant 0 : i32
    %scan3A_85 = arith.constant 0 : i32
    %scan3A_86 = arith.constant 8 : i32
    %scan3A_87 = arith.addi %scan3A_85, %scan3A_86 : i32
    %scan3A_88 = arith.constant 1 : i32
    scf.for %scan3A_90 = %scan3A_85 to %scan3A_87 step %scan3A_88  : i32 {
      %min3A_91 = arith.constant 8 : i32
      %min3A_92 = arith.minsi %scan3A_82, %min3A_91 : i32
      %lt3A_93 = arith.cmpi slt, %scan3A_90, %min3A_92 : i32
      %convert_element_type3A_94 = arith.extui %lt3A_93 : i1 to i32
      %cond3A = arith.constant 0 : i32
      %cond3A_95 = arith.cmpi ne, %convert_element_type3A_94, %cond3A : i32
      scf.if %cond3A_95 {
        %dma_wait3A = arith.constant 0 : i32
        %dma_wait3A_96 = tpu.memref_slice %arg9[%dma_wait3A] : memref<512xf32, #tpu.memory_space<vmem>> -> memref<64xf32, #tpu.memory_space<vmem>>
        %dma_wait3A_97 = arith.constant 0 : i32
        %dma_wait3A_98 = tpu.memref_slice %arg4[%dma_wait3A_97] : memref<1048576xf32, #tpu.memory_space<hbm>> -> memref<64xf32, #tpu.memory_space<hbm>>
        %dma_wait3A_99 = arith.constant 0 : i32
        %dma_wait3A_100 = tpu.memref_slice %arg4[%dma_wait3A_99] : memref<1048576xf32, #tpu.memory_space<hbm>> -> memref<64xf32, #tpu.memory_space<hbm>>
        %dma_wait3A_101 = arith.constant 0 : i32
        %dma_wait3A_102 = tpu.memref_slice %arg9[%dma_wait3A_101] : memref<512xf32, #tpu.memory_space<vmem>> -> memref<64xf32, #tpu.memory_space<vmem>>
        tpu.wait_dma2 semaphore(%arg11 : memref<!tpu.dma_semaphore, #tpu.memory_space<semaphore_mem>>) src(%dma_wait3A_102 : memref<64xf32, #tpu.memory_space<vmem>>) dst(%dma_wait3A_100 : memref<64xf32, #tpu.memory_space<hbm>>)
      } else {
      }
    }
    %scan3A_89 = arith.constant 8 : i32
    return
  }
}

#map = affine_map<(d0, d1) -> (0)>
#map1 = affine_map<(d0, d1) -> (0, 0)>
module attributes {stable_mosaic.version = 14 : i64} {
  func.func @_scan_gather(%arg0: i32, %arg1: i32, %arg2: memref<16384xi32, #tpu.memory_space<hbm>>, %arg3: memref<64x1000000xf32, #tpu.memory_space<hbm>>, %arg4: memref<1048576xf32, #tpu.memory_space<hbm>>, %arg5: memref<2048xi32, #tpu.memory_space<vmem>>, %arg6: memref<2064xi32, #tpu.memory_space<vmem>>, %arg7: memref<2064xi32, #tpu.memory_space<vmem>>, %arg8: memref<3x64x640xf32, #tpu.memory_space<vmem>>, %arg9: memref<512xf32, #tpu.memory_space<vmem>>, %arg10: memref<!tpu.dma_semaphore, #tpu.memory_space<semaphore_mem>>, %arg11: memref<!tpu.dma_semaphore, #tpu.memory_space<semaphore_mem>>) attributes {dimension_semantics = [#tpu.dimension_semantics<core_parallel>, #tpu.dimension_semantics<subcore_parallel>], iteration_bounds = array<i64: 2, 16>, scalar_prefetch = 0 : i64, scratch_operands = 7 : i64, tpu.core_type = #tpu.core_type<sc_vector_subcore>, window_params = [{transform_indices = #map}, {transform_indices = #map1}, {transform_indices = #map}]} {
    %mul3A = arith.constant 2 : i32
    %mul3A_0 = arith.muli %arg1, %mul3A : i32
    %add3A = arith.addi %mul3A_0, %arg0 : i32
    %mul3A_1 = arith.constant 244 : i32
    %mul3A_2 = arith.muli %add3A, %mul3A_1 : i32
    %min3A = arith.constant 5 : i32
    %min3A_3 = arith.minsi %add3A, %min3A : i32
    %add3A_4 = arith.addi %mul3A_2, %min3A_3 : i32
    %lt3A = arith.constant 5 : i32
    %lt3A_5 = arith.cmpi slt, %add3A, %lt3A : i32
    %convert_element_type3A = arith.extui %lt3A_5 : i1 to i32
    %add3A_6 = arith.constant 244 : i32
    %add3A_7 = arith.addi %add3A_6, %convert_element_type3A : i32
    %add3A_8 = arith.addi %add3A_4, %add3A_7 : i32
    %iota3A = tpu.iota {dimensions = array<i32: 0>} : vector<16xi32>
    %mul3A_9 = arith.constant 0 : i32
    %mul3A_10 = arith.constant 5 : i32
    %mul3A_11 = arith.muli %mul3A_9, %mul3A_10 : i32
    %add3A_12 = arith.addi %add3A_4, %mul3A_11 : i32
    %min3A_13 = arith.constant 7808 : i32
    %min3A_14 = arith.minsi %add3A_12, %min3A_13 : i32
    %mul3A_15 = arith.constant 128 : i32
    %mul3A_16 = arith.muli %min3A_14, %mul3A_15 : i32
    %multiple_of3A = tpu.assume_multiple %mul3A_16, 128 : i32
    %dma_start3A = arith.constant 0 : i32
    %dma_start3A_17 = arith.constant 0 : i32
    %dma_start3A_18 = arith.constant 0 : i32
    %dma_start3A_19 = tpu.memref_slice %arg8[%dma_start3A, %dma_start3A_17, %dma_start3A_18] : memref<3x64x640xf32, #tpu.memory_space<vmem>> -> memref<1x64x640xf32, #tpu.memory_space<vmem>>
    %dma_start3A_20 = tpu.memref_squeeze %dma_start3A_19 : memref<1x64x640xf32, #tpu.memory_space<vmem>> -> memref<64x640xf32, #tpu.memory_space<vmem>>
    %dma_start3A_21 = arith.constant 0 : i32
    %dma_start3A_22 = tpu.memref_slice %arg3[%dma_start3A_21, %multiple_of3A] : memref<64x1000000xf32, #tpu.memory_space<hbm>> -> memref<64x640xf32, #tpu.memory_space<hbm>>
    %dma_start3A_23 = arith.constant 0 : i32
    %dma_start3A_24 = arith.constant 0 : i32
    %dma_start3A_25 = tpu.memref_slice %arg8[%dma_start3A, %dma_start3A_23, %dma_start3A_24] : memref<3x64x640xf32, #tpu.memory_space<vmem>> -> memref<1x64x640xf32, #tpu.memory_space<vmem>>
    %dma_start3A_26 = tpu.memref_squeeze %dma_start3A_25 : memref<1x64x640xf32, #tpu.memory_space<vmem>> -> memref<64x640xf32, #tpu.memory_space<vmem>>
    %dma_start3A_27 = arith.constant 0 : i32
    %dma_start3A_28 = tpu.memref_slice %arg3[%dma_start3A_27, %multiple_of3A] : memref<64x1000000xf32, #tpu.memory_space<hbm>> -> memref<64x640xf32, #tpu.memory_space<hbm>>
    tpu.enqueue_dma source(%dma_start3A_28 : memref<64x640xf32, #tpu.memory_space<hbm>>) target(%dma_start3A_26 : memref<64x640xf32, #tpu.memory_space<vmem>>) target_semaphore(%arg10 : memref<!tpu.dma_semaphore, #tpu.memory_space<semaphore_mem>>)
    %mul3A_29 = arith.constant 1 : i32
    %mul3A_30 = arith.constant 5 : i32
    %mul3A_31 = arith.muli %mul3A_29, %mul3A_30 : i32
    %add3A_32 = arith.addi %add3A_4, %mul3A_31 : i32
    %min3A_33 = arith.constant 7808 : i32
    %min3A_34 = arith.minsi %add3A_32, %min3A_33 : i32
    %mul3A_35 = arith.constant 128 : i32
    %mul3A_36 = arith.muli %min3A_34, %mul3A_35 : i32
    %multiple_of3A_37 = tpu.assume_multiple %mul3A_36, 128 : i32
    %dma_start3A_38 = arith.constant 1 : i32
    %dma_start3A_39 = arith.constant 0 : i32
    %dma_start3A_40 = arith.constant 0 : i32
    %dma_start3A_41 = tpu.memref_slice %arg8[%dma_start3A_38, %dma_start3A_39, %dma_start3A_40] : memref<3x64x640xf32, #tpu.memory_space<vmem>> -> memref<1x64x640xf32, #tpu.memory_space<vmem>>
    %dma_start3A_42 = tpu.memref_squeeze %dma_start3A_41 : memref<1x64x640xf32, #tpu.memory_space<vmem>> -> memref<64x640xf32, #tpu.memory_space<vmem>>
    %dma_start3A_43 = arith.constant 0 : i32
    %dma_start3A_44 = tpu.memref_slice %arg3[%dma_start3A_43, %multiple_of3A_37] : memref<64x1000000xf32, #tpu.memory_space<hbm>> -> memref<64x640xf32, #tpu.memory_space<hbm>>
    %dma_start3A_45 = arith.constant 0 : i32
    %dma_start3A_46 = arith.constant 0 : i32
    %dma_start3A_47 = tpu.memref_slice %arg8[%dma_start3A_38, %dma_start3A_45, %dma_start3A_46] : memref<3x64x640xf32, #tpu.memory_space<vmem>> -> memref<1x64x640xf32, #tpu.memory_space<vmem>>
    %dma_start3A_48 = tpu.memref_squeeze %dma_start3A_47 : memref<1x64x640xf32, #tpu.memory_space<vmem>> -> memref<64x640xf32, #tpu.memory_space<vmem>>
    %dma_start3A_49 = arith.constant 0 : i32
    %dma_start3A_50 = tpu.memref_slice %arg3[%dma_start3A_49, %multiple_of3A_37] : memref<64x1000000xf32, #tpu.memory_space<hbm>> -> memref<64x640xf32, #tpu.memory_space<hbm>>
    tpu.enqueue_dma source(%dma_start3A_50 : memref<64x640xf32, #tpu.memory_space<hbm>>) target(%dma_start3A_48 : memref<64x640xf32, #tpu.memory_space<vmem>>) target_semaphore(%arg10 : memref<!tpu.dma_semaphore, #tpu.memory_space<semaphore_mem>>)
    %scan3A = arith.constant 0 : i32
    %scan3A_51 = arith.constant 0 : i32
    %scan3A_52 = arith.constant 8 : i32
    %scan3A_53 = arith.addi %scan3A_51, %scan3A_52 : i32
    %scan3A_54 = arith.constant 1 : i32
    %scan3A_55 = scf.for %scan3A_90 = %scan3A_51 to %scan3A_53 step %scan3A_54 iter_args(%scan3A_91 = %scan3A) -> (i32)  : i32 {
      %mul3A_92 = arith.constant 2048 : i32
      %mul3A_93 = arith.muli %scan3A_90, %mul3A_92 : i32
      "tpu.region"() ({
        %run_scoped3A = tpu.sem_alloc : memref<!tpu.dma_semaphore, #tpu.memory_space<semaphore_mem>>
        %dma_start3A_100 = tpu.memref_slice %arg2[%mul3A_93] : memref<16384xi32, #tpu.memory_space<hbm>> -> memref<2048xi32, #tpu.memory_space<hbm>>
        %dma_start3A_101 = tpu.memref_slice %arg2[%mul3A_93] : memref<16384xi32, #tpu.memory_space<hbm>> -> memref<2048xi32, #tpu.memory_space<hbm>>
        tpu.enqueue_dma source(%dma_start3A_101 : memref<2048xi32, #tpu.memory_space<hbm>>) target(%arg5 : memref<2048xi32, #tpu.memory_space<vmem>>) target_semaphore(%run_scoped3A : memref<!tpu.dma_semaphore, #tpu.memory_space<semaphore_mem>>)
        %dma_wait3A = tpu.memref_slice %arg2[%mul3A_93] : memref<16384xi32, #tpu.memory_space<hbm>> -> memref<2048xi32, #tpu.memory_space<hbm>>
        %dma_wait3A_102 = tpu.memref_slice %arg2[%mul3A_93] : memref<16384xi32, #tpu.memory_space<hbm>> -> memref<2048xi32, #tpu.memory_space<hbm>>
        tpu.wait_dma2 semaphore(%run_scoped3A : memref<!tpu.dma_semaphore, #tpu.memory_space<semaphore_mem>>) src(%dma_wait3A_102 : memref<2048xi32, #tpu.memory_space<hbm>>) dst(%arg5 : memref<2048xi32, #tpu.memory_space<vmem>>)
        tpu.yield
      }) : () -> ()
      %scan3A_94 = arith.constant 0 : i32
      %scan3A_95 = arith.constant 128 : i32
      %scan3A_96 = arith.addi %scan3A_94, %scan3A_95 : i32
      %scan3A_97 = arith.constant 1 : i32
      %scan3A_98 = scf.for %scan3A_100 = %scan3A_94 to %scan3A_96 step %scan3A_97 iter_args(%scan3A_101 = %scan3A_91) -> (i32)  : i32 {
        %mul3A_102 = arith.constant 16 : i32
        %mul3A_103 = arith.muli %scan3A_100, %mul3A_102 : i32
        %get3A = arith.index_cast %mul3A_103 : i32 to index
        %get3A_104 = tpu.vector_load %arg5[%get3A] {strides = array<i32>} : memref<2048xi32, #tpu.memory_space<vmem>>, vector<16xi32>,
        %shift_right_arithmetic3A = arith.constant 7 : i32
        %shift_right_arithmetic3A_105 = vector.broadcast %shift_right_arithmetic3A : i32 to vector<16xi32>
        %shift_right_arithmetic3A_106 = arith.shrsi %get3A_104, %shift_right_arithmetic3A_105 : vector<16xi32>
        %ge3A = vector.broadcast %add3A_4 : i32 to vector<16xi32>
        %ge3A_107 = arith.cmpi sge, %shift_right_arithmetic3A_106, %ge3A : vector<16xi32>
        %lt3A_108 = vector.broadcast %add3A_8 : i32 to vector<16xi32>
        %lt3A_109 = arith.cmpi slt, %shift_right_arithmetic3A_106, %lt3A_108 : vector<16xi32>
        %and3A_110 = arith.andi %ge3A_107, %lt3A_109 : vector<16xi1>
        %mul3A_111 = arith.constant 2048 : i32
        %mul3A_112 = arith.muli %scan3A_90, %mul3A_111 : i32
        %mul3A_113 = arith.constant 16 : i32
        %mul3A_114 = arith.muli %scan3A_100, %mul3A_113 : i32
        %add3A_115 = arith.addi %mul3A_112, %mul3A_114 : i32
        %add3A_116 = vector.broadcast %add3A_115 : i32 to vector<16xi32>
        %add3A_117 = arith.addi %iota3A, %add3A_116 : vector<16xi32>
        %swap3A = arith.index_cast %scan3A_101 : i32 to index
        %swap3A_118 = tpu.vector_load %arg6[%swap3A] masked %and3A_110 {strides = array<i32>} : memref<2064xi32, #tpu.memory_space<vmem>>, vector<16xi32>, vector<16xi1>
        tpu.vector_store %arg6[%swap3A], %add3A_117 masked %and3A_110 {strides = array<i32>} : memref<2064xi32, #tpu.memory_space<vmem>>, vector<16xi32>, vector<16xi1>
        %swap3A_119 = arith.index_cast %scan3A_101 : i32 to index
        %swap3A_120 = tpu.vector_load %arg7[%swap3A_119] masked %and3A_110 {strides = array<i32>} : memref<2064xi32, #tpu.memory_space<vmem>>, vector<16xi32>, vector<16xi1>
        tpu.vector_store %arg7[%swap3A_119], %get3A_104 masked %and3A_110 {strides = array<i32>} : memref<2064xi32, #tpu.memory_space<vmem>>, vector<16xi32>, vector<16xi1>
        %all_reduce_population_count3A = tpu.all_reduce %and3A_110 {dim = 0 : i64, kind = #tpu.reduction_kind<sum>} : vector<16xi1> -> vector<16xi32>
        %slice3A = vector.extract_strided_slice %all_reduce_population_count3A {offsets = [0], sizes = [1], strides = [1]} : vector<16xi32> to vector<1xi32>
        %squeeze3A = vector.extract %slice3A[0] : i32 from vector<1xi32>
        %add3A_121 = arith.addi %scan3A_101, %squeeze3A : i32
        scf.yield %add3A_121 : i32
      }
      %scan3A_99 = arith.constant 128 : i32
      scf.yield %scan3A_98 : i32
    }
    %scan3A_56 = arith.constant 8 : i32
    %add3A_57 = arith.constant 16 : i32
    %add3A_58 = arith.addi %scan3A_55, %add3A_57 : i32
    %sub3A = arith.constant 1 : i32
    %sub3A_59 = arith.subi %add3A_58, %sub3A : i32
    %jit3A = arith.constant 16 : i32
    %div3A = arith.divsi %sub3A_59, %jit3A : i32
    %sign3A = arith.constant 0 : i32
    %sign3A_60 = arith.cmpi sgt, %sub3A_59, %sign3A : i32
    %sign3A_61 = arith.extui %sign3A_60 : i1 to i32
    %sign3A_62 = arith.constant 0 : i32
    %sign3A_63 = arith.cmpi slt, %sub3A_59, %sign3A_62 : i32
    %sign3A_64 = arith.extui %sign3A_63 : i1 to i32
    %sign3A_65 = arith.subi %sign3A_61, %sign3A_64 : i32
    %sign3A_66 = arith.constant 0 : i32
    %sign3A_67 = arith.cmpi sgt, %jit3A, %sign3A_66 : i32
    %sign3A_68 = arith.extui %sign3A_67 : i1 to i32
    %sign3A_69 = arith.constant 0 : i32
    %sign3A_70 = arith.cmpi slt, %jit3A, %sign3A_69 : i32
    %sign3A_71 = arith.extui %sign3A_70 : i1 to i32
    %sign3A_72 = arith.subi %sign3A_68, %sign3A_71 : i32
    %ne3A = arith.cmpi ne, %sign3A_65, %sign3A_72 : i32
    %rem3A = arith.remsi %sub3A_59, %jit3A : i32
    %ne3A_73 = arith.constant 0 : i32
    %ne3A_74 = arith.cmpi ne, %rem3A, %ne3A_73 : i32
    %and3A = arith.andi %ne3A, %ne3A_74 : i1
    %sub3A_75 = arith.constant 1 : i32
    %sub3A_76 = arith.subi %div3A, %sub3A_75 : i32
    %select_n3A = arith.select %and3A, %sub3A_76, %div3A : i32
    %scan3A_77 = arith.constant 0 : i32
    %scan3A_78 = arith.constant 0 : i32
    %scan3A_79 = arith.constant 49 : i32
    %scan3A_80 = arith.addi %scan3A_78, %scan3A_79 : i32
    %scan3A_81 = arith.constant 1 : i32
    %scan3A_82 = scf.for %scan3A_90 = %scan3A_78 to %scan3A_80 step %scan3A_81 iter_args(%scan3A_91 = %scan3A_77) -> (i32)  : i32 {
      %rem3A_92 = arith.constant 3 : i32
      %rem3A_93 = arith.remsi %scan3A_90, %rem3A_92 : i32
      %add3A_94 = arith.constant 3 : i32
      %add3A_95 = arith.addi %scan3A_90, %add3A_94 : i32
      %sub3A_96 = arith.constant 1 : i32
      %sub3A_97 = arith.subi %add3A_95, %sub3A_96 : i32
      %lt3A_98 = arith.constant 49 : i32
      %lt3A_99 = arith.cmpi slt, %sub3A_97, %lt3A_98 : i32
      %convert_element_type3A_100 = arith.extui %lt3A_99 : i1 to i32
      %cond3A = arith.constant 0 : i32
      %cond3A_101 = arith.cmpi ne, %convert_element_type3A_100, %cond3A : i32
      scf.if %cond3A_101 {
        %add3A_137 = arith.constant 3 : i32
        %add3A_138 = arith.addi %scan3A_90, %add3A_137 : i32
        %sub3A_139 = arith.constant 1 : i32
        %sub3A_140 = arith.subi %add3A_138, %sub3A_139 : i32
        %add3A_141 = arith.constant 3 : i32
        %add3A_142 = arith.addi %scan3A_90, %add3A_141 : i32
        %sub3A_143 = arith.constant 1 : i32
        %sub3A_144 = arith.subi %add3A_142, %sub3A_143 : i32
        %rem3A_145 = arith.constant 3 : i32
        %rem3A_146 = arith.remsi %sub3A_144, %rem3A_145 : i32
        %mul3A_147 = arith.constant 5 : i32
        %mul3A_148 = arith.muli %sub3A_140, %mul3A_147 : i32
        %add3A_149 = arith.addi %add3A_4, %mul3A_148 : i32
        %min3A_150 = arith.constant 7808 : i32
        %min3A_151 = arith.minsi %add3A_149, %min3A_150 : i32
        %mul3A_152 = arith.constant 128 : i32
        %mul3A_153 = arith.muli %min3A_151, %mul3A_152 : i32
        %multiple_of3A_154 = tpu.assume_multiple %mul3A_153, 128 : i32
        %dma_start3A_155 = arith.constant 0 : i32
        %dma_start3A_156 = arith.constant 0 : i32
        %dma_start3A_157 = tpu.memref_slice %arg8[%rem3A_146, %dma_start3A_155, %dma_start3A_156] : memref<3x64x640xf32, #tpu.memory_space<vmem>> -> memref<1x64x640xf32, #tpu.memory_space<vmem>>
        %dma_start3A_158 = tpu.memref_squeeze %dma_start3A_157 : memref<1x64x640xf32, #tpu.memory_space<vmem>> -> memref<64x640xf32, #tpu.memory_space<vmem>>
        %dma_start3A_159 = arith.constant 0 : i32
        %dma_start3A_160 = tpu.memref_slice %arg3[%dma_start3A_159, %multiple_of3A_154] : memref<64x1000000xf32, #tpu.memory_space<hbm>> -> memref<64x640xf32, #tpu.memory_space<hbm>>
        %dma_start3A_161 = arith.constant 0 : i32
        %dma_start3A_162 = arith.constant 0 : i32
        %dma_start3A_163 = tpu.memref_slice %arg8[%rem3A_146, %dma_start3A_161, %dma_start3A_162] : memref<3x64x640xf32, #tpu.memory_space<vmem>> -> memref<1x64x640xf32, #tpu.memory_space<vmem>>
        %dma_start3A_164 = tpu.memref_squeeze %dma_start3A_163 : memref<1x64x640xf32, #tpu.memory_space<vmem>> -> memref<64x640xf32, #tpu.memory_space<vmem>>
        %dma_start3A_165 = arith.constant 0 : i32
        %dma_start3A_166 = tpu.memref_slice %arg3[%dma_start3A_165, %multiple_of3A_154] : memref<64x1000000xf32, #tpu.memory_space<hbm>> -> memref<64x640xf32, #tpu.memory_space<hbm>>
        tpu.enqueue_dma source(%dma_start3A_166 : memref<64x640xf32, #tpu.memory_space<hbm>>) target(%dma_start3A_164 : memref<64x640xf32, #tpu.memory_space<vmem>>) target_semaphore(%arg10 : memref<!tpu.dma_semaphore, #tpu.memory_space<semaphore_mem>>)
      } else {
      }
      %dma_wait3A = arith.constant 0 : i32
      %dma_wait3A_102 = arith.constant 0 : i32
      %dma_wait3A_103 = arith.constant 0 : i32
      %dma_wait3A_104 = tpu.memref_slice %arg8[%dma_wait3A, %dma_wait3A_102, %dma_wait3A_103] : memref<3x64x640xf32, #tpu.memory_space<vmem>> -> memref<1x64x640xf32, #tpu.memory_space<vmem>>
      %dma_wait3A_105 = tpu.memref_squeeze %dma_wait3A_104 : memref<1x64x640xf32, #tpu.memory_space<vmem>> -> memref<64x640xf32, #tpu.memory_space<vmem>>
      %dma_wait3A_106 = arith.constant 0 : i32
      %dma_wait3A_107 = arith.constant 0 : i32
      %dma_wait3A_108 = tpu.memref_slice %arg3[%dma_wait3A_106, %dma_wait3A_107] : memref<64x1000000xf32, #tpu.memory_space<hbm>> -> memref<64x640xf32, #tpu.memory_space<hbm>>
      %dma_wait3A_109 = arith.constant 0 : i32
      %dma_wait3A_110 = arith.constant 0 : i32
      %dma_wait3A_111 = tpu.memref_slice %arg8[%dma_wait3A, %dma_wait3A_109, %dma_wait3A_110] : memref<3x64x640xf32, #tpu.memory_space<vmem>> -> memref<1x64x640xf32, #tpu.memory_space<vmem>>
      %dma_wait3A_112 = tpu.memref_squeeze %dma_wait3A_111 : memref<1x64x640xf32, #tpu.memory_space<vmem>> -> memref<64x640xf32, #tpu.memory_space<vmem>>
      %dma_wait3A_113 = arith.constant 0 : i32
      %dma_wait3A_114 = arith.constant 0 : i32
      %dma_wait3A_115 = tpu.memref_slice %arg3[%dma_wait3A_113, %dma_wait3A_114] : memref<64x1000000xf32, #tpu.memory_space<hbm>> -> memref<64x640xf32, #tpu.memory_space<hbm>>
      tpu.wait_dma2 semaphore(%arg10 : memref<!tpu.dma_semaphore, #tpu.memory_space<semaphore_mem>>) src(%dma_wait3A_115 : memref<64x640xf32, #tpu.memory_space<hbm>>) dst(%dma_wait3A_112 : memref<64x640xf32, #tpu.memory_space<vmem>>)
      %mul3A_116 = arith.constant 5 : i32
      %mul3A_117 = arith.muli %scan3A_90, %mul3A_116 : i32
      %add3A_118 = arith.addi %add3A_4, %mul3A_117 : i32
      %min3A_119 = arith.constant 7808 : i32
      %min3A_120 = arith.minsi %add3A_118, %min3A_119 : i32
      %mul3A_121 = arith.constant 128 : i32
      %mul3A_122 = arith.muli %min3A_120, %mul3A_121 : i32
      %multiple_of3A_123 = tpu.assume_multiple %mul3A_122, 128 : i32
      %shift_right_arithmetic3A = arith.constant 7 : i32
      %shift_right_arithmetic3A_124 = arith.shrsi %multiple_of3A_123, %shift_right_arithmetic3A : i32
      %add3A_125 = arith.constant 5 : i32
      %add3A_126 = arith.addi %shift_right_arithmetic3A_124, %add3A_125 : i32
      %while3A = arith.constant 0 : i32
      %while3A_127 = arith.subi %select_n3A, %while3A : i32
      %while3A_128 = arith.addi %while3A, %while3A_127 : i32
      %while3A_129 = arith.constant 1 : i32
      %while3A_130 = arith.divsi %while3A_127, %while3A_129 : i32
      %while3A_131 = arith.muli %while3A_130, %while3A_129 : i32
      %while3A_132 = arith.addi %while3A, %while3A_131 : i32
      %while3A_133 = arith.constant 1 : i32
      %while3A_134 = scf.for %while3A_137 = %while3A to %while3A_132 step %while3A_133 iter_args(%while3A_138 = %scan3A_91) -> (i32)  : i32 {
        %mul3A_139 = arith.constant 16 : i32
        %mul3A_140 = arith.muli %while3A_137, %mul3A_139 : i32
        %get3A = arith.index_cast %mul3A_140 : i32 to index
        %get3A_141 = tpu.vector_load %arg7[%get3A] {strides = array<i32>} : memref<2064xi32, #tpu.memory_space<vmem>>, vector<16xi32>,
        %mul3A_142 = arith.constant 16 : i32
        %mul3A_143 = arith.muli %while3A_137, %mul3A_142 : i32
        %get3A_144 = arith.index_cast %mul3A_143 : i32 to index
        %get3A_145 = tpu.vector_load %arg6[%get3A_144] {strides = array<i32>} : memref<2064xi32, #tpu.memory_space<vmem>>, vector<16xi32>,
        %mul3A_146 = arith.constant 16 : i32
        %mul3A_147 = arith.muli %while3A_137, %mul3A_146 : i32
        %add3A_148 = vector.broadcast %mul3A_147 : i32 to vector<16xi32>
        %add3A_149 = arith.addi %iota3A, %add3A_148 : vector<16xi32>
        %lt3A_150 = vector.broadcast %scan3A_55 : i32 to vector<16xi32>
        %lt3A_151 = arith.cmpi slt, %add3A_149, %lt3A_150 : vector<16xi32>
        %shift_right_arithmetic3A_152 = arith.constant 7 : i32
        %shift_right_arithmetic3A_153 = vector.broadcast %shift_right_arithmetic3A_152 : i32 to vector<16xi32>
        %shift_right_arithmetic3A_154 = arith.shrsi %get3A_141, %shift_right_arithmetic3A_153 : vector<16xi32>
        %ge3A = vector.broadcast %shift_right_arithmetic3A_124 : i32 to vector<16xi32>
        %ge3A_155 = arith.cmpi sge, %shift_right_arithmetic3A_154, %ge3A : vector<16xi32>
        %shift_right_arithmetic3A_156 = arith.constant 7 : i32
        %shift_right_arithmetic3A_157 = vector.broadcast %shift_right_arithmetic3A_156 : i32 to vector<16xi32>
        %shift_right_arithmetic3A_158 = arith.shrsi %get3A_141, %shift_right_arithmetic3A_157 : vector<16xi32>
        %lt3A_159 = vector.broadcast %add3A_126 : i32 to vector<16xi32>
        %lt3A_160 = arith.cmpi slt, %shift_right_arithmetic3A_158, %lt3A_159 : vector<16xi32>
        %and3A_161 = arith.andi %ge3A_155, %lt3A_160 : vector<16xi1>
        %and3A_162 = arith.andi %and3A_161, %lt3A_151 : vector<16xi1>
        %all_reduce_population_count3A = tpu.all_reduce %and3A_162 {dim = 0 : i64, kind = #tpu.reduction_kind<sum>} : vector<16xi1> -> vector<16xi32>
        %slice3A = vector.extract_strided_slice %all_reduce_population_count3A {offsets = [0], sizes = [1], strides = [1]} : vector<16xi32> to vector<1xi32>
        %squeeze3A = vector.extract %slice3A[0] : i32 from vector<1xi32>
        %convert_element_type3A_163 = arith.extui %and3A_162 : vector<16xi1> to vector<16xi32>
        %while3A_164 = arith.constant 0 : i32
        %while3A_165 = arith.subi %squeeze3A, %while3A_164 : i32
        %while3A_166 = arith.addi %while3A_164, %while3A_165 : i32
        %while3A_167 = arith.constant 1 : i32
        %while3A_168 = arith.divsi %while3A_165, %while3A_167 : i32
        %while3A_169 = arith.muli %while3A_168, %while3A_167 : i32
        %while3A_170 = arith.addi %while3A_164, %while3A_169 : i32
        %while3A_171 = arith.constant 1 : i32
        %while3A_172:2 = scf.for %while3A_175 = %while3A_164 to %while3A_170 step %while3A_171 iter_args(%while3A_176 = %convert_element_type3A_163, %while3A_177 = %while3A_138) -> (vector<16xi32>, i32)  : i32 {
          %ne3A_178 = arith.constant 0 : i32
          %ne3A_179 = vector.broadcast %ne3A_178 : i32 to vector<16xi32>
          %ne3A_180 = arith.cmpi ne, %while3A_176, %ne3A_179 : vector<16xi32>
          %all_reduce_ffs3A = tpu.all_reduce %ne3A_180 {dim = 0 : i64, kind = #tpu.reduction_kind<find_first_set>} : vector<16xi1> -> vector<16xi32>
          %broadcast_in_dim3A = vector.shape_cast %all_reduce_ffs3A : vector<16xi32> to vector<16x1xi32>
          %gather3A = vector.shape_cast %broadcast_in_dim3A : vector<16x1xi32> to vector<16xi32>
          %gather3A_181 = tpu.dynamic_gather %get3A_141[%gather3A] in [0] : vector<16xi32>, vector<16xi32> -> vector<16xi32>
          %slice3A_182 = vector.extract_strided_slice %gather3A_181 {offsets = [0], sizes = [1], strides = [1]} : vector<16xi32> to vector<1xi32>
          %squeeze3A_183 = vector.extract %slice3A_182[0] : i32 from vector<1xi32>
          %broadcast_in_dim3A_184 = vector.shape_cast %all_reduce_ffs3A : vector<16xi32> to vector<16x1xi32>
          %gather3A_185 = vector.shape_cast %broadcast_in_dim3A_184 : vector<16x1xi32> to vector<16xi32>
          %gather3A_186 = tpu.dynamic_gather %get3A_145[%gather3A_185] in [0] : vector<16xi32>, vector<16xi32> -> vector<16xi32>
          %slice3A_187 = vector.extract_strided_slice %gather3A_186 {offsets = [0], sizes = [1], strides = [1]} : vector<16xi32> to vector<1xi32>
          %squeeze3A_188 = vector.extract %slice3A_187[0] : i32 from vector<1xi32>
          %sub3A_189 = arith.subi %squeeze3A_183, %multiple_of3A_123 : i32
          %broadcast_in_dim3A_190 = vector.broadcast %sub3A_189 : i32 to vector<16xi32>
          %rem3A_191 = arith.constant 8 : i32
          %rem3A_192 = arith.remsi %while3A_177, %rem3A_191 : i32
          %ge3A_193 = arith.constant 8 : i32
          %ge3A_194 = arith.cmpi sge, %while3A_177, %ge3A_193 : i32
          %convert_element_type3A_195 = arith.extui %ge3A_194 : i1 to i32
          %cond3A_196 = arith.constant 0 : i32
          %cond3A_197 = arith.cmpi ne, %convert_element_type3A_195, %cond3A_196 : i32
          scf.if %cond3A_197 {
            %dma_wait3A_269 = arith.constant 0 : i32
            %dma_wait3A_270 = tpu.memref_slice %arg9[%dma_wait3A_269] : memref<512xf32, #tpu.memory_space<vmem>> -> memref<64xf32, #tpu.memory_space<vmem>>
            %dma_wait3A_271 = arith.constant 0 : i32
            %dma_wait3A_272 = tpu.memref_slice %arg4[%dma_wait3A_271] : memref<1048576xf32, #tpu.memory_space<hbm>> -> memref<64xf32, #tpu.memory_space<hbm>>
            %dma_wait3A_273 = arith.constant 0 : i32
            %dma_wait3A_274 = tpu.memref_slice %arg4[%dma_wait3A_273] : memref<1048576xf32, #tpu.memory_space<hbm>> -> memref<64xf32, #tpu.memory_space<hbm>>
            %dma_wait3A_275 = arith.constant 0 : i32
            %dma_wait3A_276 = tpu.memref_slice %arg9[%dma_wait3A_275] : memref<512xf32, #tpu.memory_space<vmem>> -> memref<64xf32, #tpu.memory_space<vmem>>
            tpu.wait_dma2 semaphore(%arg11 : memref<!tpu.dma_semaphore, #tpu.memory_space<semaphore_mem>>) src(%dma_wait3A_276 : memref<64xf32, #tpu.memory_space<vmem>>) dst(%dma_wait3A_274 : memref<64xf32, #tpu.memory_space<hbm>>)
          } else {
          }
          %add3A_198 = arith.constant 0 : i32
          %add3A_199 = vector.broadcast %add3A_198 : i32 to vector<16xi32>
          %add3A_200 = arith.addi %iota3A, %add3A_199 : vector<16xi32>
          %gather3A_201 = arith.constant 0 : i32
          %gather3A_202 = arith.constant 0 : i32
          %gather3A_203 = tpu.memref_slice %arg8[%rem3A_93, %gather3A_201, %gather3A_202] : memref<3x64x640xf32, #tpu.memory_space<vmem>> -> memref<1x64x640xf32, #tpu.memory_space<vmem>>
          %gather3A_204 = tpu.memref_squeeze %gather3A_203 : memref<1x64x640xf32, #tpu.memory_space<vmem>> -> memref<64x640xf32, #tpu.memory_space<vmem>>
          %gather3A_205 = tpu.vector_load_idx %gather3A_204[%add3A_200, %broadcast_in_dim3A_190] : memref<64x640xf32, #tpu.memory_space<vmem>>[vector<16xi32>, vector<16xi32>], vector<16xf32>,
          %mul3A_206 = arith.constant 64 : i32
          %mul3A_207 = arith.muli %rem3A_192, %mul3A_206 : i32
          %add3A_208 = arith.constant 0 : i32
          %add3A_209 = arith.addi %mul3A_207, %add3A_208 : i32
          %swap3A = arith.index_cast %add3A_209 : i32 to index
          %swap3A_210 = tpu.vector_load %arg9[%swap3A] {strides = array<i32>} : memref<512xf32, #tpu.memory_space<vmem>>, vector<16xf32>,
          tpu.vector_store %arg9[%swap3A], %gather3A_205 {strides = array<i32>} : memref<512xf32, #tpu.memory_space<vmem>>, vector<16xf32>,
          %add3A_211 = arith.constant 16 : i32
          %add3A_212 = vector.broadcast %add3A_211 : i32 to vector<16xi32>
          %add3A_213 = arith.addi %iota3A, %add3A_212 : vector<16xi32>
          %gather3A_214 = arith.constant 0 : i32
          %gather3A_215 = arith.constant 0 : i32
          %gather3A_216 = tpu.memref_slice %arg8[%rem3A_93, %gather3A_214, %gather3A_215] : memref<3x64x640xf32, #tpu.memory_space<vmem>> -> memref<1x64x640xf32, #tpu.memory_space<vmem>>
          %gather3A_217 = tpu.memref_squeeze %gather3A_216 : memref<1x64x640xf32, #tpu.memory_space<vmem>> -> memref<64x640xf32, #tpu.memory_space<vmem>>
          %gather3A_218 = tpu.vector_load_idx %gather3A_217[%add3A_213, %broadcast_in_dim3A_190] : memref<64x640xf32, #tpu.memory_space<vmem>>[vector<16xi32>, vector<16xi32>], vector<16xf32>,
          %mul3A_219 = arith.constant 64 : i32
          %mul3A_220 = arith.muli %rem3A_192, %mul3A_219 : i32
          %add3A_221 = arith.constant 16 : i32
          %add3A_222 = arith.addi %mul3A_220, %add3A_221 : i32
          %swap3A_223 = arith.index_cast %add3A_222 : i32 to index
          %swap3A_224 = tpu.vector_load %arg9[%swap3A_223] {strides = array<i32>} : memref<512xf32, #tpu.memory_space<vmem>>, vector<16xf32>,
          tpu.vector_store %arg9[%swap3A_223], %gather3A_218 {strides = array<i32>} : memref<512xf32, #tpu.memory_space<vmem>>, vector<16xf32>,
          %add3A_225 = arith.constant 32 : i32
          %add3A_226 = vector.broadcast %add3A_225 : i32 to vector<16xi32>
          %add3A_227 = arith.addi %iota3A, %add3A_226 : vector<16xi32>
          %gather3A_228 = arith.constant 0 : i32
          %gather3A_229 = arith.constant 0 : i32
          %gather3A_230 = tpu.memref_slice %arg8[%rem3A_93, %gather3A_228, %gather3A_229] : memref<3x64x640xf32, #tpu.memory_space<vmem>> -> memref<1x64x640xf32, #tpu.memory_space<vmem>>
          %gather3A_231 = tpu.memref_squeeze %gather3A_230 : memref<1x64x640xf32, #tpu.memory_space<vmem>> -> memref<64x640xf32, #tpu.memory_space<vmem>>
          %gather3A_232 = tpu.vector_load_idx %gather3A_231[%add3A_227, %broadcast_in_dim3A_190] : memref<64x640xf32, #tpu.memory_space<vmem>>[vector<16xi32>, vector<16xi32>], vector<16xf32>,
          %mul3A_233 = arith.constant 64 : i32
          %mul3A_234 = arith.muli %rem3A_192, %mul3A_233 : i32
          %add3A_235 = arith.constant 32 : i32
          %add3A_236 = arith.addi %mul3A_234, %add3A_235 : i32
          %swap3A_237 = arith.index_cast %add3A_236 : i32 to index
          %swap3A_238 = tpu.vector_load %arg9[%swap3A_237] {strides = array<i32>} : memref<512xf32, #tpu.memory_space<vmem>>, vector<16xf32>,
          tpu.vector_store %arg9[%swap3A_237], %gather3A_232 {strides = array<i32>} : memref<512xf32, #tpu.memory_space<vmem>>, vector<16xf32>,
          %add3A_239 = arith.constant 48 : i32
          %add3A_240 = vector.broadcast %add3A_239 : i32 to vector<16xi32>
          %add3A_241 = arith.addi %iota3A, %add3A_240 : vector<16xi32>
          %gather3A_242 = arith.constant 0 : i32
          %gather3A_243 = arith.constant 0 : i32
          %gather3A_244 = tpu.memref_slice %arg8[%rem3A_93, %gather3A_242, %gather3A_243] : memref<3x64x640xf32, #tpu.memory_space<vmem>> -> memref<1x64x640xf32, #tpu.memory_space<vmem>>
          %gather3A_245 = tpu.memref_squeeze %gather3A_244 : memref<1x64x640xf32, #tpu.memory_space<vmem>> -> memref<64x640xf32, #tpu.memory_space<vmem>>
          %gather3A_246 = tpu.vector_load_idx %gather3A_245[%add3A_241, %broadcast_in_dim3A_190] : memref<64x640xf32, #tpu.memory_space<vmem>>[vector<16xi32>, vector<16xi32>], vector<16xf32>,
          %mul3A_247 = arith.constant 64 : i32
          %mul3A_248 = arith.muli %rem3A_192, %mul3A_247 : i32
          %add3A_249 = arith.constant 48 : i32
          %add3A_250 = arith.addi %mul3A_248, %add3A_249 : i32
          %swap3A_251 = arith.index_cast %add3A_250 : i32 to index
          %swap3A_252 = tpu.vector_load %arg9[%swap3A_251] {strides = array<i32>} : memref<512xf32, #tpu.memory_space<vmem>>, vector<16xf32>,
          tpu.vector_store %arg9[%swap3A_251], %gather3A_246 {strides = array<i32>} : memref<512xf32, #tpu.memory_space<vmem>>, vector<16xf32>,
          %mul3A_253 = arith.constant 64 : i32
          %mul3A_254 = arith.muli %rem3A_192, %mul3A_253 : i32
          %mul3A_255 = arith.constant 64 : i32
          %mul3A_256 = arith.muli %squeeze3A_188, %mul3A_255 : i32
          %dma_start3A_257 = tpu.memref_slice %arg9[%mul3A_254] : memref<512xf32, #tpu.memory_space<vmem>> -> memref<64xf32, #tpu.memory_space<vmem>>
          %dma_start3A_258 = tpu.memref_slice %arg4[%mul3A_256] : memref<1048576xf32, #tpu.memory_space<hbm>> -> memref<64xf32, #tpu.memory_space<hbm>>
          %dma_start3A_259 = tpu.memref_slice %arg4[%mul3A_256] : memref<1048576xf32, #tpu.memory_space<hbm>> -> memref<64xf32, #tpu.memory_space<hbm>>
          %dma_start3A_260 = tpu.memref_slice %arg9[%mul3A_254] : memref<512xf32, #tpu.memory_space<vmem>> -> memref<64xf32, #tpu.memory_space<vmem>>
          tpu.enqueue_dma source(%dma_start3A_260 : memref<64xf32, #tpu.memory_space<vmem>>) target(%dma_start3A_259 : memref<64xf32, #tpu.memory_space<hbm>>) target_semaphore(%arg11 : memref<!tpu.dma_semaphore, #tpu.memory_space<semaphore_mem>>)
          %slice3A_261 = vector.extract_strided_slice %all_reduce_ffs3A {offsets = [0], sizes = [1], strides = [1]} : vector<16xi32> to vector<1xi32>
          %squeeze3A_262 = vector.extract %slice3A_261[0] : i32 from vector<1xi32>
          %ne3A_263 = vector.broadcast %squeeze3A_262 : i32 to vector<16xi32>
          %ne3A_264 = arith.cmpi ne, %iota3A, %ne3A_263 : vector<16xi32>
          %convert_element_type3A_265 = arith.extui %ne3A_264 : vector<16xi1> to vector<16xi32>
          %and3A_266 = arith.andi %while3A_176, %convert_element_type3A_265 : vector<16xi32>
          %add3A_267 = arith.constant 1 : i32
          %add3A_268 = arith.addi %while3A_177, %add3A_267 : i32
          scf.yield %and3A_266, %add3A_268 : vector<16xi32>, i32
        }
        %while3A_173 = arith.constant 1 : i32
        %while3A_174:2 = scf.for %while3A_175 = %while3A_170 to %while3A_166 step %while3A_173 iter_args(%while3A_176 = %while3A_172#0, %while3A_177 = %while3A_172#1) -> (vector<16xi32>, i32)  : i32 {
          %ne3A_178 = arith.constant 0 : i32
          %ne3A_179 = vector.broadcast %ne3A_178 : i32 to vector<16xi32>
          %ne3A_180 = arith.cmpi ne, %while3A_176, %ne3A_179 : vector<16xi32>
          %all_reduce_ffs3A = tpu.all_reduce %ne3A_180 {dim = 0 : i64, kind = #tpu.reduction_kind<find_first_set>} : vector<16xi1> -> vector<16xi32>
          %broadcast_in_dim3A = vector.shape_cast %all_reduce_ffs3A : vector<16xi32> to vector<16x1xi32>
          %gather3A = vector.shape_cast %broadcast_in_dim3A : vector<16x1xi32> to vector<16xi32>
          %gather3A_181 = tpu.dynamic_gather %get3A_141[%gather3A] in [0] : vector<16xi32>, vector<16xi32> -> vector<16xi32>
          %slice3A_182 = vector.extract_strided_slice %gather3A_181 {offsets = [0], sizes = [1], strides = [1]} : vector<16xi32> to vector<1xi32>
          %squeeze3A_183 = vector.extract %slice3A_182[0] : i32 from vector<1xi32>
          %broadcast_in_dim3A_184 = vector.shape_cast %all_reduce_ffs3A : vector<16xi32> to vector<16x1xi32>
          %gather3A_185 = vector.shape_cast %broadcast_in_dim3A_184 : vector<16x1xi32> to vector<16xi32>
          %gather3A_186 = tpu.dynamic_gather %get3A_145[%gather3A_185] in [0] : vector<16xi32>, vector<16xi32> -> vector<16xi32>
          %slice3A_187 = vector.extract_strided_slice %gather3A_186 {offsets = [0], sizes = [1], strides = [1]} : vector<16xi32> to vector<1xi32>
          %squeeze3A_188 = vector.extract %slice3A_187[0] : i32 from vector<1xi32>
          %sub3A_189 = arith.subi %squeeze3A_183, %multiple_of3A_123 : i32
          %broadcast_in_dim3A_190 = vector.broadcast %sub3A_189 : i32 to vector<16xi32>
          %rem3A_191 = arith.constant 8 : i32
          %rem3A_192 = arith.remsi %while3A_177, %rem3A_191 : i32
          %ge3A_193 = arith.constant 8 : i32
          %ge3A_194 = arith.cmpi sge, %while3A_177, %ge3A_193 : i32
          %convert_element_type3A_195 = arith.extui %ge3A_194 : i1 to i32
          %cond3A_196 = arith.constant 0 : i32
          %cond3A_197 = arith.cmpi ne, %convert_element_type3A_195, %cond3A_196 : i32
          scf.if %cond3A_197 {
            %dma_wait3A_269 = arith.constant 0 : i32
            %dma_wait3A_270 = tpu.memref_slice %arg9[%dma_wait3A_269] : memref<512xf32, #tpu.memory_space<vmem>> -> memref<64xf32, #tpu.memory_space<vmem>>
            %dma_wait3A_271 = arith.constant 0 : i32
            %dma_wait3A_272 = tpu.memref_slice %arg4[%dma_wait3A_271] : memref<1048576xf32, #tpu.memory_space<hbm>> -> memref<64xf32, #tpu.memory_space<hbm>>
            %dma_wait3A_273 = arith.constant 0 : i32
            %dma_wait3A_274 = tpu.memref_slice %arg4[%dma_wait3A_273] : memref<1048576xf32, #tpu.memory_space<hbm>> -> memref<64xf32, #tpu.memory_space<hbm>>
            %dma_wait3A_275 = arith.constant 0 : i32
            %dma_wait3A_276 = tpu.memref_slice %arg9[%dma_wait3A_275] : memref<512xf32, #tpu.memory_space<vmem>> -> memref<64xf32, #tpu.memory_space<vmem>>
            tpu.wait_dma2 semaphore(%arg11 : memref<!tpu.dma_semaphore, #tpu.memory_space<semaphore_mem>>) src(%dma_wait3A_276 : memref<64xf32, #tpu.memory_space<vmem>>) dst(%dma_wait3A_274 : memref<64xf32, #tpu.memory_space<hbm>>)
          } else {
          }
          %add3A_198 = arith.constant 0 : i32
          %add3A_199 = vector.broadcast %add3A_198 : i32 to vector<16xi32>
          %add3A_200 = arith.addi %iota3A, %add3A_199 : vector<16xi32>
          %gather3A_201 = arith.constant 0 : i32
          %gather3A_202 = arith.constant 0 : i32
          %gather3A_203 = tpu.memref_slice %arg8[%rem3A_93, %gather3A_201, %gather3A_202] : memref<3x64x640xf32, #tpu.memory_space<vmem>> -> memref<1x64x640xf32, #tpu.memory_space<vmem>>
          %gather3A_204 = tpu.memref_squeeze %gather3A_203 : memref<1x64x640xf32, #tpu.memory_space<vmem>> -> memref<64x640xf32, #tpu.memory_space<vmem>>
          %gather3A_205 = tpu.vector_load_idx %gather3A_204[%add3A_200, %broadcast_in_dim3A_190] : memref<64x640xf32, #tpu.memory_space<vmem>>[vector<16xi32>, vector<16xi32>], vector<16xf32>,
          %mul3A_206 = arith.constant 64 : i32
          %mul3A_207 = arith.muli %rem3A_192, %mul3A_206 : i32
          %add3A_208 = arith.constant 0 : i32
          %add3A_209 = arith.addi %mul3A_207, %add3A_208 : i32
          %swap3A = arith.index_cast %add3A_209 : i32 to index
          %swap3A_210 = tpu.vector_load %arg9[%swap3A] {strides = array<i32>} : memref<512xf32, #tpu.memory_space<vmem>>, vector<16xf32>,
          tpu.vector_store %arg9[%swap3A], %gather3A_205 {strides = array<i32>} : memref<512xf32, #tpu.memory_space<vmem>>, vector<16xf32>,
          %add3A_211 = arith.constant 16 : i32
          %add3A_212 = vector.broadcast %add3A_211 : i32 to vector<16xi32>
          %add3A_213 = arith.addi %iota3A, %add3A_212 : vector<16xi32>
          %gather3A_214 = arith.constant 0 : i32
          %gather3A_215 = arith.constant 0 : i32
          %gather3A_216 = tpu.memref_slice %arg8[%rem3A_93, %gather3A_214, %gather3A_215] : memref<3x64x640xf32, #tpu.memory_space<vmem>> -> memref<1x64x640xf32, #tpu.memory_space<vmem>>
          %gather3A_217 = tpu.memref_squeeze %gather3A_216 : memref<1x64x640xf32, #tpu.memory_space<vmem>> -> memref<64x640xf32, #tpu.memory_space<vmem>>
          %gather3A_218 = tpu.vector_load_idx %gather3A_217[%add3A_213, %broadcast_in_dim3A_190] : memref<64x640xf32, #tpu.memory_space<vmem>>[vector<16xi32>, vector<16xi32>], vector<16xf32>,
          %mul3A_219 = arith.constant 64 : i32
          %mul3A_220 = arith.muli %rem3A_192, %mul3A_219 : i32
          %add3A_221 = arith.constant 16 : i32
          %add3A_222 = arith.addi %mul3A_220, %add3A_221 : i32
          %swap3A_223 = arith.index_cast %add3A_222 : i32 to index
          %swap3A_224 = tpu.vector_load %arg9[%swap3A_223] {strides = array<i32>} : memref<512xf32, #tpu.memory_space<vmem>>, vector<16xf32>,
          tpu.vector_store %arg9[%swap3A_223], %gather3A_218 {strides = array<i32>} : memref<512xf32, #tpu.memory_space<vmem>>, vector<16xf32>,
          %add3A_225 = arith.constant 32 : i32
          %add3A_226 = vector.broadcast %add3A_225 : i32 to vector<16xi32>
          %add3A_227 = arith.addi %iota3A, %add3A_226 : vector<16xi32>
          %gather3A_228 = arith.constant 0 : i32
          %gather3A_229 = arith.constant 0 : i32
          %gather3A_230 = tpu.memref_slice %arg8[%rem3A_93, %gather3A_228, %gather3A_229] : memref<3x64x640xf32, #tpu.memory_space<vmem>> -> memref<1x64x640xf32, #tpu.memory_space<vmem>>
          %gather3A_231 = tpu.memref_squeeze %gather3A_230 : memref<1x64x640xf32, #tpu.memory_space<vmem>> -> memref<64x640xf32, #tpu.memory_space<vmem>>
          %gather3A_232 = tpu.vector_load_idx %gather3A_231[%add3A_227, %broadcast_in_dim3A_190] : memref<64x640xf32, #tpu.memory_space<vmem>>[vector<16xi32>, vector<16xi32>], vector<16xf32>,
          %mul3A_233 = arith.constant 64 : i32
          %mul3A_234 = arith.muli %rem3A_192, %mul3A_233 : i32
          %add3A_235 = arith.constant 32 : i32
          %add3A_236 = arith.addi %mul3A_234, %add3A_235 : i32
          %swap3A_237 = arith.index_cast %add3A_236 : i32 to index
          %swap3A_238 = tpu.vector_load %arg9[%swap3A_237] {strides = array<i32>} : memref<512xf32, #tpu.memory_space<vmem>>, vector<16xf32>,
          tpu.vector_store %arg9[%swap3A_237], %gather3A_232 {strides = array<i32>} : memref<512xf32, #tpu.memory_space<vmem>>, vector<16xf32>,
          %add3A_239 = arith.constant 48 : i32
          %add3A_240 = vector.broadcast %add3A_239 : i32 to vector<16xi32>
          %add3A_241 = arith.addi %iota3A, %add3A_240 : vector<16xi32>
          %gather3A_242 = arith.constant 0 : i32
          %gather3A_243 = arith.constant 0 : i32
          %gather3A_244 = tpu.memref_slice %arg8[%rem3A_93, %gather3A_242, %gather3A_243] : memref<3x64x640xf32, #tpu.memory_space<vmem>> -> memref<1x64x640xf32, #tpu.memory_space<vmem>>
          %gather3A_245 = tpu.memref_squeeze %gather3A_244 : memref<1x64x640xf32, #tpu.memory_space<vmem>> -> memref<64x640xf32, #tpu.memory_space<vmem>>
          %gather3A_246 = tpu.vector_load_idx %gather3A_245[%add3A_241, %broadcast_in_dim3A_190] : memref<64x640xf32, #tpu.memory_space<vmem>>[vector<16xi32>, vector<16xi32>], vector<16xf32>,
          %mul3A_247 = arith.constant 64 : i32
          %mul3A_248 = arith.muli %rem3A_192, %mul3A_247 : i32
          %add3A_249 = arith.constant 48 : i32
          %add3A_250 = arith.addi %mul3A_248, %add3A_249 : i32
          %swap3A_251 = arith.index_cast %add3A_250 : i32 to index
          %swap3A_252 = tpu.vector_load %arg9[%swap3A_251] {strides = array<i32>} : memref<512xf32, #tpu.memory_space<vmem>>, vector<16xf32>,
          tpu.vector_store %arg9[%swap3A_251], %gather3A_246 {strides = array<i32>} : memref<512xf32, #tpu.memory_space<vmem>>, vector<16xf32>,
          %mul3A_253 = arith.constant 64 : i32
          %mul3A_254 = arith.muli %rem3A_192, %mul3A_253 : i32
          %mul3A_255 = arith.constant 64 : i32
          %mul3A_256 = arith.muli %squeeze3A_188, %mul3A_255 : i32
          %dma_start3A_257 = tpu.memref_slice %arg9[%mul3A_254] : memref<512xf32, #tpu.memory_space<vmem>> -> memref<64xf32, #tpu.memory_space<vmem>>
          %dma_start3A_258 = tpu.memref_slice %arg4[%mul3A_256] : memref<1048576xf32, #tpu.memory_space<hbm>> -> memref<64xf32, #tpu.memory_space<hbm>>
          %dma_start3A_259 = tpu.memref_slice %arg4[%mul3A_256] : memref<1048576xf32, #tpu.memory_space<hbm>> -> memref<64xf32, #tpu.memory_space<hbm>>
          %dma_start3A_260 = tpu.memref_slice %arg9[%mul3A_254] : memref<512xf32, #tpu.memory_space<vmem>> -> memref<64xf32, #tpu.memory_space<vmem>>
          tpu.enqueue_dma source(%dma_start3A_260 : memref<64xf32, #tpu.memory_space<vmem>>) target(%dma_start3A_259 : memref<64xf32, #tpu.memory_space<hbm>>) target_semaphore(%arg11 : memref<!tpu.dma_semaphore, #tpu.memory_space<semaphore_mem>>)
          %slice3A_261 = vector.extract_strided_slice %all_reduce_ffs3A {offsets = [0], sizes = [1], strides = [1]} : vector<16xi32> to vector<1xi32>
          %squeeze3A_262 = vector.extract %slice3A_261[0] : i32 from vector<1xi32>
          %ne3A_263 = vector.broadcast %squeeze3A_262 : i32 to vector<16xi32>
          %ne3A_264 = arith.cmpi ne, %iota3A, %ne3A_263 : vector<16xi32>
          %convert_element_type3A_265 = arith.extui %ne3A_264 : vector<16xi1> to vector<16xi32>
          %and3A_266 = arith.andi %while3A_176, %convert_element_type3A_265 : vector<16xi32>
          %add3A_267 = arith.constant 1 : i32
          %add3A_268 = arith.addi %while3A_177, %add3A_267 : i32
          scf.yield %and3A_266, %add3A_268 : vector<16xi32>, i32
        }
        scf.yield %while3A_174#1 : i32
      }
      %while3A_135 = arith.constant 1 : i32
      %while3A_136 = scf.for %while3A_137 = %while3A_132 to %while3A_128 step %while3A_135 iter_args(%while3A_138 = %while3A_134) -> (i32)  : i32 {
        %mul3A_139 = arith.constant 16 : i32
        %mul3A_140 = arith.muli %while3A_137, %mul3A_139 : i32
        %get3A = arith.index_cast %mul3A_140 : i32 to index
        %get3A_141 = tpu.vector_load %arg7[%get3A] {strides = array<i32>} : memref<2064xi32, #tpu.memory_space<vmem>>, vector<16xi32>,
        %mul3A_142 = arith.constant 16 : i32
        %mul3A_143 = arith.muli %while3A_137, %mul3A_142 : i32
        %get3A_144 = arith.index_cast %mul3A_143 : i32 to index
        %get3A_145 = tpu.vector_load %arg6[%get3A_144] {strides = array<i32>} : memref<2064xi32, #tpu.memory_space<vmem>>, vector<16xi32>,
        %mul3A_146 = arith.constant 16 : i32
        %mul3A_147 = arith.muli %while3A_137, %mul3A_146 : i32
        %add3A_148 = vector.broadcast %mul3A_147 : i32 to vector<16xi32>
        %add3A_149 = arith.addi %iota3A, %add3A_148 : vector<16xi32>
        %lt3A_150 = vector.broadcast %scan3A_55 : i32 to vector<16xi32>
        %lt3A_151 = arith.cmpi slt, %add3A_149, %lt3A_150 : vector<16xi32>
        %shift_right_arithmetic3A_152 = arith.constant 7 : i32
        %shift_right_arithmetic3A_153 = vector.broadcast %shift_right_arithmetic3A_152 : i32 to vector<16xi32>
        %shift_right_arithmetic3A_154 = arith.shrsi %get3A_141, %shift_right_arithmetic3A_153 : vector<16xi32>
        %ge3A = vector.broadcast %shift_right_arithmetic3A_124 : i32 to vector<16xi32>
        %ge3A_155 = arith.cmpi sge, %shift_right_arithmetic3A_154, %ge3A : vector<16xi32>
        %shift_right_arithmetic3A_156 = arith.constant 7 : i32
        %shift_right_arithmetic3A_157 = vector.broadcast %shift_right_arithmetic3A_156 : i32 to vector<16xi32>
        %shift_right_arithmetic3A_158 = arith.shrsi %get3A_141, %shift_right_arithmetic3A_157 : vector<16xi32>
        %lt3A_159 = vector.broadcast %add3A_126 : i32 to vector<16xi32>
        %lt3A_160 = arith.cmpi slt, %shift_right_arithmetic3A_158, %lt3A_159 : vector<16xi32>
        %and3A_161 = arith.andi %ge3A_155, %lt3A_160 : vector<16xi1>
        %and3A_162 = arith.andi %and3A_161, %lt3A_151 : vector<16xi1>
        %all_reduce_population_count3A = tpu.all_reduce %and3A_162 {dim = 0 : i64, kind = #tpu.reduction_kind<sum>} : vector<16xi1> -> vector<16xi32>
        %slice3A = vector.extract_strided_slice %all_reduce_population_count3A {offsets = [0], sizes = [1], strides = [1]} : vector<16xi32> to vector<1xi32>
        %squeeze3A = vector.extract %slice3A[0] : i32 from vector<1xi32>
        %convert_element_type3A_163 = arith.extui %and3A_162 : vector<16xi1> to vector<16xi32>
        %while3A_164 = arith.constant 0 : i32
        %while3A_165 = arith.subi %squeeze3A, %while3A_164 : i32
        %while3A_166 = arith.addi %while3A_164, %while3A_165 : i32
        %while3A_167 = arith.constant 1 : i32
        %while3A_168 = arith.divsi %while3A_165, %while3A_167 : i32
        %while3A_169 = arith.muli %while3A_168, %while3A_167 : i32
        %while3A_170 = arith.addi %while3A_164, %while3A_169 : i32
        %while3A_171 = arith.constant 1 : i32
        %while3A_172:2 = scf.for %while3A_175 = %while3A_164 to %while3A_170 step %while3A_171 iter_args(%while3A_176 = %convert_element_type3A_163, %while3A_177 = %while3A_138) -> (vector<16xi32>, i32)  : i32 {
          %ne3A_178 = arith.constant 0 : i32
          %ne3A_179 = vector.broadcast %ne3A_178 : i32 to vector<16xi32>
          %ne3A_180 = arith.cmpi ne, %while3A_176, %ne3A_179 : vector<16xi32>
          %all_reduce_ffs3A = tpu.all_reduce %ne3A_180 {dim = 0 : i64, kind = #tpu.reduction_kind<find_first_set>} : vector<16xi1> -> vector<16xi32>
          %broadcast_in_dim3A = vector.shape_cast %all_reduce_ffs3A : vector<16xi32> to vector<16x1xi32>
          %gather3A = vector.shape_cast %broadcast_in_dim3A : vector<16x1xi32> to vector<16xi32>
          %gather3A_181 = tpu.dynamic_gather %get3A_141[%gather3A] in [0] : vector<16xi32>, vector<16xi32> -> vector<16xi32>
          %slice3A_182 = vector.extract_strided_slice %gather3A_181 {offsets = [0], sizes = [1], strides = [1]} : vector<16xi32> to vector<1xi32>
          %squeeze3A_183 = vector.extract %slice3A_182[0] : i32 from vector<1xi32>
          %broadcast_in_dim3A_184 = vector.shape_cast %all_reduce_ffs3A : vector<16xi32> to vector<16x1xi32>
          %gather3A_185 = vector.shape_cast %broadcast_in_dim3A_184 : vector<16x1xi32> to vector<16xi32>
          %gather3A_186 = tpu.dynamic_gather %get3A_145[%gather3A_185] in [0] : vector<16xi32>, vector<16xi32> -> vector<16xi32>
          %slice3A_187 = vector.extract_strided_slice %gather3A_186 {offsets = [0], sizes = [1], strides = [1]} : vector<16xi32> to vector<1xi32>
          %squeeze3A_188 = vector.extract %slice3A_187[0] : i32 from vector<1xi32>
          %sub3A_189 = arith.subi %squeeze3A_183, %multiple_of3A_123 : i32
          %broadcast_in_dim3A_190 = vector.broadcast %sub3A_189 : i32 to vector<16xi32>
          %rem3A_191 = arith.constant 8 : i32
          %rem3A_192 = arith.remsi %while3A_177, %rem3A_191 : i32
          %ge3A_193 = arith.constant 8 : i32
          %ge3A_194 = arith.cmpi sge, %while3A_177, %ge3A_193 : i32
          %convert_element_type3A_195 = arith.extui %ge3A_194 : i1 to i32
          %cond3A_196 = arith.constant 0 : i32
          %cond3A_197 = arith.cmpi ne, %convert_element_type3A_195, %cond3A_196 : i32
          scf.if %cond3A_197 {
            %dma_wait3A_269 = arith.constant 0 : i32
            %dma_wait3A_270 = tpu.memref_slice %arg9[%dma_wait3A_269] : memref<512xf32, #tpu.memory_space<vmem>> -> memref<64xf32, #tpu.memory_space<vmem>>
            %dma_wait3A_271 = arith.constant 0 : i32
            %dma_wait3A_272 = tpu.memref_slice %arg4[%dma_wait3A_271] : memref<1048576xf32, #tpu.memory_space<hbm>> -> memref<64xf32, #tpu.memory_space<hbm>>
            %dma_wait3A_273 = arith.constant 0 : i32
            %dma_wait3A_274 = tpu.memref_slice %arg4[%dma_wait3A_273] : memref<1048576xf32, #tpu.memory_space<hbm>> -> memref<64xf32, #tpu.memory_space<hbm>>
            %dma_wait3A_275 = arith.constant 0 : i32
            %dma_wait3A_276 = tpu.memref_slice %arg9[%dma_wait3A_275] : memref<512xf32, #tpu.memory_space<vmem>> -> memref<64xf32, #tpu.memory_space<vmem>>
            tpu.wait_dma2 semaphore(%arg11 : memref<!tpu.dma_semaphore, #tpu.memory_space<semaphore_mem>>) src(%dma_wait3A_276 : memref<64xf32, #tpu.memory_space<vmem>>) dst(%dma_wait3A_274 : memref<64xf32, #tpu.memory_space<hbm>>)
          } else {
          }
          %add3A_198 = arith.constant 0 : i32
          %add3A_199 = vector.broadcast %add3A_198 : i32 to vector<16xi32>
          %add3A_200 = arith.addi %iota3A, %add3A_199 : vector<16xi32>
          %gather3A_201 = arith.constant 0 : i32
          %gather3A_202 = arith.constant 0 : i32
          %gather3A_203 = tpu.memref_slice %arg8[%rem3A_93, %gather3A_201, %gather3A_202] : memref<3x64x640xf32, #tpu.memory_space<vmem>> -> memref<1x64x640xf32, #tpu.memory_space<vmem>>
          %gather3A_204 = tpu.memref_squeeze %gather3A_203 : memref<1x64x640xf32, #tpu.memory_space<vmem>> -> memref<64x640xf32, #tpu.memory_space<vmem>>
          %gather3A_205 = tpu.vector_load_idx %gather3A_204[%add3A_200, %broadcast_in_dim3A_190] : memref<64x640xf32, #tpu.memory_space<vmem>>[vector<16xi32>, vector<16xi32>], vector<16xf32>,
          %mul3A_206 = arith.constant 64 : i32
          %mul3A_207 = arith.muli %rem3A_192, %mul3A_206 : i32
          %add3A_208 = arith.constant 0 : i32
          %add3A_209 = arith.addi %mul3A_207, %add3A_208 : i32
          %swap3A = arith.index_cast %add3A_209 : i32 to index
          %swap3A_210 = tpu.vector_load %arg9[%swap3A] {strides = array<i32>} : memref<512xf32, #tpu.memory_space<vmem>>, vector<16xf32>,
          tpu.vector_store %arg9[%swap3A], %gather3A_205 {strides = array<i32>} : memref<512xf32, #tpu.memory_space<vmem>>, vector<16xf32>,
          %add3A_211 = arith.constant 16 : i32
          %add3A_212 = vector.broadcast %add3A_211 : i32 to vector<16xi32>
          %add3A_213 = arith.addi %iota3A, %add3A_212 : vector<16xi32>
          %gather3A_214 = arith.constant 0 : i32
          %gather3A_215 = arith.constant 0 : i32
          %gather3A_216 = tpu.memref_slice %arg8[%rem3A_93, %gather3A_214, %gather3A_215] : memref<3x64x640xf32, #tpu.memory_space<vmem>> -> memref<1x64x640xf32, #tpu.memory_space<vmem>>
          %gather3A_217 = tpu.memref_squeeze %gather3A_216 : memref<1x64x640xf32, #tpu.memory_space<vmem>> -> memref<64x640xf32, #tpu.memory_space<vmem>>
          %gather3A_218 = tpu.vector_load_idx %gather3A_217[%add3A_213, %broadcast_in_dim3A_190] : memref<64x640xf32, #tpu.memory_space<vmem>>[vector<16xi32>, vector<16xi32>], vector<16xf32>,
          %mul3A_219 = arith.constant 64 : i32
          %mul3A_220 = arith.muli %rem3A_192, %mul3A_219 : i32
          %add3A_221 = arith.constant 16 : i32
          %add3A_222 = arith.addi %mul3A_220, %add3A_221 : i32
          %swap3A_223 = arith.index_cast %add3A_222 : i32 to index
          %swap3A_224 = tpu.vector_load %arg9[%swap3A_223] {strides = array<i32>} : memref<512xf32, #tpu.memory_space<vmem>>, vector<16xf32>,
          tpu.vector_store %arg9[%swap3A_223], %gather3A_218 {strides = array<i32>} : memref<512xf32, #tpu.memory_space<vmem>>, vector<16xf32>,
          %add3A_225 = arith.constant 32 : i32
          %add3A_226 = vector.broadcast %add3A_225 : i32 to vector<16xi32>
          %add3A_227 = arith.addi %iota3A, %add3A_226 : vector<16xi32>
          %gather3A_228 = arith.constant 0 : i32
          %gather3A_229 = arith.constant 0 : i32
          %gather3A_230 = tpu.memref_slice %arg8[%rem3A_93, %gather3A_228, %gather3A_229] : memref<3x64x640xf32, #tpu.memory_space<vmem>> -> memref<1x64x640xf32, #tpu.memory_space<vmem>>
          %gather3A_231 = tpu.memref_squeeze %gather3A_230 : memref<1x64x640xf32, #tpu.memory_space<vmem>> -> memref<64x640xf32, #tpu.memory_space<vmem>>
          %gather3A_232 = tpu.vector_load_idx %gather3A_231[%add3A_227, %broadcast_in_dim3A_190] : memref<64x640xf32, #tpu.memory_space<vmem>>[vector<16xi32>, vector<16xi32>], vector<16xf32>,
          %mul3A_233 = arith.constant 64 : i32
          %mul3A_234 = arith.muli %rem3A_192, %mul3A_233 : i32
          %add3A_235 = arith.constant 32 : i32
          %add3A_236 = arith.addi %mul3A_234, %add3A_235 : i32
          %swap3A_237 = arith.index_cast %add3A_236 : i32 to index
          %swap3A_238 = tpu.vector_load %arg9[%swap3A_237] {strides = array<i32>} : memref<512xf32, #tpu.memory_space<vmem>>, vector<16xf32>,
          tpu.vector_store %arg9[%swap3A_237], %gather3A_232 {strides = array<i32>} : memref<512xf32, #tpu.memory_space<vmem>>, vector<16xf32>,
          %add3A_239 = arith.constant 48 : i32
          %add3A_240 = vector.broadcast %add3A_239 : i32 to vector<16xi32>
          %add3A_241 = arith.addi %iota3A, %add3A_240 : vector<16xi32>
          %gather3A_242 = arith.constant 0 : i32
          %gather3A_243 = arith.constant 0 : i32
          %gather3A_244 = tpu.memref_slice %arg8[%rem3A_93, %gather3A_242, %gather3A_243] : memref<3x64x640xf32, #tpu.memory_space<vmem>> -> memref<1x64x640xf32, #tpu.memory_space<vmem>>
          %gather3A_245 = tpu.memref_squeeze %gather3A_244 : memref<1x64x640xf32, #tpu.memory_space<vmem>> -> memref<64x640xf32, #tpu.memory_space<vmem>>
          %gather3A_246 = tpu.vector_load_idx %gather3A_245[%add3A_241, %broadcast_in_dim3A_190] : memref<64x640xf32, #tpu.memory_space<vmem>>[vector<16xi32>, vector<16xi32>], vector<16xf32>,
          %mul3A_247 = arith.constant 64 : i32
          %mul3A_248 = arith.muli %rem3A_192, %mul3A_247 : i32
          %add3A_249 = arith.constant 48 : i32
          %add3A_250 = arith.addi %mul3A_248, %add3A_249 : i32
          %swap3A_251 = arith.index_cast %add3A_250 : i32 to index
          %swap3A_252 = tpu.vector_load %arg9[%swap3A_251] {strides = array<i32>} : memref<512xf32, #tpu.memory_space<vmem>>, vector<16xf32>,
          tpu.vector_store %arg9[%swap3A_251], %gather3A_246 {strides = array<i32>} : memref<512xf32, #tpu.memory_space<vmem>>, vector<16xf32>,
          %mul3A_253 = arith.constant 64 : i32
          %mul3A_254 = arith.muli %rem3A_192, %mul3A_253 : i32
          %mul3A_255 = arith.constant 64 : i32
          %mul3A_256 = arith.muli %squeeze3A_188, %mul3A_255 : i32
          %dma_start3A_257 = tpu.memref_slice %arg9[%mul3A_254] : memref<512xf32, #tpu.memory_space<vmem>> -> memref<64xf32, #tpu.memory_space<vmem>>
          %dma_start3A_258 = tpu.memref_slice %arg4[%mul3A_256] : memref<1048576xf32, #tpu.memory_space<hbm>> -> memref<64xf32, #tpu.memory_space<hbm>>
          %dma_start3A_259 = tpu.memref_slice %arg4[%mul3A_256] : memref<1048576xf32, #tpu.memory_space<hbm>> -> memref<64xf32, #tpu.memory_space<hbm>>
          %dma_start3A_260 = tpu.memref_slice %arg9[%mul3A_254] : memref<512xf32, #tpu.memory_space<vmem>> -> memref<64xf32, #tpu.memory_space<vmem>>
          tpu.enqueue_dma source(%dma_start3A_260 : memref<64xf32, #tpu.memory_space<vmem>>) target(%dma_start3A_259 : memref<64xf32, #tpu.memory_space<hbm>>) target_semaphore(%arg11 : memref<!tpu.dma_semaphore, #tpu.memory_space<semaphore_mem>>)
          %slice3A_261 = vector.extract_strided_slice %all_reduce_ffs3A {offsets = [0], sizes = [1], strides = [1]} : vector<16xi32> to vector<1xi32>
          %squeeze3A_262 = vector.extract %slice3A_261[0] : i32 from vector<1xi32>
          %ne3A_263 = vector.broadcast %squeeze3A_262 : i32 to vector<16xi32>
          %ne3A_264 = arith.cmpi ne, %iota3A, %ne3A_263 : vector<16xi32>
          %convert_element_type3A_265 = arith.extui %ne3A_264 : vector<16xi1> to vector<16xi32>
          %and3A_266 = arith.andi %while3A_176, %convert_element_type3A_265 : vector<16xi32>
          %add3A_267 = arith.constant 1 : i32
          %add3A_268 = arith.addi %while3A_177, %add3A_267 : i32
          scf.yield %and3A_266, %add3A_268 : vector<16xi32>, i32
        }
        %while3A_173 = arith.constant 1 : i32
        %while3A_174:2 = scf.for %while3A_175 = %while3A_170 to %while3A_166 step %while3A_173 iter_args(%while3A_176 = %while3A_172#0, %while3A_177 = %while3A_172#1) -> (vector<16xi32>, i32)  : i32 {
          %ne3A_178 = arith.constant 0 : i32
          %ne3A_179 = vector.broadcast %ne3A_178 : i32 to vector<16xi32>
          %ne3A_180 = arith.cmpi ne, %while3A_176, %ne3A_179 : vector<16xi32>
          %all_reduce_ffs3A = tpu.all_reduce %ne3A_180 {dim = 0 : i64, kind = #tpu.reduction_kind<find_first_set>} : vector<16xi1> -> vector<16xi32>
          %broadcast_in_dim3A = vector.shape_cast %all_reduce_ffs3A : vector<16xi32> to vector<16x1xi32>
          %gather3A = vector.shape_cast %broadcast_in_dim3A : vector<16x1xi32> to vector<16xi32>
          %gather3A_181 = tpu.dynamic_gather %get3A_141[%gather3A] in [0] : vector<16xi32>, vector<16xi32> -> vector<16xi32>
          %slice3A_182 = vector.extract_strided_slice %gather3A_181 {offsets = [0], sizes = [1], strides = [1]} : vector<16xi32> to vector<1xi32>
          %squeeze3A_183 = vector.extract %slice3A_182[0] : i32 from vector<1xi32>
          %broadcast_in_dim3A_184 = vector.shape_cast %all_reduce_ffs3A : vector<16xi32> to vector<16x1xi32>
          %gather3A_185 = vector.shape_cast %broadcast_in_dim3A_184 : vector<16x1xi32> to vector<16xi32>
          %gather3A_186 = tpu.dynamic_gather %get3A_145[%gather3A_185] in [0] : vector<16xi32>, vector<16xi32> -> vector<16xi32>
          %slice3A_187 = vector.extract_strided_slice %gather3A_186 {offsets = [0], sizes = [1], strides = [1]} : vector<16xi32> to vector<1xi32>
          %squeeze3A_188 = vector.extract %slice3A_187[0] : i32 from vector<1xi32>
          %sub3A_189 = arith.subi %squeeze3A_183, %multiple_of3A_123 : i32
          %broadcast_in_dim3A_190 = vector.broadcast %sub3A_189 : i32 to vector<16xi32>
          %rem3A_191 = arith.constant 8 : i32
          %rem3A_192 = arith.remsi %while3A_177, %rem3A_191 : i32
          %ge3A_193 = arith.constant 8 : i32
          %ge3A_194 = arith.cmpi sge, %while3A_177, %ge3A_193 : i32
          %convert_element_type3A_195 = arith.extui %ge3A_194 : i1 to i32
          %cond3A_196 = arith.constant 0 : i32
          %cond3A_197 = arith.cmpi ne, %convert_element_type3A_195, %cond3A_196 : i32
          scf.if %cond3A_197 {
            %dma_wait3A_269 = arith.constant 0 : i32
            %dma_wait3A_270 = tpu.memref_slice %arg9[%dma_wait3A_269] : memref<512xf32, #tpu.memory_space<vmem>> -> memref<64xf32, #tpu.memory_space<vmem>>
            %dma_wait3A_271 = arith.constant 0 : i32
            %dma_wait3A_272 = tpu.memref_slice %arg4[%dma_wait3A_271] : memref<1048576xf32, #tpu.memory_space<hbm>> -> memref<64xf32, #tpu.memory_space<hbm>>
            %dma_wait3A_273 = arith.constant 0 : i32
            %dma_wait3A_274 = tpu.memref_slice %arg4[%dma_wait3A_273] : memref<1048576xf32, #tpu.memory_space<hbm>> -> memref<64xf32, #tpu.memory_space<hbm>>
            %dma_wait3A_275 = arith.constant 0 : i32
            %dma_wait3A_276 = tpu.memref_slice %arg9[%dma_wait3A_275] : memref<512xf32, #tpu.memory_space<vmem>> -> memref<64xf32, #tpu.memory_space<vmem>>
            tpu.wait_dma2 semaphore(%arg11 : memref<!tpu.dma_semaphore, #tpu.memory_space<semaphore_mem>>) src(%dma_wait3A_276 : memref<64xf32, #tpu.memory_space<vmem>>) dst(%dma_wait3A_274 : memref<64xf32, #tpu.memory_space<hbm>>)
          } else {
          }
          %add3A_198 = arith.constant 0 : i32
          %add3A_199 = vector.broadcast %add3A_198 : i32 to vector<16xi32>
          %add3A_200 = arith.addi %iota3A, %add3A_199 : vector<16xi32>
          %gather3A_201 = arith.constant 0 : i32
          %gather3A_202 = arith.constant 0 : i32
          %gather3A_203 = tpu.memref_slice %arg8[%rem3A_93, %gather3A_201, %gather3A_202] : memref<3x64x640xf32, #tpu.memory_space<vmem>> -> memref<1x64x640xf32, #tpu.memory_space<vmem>>
          %gather3A_204 = tpu.memref_squeeze %gather3A_203 : memref<1x64x640xf32, #tpu.memory_space<vmem>> -> memref<64x640xf32, #tpu.memory_space<vmem>>
          %gather3A_205 = tpu.vector_load_idx %gather3A_204[%add3A_200, %broadcast_in_dim3A_190] : memref<64x640xf32, #tpu.memory_space<vmem>>[vector<16xi32>, vector<16xi32>], vector<16xf32>,
          %mul3A_206 = arith.constant 64 : i32
          %mul3A_207 = arith.muli %rem3A_192, %mul3A_206 : i32
          %add3A_208 = arith.constant 0 : i32
          %add3A_209 = arith.addi %mul3A_207, %add3A_208 : i32
          %swap3A = arith.index_cast %add3A_209 : i32 to index
          %swap3A_210 = tpu.vector_load %arg9[%swap3A] {strides = array<i32>} : memref<512xf32, #tpu.memory_space<vmem>>, vector<16xf32>,
          tpu.vector_store %arg9[%swap3A], %gather3A_205 {strides = array<i32>} : memref<512xf32, #tpu.memory_space<vmem>>, vector<16xf32>,
          %add3A_211 = arith.constant 16 : i32
          %add3A_212 = vector.broadcast %add3A_211 : i32 to vector<16xi32>
          %add3A_213 = arith.addi %iota3A, %add3A_212 : vector<16xi32>
          %gather3A_214 = arith.constant 0 : i32
          %gather3A_215 = arith.constant 0 : i32
          %gather3A_216 = tpu.memref_slice %arg8[%rem3A_93, %gather3A_214, %gather3A_215] : memref<3x64x640xf32, #tpu.memory_space<vmem>> -> memref<1x64x640xf32, #tpu.memory_space<vmem>>
          %gather3A_217 = tpu.memref_squeeze %gather3A_216 : memref<1x64x640xf32, #tpu.memory_space<vmem>> -> memref<64x640xf32, #tpu.memory_space<vmem>>
          %gather3A_218 = tpu.vector_load_idx %gather3A_217[%add3A_213, %broadcast_in_dim3A_190] : memref<64x640xf32, #tpu.memory_space<vmem>>[vector<16xi32>, vector<16xi32>], vector<16xf32>,
          %mul3A_219 = arith.constant 64 : i32
          %mul3A_220 = arith.muli %rem3A_192, %mul3A_219 : i32
          %add3A_221 = arith.constant 16 : i32
          %add3A_222 = arith.addi %mul3A_220, %add3A_221 : i32
          %swap3A_223 = arith.index_cast %add3A_222 : i32 to index
          %swap3A_224 = tpu.vector_load %arg9[%swap3A_223] {strides = array<i32>} : memref<512xf32, #tpu.memory_space<vmem>>, vector<16xf32>,
          tpu.vector_store %arg9[%swap3A_223], %gather3A_218 {strides = array<i32>} : memref<512xf32, #tpu.memory_space<vmem>>, vector<16xf32>,
          %add3A_225 = arith.constant 32 : i32
          %add3A_226 = vector.broadcast %add3A_225 : i32 to vector<16xi32>
          %add3A_227 = arith.addi %iota3A, %add3A_226 : vector<16xi32>
          %gather3A_228 = arith.constant 0 : i32
          %gather3A_229 = arith.constant 0 : i32
          %gather3A_230 = tpu.memref_slice %arg8[%rem3A_93, %gather3A_228, %gather3A_229] : memref<3x64x640xf32, #tpu.memory_space<vmem>> -> memref<1x64x640xf32, #tpu.memory_space<vmem>>
          %gather3A_231 = tpu.memref_squeeze %gather3A_230 : memref<1x64x640xf32, #tpu.memory_space<vmem>> -> memref<64x640xf32, #tpu.memory_space<vmem>>
          %gather3A_232 = tpu.vector_load_idx %gather3A_231[%add3A_227, %broadcast_in_dim3A_190] : memref<64x640xf32, #tpu.memory_space<vmem>>[vector<16xi32>, vector<16xi32>], vector<16xf32>,
          %mul3A_233 = arith.constant 64 : i32
          %mul3A_234 = arith.muli %rem3A_192, %mul3A_233 : i32
          %add3A_235 = arith.constant 32 : i32
          %add3A_236 = arith.addi %mul3A_234, %add3A_235 : i32
          %swap3A_237 = arith.index_cast %add3A_236 : i32 to index
          %swap3A_238 = tpu.vector_load %arg9[%swap3A_237] {strides = array<i32>} : memref<512xf32, #tpu.memory_space<vmem>>, vector<16xf32>,
          tpu.vector_store %arg9[%swap3A_237], %gather3A_232 {strides = array<i32>} : memref<512xf32, #tpu.memory_space<vmem>>, vector<16xf32>,
          %add3A_239 = arith.constant 48 : i32
          %add3A_240 = vector.broadcast %add3A_239 : i32 to vector<16xi32>
          %add3A_241 = arith.addi %iota3A, %add3A_240 : vector<16xi32>
          %gather3A_242 = arith.constant 0 : i32
          %gather3A_243 = arith.constant 0 : i32
          %gather3A_244 = tpu.memref_slice %arg8[%rem3A_93, %gather3A_242, %gather3A_243] : memref<3x64x640xf32, #tpu.memory_space<vmem>> -> memref<1x64x640xf32, #tpu.memory_space<vmem>>
          %gather3A_245 = tpu.memref_squeeze %gather3A_244 : memref<1x64x640xf32, #tpu.memory_space<vmem>> -> memref<64x640xf32, #tpu.memory_space<vmem>>
          %gather3A_246 = tpu.vector_load_idx %gather3A_245[%add3A_241, %broadcast_in_dim3A_190] : memref<64x640xf32, #tpu.memory_space<vmem>>[vector<16xi32>, vector<16xi32>], vector<16xf32>,
          %mul3A_247 = arith.constant 64 : i32
          %mul3A_248 = arith.muli %rem3A_192, %mul3A_247 : i32
          %add3A_249 = arith.constant 48 : i32
          %add3A_250 = arith.addi %mul3A_248, %add3A_249 : i32
          %swap3A_251 = arith.index_cast %add3A_250 : i32 to index
          %swap3A_252 = tpu.vector_load %arg9[%swap3A_251] {strides = array<i32>} : memref<512xf32, #tpu.memory_space<vmem>>, vector<16xf32>,
          tpu.vector_store %arg9[%swap3A_251], %gather3A_246 {strides = array<i32>} : memref<512xf32, #tpu.memory_space<vmem>>, vector<16xf32>,
          %mul3A_253 = arith.constant 64 : i32
          %mul3A_254 = arith.muli %rem3A_192, %mul3A_253 : i32
          %mul3A_255 = arith.constant 64 : i32
          %mul3A_256 = arith.muli %squeeze3A_188, %mul3A_255 : i32
          %dma_start3A_257 = tpu.memref_slice %arg9[%mul3A_254] : memref<512xf32, #tpu.memory_space<vmem>> -> memref<64xf32, #tpu.memory_space<vmem>>
          %dma_start3A_258 = tpu.memref_slice %arg4[%mul3A_256] : memref<1048576xf32, #tpu.memory_space<hbm>> -> memref<64xf32, #tpu.memory_space<hbm>>
          %dma_start3A_259 = tpu.memref_slice %arg4[%mul3A_256] : memref<1048576xf32, #tpu.memory_space<hbm>> -> memref<64xf32, #tpu.memory_space<hbm>>
          %dma_start3A_260 = tpu.memref_slice %arg9[%mul3A_254] : memref<512xf32, #tpu.memory_space<vmem>> -> memref<64xf32, #tpu.memory_space<vmem>>
          tpu.enqueue_dma source(%dma_start3A_260 : memref<64xf32, #tpu.memory_space<vmem>>) target(%dma_start3A_259 : memref<64xf32, #tpu.memory_space<hbm>>) target_semaphore(%arg11 : memref<!tpu.dma_semaphore, #tpu.memory_space<semaphore_mem>>)
          %slice3A_261 = vector.extract_strided_slice %all_reduce_ffs3A {offsets = [0], sizes = [1], strides = [1]} : vector<16xi32> to vector<1xi32>
          %squeeze3A_262 = vector.extract %slice3A_261[0] : i32 from vector<1xi32>
          %ne3A_263 = vector.broadcast %squeeze3A_262 : i32 to vector<16xi32>
          %ne3A_264 = arith.cmpi ne, %iota3A, %ne3A_263 : vector<16xi32>
          %convert_element_type3A_265 = arith.extui %ne3A_264 : vector<16xi1> to vector<16xi32>
          %and3A_266 = arith.andi %while3A_176, %convert_element_type3A_265 : vector<16xi32>
          %add3A_267 = arith.constant 1 : i32
          %add3A_268 = arith.addi %while3A_177, %add3A_267 : i32
          scf.yield %and3A_266, %add3A_268 : vector<16xi32>, i32
        }
        scf.yield %while3A_174#1 : i32
      }
      scf.yield %while3A_136 : i32
    }
    %scan3A_83 = arith.constant 49 : i32
    %scan3A_84 = arith.constant 0 : i32
    %scan3A_85 = arith.constant 0 : i32
    %scan3A_86 = arith.constant 8 : i32
    %scan3A_87 = arith.addi %scan3A_85, %scan3A_86 : i32
    %scan3A_88 = arith.constant 1 : i32
    scf.for %scan3A_90 = %scan3A_85 to %scan3A_87 step %scan3A_88  : i32 {
      %min3A_91 = arith.constant 8 : i32
      %min3A_92 = arith.minsi %scan3A_82, %min3A_91 : i32
      %lt3A_93 = arith.cmpi slt, %scan3A_90, %min3A_92 : i32
      %convert_element_type3A_94 = arith.extui %lt3A_93 : i1 to i32
      %cond3A = arith.constant 0 : i32
      %cond3A_95 = arith.cmpi ne, %convert_element_type3A_94, %cond3A : i32
      scf.if %cond3A_95 {
        %dma_wait3A = arith.constant 0 : i32
        %dma_wait3A_96 = tpu.memref_slice %arg9[%dma_wait3A] : memref<512xf32, #tpu.memory_space<vmem>> -> memref<64xf32, #tpu.memory_space<vmem>>
        %dma_wait3A_97 = arith.constant 0 : i32
        %dma_wait3A_98 = tpu.memref_slice %arg4[%dma_wait3A_97] : memref<1048576xf32, #tpu.memory_space<hbm>> -> memref<64xf32, #tpu.memory_space<hbm>>
        %dma_wait3A_99 = arith.constant 0 : i32
        %dma_wait3A_100 = tpu.memref_slice %arg4[%dma_wait3A_99] : memref<1048576xf32, #tpu.memory_space<hbm>> -> memref<64xf32, #tpu.memory_space<hbm>>
        %dma_wait3A_101 = arith.constant 0 : i32
        %dma_wait3A_102 = tpu.memref_slice %arg9[%dma_wait3A_101] : memref<512xf32, #tpu.memory_space<vmem>> -> memref<64xf32, #tpu.memory_space<vmem>>
        tpu.wait_dma2 semaphore(%arg11 : memref<!tpu.dma_semaphore, #tpu.memory_space<semaphore_mem>>) src(%dma_wait3A_102 : memref<64xf32, #tpu.memory_space<vmem>>) dst(%dma_wait3A_100 : memref<64xf32, #tpu.memory_space<hbm>>)
      } else {
      }
    }
    %scan3A_89 = arith.constant 8 : i32
    return
  }
}

#map = affine_map<(d0, d1) -> (0)>
module attributes {stable_mosaic.version = 14 : i64} {
  func.func @_dot_phase(%arg0: i32, %arg1: i32, %arg2: memref<1048576xf32, #tpu.memory_space<hbm>>, %arg3: memref<1048576xf32, #tpu.memory_space<hbm>>, %arg4: memref<16384xf32, #tpu.memory_space<hbm>>, %arg5: memref<32768xf32, #tpu.memory_space<vmem>>, %arg6: memref<32768xf32, #tpu.memory_space<vmem>>, %arg7: memref<512xf32, #tpu.memory_space<vmem>>, %arg8: memref<272xf32, #tpu.memory_space<vmem>>, %arg9: memref<!tpu.dma_semaphore, #tpu.memory_space<semaphore_mem>>) attributes {dimension_semantics = [#tpu.dimension_semantics<core_parallel>, #tpu.dimension_semantics<subcore_parallel>], iteration_bounds = array<i64: 2, 16>, scalar_prefetch = 0 : i64, scratch_operands = 5 : i64, tpu.core_type = #tpu.core_type<sc_vector_subcore>, window_params = [{transform_indices = #map}, {transform_indices = #map}, {transform_indices = #map}]} {
    %mul3A = arith.constant 2 : i32
    %mul3A_0 = arith.muli %arg1, %mul3A : i32
    %add3A = arith.addi %mul3A_0, %arg0 : i32
    %mul3A_1 = arith.constant 512 : i32
    %mul3A_2 = arith.muli %add3A, %mul3A_1 : i32
    %mul3A_3 = arith.constant 64 : i32
    %mul3A_4 = arith.muli %mul3A_2, %mul3A_3 : i32
    %dma_start3A = tpu.memref_slice %arg2[%mul3A_4] : memref<1048576xf32, #tpu.memory_space<hbm>> -> memref<32768xf32, #tpu.memory_space<hbm>>
    %dma_start3A_5 = tpu.memref_slice %arg2[%mul3A_4] : memref<1048576xf32, #tpu.memory_space<hbm>> -> memref<32768xf32, #tpu.memory_space<hbm>>
    tpu.enqueue_dma source(%dma_start3A_5 : memref<32768xf32, #tpu.memory_space<hbm>>) target(%arg5 : memref<32768xf32, #tpu.memory_space<vmem>>) target_semaphore(%arg9 : memref<!tpu.dma_semaphore, #tpu.memory_space<semaphore_mem>>)
    %mul3A_6 = arith.constant 64 : i32
    %mul3A_7 = arith.muli %mul3A_2, %mul3A_6 : i32
    %dma_start3A_8 = tpu.memref_slice %arg3[%mul3A_7] : memref<1048576xf32, #tpu.memory_space<hbm>> -> memref<32768xf32, #tpu.memory_space<hbm>>
    %dma_start3A_9 = tpu.memref_slice %arg3[%mul3A_7] : memref<1048576xf32, #tpu.memory_space<hbm>> -> memref<32768xf32, #tpu.memory_space<hbm>>
    tpu.enqueue_dma source(%dma_start3A_9 : memref<32768xf32, #tpu.memory_space<hbm>>) target(%arg6 : memref<32768xf32, #tpu.memory_space<vmem>>) target_semaphore(%arg9 : memref<!tpu.dma_semaphore, #tpu.memory_space<semaphore_mem>>)
    %dma_wait3A = tpu.memref_slice %arg2[%mul3A_4] : memref<1048576xf32, #tpu.memory_space<hbm>> -> memref<32768xf32, #tpu.memory_space<hbm>>
    %dma_wait3A_10 = tpu.memref_slice %arg2[%mul3A_4] : memref<1048576xf32, #tpu.memory_space<hbm>> -> memref<32768xf32, #tpu.memory_space<hbm>>
    tpu.wait_dma2 semaphore(%arg9 : memref<!tpu.dma_semaphore, #tpu.memory_space<semaphore_mem>>) src(%dma_wait3A_10 : memref<32768xf32, #tpu.memory_space<hbm>>) dst(%arg5 : memref<32768xf32, #tpu.memory_space<vmem>>)
    %dma_wait3A_11 = tpu.memref_slice %arg3[%mul3A_7] : memref<1048576xf32, #tpu.memory_space<hbm>> -> memref<32768xf32, #tpu.memory_space<hbm>>
    %dma_wait3A_12 = tpu.memref_slice %arg3[%mul3A_7] : memref<1048576xf32, #tpu.memory_space<hbm>> -> memref<32768xf32, #tpu.memory_space<hbm>>
    tpu.wait_dma2 semaphore(%arg9 : memref<!tpu.dma_semaphore, #tpu.memory_space<semaphore_mem>>) src(%dma_wait3A_12 : memref<32768xf32, #tpu.memory_space<hbm>>) dst(%arg6 : memref<32768xf32, #tpu.memory_space<vmem>>)
    %iota3A = tpu.iota {dimensions = array<i32: 0>} : vector<16xi32>
    %scan3A = arith.constant 0 : i32
    %scan3A_13 = arith.constant 0 : i32
    %scan3A_14 = arith.constant 32 : i32
    %scan3A_15 = arith.addi %scan3A_13, %scan3A_14 : i32
    %scan3A_16 = arith.constant 1 : i32
    scf.for %scan3A_18 = %scan3A_13 to %scan3A_15 step %scan3A_16  : i32 {
      %mul3A_19 = arith.constant 16 : i32
      %mul3A_20 = arith.muli %scan3A_18, %mul3A_19 : i32
      %mul3A_21 = arith.constant 64 : i32
      %mul3A_22 = arith.muli %mul3A_20, %mul3A_21 : i32
      %add3A_23 = arith.constant 0 : i32
      %add3A_24 = arith.addi %mul3A_22, %add3A_23 : i32
      %get3A = arith.index_cast %add3A_24 : i32 to index
      %get3A_25 = tpu.vector_load %arg5[%get3A] {strides = array<i32>} : memref<32768xf32, #tpu.memory_space<vmem>>, vector<16xf32>,
      %get3A_26 = arith.index_cast %add3A_24 : i32 to index
      %get3A_27 = tpu.vector_load %arg6[%get3A_26] {strides = array<i32>} : memref<32768xf32, #tpu.memory_space<vmem>>, vector<16xf32>,
      %mul3A_28 = arith.mulf %get3A_25, %get3A_27 : vector<16xf32>
      %add3A_29 = arith.constant 16 : i32
      %add3A_30 = arith.addi %add3A_24, %add3A_29 : i32
      %get3A_31 = arith.index_cast %add3A_30 : i32 to index
      %get3A_32 = tpu.vector_load %arg5[%get3A_31] {strides = array<i32>} : memref<32768xf32, #tpu.memory_space<vmem>>, vector<16xf32>,
      %add3A_33 = arith.constant 16 : i32
      %add3A_34 = arith.addi %add3A_24, %add3A_33 : i32
      %get3A_35 = arith.index_cast %add3A_34 : i32 to index
      %get3A_36 = tpu.vector_load %arg6[%get3A_35] {strides = array<i32>} : memref<32768xf32, #tpu.memory_space<vmem>>, vector<16xf32>,
      %mul3A_37 = arith.mulf %get3A_32, %get3A_36 : vector<16xf32>
      %add3A_38 = arith.addf %mul3A_28, %mul3A_37 : vector<16xf32>
      %add3A_39 = arith.constant 32 : i32
      %add3A_40 = arith.addi %add3A_24, %add3A_39 : i32
      %get3A_41 = arith.index_cast %add3A_40 : i32 to index
      %get3A_42 = tpu.vector_load %arg5[%get3A_41] {strides = array<i32>} : memref<32768xf32, #tpu.memory_space<vmem>>, vector<16xf32>,
      %add3A_43 = arith.constant 32 : i32
      %add3A_44 = arith.addi %add3A_24, %add3A_43 : i32
      %get3A_45 = arith.index_cast %add3A_44 : i32 to index
      %get3A_46 = tpu.vector_load %arg6[%get3A_45] {strides = array<i32>} : memref<32768xf32, #tpu.memory_space<vmem>>, vector<16xf32>,
      %mul3A_47 = arith.mulf %get3A_42, %get3A_46 : vector<16xf32>
      %add3A_48 = arith.addf %add3A_38, %mul3A_47 : vector<16xf32>
      %add3A_49 = arith.constant 48 : i32
      %add3A_50 = arith.addi %add3A_24, %add3A_49 : i32
      %get3A_51 = arith.index_cast %add3A_50 : i32 to index
      %get3A_52 = tpu.vector_load %arg5[%get3A_51] {strides = array<i32>} : memref<32768xf32, #tpu.memory_space<vmem>>, vector<16xf32>,
      %add3A_53 = arith.constant 48 : i32
      %add3A_54 = arith.addi %add3A_24, %add3A_53 : i32
      %get3A_55 = arith.index_cast %add3A_54 : i32 to index
      %get3A_56 = tpu.vector_load %arg6[%get3A_55] {strides = array<i32>} : memref<32768xf32, #tpu.memory_space<vmem>>, vector<16xf32>,
      %mul3A_57 = arith.mulf %get3A_52, %get3A_56 : vector<16xf32>
      %add3A_58 = arith.addf %add3A_48, %mul3A_57 : vector<16xf32>
      %swap3A = arith.constant 0 : index
      %swap3A_59 = tpu.vector_load %arg8[%swap3A] {strides = array<i32>} : memref<272xf32, #tpu.memory_space<vmem>>, vector<16xf32>,
      tpu.vector_store %arg8[%swap3A], %add3A_58 {strides = array<i32>} : memref<272xf32, #tpu.memory_space<vmem>>, vector<16xf32>,
      %add3A_60 = arith.constant 64 : i32
      %add3A_61 = arith.addi %mul3A_22, %add3A_60 : i32
      %get3A_62 = arith.index_cast %add3A_61 : i32 to index
      %get3A_63 = tpu.vector_load %arg5[%get3A_62] {strides = array<i32>} : memref<32768xf32, #tpu.memory_space<vmem>>, vector<16xf32>,
      %get3A_64 = arith.index_cast %add3A_61 : i32 to index
      %get3A_65 = tpu.vector_load %arg6[%get3A_64] {strides = array<i32>} : memref<32768xf32, #tpu.memory_space<vmem>>, vector<16xf32>,
      %mul3A_66 = arith.mulf %get3A_63, %get3A_65 : vector<16xf32>
      %add3A_67 = arith.constant 16 : i32
      %add3A_68 = arith.addi %add3A_61, %add3A_67 : i32
      %get3A_69 = arith.index_cast %add3A_68 : i32 to index
      %get3A_70 = tpu.vector_load %arg5[%get3A_69] {strides = array<i32>} : memref<32768xf32, #tpu.memory_space<vmem>>, vector<16xf32>,
      %add3A_71 = arith.constant 16 : i32
      %add3A_72 = arith.addi %add3A_61, %add3A_71 : i32
      %get3A_73 = arith.index_cast %add3A_72 : i32 to index
      %get3A_74 = tpu.vector_load %arg6[%get3A_73] {strides = array<i32>} : memref<32768xf32, #tpu.memory_space<vmem>>, vector<16xf32>,
      %mul3A_75 = arith.mulf %get3A_70, %get3A_74 : vector<16xf32>
      %add3A_76 = arith.addf %mul3A_66, %mul3A_75 : vector<16xf32>
      %add3A_77 = arith.constant 32 : i32
      %add3A_78 = arith.addi %add3A_61, %add3A_77 : i32
      %get3A_79 = arith.index_cast %add3A_78 : i32 to index
      %get3A_80 = tpu.vector_load %arg5[%get3A_79] {strides = array<i32>} : memref<32768xf32, #tpu.memory_space<vmem>>, vector<16xf32>,
      %add3A_81 = arith.constant 32 : i32
      %add3A_82 = arith.addi %add3A_61, %add3A_81 : i32
      %get3A_83 = arith.index_cast %add3A_82 : i32 to index
      %get3A_84 = tpu.vector_load %arg6[%get3A_83] {strides = array<i32>} : memref<32768xf32, #tpu.memory_space<vmem>>, vector<16xf32>,
      %mul3A_85 = arith.mulf %get3A_80, %get3A_84 : vector<16xf32>
      %add3A_86 = arith.addf %add3A_76, %mul3A_85 : vector<16xf32>
      %add3A_87 = arith.constant 48 : i32
      %add3A_88 = arith.addi %add3A_61, %add3A_87 : i32
      %get3A_89 = arith.index_cast %add3A_88 : i32 to index
      %get3A_90 = tpu.vector_load %arg5[%get3A_89] {strides = array<i32>} : memref<32768xf32, #tpu.memory_space<vmem>>, vector<16xf32>,
      %add3A_91 = arith.constant 48 : i32
      %add3A_92 = arith.addi %add3A_61, %add3A_91 : i32
      %get3A_93 = arith.index_cast %add3A_92 : i32 to index
      %get3A_94 = tpu.vector_load %arg6[%get3A_93] {strides = array<i32>} : memref<32768xf32, #tpu.memory_space<vmem>>, vector<16xf32>,
      %mul3A_95 = arith.mulf %get3A_90, %get3A_94 : vector<16xf32>
      %add3A_96 = arith.addf %add3A_86, %mul3A_95 : vector<16xf32>
      %swap3A_97 = arith.constant 17 : index
      %swap3A_98 = tpu.vector_load %arg8[%swap3A_97] {strides = array<i32>} : memref<272xf32, #tpu.memory_space<vmem>>, vector<16xf32>,
      tpu.vector_store %arg8[%swap3A_97], %add3A_96 {strides = array<i32>} : memref<272xf32, #tpu.memory_space<vmem>>, vector<16xf32>,
      %add3A_99 = arith.constant 128 : i32
      %add3A_100 = arith.addi %mul3A_22, %add3A_99 : i32
      %get3A_101 = arith.index_cast %add3A_100 : i32 to index
      %get3A_102 = tpu.vector_load %arg5[%get3A_101] {strides = array<i32>} : memref<32768xf32, #tpu.memory_space<vmem>>, vector<16xf32>,
      %get3A_103 = arith.index_cast %add3A_100 : i32 to index
      %get3A_104 = tpu.vector_load %arg6[%get3A_103] {strides = array<i32>} : memref<32768xf32, #tpu.memory_space<vmem>>, vector<16xf32>,
      %mul3A_105 = arith.mulf %get3A_102, %get3A_104 : vector<16xf32>
      %add3A_106 = arith.constant 16 : i32
      %add3A_107 = arith.addi %add3A_100, %add3A_106 : i32
      %get3A_108 = arith.index_cast %add3A_107 : i32 to index
      %get3A_109 = tpu.vector_load %arg5[%get3A_108] {strides = array<i32>} : memref<32768xf32, #tpu.memory_space<vmem>>, vector<16xf32>,
      %add3A_110 = arith.constant 16 : i32
      %add3A_111 = arith.addi %add3A_100, %add3A_110 : i32
      %get3A_112 = arith.index_cast %add3A_111 : i32 to index
      %get3A_113 = tpu.vector_load %arg6[%get3A_112] {strides = array<i32>} : memref<32768xf32, #tpu.memory_space<vmem>>, vector<16xf32>,
      %mul3A_114 = arith.mulf %get3A_109, %get3A_113 : vector<16xf32>
      %add3A_115 = arith.addf %mul3A_105, %mul3A_114 : vector<16xf32>
      %add3A_116 = arith.constant 32 : i32
      %add3A_117 = arith.addi %add3A_100, %add3A_116 : i32
      %get3A_118 = arith.index_cast %add3A_117 : i32 to index
      %get3A_119 = tpu.vector_load %arg5[%get3A_118] {strides = array<i32>} : memref<32768xf32, #tpu.memory_space<vmem>>, vector<16xf32>,
      %add3A_120 = arith.constant 32 : i32
      %add3A_121 = arith.addi %add3A_100, %add3A_120 : i32
      %get3A_122 = arith.index_cast %add3A_121 : i32 to index
      %get3A_123 = tpu.vector_load %arg6[%get3A_122] {strides = array<i32>} : memref<32768xf32, #tpu.memory_space<vmem>>, vector<16xf32>,
      %mul3A_124 = arith.mulf %get3A_119, %get3A_123 : vector<16xf32>
      %add3A_125 = arith.addf %add3A_115, %mul3A_124 : vector<16xf32>
      %add3A_126 = arith.constant 48 : i32
      %add3A_127 = arith.addi %add3A_100, %add3A_126 : i32
      %get3A_128 = arith.index_cast %add3A_127 : i32 to index
      %get3A_129 = tpu.vector_load %arg5[%get3A_128] {strides = array<i32>} : memref<32768xf32, #tpu.memory_space<vmem>>, vector<16xf32>,
      %add3A_130 = arith.constant 48 : i32
      %add3A_131 = arith.addi %add3A_100, %add3A_130 : i32
      %get3A_132 = arith.index_cast %add3A_131 : i32 to index
      %get3A_133 = tpu.vector_load %arg6[%get3A_132] {strides = array<i32>} : memref<32768xf32, #tpu.memory_space<vmem>>, vector<16xf32>,
      %mul3A_134 = arith.mulf %get3A_129, %get3A_133 : vector<16xf32>
      %add3A_135 = arith.addf %add3A_125, %mul3A_134 : vector<16xf32>
      %swap3A_136 = arith.constant 34 : index
      %swap3A_137 = tpu.vector_load %arg8[%swap3A_136] {strides = array<i32>} : memref<272xf32, #tpu.memory_space<vmem>>, vector<16xf32>,
      tpu.vector_store %arg8[%swap3A_136], %add3A_135 {strides = array<i32>} : memref<272xf32, #tpu.memory_space<vmem>>, vector<16xf32>,
      %add3A_138 = arith.constant 192 : i32
      %add3A_139 = arith.addi %mul3A_22, %add3A_138 : i32
      %get3A_140 = arith.index_cast %add3A_139 : i32 to index
      %get3A_141 = tpu.vector_load %arg5[%get3A_140] {strides = array<i32>} : memref<32768xf32, #tpu.memory_space<vmem>>, vector<16xf32>,
      %get3A_142 = arith.index_cast %add3A_139 : i32 to index
      %get3A_143 = tpu.vector_load %arg6[%get3A_142] {strides = array<i32>} : memref<32768xf32, #tpu.memory_space<vmem>>, vector<16xf32>,
      %mul3A_144 = arith.mulf %get3A_141, %get3A_143 : vector<16xf32>
      %add3A_145 = arith.constant 16 : i32
      %add3A_146 = arith.addi %add3A_139, %add3A_145 : i32
      %get3A_147 = arith.index_cast %add3A_146 : i32 to index
      %get3A_148 = tpu.vector_load %arg5[%get3A_147] {strides = array<i32>} : memref<32768xf32, #tpu.memory_space<vmem>>, vector<16xf32>,
      %add3A_149 = arith.constant 16 : i32
      %add3A_150 = arith.addi %add3A_139, %add3A_149 : i32
      %get3A_151 = arith.index_cast %add3A_150 : i32 to index
      %get3A_152 = tpu.vector_load %arg6[%get3A_151] {strides = array<i32>} : memref<32768xf32, #tpu.memory_space<vmem>>, vector<16xf32>,
      %mul3A_153 = arith.mulf %get3A_148, %get3A_152 : vector<16xf32>
      %add3A_154 = arith.addf %mul3A_144, %mul3A_153 : vector<16xf32>
      %add3A_155 = arith.constant 32 : i32
      %add3A_156 = arith.addi %add3A_139, %add3A_155 : i32
      %get3A_157 = arith.index_cast %add3A_156 : i32 to index
      %get3A_158 = tpu.vector_load %arg5[%get3A_157] {strides = array<i32>} : memref<32768xf32, #tpu.memory_space<vmem>>, vector<16xf32>,
      %add3A_159 = arith.constant 32 : i32
      %add3A_160 = arith.addi %add3A_139, %add3A_159 : i32
      %get3A_161 = arith.index_cast %add3A_160 : i32 to index
      %get3A_162 = tpu.vector_load %arg6[%get3A_161] {strides = array<i32>} : memref<32768xf32, #tpu.memory_space<vmem>>, vector<16xf32>,
      %mul3A_163 = arith.mulf %get3A_158, %get3A_162 : vector<16xf32>
      %add3A_164 = arith.addf %add3A_154, %mul3A_163 : vector<16xf32>
      %add3A_165 = arith.constant 48 : i32
      %add3A_166 = arith.addi %add3A_139, %add3A_165 : i32
      %get3A_167 = arith.index_cast %add3A_166 : i32 to index
      %get3A_168 = tpu.vector_load %arg5[%get3A_167] {strides = array<i32>} : memref<32768xf32, #tpu.memory_space<vmem>>, vector<16xf32>,
      %add3A_169 = arith.constant 48 : i32
      %add3A_170 = arith.addi %add3A_139, %add3A_169 : i32
      %get3A_171 = arith.index_cast %add3A_170 : i32 to index
      %get3A_172 = tpu.vector_load %arg6[%get3A_171] {strides = array<i32>} : memref<32768xf32, #tpu.memory_space<vmem>>, vector<16xf32>,
      %mul3A_173 = arith.mulf %get3A_168, %get3A_172 : vector<16xf32>
      %add3A_174 = arith.addf %add3A_164, %mul3A_173 : vector<16xf32>
      %swap3A_175 = arith.constant 51 : index
      %swap3A_176 = tpu.vector_load %arg8[%swap3A_175] {strides = array<i32>} : memref<272xf32, #tpu.memory_space<vmem>>, vector<16xf32>,
      tpu.vector_store %arg8[%swap3A_175], %add3A_174 {strides = array<i32>} : memref<272xf32, #tpu.memory_space<vmem>>, vector<16xf32>,
      %add3A_177 = arith.constant 256 : i32
      %add3A_178 = arith.addi %mul3A_22, %add3A_177 : i32
      %get3A_179 = arith.index_cast %add3A_178 : i32 to index
      %get3A_180 = tpu.vector_load %arg5[%get3A_179] {strides = array<i32>} : memref<32768xf32, #tpu.memory_space<vmem>>, vector<16xf32>,
      %get3A_181 = arith.index_cast %add3A_178 : i32 to index
      %get3A_182 = tpu.vector_load %arg6[%get3A_181] {strides = array<i32>} : memref<32768xf32, #tpu.memory_space<vmem>>, vector<16xf32>,
      %mul3A_183 = arith.mulf %get3A_180, %get3A_182 : vector<16xf32>
      %add3A_184 = arith.constant 16 : i32
      %add3A_185 = arith.addi %add3A_178, %add3A_184 : i32
      %get3A_186 = arith.index_cast %add3A_185 : i32 to index
      %get3A_187 = tpu.vector_load %arg5[%get3A_186] {strides = array<i32>} : memref<32768xf32, #tpu.memory_space<vmem>>, vector<16xf32>,
      %add3A_188 = arith.constant 16 : i32
      %add3A_189 = arith.addi %add3A_178, %add3A_188 : i32
      %get3A_190 = arith.index_cast %add3A_189 : i32 to index
      %get3A_191 = tpu.vector_load %arg6[%get3A_190] {strides = array<i32>} : memref<32768xf32, #tpu.memory_space<vmem>>, vector<16xf32>,
      %mul3A_192 = arith.mulf %get3A_187, %get3A_191 : vector<16xf32>
      %add3A_193 = arith.addf %mul3A_183, %mul3A_192 : vector<16xf32>
      %add3A_194 = arith.constant 32 : i32
      %add3A_195 = arith.addi %add3A_178, %add3A_194 : i32
      %get3A_196 = arith.index_cast %add3A_195 : i32 to index
      %get3A_197 = tpu.vector_load %arg5[%get3A_196] {strides = array<i32>} : memref<32768xf32, #tpu.memory_space<vmem>>, vector<16xf32>,
      %add3A_198 = arith.constant 32 : i32
      %add3A_199 = arith.addi %add3A_178, %add3A_198 : i32
      %get3A_200 = arith.index_cast %add3A_199 : i32 to index
      %get3A_201 = tpu.vector_load %arg6[%get3A_200] {strides = array<i32>} : memref<32768xf32, #tpu.memory_space<vmem>>, vector<16xf32>,
      %mul3A_202 = arith.mulf %get3A_197, %get3A_201 : vector<16xf32>
      %add3A_203 = arith.addf %add3A_193, %mul3A_202 : vector<16xf32>
      %add3A_204 = arith.constant 48 : i32
      %add3A_205 = arith.addi %add3A_178, %add3A_204 : i32
      %get3A_206 = arith.index_cast %add3A_205 : i32 to index
      %get3A_207 = tpu.vector_load %arg5[%get3A_206] {strides = array<i32>} : memref<32768xf32, #tpu.memory_space<vmem>>, vector<16xf32>,
      %add3A_208 = arith.constant 48 : i32
      %add3A_209 = arith.addi %add3A_178, %add3A_208 : i32
      %get3A_210 = arith.index_cast %add3A_209 : i32 to index
      %get3A_211 = tpu.vector_load %arg6[%get3A_210] {strides = array<i32>} : memref<32768xf32, #tpu.memory_space<vmem>>, vector<16xf32>,
      %mul3A_212 = arith.mulf %get3A_207, %get3A_211 : vector<16xf32>
      %add3A_213 = arith.addf %add3A_203, %mul3A_212 : vector<16xf32>
      %swap3A_214 = arith.constant 68 : index
      %swap3A_215 = tpu.vector_load %arg8[%swap3A_214] {strides = array<i32>} : memref<272xf32, #tpu.memory_space<vmem>>, vector<16xf32>,
      tpu.vector_store %arg8[%swap3A_214], %add3A_213 {strides = array<i32>} : memref<272xf32, #tpu.memory_space<vmem>>, vector<16xf32>,
      %add3A_216 = arith.constant 320 : i32
      %add3A_217 = arith.addi %mul3A_22, %add3A_216 : i32
      %get3A_218 = arith.index_cast %add3A_217 : i32 to index
      %get3A_219 = tpu.vector_load %arg5[%get3A_218] {strides = array<i32>} : memref<32768xf32, #tpu.memory_space<vmem>>, vector<16xf32>,
      %get3A_220 = arith.index_cast %add3A_217 : i32 to index
      %get3A_221 = tpu.vector_load %arg6[%get3A_220] {strides = array<i32>} : memref<32768xf32, #tpu.memory_space<vmem>>, vector<16xf32>,
      %mul3A_222 = arith.mulf %get3A_219, %get3A_221 : vector<16xf32>
      %add3A_223 = arith.constant 16 : i32
      %add3A_224 = arith.addi %add3A_217, %add3A_223 : i32
      %get3A_225 = arith.index_cast %add3A_224 : i32 to index
      %get3A_226 = tpu.vector_load %arg5[%get3A_225] {strides = array<i32>} : memref<32768xf32, #tpu.memory_space<vmem>>, vector<16xf32>,
      %add3A_227 = arith.constant 16 : i32
      %add3A_228 = arith.addi %add3A_217, %add3A_227 : i32
      %get3A_229 = arith.index_cast %add3A_228 : i32 to index
      %get3A_230 = tpu.vector_load %arg6[%get3A_229] {strides = array<i32>} : memref<32768xf32, #tpu.memory_space<vmem>>, vector<16xf32>,
      %mul3A_231 = arith.mulf %get3A_226, %get3A_230 : vector<16xf32>
      %add3A_232 = arith.addf %mul3A_222, %mul3A_231 : vector<16xf32>
      %add3A_233 = arith.constant 32 : i32
      %add3A_234 = arith.addi %add3A_217, %add3A_233 : i32
      %get3A_235 = arith.index_cast %add3A_234 : i32 to index
      %get3A_236 = tpu.vector_load %arg5[%get3A_235] {strides = array<i32>} : memref<32768xf32, #tpu.memory_space<vmem>>, vector<16xf32>,
      %add3A_237 = arith.constant 32 : i32
      %add3A_238 = arith.addi %add3A_217, %add3A_237 : i32
      %get3A_239 = arith.index_cast %add3A_238 : i32 to index
      %get3A_240 = tpu.vector_load %arg6[%get3A_239] {strides = array<i32>} : memref<32768xf32, #tpu.memory_space<vmem>>, vector<16xf32>,
      %mul3A_241 = arith.mulf %get3A_236, %get3A_240 : vector<16xf32>
      %add3A_242 = arith.addf %add3A_232, %mul3A_241 : vector<16xf32>
      %add3A_243 = arith.constant 48 : i32
      %add3A_244 = arith.addi %add3A_217, %add3A_243 : i32
      %get3A_245 = arith.index_cast %add3A_244 : i32 to index
      %get3A_246 = tpu.vector_load %arg5[%get3A_245] {strides = array<i32>} : memref<32768xf32, #tpu.memory_space<vmem>>, vector<16xf32>,
      %add3A_247 = arith.constant 48 : i32
      %add3A_248 = arith.addi %add3A_217, %add3A_247 : i32
      %get3A_249 = arith.index_cast %add3A_248 : i32 to index
      %get3A_250 = tpu.vector_load %arg6[%get3A_249] {strides = array<i32>} : memref<32768xf32, #tpu.memory_space<vmem>>, vector<16xf32>,
      %mul3A_251 = arith.mulf %get3A_246, %get3A_250 : vector<16xf32>
      %add3A_252 = arith.addf %add3A_242, %mul3A_251 : vector<16xf32>
      %swap3A_253 = arith.constant 85 : index
      %swap3A_254 = tpu.vector_load %arg8[%swap3A_253] {strides = array<i32>} : memref<272xf32, #tpu.memory_space<vmem>>, vector<16xf32>,
      tpu.vector_store %arg8[%swap3A_253], %add3A_252 {strides = array<i32>} : memref<272xf32, #tpu.memory_space<vmem>>, vector<16xf32>,
      %add3A_255 = arith.constant 384 : i32
      %add3A_256 = arith.addi %mul3A_22, %add3A_255 : i32
      %get3A_257 = arith.index_cast %add3A_256 : i32 to index
      %get3A_258 = tpu.vector_load %arg5[%get3A_257] {strides = array<i32>} : memref<32768xf32, #tpu.memory_space<vmem>>, vector<16xf32>,
      %get3A_259 = arith.index_cast %add3A_256 : i32 to index
      %get3A_260 = tpu.vector_load %arg6[%get3A_259] {strides = array<i32>} : memref<32768xf32, #tpu.memory_space<vmem>>, vector<16xf32>,
      %mul3A_261 = arith.mulf %get3A_258, %get3A_260 : vector<16xf32>
      %add3A_262 = arith.constant 16 : i32
      %add3A_263 = arith.addi %add3A_256, %add3A_262 : i32
      %get3A_264 = arith.index_cast %add3A_263 : i32 to index
      %get3A_265 = tpu.vector_load %arg5[%get3A_264] {strides = array<i32>} : memref<32768xf32, #tpu.memory_space<vmem>>, vector<16xf32>,
      %add3A_266 = arith.constant 16 : i32
      %add3A_267 = arith.addi %add3A_256, %add3A_266 : i32
      %get3A_268 = arith.index_cast %add3A_267 : i32 to index
      %get3A_269 = tpu.vector_load %arg6[%get3A_268] {strides = array<i32>} : memref<32768xf32, #tpu.memory_space<vmem>>, vector<16xf32>,
      %mul3A_270 = arith.mulf %get3A_265, %get3A_269 : vector<16xf32>
      %add3A_271 = arith.addf %mul3A_261, %mul3A_270 : vector<16xf32>
      %add3A_272 = arith.constant 32 : i32
      %add3A_273 = arith.addi %add3A_256, %add3A_272 : i32
      %get3A_274 = arith.index_cast %add3A_273 : i32 to index
      %get3A_275 = tpu.vector_load %arg5[%get3A_274] {strides = array<i32>} : memref<32768xf32, #tpu.memory_space<vmem>>, vector<16xf32>,
      %add3A_276 = arith.constant 32 : i32
      %add3A_277 = arith.addi %add3A_256, %add3A_276 : i32
      %get3A_278 = arith.index_cast %add3A_277 : i32 to index
      %get3A_279 = tpu.vector_load %arg6[%get3A_278] {strides = array<i32>} : memref<32768xf32, #tpu.memory_space<vmem>>, vector<16xf32>,
      %mul3A_280 = arith.mulf %get3A_275, %get3A_279 : vector<16xf32>
      %add3A_281 = arith.addf %add3A_271, %mul3A_280 : vector<16xf32>
      %add3A_282 = arith.constant 48 : i32
      %add3A_283 = arith.addi %add3A_256, %add3A_282 : i32
      %get3A_284 = arith.index_cast %add3A_283 : i32 to index
      %get3A_285 = tpu.vector_load %arg5[%get3A_284] {strides = array<i32>} : memref<32768xf32, #tpu.memory_space<vmem>>, vector<16xf32>,
      %add3A_286 = arith.constant 48 : i32
      %add3A_287 = arith.addi %add3A_256, %add3A_286 : i32
      %get3A_288 = arith.index_cast %add3A_287 : i32 to index
      %get3A_289 = tpu.vector_load %arg6[%get3A_288] {strides = array<i32>} : memref<32768xf32, #tpu.memory_space<vmem>>, vector<16xf32>,
      %mul3A_290 = arith.mulf %get3A_285, %get3A_289 : vector<16xf32>
      %add3A_291 = arith.addf %add3A_281, %mul3A_290 : vector<16xf32>
      %swap3A_292 = arith.constant 102 : index
      %swap3A_293 = tpu.vector_load %arg8[%swap3A_292] {strides = array<i32>} : memref<272xf32, #tpu.memory_space<vmem>>, vector<16xf32>,
      tpu.vector_store %arg8[%swap3A_292], %add3A_291 {strides = array<i32>} : memref<272xf32, #tpu.memory_space<vmem>>, vector<16xf32>,
      %add3A_294 = arith.constant 448 : i32
      %add3A_295 = arith.addi %mul3A_22, %add3A_294 : i32
      %get3A_296 = arith.index_cast %add3A_295 : i32 to index
      %get3A_297 = tpu.vector_load %arg5[%get3A_296] {strides = array<i32>} : memref<32768xf32, #tpu.memory_space<vmem>>, vector<16xf32>,
      %get3A_298 = arith.index_cast %add3A_295 : i32 to index
      %get3A_299 = tpu.vector_load %arg6[%get3A_298] {strides = array<i32>} : memref<32768xf32, #tpu.memory_space<vmem>>, vector<16xf32>,
      %mul3A_300 = arith.mulf %get3A_297, %get3A_299 : vector<16xf32>
      %add3A_301 = arith.constant 16 : i32
      %add3A_302 = arith.addi %add3A_295, %add3A_301 : i32
      %get3A_303 = arith.index_cast %add3A_302 : i32 to index
      %get3A_304 = tpu.vector_load %arg5[%get3A_303] {strides = array<i32>} : memref<32768xf32, #tpu.memory_space<vmem>>, vector<16xf32>,
      %add3A_305 = arith.constant 16 : i32
      %add3A_306 = arith.addi %add3A_295, %add3A_305 : i32
      %get3A_307 = arith.index_cast %add3A_306 : i32 to index
      %get3A_308 = tpu.vector_load %arg6[%get3A_307] {strides = array<i32>} : memref<32768xf32, #tpu.memory_space<vmem>>, vector<16xf32>,
      %mul3A_309 = arith.mulf %get3A_304, %get3A_308 : vector<16xf32>
      %add3A_310 = arith.addf %mul3A_300, %mul3A_309 : vector<16xf32>
      %add3A_311 = arith.constant 32 : i32
      %add3A_312 = arith.addi %add3A_295, %add3A_311 : i32
      %get3A_313 = arith.index_cast %add3A_312 : i32 to index
      %get3A_314 = tpu.vector_load %arg5[%get3A_313] {strides = array<i32>} : memref<32768xf32, #tpu.memory_space<vmem>>, vector<16xf32>,
      %add3A_315 = arith.constant 32 : i32
      %add3A_316 = arith.addi %add3A_295, %add3A_315 : i32
      %get3A_317 = arith.index_cast %add3A_316 : i32 to index
      %get3A_318 = tpu.vector_load %arg6[%get3A_317] {strides = array<i32>} : memref<32768xf32, #tpu.memory_space<vmem>>, vector<16xf32>,
      %mul3A_319 = arith.mulf %get3A_314, %get3A_318 : vector<16xf32>
      %add3A_320 = arith.addf %add3A_310, %mul3A_319 : vector<16xf32>
      %add3A_321 = arith.constant 48 : i32
      %add3A_322 = arith.addi %add3A_295, %add3A_321 : i32
      %get3A_323 = arith.index_cast %add3A_322 : i32 to index
      %get3A_324 = tpu.vector_load %arg5[%get3A_323] {strides = array<i32>} : memref<32768xf32, #tpu.memory_space<vmem>>, vector<16xf32>,
      %add3A_325 = arith.constant 48 : i32
      %add3A_326 = arith.addi %add3A_295, %add3A_325 : i32
      %get3A_327 = arith.index_cast %add3A_326 : i32 to index
      %get3A_328 = tpu.vector_load %arg6[%get3A_327] {strides = array<i32>} : memref<32768xf32, #tpu.memory_space<vmem>>, vector<16xf32>,
      %mul3A_329 = arith.mulf %get3A_324, %get3A_328 : vector<16xf32>
      %add3A_330 = arith.addf %add3A_320, %mul3A_329 : vector<16xf32>
      %swap3A_331 = arith.constant 119 : index
      %swap3A_332 = tpu.vector_load %arg8[%swap3A_331] {strides = array<i32>} : memref<272xf32, #tpu.memory_space<vmem>>, vector<16xf32>,
      tpu.vector_store %arg8[%swap3A_331], %add3A_330 {strides = array<i32>} : memref<272xf32, #tpu.memory_space<vmem>>, vector<16xf32>,
      %add3A_333 = arith.constant 512 : i32
      %add3A_334 = arith.addi %mul3A_22, %add3A_333 : i32
      %get3A_335 = arith.index_cast %add3A_334 : i32 to index
      %get3A_336 = tpu.vector_load %arg5[%get3A_335] {strides = array<i32>} : memref<32768xf32, #tpu.memory_space<vmem>>, vector<16xf32>,
      %get3A_337 = arith.index_cast %add3A_334 : i32 to index
      %get3A_338 = tpu.vector_load %arg6[%get3A_337] {strides = array<i32>} : memref<32768xf32, #tpu.memory_space<vmem>>, vector<16xf32>,
      %mul3A_339 = arith.mulf %get3A_336, %get3A_338 : vector<16xf32>
      %add3A_340 = arith.constant 16 : i32
      %add3A_341 = arith.addi %add3A_334, %add3A_340 : i32
      %get3A_342 = arith.index_cast %add3A_341 : i32 to index
      %get3A_343 = tpu.vector_load %arg5[%get3A_342] {strides = array<i32>} : memref<32768xf32, #tpu.memory_space<vmem>>, vector<16xf32>,
      %add3A_344 = arith.constant 16 : i32
      %add3A_345 = arith.addi %add3A_334, %add3A_344 : i32
      %get3A_346 = arith.index_cast %add3A_345 : i32 to index
      %get3A_347 = tpu.vector_load %arg6[%get3A_346] {strides = array<i32>} : memref<32768xf32, #tpu.memory_space<vmem>>, vector<16xf32>,
      %mul3A_348 = arith.mulf %get3A_343, %get3A_347 : vector<16xf32>
      %add3A_349 = arith.addf %mul3A_339, %mul3A_348 : vector<16xf32>
      %add3A_350 = arith.constant 32 : i32
      %add3A_351 = arith.addi %add3A_334, %add3A_350 : i32
      %get3A_352 = arith.index_cast %add3A_351 : i32 to index
      %get3A_353 = tpu.vector_load %arg5[%get3A_352] {strides = array<i32>} : memref<32768xf32, #tpu.memory_space<vmem>>, vector<16xf32>,
      %add3A_354 = arith.constant 32 : i32
      %add3A_355 = arith.addi %add3A_334, %add3A_354 : i32
      %get3A_356 = arith.index_cast %add3A_355 : i32 to index
      %get3A_357 = tpu.vector_load %arg6[%get3A_356] {strides = array<i32>} : memref<32768xf32, #tpu.memory_space<vmem>>, vector<16xf32>,
      %mul3A_358 = arith.mulf %get3A_353, %get3A_357 : vector<16xf32>
      %add3A_359 = arith.addf %add3A_349, %mul3A_358 : vector<16xf32>
      %add3A_360 = arith.constant 48 : i32
      %add3A_361 = arith.addi %add3A_334, %add3A_360 : i32
      %get3A_362 = arith.index_cast %add3A_361 : i32 to index
      %get3A_363 = tpu.vector_load %arg5[%get3A_362] {strides = array<i32>} : memref<32768xf32, #tpu.memory_space<vmem>>, vector<16xf32>,
      %add3A_364 = arith.constant 48 : i32
      %add3A_365 = arith.addi %add3A_334, %add3A_364 : i32
      %get3A_366 = arith.index_cast %add3A_365 : i32 to index
      %get3A_367 = tpu.vector_load %arg6[%get3A_366] {strides = array<i32>} : memref<32768xf32, #tpu.memory_space<vmem>>, vector<16xf32>,
      %mul3A_368 = arith.mulf %get3A_363, %get3A_367 : vector<16xf32>
      %add3A_369 = arith.addf %add3A_359, %mul3A_368 : vector<16xf32>
      %swap3A_370 = arith.constant 136 : index
      %swap3A_371 = tpu.vector_load %arg8[%swap3A_370] {strides = array<i32>} : memref<272xf32, #tpu.memory_space<vmem>>, vector<16xf32>,
      tpu.vector_store %arg8[%swap3A_370], %add3A_369 {strides = array<i32>} : memref<272xf32, #tpu.memory_space<vmem>>, vector<16xf32>,
      %add3A_372 = arith.constant 576 : i32
      %add3A_373 = arith.addi %mul3A_22, %add3A_372 : i32
      %get3A_374 = arith.index_cast %add3A_373 : i32 to index
      %get3A_375 = tpu.vector_load %arg5[%get3A_374] {strides = array<i32>} : memref<32768xf32, #tpu.memory_space<vmem>>, vector<16xf32>,
      %get3A_376 = arith.index_cast %add3A_373 : i32 to index
      %get3A_377 = tpu.vector_load %arg6[%get3A_376] {strides = array<i32>} : memref<32768xf32, #tpu.memory_space<vmem>>, vector<16xf32>,
      %mul3A_378 = arith.mulf %get3A_375, %get3A_377 : vector<16xf32>
      %add3A_379 = arith.constant 16 : i32
      %add3A_380 = arith.addi %add3A_373, %add3A_379 : i32
      %get3A_381 = arith.index_cast %add3A_380 : i32 to index
      %get3A_382 = tpu.vector_load %arg5[%get3A_381] {strides = array<i32>} : memref<32768xf32, #tpu.memory_space<vmem>>, vector<16xf32>,
      %add3A_383 = arith.constant 16 : i32
      %add3A_384 = arith.addi %add3A_373, %add3A_383 : i32
      %get3A_385 = arith.index_cast %add3A_384 : i32 to index
      %get3A_386 = tpu.vector_load %arg6[%get3A_385] {strides = array<i32>} : memref<32768xf32, #tpu.memory_space<vmem>>, vector<16xf32>,
      %mul3A_387 = arith.mulf %get3A_382, %get3A_386 : vector<16xf32>
      %add3A_388 = arith.addf %mul3A_378, %mul3A_387 : vector<16xf32>
      %add3A_389 = arith.constant 32 : i32
      %add3A_390 = arith.addi %add3A_373, %add3A_389 : i32
      %get3A_391 = arith.index_cast %add3A_390 : i32 to index
      %get3A_392 = tpu.vector_load %arg5[%get3A_391] {strides = array<i32>} : memref<32768xf32, #tpu.memory_space<vmem>>, vector<16xf32>,
      %add3A_393 = arith.constant 32 : i32
      %add3A_394 = arith.addi %add3A_373, %add3A_393 : i32
      %get3A_395 = arith.index_cast %add3A_394 : i32 to index
      %get3A_396 = tpu.vector_load %arg6[%get3A_395] {strides = array<i32>} : memref<32768xf32, #tpu.memory_space<vmem>>, vector<16xf32>,
      %mul3A_397 = arith.mulf %get3A_392, %get3A_396 : vector<16xf32>
      %add3A_398 = arith.addf %add3A_388, %mul3A_397 : vector<16xf32>
      %add3A_399 = arith.constant 48 : i32
      %add3A_400 = arith.addi %add3A_373, %add3A_399 : i32
      %get3A_401 = arith.index_cast %add3A_400 : i32 to index
      %get3A_402 = tpu.vector_load %arg5[%get3A_401] {strides = array<i32>} : memref<32768xf32, #tpu.memory_space<vmem>>, vector<16xf32>,
      %add3A_403 = arith.constant 48 : i32
      %add3A_404 = arith.addi %add3A_373, %add3A_403 : i32
      %get3A_405 = arith.index_cast %add3A_404 : i32 to index
      %get3A_406 = tpu.vector_load %arg6[%get3A_405] {strides = array<i32>} : memref<32768xf32, #tpu.memory_space<vmem>>, vector<16xf32>,
      %mul3A_407 = arith.mulf %get3A_402, %get3A_406 : vector<16xf32>
      %add3A_408 = arith.addf %add3A_398, %mul3A_407 : vector<16xf32>
      %swap3A_409 = arith.constant 153 : index
      %swap3A_410 = tpu.vector_load %arg8[%swap3A_409] {strides = array<i32>} : memref<272xf32, #tpu.memory_space<vmem>>, vector<16xf32>,
      tpu.vector_store %arg8[%swap3A_409], %add3A_408 {strides = array<i32>} : memref<272xf32, #tpu.memory_space<vmem>>, vector<16xf32>,
      %add3A_411 = arith.constant 640 : i32
      %add3A_412 = arith.addi %mul3A_22, %add3A_411 : i32
      %get3A_413 = arith.index_cast %add3A_412 : i32 to index
      %get3A_414 = tpu.vector_load %arg5[%get3A_413] {strides = array<i32>} : memref<32768xf32, #tpu.memory_space<vmem>>, vector<16xf32>,
      %get3A_415 = arith.index_cast %add3A_412 : i32 to index
      %get3A_416 = tpu.vector_load %arg6[%get3A_415] {strides = array<i32>} : memref<32768xf32, #tpu.memory_space<vmem>>, vector<16xf32>,
      %mul3A_417 = arith.mulf %get3A_414, %get3A_416 : vector<16xf32>
      %add3A_418 = arith.constant 16 : i32
      %add3A_419 = arith.addi %add3A_412, %add3A_418 : i32
      %get3A_420 = arith.index_cast %add3A_419 : i32 to index
      %get3A_421 = tpu.vector_load %arg5[%get3A_420] {strides = array<i32>} : memref<32768xf32, #tpu.memory_space<vmem>>, vector<16xf32>,
      %add3A_422 = arith.constant 16 : i32
      %add3A_423 = arith.addi %add3A_412, %add3A_422 : i32
      %get3A_424 = arith.index_cast %add3A_423 : i32 to index
      %get3A_425 = tpu.vector_load %arg6[%get3A_424] {strides = array<i32>} : memref<32768xf32, #tpu.memory_space<vmem>>, vector<16xf32>,
      %mul3A_426 = arith.mulf %get3A_421, %get3A_425 : vector<16xf32>
      %add3A_427 = arith.addf %mul3A_417, %mul3A_426 : vector<16xf32>
      %add3A_428 = arith.constant 32 : i32
      %add3A_429 = arith.addi %add3A_412, %add3A_428 : i32
      %get3A_430 = arith.index_cast %add3A_429 : i32 to index
      %get3A_431 = tpu.vector_load %arg5[%get3A_430] {strides = array<i32>} : memref<32768xf32, #tpu.memory_space<vmem>>, vector<16xf32>,
      %add3A_432 = arith.constant 32 : i32
      %add3A_433 = arith.addi %add3A_412, %add3A_432 : i32
      %get3A_434 = arith.index_cast %add3A_433 : i32 to index
      %get3A_435 = tpu.vector_load %arg6[%get3A_434] {strides = array<i32>} : memref<32768xf32, #tpu.memory_space<vmem>>, vector<16xf32>,
      %mul3A_436 = arith.mulf %get3A_431, %get3A_435 : vector<16xf32>
      %add3A_437 = arith.addf %add3A_427, %mul3A_436 : vector<16xf32>
      %add3A_438 = arith.constant 48 : i32
      %add3A_439 = arith.addi %add3A_412, %add3A_438 : i32
      %get3A_440 = arith.index_cast %add3A_439 : i32 to index
      %get3A_441 = tpu.vector_load %arg5[%get3A_440] {strides = array<i32>} : memref<32768xf32, #tpu.memory_space<vmem>>, vector<16xf32>,
      %add3A_442 = arith.constant 48 : i32
      %add3A_443 = arith.addi %add3A_412, %add3A_442 : i32
      %get3A_444 = arith.index_cast %add3A_443 : i32 to index
      %get3A_445 = tpu.vector_load %arg6[%get3A_444] {strides = array<i32>} : memref<32768xf32, #tpu.memory_space<vmem>>, vector<16xf32>,
      %mul3A_446 = arith.mulf %get3A_441, %get3A_445 : vector<16xf32>
      %add3A_447 = arith.addf %add3A_437, %mul3A_446 : vector<16xf32>
      %swap3A_448 = arith.constant 170 : index
      %swap3A_449 = tpu.vector_load %arg8[%swap3A_448] {strides = array<i32>} : memref<272xf32, #tpu.memory_space<vmem>>, vector<16xf32>,
      tpu.vector_store %arg8[%swap3A_448], %add3A_447 {strides = array<i32>} : memref<272xf32, #tpu.memory_space<vmem>>, vector<16xf32>,
      %add3A_450 = arith.constant 704 : i32
      %add3A_451 = arith.addi %mul3A_22, %add3A_450 : i32
      %get3A_452 = arith.index_cast %add3A_451 : i32 to index
      %get3A_453 = tpu.vector_load %arg5[%get3A_452] {strides = array<i32>} : memref<32768xf32, #tpu.memory_space<vmem>>, vector<16xf32>,
      %get3A_454 = arith.index_cast %add3A_451 : i32 to index
      %get3A_455 = tpu.vector_load %arg6[%get3A_454] {strides = array<i32>} : memref<32768xf32, #tpu.memory_space<vmem>>, vector<16xf32>,
      %mul3A_456 = arith.mulf %get3A_453, %get3A_455 : vector<16xf32>
      %add3A_457 = arith.constant 16 : i32
      %add3A_458 = arith.addi %add3A_451, %add3A_457 : i32
      %get3A_459 = arith.index_cast %add3A_458 : i32 to index
      %get3A_460 = tpu.vector_load %arg5[%get3A_459] {strides = array<i32>} : memref<32768xf32, #tpu.memory_space<vmem>>, vector<16xf32>,
      %add3A_461 = arith.constant 16 : i32
      %add3A_462 = arith.addi %add3A_451, %add3A_461 : i32
      %get3A_463 = arith.index_cast %add3A_462 : i32 to index
      %get3A_464 = tpu.vector_load %arg6[%get3A_463] {strides = array<i32>} : memref<32768xf32, #tpu.memory_space<vmem>>, vector<16xf32>,
      %mul3A_465 = arith.mulf %get3A_460, %get3A_464 : vector<16xf32>
      %add3A_466 = arith.addf %mul3A_456, %mul3A_465 : vector<16xf32>
      %add3A_467 = arith.constant 32 : i32
      %add3A_468 = arith.addi %add3A_451, %add3A_467 : i32
      %get3A_469 = arith.index_cast %add3A_468 : i32 to index
      %get3A_470 = tpu.vector_load %arg5[%get3A_469] {strides = array<i32>} : memref<32768xf32, #tpu.memory_space<vmem>>, vector<16xf32>,
      %add3A_471 = arith.constant 32 : i32
      %add3A_472 = arith.addi %add3A_451, %add3A_471 : i32
      %get3A_473 = arith.index_cast %add3A_472 : i32 to index
      %get3A_474 = tpu.vector_load %arg6[%get3A_473] {strides = array<i32>} : memref<32768xf32, #tpu.memory_space<vmem>>, vector<16xf32>,
      %mul3A_475 = arith.mulf %get3A_470, %get3A_474 : vector<16xf32>
      %add3A_476 = arith.addf %add3A_466, %mul3A_475 : vector<16xf32>
      %add3A_477 = arith.constant 48 : i32
      %add3A_478 = arith.addi %add3A_451, %add3A_477 : i32
      %get3A_479 = arith.index_cast %add3A_478 : i32 to index
      %get3A_480 = tpu.vector_load %arg5[%get3A_479] {strides = array<i32>} : memref<32768xf32, #tpu.memory_space<vmem>>, vector<16xf32>,
      %add3A_481 = arith.constant 48 : i32
      %add3A_482 = arith.addi %add3A_451, %add3A_481 : i32
      %get3A_483 = arith.index_cast %add3A_482 : i32 to index
      %get3A_484 = tpu.vector_load %arg6[%get3A_483] {strides = array<i32>} : memref<32768xf32, #tpu.memory_space<vmem>>, vector<16xf32>,
      %mul3A_485 = arith.mulf %get3A_480, %get3A_484 : vector<16xf32>
      %add3A_486 = arith.addf %add3A_476, %mul3A_485 : vector<16xf32>
      %swap3A_487 = arith.constant 187 : index
      %swap3A_488 = tpu.vector_load %arg8[%swap3A_487] {strides = array<i32>} : memref<272xf32, #tpu.memory_space<vmem>>, vector<16xf32>,
      tpu.vector_store %arg8[%swap3A_487], %add3A_486 {strides = array<i32>} : memref<272xf32, #tpu.memory_space<vmem>>, vector<16xf32>,
      %add3A_489 = arith.constant 768 : i32
      %add3A_490 = arith.addi %mul3A_22, %add3A_489 : i32
      %get3A_491 = arith.index_cast %add3A_490 : i32 to index
      %get3A_492 = tpu.vector_load %arg5[%get3A_491] {strides = array<i32>} : memref<32768xf32, #tpu.memory_space<vmem>>, vector<16xf32>,
      %get3A_493 = arith.index_cast %add3A_490 : i32 to index
      %get3A_494 = tpu.vector_load %arg6[%get3A_493] {strides = array<i32>} : memref<32768xf32, #tpu.memory_space<vmem>>, vector<16xf32>,
      %mul3A_495 = arith.mulf %get3A_492, %get3A_494 : vector<16xf32>
      %add3A_496 = arith.constant 16 : i32
      %add3A_497 = arith.addi %add3A_490, %add3A_496 : i32
      %get3A_498 = arith.index_cast %add3A_497 : i32 to index
      %get3A_499 = tpu.vector_load %arg5[%get3A_498] {strides = array<i32>} : memref<32768xf32, #tpu.memory_space<vmem>>, vector<16xf32>,
      %add3A_500 = arith.constant 16 : i32
      %add3A_501 = arith.addi %add3A_490, %add3A_500 : i32
      %get3A_502 = arith.index_cast %add3A_501 : i32 to index
      %get3A_503 = tpu.vector_load %arg6[%get3A_502] {strides = array<i32>} : memref<32768xf32, #tpu.memory_space<vmem>>, vector<16xf32>,
      %mul3A_504 = arith.mulf %get3A_499, %get3A_503 : vector<16xf32>
      %add3A_505 = arith.addf %mul3A_495, %mul3A_504 : vector<16xf32>
      %add3A_506 = arith.constant 32 : i32
      %add3A_507 = arith.addi %add3A_490, %add3A_506 : i32
      %get3A_508 = arith.index_cast %add3A_507 : i32 to index
      %get3A_509 = tpu.vector_load %arg5[%get3A_508] {strides = array<i32>} : memref<32768xf32, #tpu.memory_space<vmem>>, vector<16xf32>,
      %add3A_510 = arith.constant 32 : i32
      %add3A_511 = arith.addi %add3A_490, %add3A_510 : i32
      %get3A_512 = arith.index_cast %add3A_511 : i32 to index
      %get3A_513 = tpu.vector_load %arg6[%get3A_512] {strides = array<i32>} : memref<32768xf32, #tpu.memory_space<vmem>>, vector<16xf32>,
      %mul3A_514 = arith.mulf %get3A_509, %get3A_513 : vector<16xf32>
      %add3A_515 = arith.addf %add3A_505, %mul3A_514 : vector<16xf32>
      %add3A_516 = arith.constant 48 : i32
      %add3A_517 = arith.addi %add3A_490, %add3A_516 : i32
      %get3A_518 = arith.index_cast %add3A_517 : i32 to index
      %get3A_519 = tpu.vector_load %arg5[%get3A_518] {strides = array<i32>} : memref<32768xf32, #tpu.memory_space<vmem>>, vector<16xf32>,
      %add3A_520 = arith.constant 48 : i32
      %add3A_521 = arith.addi %add3A_490, %add3A_520 : i32
      %get3A_522 = arith.index_cast %add3A_521 : i32 to index
      %get3A_523 = tpu.vector_load %arg6[%get3A_522] {strides = array<i32>} : memref<32768xf32, #tpu.memory_space<vmem>>, vector<16xf32>,
      %mul3A_524 = arith.mulf %get3A_519, %get3A_523 : vector<16xf32>
      %add3A_525 = arith.addf %add3A_515, %mul3A_524 : vector<16xf32>
      %swap3A_526 = arith.constant 204 : index
      %swap3A_527 = tpu.vector_load %arg8[%swap3A_526] {strides = array<i32>} : memref<272xf32, #tpu.memory_space<vmem>>, vector<16xf32>,
      tpu.vector_store %arg8[%swap3A_526], %add3A_525 {strides = array<i32>} : memref<272xf32, #tpu.memory_space<vmem>>, vector<16xf32>,
      %add3A_528 = arith.constant 832 : i32
      %add3A_529 = arith.addi %mul3A_22, %add3A_528 : i32
      %get3A_530 = arith.index_cast %add3A_529 : i32 to index
      %get3A_531 = tpu.vector_load %arg5[%get3A_530] {strides = array<i32>} : memref<32768xf32, #tpu.memory_space<vmem>>, vector<16xf32>,
      %get3A_532 = arith.index_cast %add3A_529 : i32 to index
      %get3A_533 = tpu.vector_load %arg6[%get3A_532] {strides = array<i32>} : memref<32768xf32, #tpu.memory_space<vmem>>, vector<16xf32>,
      %mul3A_534 = arith.mulf %get3A_531, %get3A_533 : vector<16xf32>
      %add3A_535 = arith.constant 16 : i32
      %add3A_536 = arith.addi %add3A_529, %add3A_535 : i32
      %get3A_537 = arith.index_cast %add3A_536 : i32 to index
      %get3A_538 = tpu.vector_load %arg5[%get3A_537] {strides = array<i32>} : memref<32768xf32, #tpu.memory_space<vmem>>, vector<16xf32>,
      %add3A_539 = arith.constant 16 : i32
      %add3A_540 = arith.addi %add3A_529, %add3A_539 : i32
      %get3A_541 = arith.index_cast %add3A_540 : i32 to index
      %get3A_542 = tpu.vector_load %arg6[%get3A_541] {strides = array<i32>} : memref<32768xf32, #tpu.memory_space<vmem>>, vector<16xf32>,
      %mul3A_543 = arith.mulf %get3A_538, %get3A_542 : vector<16xf32>
      %add3A_544 = arith.addf %mul3A_534, %mul3A_543 : vector<16xf32>
      %add3A_545 = arith.constant 32 : i32
      %add3A_546 = arith.addi %add3A_529, %add3A_545 : i32
      %get3A_547 = arith.index_cast %add3A_546 : i32 to index
      %get3A_548 = tpu.vector_load %arg5[%get3A_547] {strides = array<i32>} : memref<32768xf32, #tpu.memory_space<vmem>>, vector<16xf32>,
      %add3A_549 = arith.constant 32 : i32
      %add3A_550 = arith.addi %add3A_529, %add3A_549 : i32
      %get3A_551 = arith.index_cast %add3A_550 : i32 to index
      %get3A_552 = tpu.vector_load %arg6[%get3A_551] {strides = array<i32>} : memref<32768xf32, #tpu.memory_space<vmem>>, vector<16xf32>,
      %mul3A_553 = arith.mulf %get3A_548, %get3A_552 : vector<16xf32>
      %add3A_554 = arith.addf %add3A_544, %mul3A_553 : vector<16xf32>
      %add3A_555 = arith.constant 48 : i32
      %add3A_556 = arith.addi %add3A_529, %add3A_555 : i32
      %get3A_557 = arith.index_cast %add3A_556 : i32 to index
      %get3A_558 = tpu.vector_load %arg5[%get3A_557] {strides = array<i32>} : memref<32768xf32, #tpu.memory_space<vmem>>, vector<16xf32>,
      %add3A_559 = arith.constant 48 : i32
      %add3A_560 = arith.addi %add3A_529, %add3A_559 : i32
      %get3A_561 = arith.index_cast %add3A_560 : i32 to index
      %get3A_562 = tpu.vector_load %arg6[%get3A_561] {strides = array<i32>} : memref<32768xf32, #tpu.memory_space<vmem>>, vector<16xf32>,
      %mul3A_563 = arith.mulf %get3A_558, %get3A_562 : vector<16xf32>
      %add3A_564 = arith.addf %add3A_554, %mul3A_563 : vector<16xf32>
      %swap3A_565 = arith.constant 221 : index
      %swap3A_566 = tpu.vector_load %arg8[%swap3A_565] {strides = array<i32>} : memref<272xf32, #tpu.memory_space<vmem>>, vector<16xf32>,
      tpu.vector_store %arg8[%swap3A_565], %add3A_564 {strides = array<i32>} : memref<272xf32, #tpu.memory_space<vmem>>, vector<16xf32>,
      %add3A_567 = arith.constant 896 : i32
      %add3A_568 = arith.addi %mul3A_22, %add3A_567 : i32
      %get3A_569 = arith.index_cast %add3A_568 : i32 to index
      %get3A_570 = tpu.vector_load %arg5[%get3A_569] {strides = array<i32>} : memref<32768xf32, #tpu.memory_space<vmem>>, vector<16xf32>,
      %get3A_571 = arith.index_cast %add3A_568 : i32 to index
      %get3A_572 = tpu.vector_load %arg6[%get3A_571] {strides = array<i32>} : memref<32768xf32, #tpu.memory_space<vmem>>, vector<16xf32>,
      %mul3A_573 = arith.mulf %get3A_570, %get3A_572 : vector<16xf32>
      %add3A_574 = arith.constant 16 : i32
      %add3A_575 = arith.addi %add3A_568, %add3A_574 : i32
      %get3A_576 = arith.index_cast %add3A_575 : i32 to index
      %get3A_577 = tpu.vector_load %arg5[%get3A_576] {strides = array<i32>} : memref<32768xf32, #tpu.memory_space<vmem>>, vector<16xf32>,
      %add3A_578 = arith.constant 16 : i32
      %add3A_579 = arith.addi %add3A_568, %add3A_578 : i32
      %get3A_580 = arith.index_cast %add3A_579 : i32 to index
      %get3A_581 = tpu.vector_load %arg6[%get3A_580] {strides = array<i32>} : memref<32768xf32, #tpu.memory_space<vmem>>, vector<16xf32>,
      %mul3A_582 = arith.mulf %get3A_577, %get3A_581 : vector<16xf32>
      %add3A_583 = arith.addf %mul3A_573, %mul3A_582 : vector<16xf32>
      %add3A_584 = arith.constant 32 : i32
      %add3A_585 = arith.addi %add3A_568, %add3A_584 : i32
      %get3A_586 = arith.index_cast %add3A_585 : i32 to index
      %get3A_587 = tpu.vector_load %arg5[%get3A_586] {strides = array<i32>} : memref<32768xf32, #tpu.memory_space<vmem>>, vector<16xf32>,
      %add3A_588 = arith.constant 32 : i32
      %add3A_589 = arith.addi %add3A_568, %add3A_588 : i32
      %get3A_590 = arith.index_cast %add3A_589 : i32 to index
      %get3A_591 = tpu.vector_load %arg6[%get3A_590] {strides = array<i32>} : memref<32768xf32, #tpu.memory_space<vmem>>, vector<16xf32>,
      %mul3A_592 = arith.mulf %get3A_587, %get3A_591 : vector<16xf32>
      %add3A_593 = arith.addf %add3A_583, %mul3A_592 : vector<16xf32>
      %add3A_594 = arith.constant 48 : i32
      %add3A_595 = arith.addi %add3A_568, %add3A_594 : i32
      %get3A_596 = arith.index_cast %add3A_595 : i32 to index
      %get3A_597 = tpu.vector_load %arg5[%get3A_596] {strides = array<i32>} : memref<32768xf32, #tpu.memory_space<vmem>>, vector<16xf32>,
      %add3A_598 = arith.constant 48 : i32
      %add3A_599 = arith.addi %add3A_568, %add3A_598 : i32
      %get3A_600 = arith.index_cast %add3A_599 : i32 to index
      %get3A_601 = tpu.vector_load %arg6[%get3A_600] {strides = array<i32>} : memref<32768xf32, #tpu.memory_space<vmem>>, vector<16xf32>,
      %mul3A_602 = arith.mulf %get3A_597, %get3A_601 : vector<16xf32>
      %add3A_603 = arith.addf %add3A_593, %mul3A_602 : vector<16xf32>
      %swap3A_604 = arith.constant 238 : index
      %swap3A_605 = tpu.vector_load %arg8[%swap3A_604] {strides = array<i32>} : memref<272xf32, #tpu.memory_space<vmem>>, vector<16xf32>,
      tpu.vector_store %arg8[%swap3A_604], %add3A_603 {strides = array<i32>} : memref<272xf32, #tpu.memory_space<vmem>>, vector<16xf32>,
      %add3A_606 = arith.constant 960 : i32
      %add3A_607 = arith.addi %mul3A_22, %add3A_606 : i32
      %get3A_608 = arith.index_cast %add3A_607 : i32 to index
      %get3A_609 = tpu.vector_load %arg5[%get3A_608] {strides = array<i32>} : memref<32768xf32, #tpu.memory_space<vmem>>, vector<16xf32>,
      %get3A_610 = arith.index_cast %add3A_607 : i32 to index
      %get3A_611 = tpu.vector_load %arg6[%get3A_610] {strides = array<i32>} : memref<32768xf32, #tpu.memory_space<vmem>>, vector<16xf32>,
      %mul3A_612 = arith.mulf %get3A_609, %get3A_611 : vector<16xf32>
      %add3A_613 = arith.constant 16 : i32
      %add3A_614 = arith.addi %add3A_607, %add3A_613 : i32
      %get3A_615 = arith.index_cast %add3A_614 : i32 to index
      %get3A_616 = tpu.vector_load %arg5[%get3A_615] {strides = array<i32>} : memref<32768xf32, #tpu.memory_space<vmem>>, vector<16xf32>,
      %add3A_617 = arith.constant 16 : i32
      %add3A_618 = arith.addi %add3A_607, %add3A_617 : i32
      %get3A_619 = arith.index_cast %add3A_618 : i32 to index
      %get3A_620 = tpu.vector_load %arg6[%get3A_619] {strides = array<i32>} : memref<32768xf32, #tpu.memory_space<vmem>>, vector<16xf32>,
      %mul3A_621 = arith.mulf %get3A_616, %get3A_620 : vector<16xf32>
      %add3A_622 = arith.addf %mul3A_612, %mul3A_621 : vector<16xf32>
      %add3A_623 = arith.constant 32 : i32
      %add3A_624 = arith.addi %add3A_607, %add3A_623 : i32
      %get3A_625 = arith.index_cast %add3A_624 : i32 to index
      %get3A_626 = tpu.vector_load %arg5[%get3A_625] {strides = array<i32>} : memref<32768xf32, #tpu.memory_space<vmem>>, vector<16xf32>,
      %add3A_627 = arith.constant 32 : i32
      %add3A_628 = arith.addi %add3A_607, %add3A_627 : i32
      %get3A_629 = arith.index_cast %add3A_628 : i32 to index
      %get3A_630 = tpu.vector_load %arg6[%get3A_629] {strides = array<i32>} : memref<32768xf32, #tpu.memory_space<vmem>>, vector<16xf32>,
      %mul3A_631 = arith.mulf %get3A_626, %get3A_630 : vector<16xf32>
      %add3A_632 = arith.addf %add3A_622, %mul3A_631 : vector<16xf32>
      %add3A_633 = arith.constant 48 : i32
      %add3A_634 = arith.addi %add3A_607, %add3A_633 : i32
      %get3A_635 = arith.index_cast %add3A_634 : i32 to index
      %get3A_636 = tpu.vector_load %arg5[%get3A_635] {strides = array<i32>} : memref<32768xf32, #tpu.memory_space<vmem>>, vector<16xf32>,
      %add3A_637 = arith.constant 48 : i32
      %add3A_638 = arith.addi %add3A_607, %add3A_637 : i32
      %get3A_639 = arith.index_cast %add3A_638 : i32 to index
      %get3A_640 = tpu.vector_load %arg6[%get3A_639] {strides = array<i32>} : memref<32768xf32, #tpu.memory_space<vmem>>, vector<16xf32>,
      %mul3A_641 = arith.mulf %get3A_636, %get3A_640 : vector<16xf32>
      %add3A_642 = arith.addf %add3A_632, %mul3A_641 : vector<16xf32>
      %swap3A_643 = arith.constant 255 : index
      %swap3A_644 = tpu.vector_load %arg8[%swap3A_643] {strides = array<i32>} : memref<272xf32, #tpu.memory_space<vmem>>, vector<16xf32>,
      tpu.vector_store %arg8[%swap3A_643], %add3A_642 {strides = array<i32>} : memref<272xf32, #tpu.memory_space<vmem>>, vector<16xf32>,
      %mul3A_645 = arith.constant 17 : i32
      %mul3A_646 = vector.broadcast %mul3A_645 : i32 to vector<16xi32>
      %mul3A_647 = arith.muli %iota3A, %mul3A_646 : vector<16xi32>
      %gather3A = tpu.vector_load_idx %arg8[%mul3A_647] : memref<272xf32, #tpu.memory_space<vmem>>[vector<16xi32>], vector<16xf32>,
      %mul3A_648 = arith.constant 17 : i32
      %mul3A_649 = vector.broadcast %mul3A_648 : i32 to vector<16xi32>
      %mul3A_650 = arith.muli %iota3A, %mul3A_649 : vector<16xi32>
      %add3A_651 = arith.constant 1 : i32
      %add3A_652 = vector.broadcast %add3A_651 : i32 to vector<16xi32>
      %add3A_653 = arith.addi %mul3A_650, %add3A_652 : vector<16xi32>
      %gather3A_654 = tpu.vector_load_idx %arg8[%add3A_653] : memref<272xf32, #tpu.memory_space<vmem>>[vector<16xi32>], vector<16xf32>,
      %add3A_655 = arith.addf %gather3A, %gather3A_654 : vector<16xf32>
      %mul3A_656 = arith.constant 17 : i32
      %mul3A_657 = vector.broadcast %mul3A_656 : i32 to vector<16xi32>
      %mul3A_658 = arith.muli %iota3A, %mul3A_657 : vector<16xi32>
      %add3A_659 = arith.constant 2 : i32
      %add3A_660 = vector.broadcast %add3A_659 : i32 to vector<16xi32>
      %add3A_661 = arith.addi %mul3A_658, %add3A_660 : vector<16xi32>
      %gather3A_662 = tpu.vector_load_idx %arg8[%add3A_661] : memref<272xf32, #tpu.memory_space<vmem>>[vector<16xi32>], vector<16xf32>,
      %add3A_663 = arith.addf %add3A_655, %gather3A_662 : vector<16xf32>
      %mul3A_664 = arith.constant 17 : i32
      %mul3A_665 = vector.broadcast %mul3A_664 : i32 to vector<16xi32>
      %mul3A_666 = arith.muli %iota3A, %mul3A_665 : vector<16xi32>
      %add3A_667 = arith.constant 3 : i32
      %add3A_668 = vector.broadcast %add3A_667 : i32 to vector<16xi32>
      %add3A_669 = arith.addi %mul3A_666, %add3A_668 : vector<16xi32>
      %gather3A_670 = tpu.vector_load_idx %arg8[%add3A_669] : memref<272xf32, #tpu.memory_space<vmem>>[vector<16xi32>], vector<16xf32>,
      %add3A_671 = arith.addf %add3A_663, %gather3A_670 : vector<16xf32>
      %mul3A_672 = arith.constant 17 : i32
      %mul3A_673 = vector.broadcast %mul3A_672 : i32 to vector<16xi32>
      %mul3A_674 = arith.muli %iota3A, %mul3A_673 : vector<16xi32>
      %add3A_675 = arith.constant 4 : i32
      %add3A_676 = vector.broadcast %add3A_675 : i32 to vector<16xi32>
      %add3A_677 = arith.addi %mul3A_674, %add3A_676 : vector<16xi32>
      %gather3A_678 = tpu.vector_load_idx %arg8[%add3A_677] : memref<272xf32, #tpu.memory_space<vmem>>[vector<16xi32>], vector<16xf32>,
      %add3A_679 = arith.addf %add3A_671, %gather3A_678 : vector<16xf32>
      %mul3A_680 = arith.constant 17 : i32
      %mul3A_681 = vector.broadcast %mul3A_680 : i32 to vector<16xi32>
      %mul3A_682 = arith.muli %iota3A, %mul3A_681 : vector<16xi32>
      %add3A_683 = arith.constant 5 : i32
      %add3A_684 = vector.broadcast %add3A_683 : i32 to vector<16xi32>
      %add3A_685 = arith.addi %mul3A_682, %add3A_684 : vector<16xi32>
      %gather3A_686 = tpu.vector_load_idx %arg8[%add3A_685] : memref<272xf32, #tpu.memory_space<vmem>>[vector<16xi32>], vector<16xf32>,
      %add3A_687 = arith.addf %add3A_679, %gather3A_686 : vector<16xf32>
      %mul3A_688 = arith.constant 17 : i32
      %mul3A_689 = vector.broadcast %mul3A_688 : i32 to vector<16xi32>
      %mul3A_690 = arith.muli %iota3A, %mul3A_689 : vector<16xi32>
      %add3A_691 = arith.constant 6 : i32
      %add3A_692 = vector.broadcast %add3A_691 : i32 to vector<16xi32>
      %add3A_693 = arith.addi %mul3A_690, %add3A_692 : vector<16xi32>
      %gather3A_694 = tpu.vector_load_idx %arg8[%add3A_693] : memref<272xf32, #tpu.memory_space<vmem>>[vector<16xi32>], vector<16xf32>,
      %add3A_695 = arith.addf %add3A_687, %gather3A_694 : vector<16xf32>
      %mul3A_696 = arith.constant 17 : i32
      %mul3A_697 = vector.broadcast %mul3A_696 : i32 to vector<16xi32>
      %mul3A_698 = arith.muli %iota3A, %mul3A_697 : vector<16xi32>
      %add3A_699 = arith.constant 7 : i32
      %add3A_700 = vector.broadcast %add3A_699 : i32 to vector<16xi32>
      %add3A_701 = arith.addi %mul3A_698, %add3A_700 : vector<16xi32>
      %gather3A_702 = tpu.vector_load_idx %arg8[%add3A_701] : memref<272xf32, #tpu.memory_space<vmem>>[vector<16xi32>], vector<16xf32>,
      %add3A_703 = arith.addf %add3A_695, %gather3A_702 : vector<16xf32>
      %mul3A_704 = arith.constant 17 : i32
      %mul3A_705 = vector.broadcast %mul3A_704 : i32 to vector<16xi32>
      %mul3A_706 = arith.muli %iota3A, %mul3A_705 : vector<16xi32>
      %add3A_707 = arith.constant 8 : i32
      %add3A_708 = vector.broadcast %add3A_707 : i32 to vector<16xi32>
      %add3A_709 = arith.addi %mul3A_706, %add3A_708 : vector<16xi32>
      %gather3A_710 = tpu.vector_load_idx %arg8[%add3A_709] : memref<272xf32, #tpu.memory_space<vmem>>[vector<16xi32>], vector<16xf32>,
      %add3A_711 = arith.addf %add3A_703, %gather3A_710 : vector<16xf32>
      %mul3A_712 = arith.constant 17 : i32
      %mul3A_713 = vector.broadcast %mul3A_712 : i32 to vector<16xi32>
      %mul3A_714 = arith.muli %iota3A, %mul3A_713 : vector<16xi32>
      %add3A_715 = arith.constant 9 : i32
      %add3A_716 = vector.broadcast %add3A_715 : i32 to vector<16xi32>
      %add3A_717 = arith.addi %mul3A_714, %add3A_716 : vector<16xi32>
      %gather3A_718 = tpu.vector_load_idx %arg8[%add3A_717] : memref<272xf32, #tpu.memory_space<vmem>>[vector<16xi32>], vector<16xf32>,
      %add3A_719 = arith.addf %add3A_711, %gather3A_718 : vector<16xf32>
      %mul3A_720 = arith.constant 17 : i32
      %mul3A_721 = vector.broadcast %mul3A_720 : i32 to vector<16xi32>
      %mul3A_722 = arith.muli %iota3A, %mul3A_721 : vector<16xi32>
      %add3A_723 = arith.constant 10 : i32
      %add3A_724 = vector.broadcast %add3A_723 : i32 to vector<16xi32>
      %add3A_725 = arith.addi %mul3A_722, %add3A_724 : vector<16xi32>
      %gather3A_726 = tpu.vector_load_idx %arg8[%add3A_725] : memref<272xf32, #tpu.memory_space<vmem>>[vector<16xi32>], vector<16xf32>,
      %add3A_727 = arith.addf %add3A_719, %gather3A_726 : vector<16xf32>
      %mul3A_728 = arith.constant 17 : i32
      %mul3A_729 = vector.broadcast %mul3A_728 : i32 to vector<16xi32>
      %mul3A_730 = arith.muli %iota3A, %mul3A_729 : vector<16xi32>
      %add3A_731 = arith.constant 11 : i32
      %add3A_732 = vector.broadcast %add3A_731 : i32 to vector<16xi32>
      %add3A_733 = arith.addi %mul3A_730, %add3A_732 : vector<16xi32>
      %gather3A_734 = tpu.vector_load_idx %arg8[%add3A_733] : memref<272xf32, #tpu.memory_space<vmem>>[vector<16xi32>], vector<16xf32>,
      %add3A_735 = arith.addf %add3A_727, %gather3A_734 : vector<16xf32>
      %mul3A_736 = arith.constant 17 : i32
      %mul3A_737 = vector.broadcast %mul3A_736 : i32 to vector<16xi32>
      %mul3A_738 = arith.muli %iota3A, %mul3A_737 : vector<16xi32>
      %add3A_739 = arith.constant 12 : i32
      %add3A_740 = vector.broadcast %add3A_739 : i32 to vector<16xi32>
      %add3A_741 = arith.addi %mul3A_738, %add3A_740 : vector<16xi32>
      %gather3A_742 = tpu.vector_load_idx %arg8[%add3A_741] : memref<272xf32, #tpu.memory_space<vmem>>[vector<16xi32>], vector<16xf32>,
      %add3A_743 = arith.addf %add3A_735, %gather3A_742 : vector<16xf32>
      %mul3A_744 = arith.constant 17 : i32
      %mul3A_745 = vector.broadcast %mul3A_744 : i32 to vector<16xi32>
      %mul3A_746 = arith.muli %iota3A, %mul3A_745 : vector<16xi32>
      %add3A_747 = arith.constant 13 : i32
      %add3A_748 = vector.broadcast %add3A_747 : i32 to vector<16xi32>
      %add3A_749 = arith.addi %mul3A_746, %add3A_748 : vector<16xi32>
      %gather3A_750 = tpu.vector_load_idx %arg8[%add3A_749] : memref<272xf32, #tpu.memory_space<vmem>>[vector<16xi32>], vector<16xf32>,
      %add3A_751 = arith.addf %add3A_743, %gather3A_750 : vector<16xf32>
      %mul3A_752 = arith.constant 17 : i32
      %mul3A_753 = vector.broadcast %mul3A_752 : i32 to vector<16xi32>
      %mul3A_754 = arith.muli %iota3A, %mul3A_753 : vector<16xi32>
      %add3A_755 = arith.constant 14 : i32
      %add3A_756 = vector.broadcast %add3A_755 : i32 to vector<16xi32>
      %add3A_757 = arith.addi %mul3A_754, %add3A_756 : vector<16xi32>
      %gather3A_758 = tpu.vector_load_idx %arg8[%add3A_757] : memref<272xf32, #tpu.memory_space<vmem>>[vector<16xi32>], vector<16xf32>,
      %add3A_759 = arith.addf %add3A_751, %gather3A_758 : vector<16xf32>
      %mul3A_760 = arith.constant 17 : i32
      %mul3A_761 = vector.broadcast %mul3A_760 : i32 to vector<16xi32>
      %mul3A_762 = arith.muli %iota3A, %mul3A_761 : vector<16xi32>
      %add3A_763 = arith.constant 15 : i32
      %add3A_764 = vector.broadcast %add3A_763 : i32 to vector<16xi32>
      %add3A_765 = arith.addi %mul3A_762, %add3A_764 : vector<16xi32>
      %gather3A_766 = tpu.vector_load_idx %arg8[%add3A_765] : memref<272xf32, #tpu.memory_space<vmem>>[vector<16xi32>], vector<16xf32>,
      %add3A_767 = arith.addf %add3A_759, %gather3A_766 : vector<16xf32>
      %mul3A_768 = arith.constant 16 : i32
      %mul3A_769 = arith.muli %scan3A_18, %mul3A_768 : i32
      %swap3A_770 = arith.index_cast %mul3A_769 : i32 to index
      %swap3A_771 = tpu.vector_load %arg7[%swap3A_770] {strides = array<i32>} : memref<512xf32, #tpu.memory_space<vmem>>, vector<16xf32>,
      tpu.vector_store %arg7[%swap3A_770], %add3A_767 {strides = array<i32>} : memref<512xf32, #tpu.memory_space<vmem>>, vector<16xf32>,
    }
    %scan3A_17 = arith.constant 32 : i32
    "tpu.region"() ({
      %run_scoped3A = tpu.sem_alloc : memref<!tpu.dma_semaphore, #tpu.memory_space<semaphore_mem>>
      %dma_start3A_18 = tpu.memref_slice %arg4[%mul3A_2] : memref<16384xf32, #tpu.memory_space<hbm>> -> memref<512xf32, #tpu.memory_space<hbm>>
      %dma_start3A_19 = tpu.memref_slice %arg4[%mul3A_2] : memref<16384xf32, #tpu.memory_space<hbm>> -> memref<512xf32, #tpu.memory_space<hbm>>
      tpu.enqueue_dma source(%arg7 : memref<512xf32, #tpu.memory_space<vmem>>) target(%dma_start3A_19 : memref<512xf32, #tpu.memory_space<hbm>>) target_semaphore(%run_scoped3A : memref<!tpu.dma_semaphore, #tpu.memory_space<semaphore_mem>>)
      %dma_wait3A_20 = tpu.memref_slice %arg4[%mul3A_2] : memref<16384xf32, #tpu.memory_space<hbm>> -> memref<512xf32, #tpu.memory_space<hbm>>
      %dma_wait3A_21 = tpu.memref_slice %arg4[%mul3A_2] : memref<16384xf32, #tpu.memory_space<hbm>> -> memref<512xf32, #tpu.memory_space<hbm>>
      tpu.wait_dma2 semaphore(%run_scoped3A : memref<!tpu.dma_semaphore, #tpu.memory_space<semaphore_mem>>) src(%arg7 : memref<512xf32, #tpu.memory_space<vmem>>) dst(%dma_wait3A_21 : memref<512xf32, #tpu.memory_space<hbm>>)
      tpu.yield
    }) : () -> ()
    return
  }
}

</mosaic_0001>

<sc_bundles>
// kernel: kernel.11.cloned.1.call-start
scs
__scs_entry_jumppad:
0x0: {  	(pc) =	sbr.rel $0x88, $3  }
0x1: {  	(tag) =	ssettag $0x0;
	lr =	simm.s32 $0x1  }
0x2: {  	[smem:$0x3F9D] =	sst lr;
	_ =	strace $0xD0000000  }
0x3: {  	_ = 	snop  }
0x4: {  	_ = 	snop  }
0x5: {  	_ = 	snop  }
0x6: {  	_ = 	snop  }
0x7: {  	_ = 	snop  }
__scs_overlays_trampoline_lowered:
0x8: {  	[smem:$0x3FAC] =	sst s0  }
0x9: {  	[smem:$0x3FAD] =	sst s1  }
0xa: {  	[smem:$0x3FAE] =	sst s2  }
0xb: {  	[smem:$0x3FAF] =	sst s3  }
0xc: {  	[smem:$0x3FB0] =	sst s4  }
0xd: {  	[smem:$0x3FB1] =	sst s5  }
0xe: {  	[smem:$0x3FB2] =	sst s6  }
0xf: {  	[smem:$0x3FB3] =	sst s7  }
0x10: {  	[smem:$0x3FB4] =	sst s8  }
0x11: {  	[smem:$0x3FB5] =	sst s9;
	s0 =	simm.s32 @!p0 $0x0  }
0x12: {  	s1 =	sld [smem:$0x3F9B];
	s0 =	simm.s32 @p0 $0x1  }
0x13: {  	[smem:$0x3FB6] =	sst s0;
	s0 =	simm.s32 @!p1 $0x0  }
0x14: {  	s2 =	sld [smem:$0x3F9A];
	s0 =	simm.s32 @p1 $0x1  }
0x15: {  	[smem:$0x3FB7] =	sst s0;
	s0 =	simm.s32 @!p2 $0x0  }
0x16: {  	s3 =	sld [smem:$0x3FDB];
	s0 =	simm.s32 @p2 $0x1  }
0x17: {  	s4 =	simm.s32 $0x1BF5;
	[smem:$0x3FB9] =	sst s0  }
0x18: {  	s0 =	sld [smem:$0x3F9C];
	_ =	swait.ge [sflag:s4], $0x0  }
0x19: {  	s7 =	sld [smem:$0x3F9D]  }
0x1a: {  	s8 =	sadd.s32 $0xFFFFE003, lr  }
0x1b: {  	s9 =	sadd.s32 $0xFFFFFEF7, lr;
	s5 =	simm.s32 $0xFFFFFFFF;
	p2 =	slt.u32 s8, $0xFFFFF086  }
0x1c: {  	p1 =	slt.u32 s9, $0xF7A;
	s5 =	simm.s32 @!p2 $0x0  }
0x1d: {  	s5 =	simm.s32 @p1 $0x1;
	p0 =	seq.s32 s7, s2  }
0x1e: {  	s7 =	smul.u32 @!p0 $0xF7A, s2;
	p2 =	seq.s32 @!p0 s5, $0x0  }
0x1f: {  	s9 =	smul.u32 $0xF7A, s1;
	s8 =	simm.s32 @!p0 $0x1BF5;
	p2 =	por !p2, p0  }
0x20: {  	[sflag:s8] =	ssyncset.s32 @!p0 $0xFFFFF086;
	s6 =	sadd.s32 @!p0 s3, s7;
	s7 =	simm.s32 @!p0 $0x108  }
0x21: {  	s3 =	sadd.s32 s3, s9;
	s6 =	sadd.s32 @!p0 $0x88, s6;
	s7 =	simm.s32 @p2 $0x1082  }
0x22: {  	[simem:s7], [sflag:s8] =	dma.local @!p0 [hbm:s6], $0xF7A  }
0x23: {  	s9 =	sor.u32 $0xD0000000, s2;
	s6 =	simm.s32 $0x108;
	_ =	swait.ge @!p0 [sflag:s8], $0x0  }
0x24: {  	s3 =	sadd.s32 $0x88, s3;
	s6 =	simm.s32 @!p1 $0x1082;
	[sflag:s4] =	ssyncset.s32 $0xFFFFF086  }
0x25: {  	[simem:s6], [sflag:s4] =	dma.local [hbm:s3], $0xF7A  }
0x26: {  	[smem:$0x3F9D] =	sst s1;
	(tag) =	ssettag s2;
	_ =	strace s9  }
0x27: {  	s1 =	sld [smem:$0x3FAD]  }
0x28: {  	s2 =	sld [smem:$0x3FAE]  }
0x29: {  	s4 =	sld [smem:$0x3FB0]  }
0x2a: {  	p0 =	seq.s32 s5, $0x0;
	s5 =	sld [smem:$0x3FB1]  }
0x2b: {  	s6 =	sld [smem:$0x3FB2]  }
0x2c: {  	s7 =	sld [smem:$0x3FB3]  }
0x2d: {  	s3 =	simm.s32 $0x108;
	s8 =	sld [smem:$0x3FB4]  }
0x2e: {  	s3 =	simm.s32 @!p0 $0x1082;
	s9 =	sld [smem:$0x3FB5]  }
0x2f: {  	lr =	sadd.s32 s0, s3;
	s0 =	sld [smem:$0x3FAC]  }
0x30: {  	s3 =	sld [smem:$0x3FAF]  }
0x31: {  	[smem:$0x3FB8] =	sst s10  }
0x32: {  	s10 =	sld [smem:$0x3FB6];
	_ =	sdelay $0x3  }
0x33: {  	p0 =	seq.s32 s10, $0x1;
	s10 =	sld [smem:$0x3FB8];
	_ =	sdelay $0x3  }
0x34: {  	[smem:$0x3FB8] =	sst s10  }
0x35: {  	s10 =	sld [smem:$0x3FB7];
	_ =	sdelay $0x3  }
0x36: {  	p1 =	seq.s32 s10, $0x1;
	s10 =	sld [smem:$0x3FB8];
	_ =	sdelay $0x3  }
0x37: {  	[smem:$0x3FB8] =	sst s10  }
0x38: {  	s10 =	sld [smem:$0x3FB9]  }
0x39: {  	_ = 	snop;
	(pc) =	sbr.ind lr, $3  }
0x3a: {  	_ = 	snop  }
0x3b: {  	_ = 	snop  }
0x3c: {  	p2 =	seq.s32 s10, $0x1;
	s10 =	sld [smem:$0x3FB8]  }
0x3d: {  	_ =	shalt  }
0x3e: {  	_ =	shalt  }
0x3f: {  	_ =	shalt  }
0x40: {  	_ =	shalt  }
0x41: {  	_ =	shalt  }
0x42: {  	_ =	shalt  }
0x43: {  	_ =	shalt  }
0x44: {  	_ =	shalt  }
0x45: {  	_ =	shalt  }
0x46: {  	_ =	shalt  }
0x47: {  	_ =	shalt  }
0x48: {  	_ =	shalt  }
0x49: {  	_ =	shalt  }
0x4a: {  	_ =	shalt  }
0x4b: {  	_ =	shalt  }
0x4c: {  	_ =	shalt  }
0x4d: {  	_ =	shalt  }
0x4e: {  	_ =	shalt  }
0x4f: {  	_ =	shalt  }
0x50: {  	_ =	shalt  }
0x51: {  	_ =	shalt  }
0x52: {  	_ =	shalt  }
0x53: {  	_ =	shalt  }
0x54: {  	_ =	shalt  }
0x55: {  	_ =	shalt  }
0x56: {  	_ =	shalt  }
0x57: {  	_ =	shalt  }
0x58: {  	_ =	shalt  }
0x59: {  	_ =	shalt  }
0x5a: {  	_ =	shalt  }
0x5b: {  	_ =	shalt  }
0x5c: {  	_ =	shalt  }
0x5d: {  	_ =	shalt  }
0x5e: {  	_ =	shalt  }
0x5f: {  	_ =	shalt  }
0x60: {  	_ =	shalt  }
0x61: {  	_ =	shalt  }
0x62: {  	_ =	shalt  }
0x63: {  	_ =	shalt  }
0x64: {  	_ =	shalt  }
0x65: {  	_ =	shalt  }
0x66: {  	_ =	shalt  }
0x67: {  	_ =	shalt  }
0x68: {  	_ =	shalt  }
0x69: {  	_ =	shalt  }
0x6a: {  	_ =	shalt  }
0x6b: {  	_ =	shalt  }
0x6c: {  	_ =	shalt  }
0x6d: {  	_ =	shalt  }
0x6e: {  	_ =	shalt  }
0x6f: {  	_ =	shalt  }
0x70: {  	_ =	shalt  }
0x71: {  	_ =	shalt  }
0x72: {  	_ =	shalt  }
0x73: {  	_ =	shalt  }
0x74: {  	_ =	shalt  }
0x75: {  	_ =	shalt  }
0x76: {  	_ =	shalt  }
0x77: {  	_ =	shalt  }
0x78: {  	_ =	shalt  }
0x79: {  	_ =	shalt  }
0x7a: {  	_ =	shalt  }
0x7b: {  	_ =	shalt  }
0x7c: {  	_ =	shalt  }
0x7d: {  	_ =	shalt  }
0x7e: {  	_ =	shalt  }
0x7f: {  	_ =	shalt  }
0x80: {  	_ =	shalt  }
0x81: {  	_ =	shalt  }
0x82: {  	_ =	shalt  }
0x83: {  	_ =	shalt  }
0x84: {  	_ =	shalt  }
0x85: {  	_ =	shalt  }
0x86: {  	_ =	shalt  }
0x87: {  	_ =	shalt  }
.Lfunc_end0:
.L_simem_size_0:
called_computation.2_lowered:
.L_overlay_start_0:
0x88: {  	s2 =	sld [smem:$0x3FD9]  }
0x89: {  	s3 =	sld [smem:$0x3FFE];
	_ =	sdelay $0x1  }
0x8a: {  	s1 =	srdreg.scid  }
0x8b: {  	s0 =	sand.u32 $0x1, s1  }
0x8c: {  	s17 =	sshll.u32 s0, $0xA;
	s2 =	sadd.s32 s3, s2  }
0x8d: {  	s2 =	sadd.s32 s2, s17  }
0x8e: {  	[smem:$0x3FC4] =	sst s2  }
0x8f: {  	_ = 	snop  }
0x90: {  	s2 =	sld [smem:$0x3FD0];
	(tm) =	ssettm $0x1  }
0x91: {  	s18 =	sld [smem:$0x3FFB];
	_ =	sdelay $0x3  }
0x92: {  	_ =	strace s18  }
0x93: {  	s3 =	sld [smem:$0x3FFC];
	_ =	sdelay $0x3  }
0x94: {  	_ =	strace s3  }
0x95: {  	s3 =	sld [smem:$0x3FFD];
	_ =	sdelay $0x3  }
0x96: {  	_ =	strace s3  }
0x97: {  	_ =	strace $0x8FFFFFFF  }
0x98: {  	s19 =	sld [smem:$0x3FDB];
	_ =	sdelay $0x1  }
0x99: {  	s4 =	simm.s32 $_scs_section_size  }
0x9a: {  	s5 =	simm.s32 $_size__tile_overlayer_lowered;
	s6 =	simm.s32 $_tile_overlayer_lowered  }
0x9b: {  	s22 =	simm.s32 $0x1BFF;
	s21 =	sshll.u32 s6, $0x1;
	s3 =	sadd.s32 s4, s19  }
0x9c: {  	s7 =	simm.s32 $0x0;
	s20 =	sshll.u32 s5, $0x1;
	s5 =	sadd.s32 s21, s3  }
0x9d: {  	[timem:s7], [sflag:s22] =	dma.local [hbm:s5], s20  }
0x9e: {  	_ =	swait.ge [sflag:s22], s20  }
0x9f: {  	s4 =	ssub.s32 $0x0, s20;
	[sflag:s22] =	ssyncset.done $0x0  }
0xa0: {  	[sflag:s22] =	ssyncadd.s32 s4;
	_ =	sdelay $0x1  }
0xa1: {  	s23 =	simm.s32 $0x1B8B  }
0xa2: {  	_ =	swait.ge [sflag:s23], $0x1  }
0xa3: {  	[sflag:s23] =	ssyncset.done $0x0  }
0xa4: {  	s25 =	simm.s32 $0x1B8E;
	s24 =	sld [smem:$0x3FFE];
	[sflag:s23] =	ssyncadd.s32 $0xFFFFFFFF  }
0xa5: {  	s26 =	simm.s32 $execute0_lowered;
	[smem:$0x3FD2] =	sst s25  }
0xa6: {  	s5 =	sshll.u32 s26, $0x1;
	_ =	strace $0x8000004C;
	[dreg:$0x1] =	wrdreg $0xFFFFFFFF  }
0xa7: {  	s28 =	simm.s32 $_size_execute0_lowered;
	s3 =	sadd.s32 s3, s5;
	[dreg:$0x0] =	wrdreg $0x0  }
0xa8: {  	s5 =	sshll.u32 s28, $0x1;
	[dreg:$0x2] =	wrdreg s3  }
0xa9: {  	[dreg:$0x3] =	wrdreg s5  }
0xaa: {  	[dreg:$0x4] =	wrdreg $0xC0  }
0xab: {  	_ =	task [dreg:s7], $0x5FFFF  }
0xac: {  	[dreg:$0x1] =	wrdreg $0xFFFFFFFF  }
0xad: {  	[dreg:$0x0] =	wrdreg $0x60  }
0xae: {  	[dreg:$0x2] =	wrdreg s24  }
0xaf: {  	[dreg:$0x3] =	wrdreg s2  }
0xb0: {  	[dreg:$0x4] =	wrdreg $0x9  }
0xb1: {  	_ =	task.clear_ibuf [dreg:s7], $0x5FFFF;
	_ =	strace $0x9000004C  }
0xb2: {  	s29 =	simm.s32 $0x9;
	_ =	strace $0x8000004E  }
0xb3: {  	_ =	swait.ge [sflag:s29], $0x1  }
0xb4: {  	[sflag:s29] =	ssyncadd.s32 $0xFFFFFFFF  }
0xb5: {  	_ =	strace $0x9000004E  }
0xb6: {  	_ =	sfence  }
0xb7: {  	s30 =	sld [smem:$0x0];
	_ =	sdelay $0x2  }
0xb8: {  	s31 =	sshll.u32 s1, $0xD;
	s1 =	sshrl.u32 s1, $0x2  }
0xb9: {  	s3 =	sand.u32 $0x4000, s31;
	s1 =	sadd.s32 s1, s30  }
0xba: {  	s0 =	sor.u32 s3, s0;
	s1 =	sshll.u32 s1, $0x11  }
0xbb: {  	s0 =	sor.u32 s1, s0  }
0xbc: {  	s0 =	sadd.s32 $0x8F2B, s0  }
0xbd: {  	[sflag:s0] =	ssyncadd.remote.s32 $0x1  }
0xbe: {  	_ =	sfence.sel $0xFFFF  }
0xbf: {  	[dreg:$0x0] =	wrdreg $0xFFFFFFFF;
	(pc) =	sbr.abs _section_cstart, $3  }
0xc0: {  	[dreg:$0x1] =	wrdreg $0xFFFFFFFF  }
0xc1: {  	_ =	task.clear_ibuf [dreg:s7], $0x2FFFF;
	_ =	strace $0x9FFFFFFF  }
0xc2: {  	(tm) =	ssettm $0x7FFFFFFF  }
0xc3: {  	_ =	shalt  }
tec
execute0_lowered:
.L_overlay_start_1:
0x0: {  	(tag) =	ssettag $0x1  }
0x1: {  	s3 =	rddreg [dreg:$0x0]  }
0x2: {  	s1 =	srdreg.scid;
	s0 =	stileid.u32  }
0x3: {  	s5 =	rddreg [dreg:$0x1];
	v0 =	vlaneseq.u32;
	s2 =	simm.s32 $0x0;
	s9 =	simm.s32 $0x10200  }
0x4: {  	s10 =	simm.s32 $0x10000;
	s11 =	simm.s32 $0x2;
	s12 =	simm.s32 $0x0;
	v0 =	vmul.u32 $0x11, v0  }
0x5: {  	s4 =	sand.u32 $0x1, s1;
	s6 =	sshll.u32 s0, $0x1;
	s1 =	rddreg [dreg:$0x2]  }
0x6: {  	[smem:$0x7FF] =	sst s2;
	s6 =	sor.u32 s4, s6;
	s4 =	ssub.s32 $0x2, s4;
	v1 =	vadd.s32 $0x1, v0;
	v2 =	vadd.s32 $0x2, v0;
	v3 =	vadd.s32 $0x3, v0  }
0x7: {  	_ =	strace $0x8000004D;
	s7 =	sshll.u32 s6, $0xC;
	s31 =	sshrl.u32 s4, $0x1;
	v4 =	vadd.s32 $0x4, v0;
	v5 =	vadd.s32 $0x5, v0;
	v6 =	vadd.s32 $0x6, v0  }
0x8: {  	s6 =	sshll.u32 s6, $0x6;
	v7 =	vadd.s32 $0x7, v0;
	v8 =	vadd.s32 $0x8, v0;
	v9 =	vadd.s32 $0x9, v0;
	s7 =	sadd.s32 s7, s3;
	s8 =	ssub.s32 s4, s31  }
0x9: {  	v10 =	vadd.s32 $0xA, v0;
	v11 =	vadd.s32 $0xB, v0;
	v12 =	vadd.s32 $0xC, v0;
	s5 =	sadd.s32 s5, s6;
	s3 =	sadd.s32 $0xC00, s7;
	s4 =	sadd.s32 $0x20C00, s7  }
0xa: {  	v13 =	vadd.s32 $0xD, v0;
	v14 =	vadd.s32 $0xE, v0;
	v15 =	vadd.s32 $0xF, v0;
	s6 =	smax.u32 s8, $0x1;
	s7 =	simm.s32 $0x8000;
	s8 =	simm.s32 $0x1  }
.LBB2_1:
0xb: {  	[tilespmem:s2], [sflag:$0x1] =	stream.linear.gather [hbm4b:s3+s2], $0x8000, $0x38;
	[tilespmem:$0x10380] =	vst v63  }
0xc: {  	_ = 	snop  }
0xd: {  	[tilespmem:s7], [sflag:$0x1] =	stream.linear.gather [hbm4b:s4+s2], $0x8000, $0x38;
	[tilespmem:$0x10380] =	vst v63  }
0xe: {  	_ =	swait.ge [sflag:s8], $0x8000  }
0xf: {  	[sflag:s8] =	ssyncset.done $0x0  }
0x10: {  	[sflag:s8] =	ssyncadd.s32 $0xFFFF8000  }
0x11: {  	_ =	swait.ge [sflag:s8], $0x8000  }
0x12: {  	[sflag:s8] =	ssyncset.done $0x0  }
0x13: {  	s13 =	simm.s32 $0x0;
	[sflag:s8] =	ssyncadd.s32 $0xFFFF8000  }
0x14: {  	v16 =	vld [tilespmem:s13+$0x8010]  }
0x15: {  	v17 =	vld [tilespmem:s13+$0x0]  }
0x16: {  	v18 =	vld [tilespmem:s13+$0x10]  }
0x17: {  	v19 =	vld [tilespmem:s13+$0x8000]  }
0x18: {  	v20 =	vld [tilespmem:s13+$0x8020]  }
0x19: {  	v21 =	vld [tilespmem:s13+$0x20]  }
0x1a: {  	v22 =	vld [tilespmem:s13+$0x8030]  }
0x1b: {  	v23 =	vld [tilespmem:s13+$0x30]  }
0x1c: {  	v16 =	vmul.f32 v16, v18;
	v17 =	vmul.f32 v19, v17;
	_ =	sdelay $0x1  }
0x1d: {  	v16 =	vadd.f32 v16, v17;
	v17 =	vmul.f32 v20, v21;
	_ =	sdelay $0x1  }
0x1e: {  	v16 =	vadd.f32 v17, v16;
	v17 =	vmul.f32 v22, v23;
	_ =	sdelay $0x1  }
0x1f: {  	v16 =	vadd.f32 v17, v16;
	_ =	sdelay $0x1  }
0x20: {  	[tilespmem:$0x10200] =	vst v16  }
0x21: {  	v16 =	vld [tilespmem:s13+$0x40]  }
0x22: {  	v17 =	vld [tilespmem:s13+$0x8040]  }
0x23: {  	v18 =	vld [tilespmem:s13+$0x50]  }
0x24: {  	v19 =	vld [tilespmem:s13+$0x8050]  }
0x25: {  	v20 =	vld [tilespmem:s13+$0x8060]  }
0x26: {  	v21 =	vld [tilespmem:s13+$0x60]  }
0x27: {  	v22 =	vld [tilespmem:s13+$0x8070]  }
0x28: {  	v23 =	vld [tilespmem:s13+$0x70]  }
0x29: {  	v16 =	vmul.f32 v17, v16;
	v17 =	vmul.f32 v19, v18;
	_ =	sdelay $0x1  }
0x2a: {  	v16 =	vadd.f32 v17, v16;
	v17 =	vmul.f32 v20, v21;
	_ =	sdelay $0x1  }
0x2b: {  	v16 =	vadd.f32 v17, v16;
	v17 =	vmul.f32 v22, v23;
	_ =	sdelay $0x1  }
0x2c: {  	v16 =	vadd.f32 v17, v16;
	_ =	sdelay $0x1  }
0x2d: {  	[tilespmem:$0x10211] =	vst v16  }
0x2e: {  	v16 =	vld [tilespmem:s13+$0x8090]  }
0x2f: {  	v17 =	vld [tilespmem:s13+$0x80]  }
0x30: {  	v18 =	vld [tilespmem:s13+$0x8080]  }
0x31: {  	v19 =	vld [tilespmem:s13+$0x90]  }
0x32: {  	v20 =	vld [tilespmem:s13+$0x80A0]  }
0x33: {  	v21 =	vld [tilespmem:s13+$0xA0]  }
0x34: {  	v22 =	vld [tilespmem:s13+$0x80B0]  }
0x35: {  	v23 =	vld [tilespmem:s13+$0xB0]  }
0x36: {  	v17 =	vmul.f32 v18, v17;
	v16 =	vmul.f32 v16, v19;
	_ =	sdelay $0x1  }
0x37: {  	v16 =	vadd.f32 v16, v17;
	v17 =	vmul.f32 v20, v21;
	_ =	sdelay $0x1  }
0x38: {  	v16 =	vadd.f32 v17, v16;
	v17 =	vmul.f32 v22, v23;
	_ =	sdelay $0x1  }
0x39: {  	v16 =	vadd.f32 v17, v16;
	_ =	sdelay $0x1  }
0x3a: {  	[tilespmem:$0x10222] =	vst v16  }
0x3b: {  	v16 =	vld [tilespmem:s13+$0x80D0]  }
0x3c: {  	v17 =	vld [tilespmem:s13+$0xC0]  }
0x3d: {  	v18 =	vld [tilespmem:s13+$0x80C0]  }
0x3e: {  	v19 =	vld [tilespmem:s13+$0xD0]  }
0x3f: {  	v20 =	vld [tilespmem:s13+$0xE0]  }
0x40: {  	v21 =	vld [tilespmem:s13+$0x80E0]  }
0x41: {  	v22 =	vld [tilespmem:s13+$0x80F0]  }
0x42: {  	v23 =	vld [tilespmem:s13+$0xF0]  }
0x43: {  	v17 =	vmul.f32 v18, v17;
	v16 =	vmul.f32 v16, v19;
	_ =	sdelay $0x1  }
0x44: {  	v16 =	vadd.f32 v16, v17;
	v17 =	vmul.f32 v21, v20;
	_ =	sdelay $0x1  }
0x45: {  	v16 =	vadd.f32 v17, v16;
	v17 =	vmul.f32 v22, v23;
	_ =	sdelay $0x1  }
0x46: {  	v16 =	vadd.f32 v17, v16;
	_ =	sdelay $0x1  }
0x47: {  	[tilespmem:$0x10233] =	vst v16  }
0x48: {  	v16 =	vld [tilespmem:s13+$0x8100]  }
0x49: {  	v17 =	vld [tilespmem:s13+$0x8110]  }
0x4a: {  	v18 =	vld [tilespmem:s13+$0x100]  }
0x4b: {  	v19 =	vld [tilespmem:s13+$0x110]  }
0x4c: {  	v20 =	vld [tilespmem:s13+$0x120]  }
0x4d: {  	v21 =	vld [tilespmem:s13+$0x8120]  }
0x4e: {  	v22 =	vld [tilespmem:s13+$0x8130]  }
0x4f: {  	v23 =	vld [tilespmem:s13+$0x130]  }
0x50: {  	v16 =	vmul.f32 v16, v18;
	v17 =	vmul.f32 v17, v19;
	_ =	sdelay $0x1  }
0x51: {  	v16 =	vadd.f32 v17, v16;
	v17 =	vmul.f32 v21, v20;
	_ =	sdelay $0x1  }
0x52: {  	v16 =	vadd.f32 v17, v16;
	v17 =	vmul.f32 v22, v23;
	_ =	sdelay $0x1  }
0x53: {  	v16 =	vadd.f32 v17, v16;
	_ =	sdelay $0x1  }
0x54: {  	[tilespmem:$0x10244] =	vst v16  }
0x55: {  	v16 =	vld [tilespmem:s13+$0x8140]  }
0x56: {  	v17 =	vld [tilespmem:s13+$0x8150]  }
0x57: {  	v18 =	vld [tilespmem:s13+$0x140]  }
0x58: {  	v19 =	vld [tilespmem:s13+$0x150]  }
0x59: {  	v20 =	vld [tilespmem:s13+$0x160]  }
0x5a: {  	v21 =	vld [tilespmem:s13+$0x8160]  }
0x5b: {  	v22 =	vld [tilespmem:s13+$0x8170]  }
0x5c: {  	v23 =	vld [tilespmem:s13+$0x170]  }
0x5d: {  	v16 =	vmul.f32 v16, v18;
	v17 =	vmul.f32 v17, v19;
	_ =	sdelay $0x1  }
0x5e: {  	v16 =	vadd.f32 v17, v16;
	v17 =	vmul.f32 v21, v20;
	_ =	sdelay $0x1  }
0x5f: {  	v16 =	vadd.f32 v17, v16;
	v17 =	vmul.f32 v22, v23;
	_ =	sdelay $0x1  }
0x60: {  	v16 =	vadd.f32 v17, v16;
	_ =	sdelay $0x1  }
0x61: {  	[tilespmem:$0x10255] =	vst v16  }
0x62: {  	v16 =	vld [tilespmem:s13+$0x8180]  }
0x63: {  	v17 =	vld [tilespmem:s13+$0x8190]  }
0x64: {  	v18 =	vld [tilespmem:s13+$0x190]  }
0x65: {  	v19 =	vld [tilespmem:s13+$0x180]  }
0x66: {  	v20 =	vld [tilespmem:s13+$0x81A0]  }
0x67: {  	v21 =	vld [tilespmem:s13+$0x1A0]  }
0x68: {  	v22 =	vld [tilespmem:s13+$0x81B0]  }
0x69: {  	v23 =	vld [tilespmem:s13+$0x1B0]  }
0x6a: {  	v17 =	vmul.f32 v17, v18;
	v16 =	vmul.f32 v16, v19;
	_ =	sdelay $0x1  }
0x6b: {  	v16 =	vadd.f32 v17, v16;
	v17 =	vmul.f32 v20, v21;
	_ =	sdelay $0x1  }
0x6c: {  	v16 =	vadd.f32 v17, v16;
	v17 =	vmul.f32 v22, v23;
	_ =	sdelay $0x1  }
0x6d: {  	v16 =	vadd.f32 v17, v16;
	_ =	sdelay $0x1  }
0x6e: {  	[tilespmem:$0x10266] =	vst v16  }
0x6f: {  	v16 =	vld [tilespmem:s13+$0x1C0]  }
0x70: {  	v17 =	vld [tilespmem:s13+$0x81C0]  }
0x71: {  	v18 =	vld [tilespmem:s13+$0x81D0]  }
0x72: {  	v19 =	vld [tilespmem:s13+$0x1D0]  }
0x73: {  	v20 =	vld [tilespmem:s13+$0x81E0]  }
0x74: {  	v21 =	vld [tilespmem:s13+$0x1E0]  }
0x75: {  	v22 =	vld [tilespmem:s13+$0x81F0]  }
0x76: {  	v23 =	vld [tilespmem:s13+$0x1F0]  }
0x77: {  	v16 =	vmul.f32 v17, v16;
	v17 =	vmul.f32 v18, v19;
	_ =	sdelay $0x1  }
0x78: {  	v16 =	vadd.f32 v17, v16;
	v17 =	vmul.f32 v20, v21;
	_ =	sdelay $0x1  }
0x79: {  	v16 =	vadd.f32 v17, v16;
	v17 =	vmul.f32 v22, v23;
	_ =	sdelay $0x1  }
0x7a: {  	v16 =	vadd.f32 v17, v16;
	_ =	sdelay $0x1  }
0x7b: {  	[tilespmem:$0x10277] =	vst v16  }
0x7c: {  	v16 =	vld [tilespmem:s13+$0x8200]  }
0x7d: {  	v17 =	vld [tilespmem:s13+$0x8210]  }
0x7e: {  	v18 =	vld [tilespmem:s13+$0x200]  }
0x7f: {  	v19 =	vld [tilespmem:s13+$0x210]  }
0x80: {  	v20 =	vld [tilespmem:s13+$0x8220]  }
0x81: {  	v21 =	vld [tilespmem:s13+$0x220]  }
0x82: {  	v22 =	vld [tilespmem:s13+$0x8230]  }
0x83: {  	v23 =	vld [tilespmem:s13+$0x230]  }
0x84: {  	v16 =	vmul.f32 v16, v18;
	v17 =	vmul.f32 v17, v19;
	_ =	sdelay $0x1  }
0x85: {  	v16 =	vadd.f32 v17, v16;
	v17 =	vmul.f32 v20, v21;
	_ =	sdelay $0x1  }
0x86: {  	v16 =	vadd.f32 v17, v16;
	v17 =	vmul.f32 v22, v23;
	_ =	sdelay $0x1  }
0x87: {  	v16 =	vadd.f32 v17, v16;
	_ =	sdelay $0x1  }
0x88: {  	[tilespmem:$0x10288] =	vst v16  }
0x89: {  	v16 =	vld [tilespmem:s13+$0x8240]  }
0x8a: {  	v17 =	vld [tilespmem:s13+$0x8250]  }
0x8b: {  	v18 =	vld [tilespmem:s13+$0x250]  }
0x8c: {  	v19 =	vld [tilespmem:s13+$0x240]  }
0x8d: {  	v20 =	vld [tilespmem:s13+$0x260]  }
0x8e: {  	v21 =	vld [tilespmem:s13+$0x8260]  }
0x8f: {  	v22 =	vld [tilespmem:s13+$0x270]  }
0x90: {  	v23 =	vld [tilespmem:s13+$0x8270]  }
0x91: {  	v17 =	vmul.f32 v17, v18;
	v16 =	vmul.f32 v16, v19;
	_ =	sdelay $0x1  }
0x92: {  	v16 =	vadd.f32 v17, v16;
	v17 =	vmul.f32 v21, v20;
	_ =	sdelay $0x1  }
0x93: {  	v16 =	vadd.f32 v17, v16;
	v17 =	vmul.f32 v23, v22;
	_ =	sdelay $0x1  }
0x94: {  	v16 =	vadd.f32 v17, v16;
	_ =	sdelay $0x1  }
0x95: {  	[tilespmem:$0x10299] =	vst v16  }
0x96: {  	v16 =	vld [tilespmem:s13+$0x8290]  }
0x97: {  	v17 =	vld [tilespmem:s13+$0x8280]  }
0x98: {  	v18 =	vld [tilespmem:s13+$0x280]  }
0x99: {  	v19 =	vld [tilespmem:s13+$0x290]  }
0x9a: {  	v20 =	vld [tilespmem:s13+$0x2A0]  }
0x9b: {  	v21 =	vld [tilespmem:s13+$0x82A0]  }
0x9c: {  	v22 =	vld [tilespmem:s13+$0x2B0]  }
0x9d: {  	v23 =	vld [tilespmem:s13+$0x82B0]  }
0x9e: {  	v17 =	vmul.f32 v17, v18;
	v16 =	vmul.f32 v16, v19;
	_ =	sdelay $0x1  }
0x9f: {  	v16 =	vadd.f32 v16, v17;
	v17 =	vmul.f32 v21, v20;
	_ =	sdelay $0x1  }
0xa0: {  	v16 =	vadd.f32 v17, v16;
	v17 =	vmul.f32 v23, v22;
	_ =	sdelay $0x1  }
0xa1: {  	v16 =	vadd.f32 v17, v16;
	_ =	sdelay $0x1  }
0xa2: {  	[tilespmem:$0x102AA] =	vst v16  }
0xa3: {  	v16 =	vld [tilespmem:s13+$0x82C0]  }
0xa4: {  	v17 =	vld [tilespmem:s13+$0x82D0]  }
0xa5: {  	v18 =	vld [tilespmem:s13+$0x2C0]  }
0xa6: {  	v19 =	vld [tilespmem:s13+$0x2D0]  }
0xa7: {  	v20 =	vld [tilespmem:s13+$0x2E0]  }
0xa8: {  	v21 =	vld [tilespmem:s13+$0x82E0]  }
0xa9: {  	v22 =	vld [tilespmem:s13+$0x2F0]  }
0xaa: {  	v23 =	vld [tilespmem:s13+$0x82F0]  }
0xab: {  	v16 =	vmul.f32 v16, v18;
	v17 =	vmul.f32 v17, v19;
	_ =	sdelay $0x1  }
0xac: {  	v16 =	vadd.f32 v17, v16;
	v17 =	vmul.f32 v21, v20;
	_ =	sdelay $0x1  }
0xad: {  	v16 =	vadd.f32 v17, v16;
	v17 =	vmul.f32 v23, v22;
	_ =	sdelay $0x1  }
0xae: {  	v16 =	vadd.f32 v17, v16;
	_ =	sdelay $0x1  }
0xaf: {  	[tilespmem:$0x102BB] =	vst v16  }
0xb0: {  	v16 =	vld [tilespmem:s13+$0x8300]  }
0xb1: {  	v17 =	vld [tilespmem:s13+$0x8310]  }
0xb2: {  	v18 =	vld [tilespmem:s13+$0x300]  }
0xb3: {  	v19 =	vld [tilespmem:s13+$0x310]  }
0xb4: {  	v20 =	vld [tilespmem:s13+$0x320]  }
0xb5: {  	v21 =	vld [tilespmem:s13+$0x8320]  }
0xb6: {  	v22 =	vld [tilespmem:s13+$0x330]  }
0xb7: {  	v23 =	vld [tilespmem:s13+$0x8330]  }
0xb8: {  	v16 =	vmul.f32 v16, v18;
	v17 =	vmul.f32 v17, v19;
	_ =	sdelay $0x1  }
0xb9: {  	v16 =	vadd.f32 v17, v16;
	v17 =	vmul.f32 v21, v20;
	_ =	sdelay $0x1  }
0xba: {  	v16 =	vadd.f32 v17, v16;
	v17 =	vmul.f32 v23, v22;
	_ =	sdelay $0x1  }
0xbb: {  	v16 =	vadd.f32 v17, v16;
	_ =	sdelay $0x1  }
0xbc: {  	[tilespmem:$0x102CC] =	vst v16  }
0xbd: {  	v16 =	vld [tilespmem:s13+$0x8340]  }
0xbe: {  	v17 =	vld [tilespmem:s13+$0x8350]  }
0xbf: {  	v18 =	vld [tilespmem:s13+$0x340]  }
0xc0: {  	v19 =	vld [tilespmem:s13+$0x350]  }
0xc1: {  	v20 =	vld [tilespmem:s13+$0x360]  }
0xc2: {  	v21 =	vld [tilespmem:s13+$0x8360]  }
0xc3: {  	v22 =	vld [tilespmem:s13+$0x370]  }
0xc4: {  	v23 =	vld [tilespmem:s13+$0x8370]  }
0xc5: {  	v16 =	vmul.f32 v16, v18;
	v17 =	vmul.f32 v17, v19;
	_ =	sdelay $0x1  }
0xc6: {  	v16 =	vadd.f32 v17, v16;
	v17 =	vmul.f32 v21, v20;
	_ =	sdelay $0x1  }
0xc7: {  	v16 =	vadd.f32 v17, v16;
	v17 =	vmul.f32 v23, v22;
	_ =	sdelay $0x1  }
0xc8: {  	v16 =	vadd.f32 v17, v16;
	_ =	sdelay $0x1  }
0xc9: {  	[tilespmem:$0x102DD] =	vst v16  }
0xca: {  	v16 =	vld [tilespmem:s13+$0x8380]  }
0xcb: {  	v17 =	vld [tilespmem:s13+$0x8390]  }
0xcc: {  	v18 =	vld [tilespmem:s13+$0x380]  }
0xcd: {  	v19 =	vld [tilespmem:s13+$0x390]  }
0xce: {  	v20 =	vld [tilespmem:s13+$0x3A0]  }
0xcf: {  	v21 =	vld [tilespmem:s13+$0x83A0]  }
0xd0: {  	v22 =	vld [tilespmem:s13+$0x3B0]  }
0xd1: {  	v23 =	vld [tilespmem:s13+$0x83B0]  }
0xd2: {  	v16 =	vmul.f32 v16, v18;
	v17 =	vmul.f32 v17, v19;
	_ =	sdelay $0x1  }
0xd3: {  	v16 =	vadd.f32 v17, v16;
	v17 =	vmul.f32 v21, v20;
	_ =	sdelay $0x1  }
0xd4: {  	v16 =	vadd.f32 v17, v16;
	v17 =	vmul.f32 v23, v22;
	_ =	sdelay $0x1  }
0xd5: {  	v16 =	vadd.f32 v17, v16;
	_ =	sdelay $0x1  }
0xd6: {  	[tilespmem:$0x102EE] =	vst v16  }
0xd7: {  	v16 =	vld [tilespmem:s13+$0x83C0]  }
0xd8: {  	v19 =	vld [tilespmem:s13+$0x3C0]  }
0xd9: {  	v17 =	vld [tilespmem:s13+$0x83D0]  }
0xda: {  	v20 =	vld [tilespmem:s13+$0x3D0]  }
0xdb: {  	s15 =	simm.s32 $0x1000;
	s16 =	simm.s32 $0x10000;
	s14 =	simm.s32 $0x10000;
	v18 =	vld [tilespmem:s13+$0x3E0]  }
.LBB2_2:
0xdc: {  	p0 =	sne.s32 s15, $0x1F000  }
0xdd: {  	v21 =	vld [tilespmem:s13+$0x83E0];
	s16 =	sadd.s32 $0x10, s16;
	s17 =	smov.u32 s15;
	s15 =	sadd.s32 $0x1000, s15  }
0xde: {  	v16 =	vmul.f32 v16, v19;
	v19 =	vld [tilespmem:s13+$0x3F0]  }
0xdf: {  	v22 =	vld [tilespmem:s13+$0x83F0]  }
0xe0: {  	v17 =	vmul.f32 v17, v20;
	_ =	sdelay $0x1  }
0xe1: {  	v16 =	vadd.f32 v17, v16;
	v17 =	vmul.f32 v21, v18;
	_ =	sdelay $0x1  }
0xe2: {  	v16 =	vadd.f32 v17, v16;
	v17 =	vmul.f32 v22, v19;
	_ =	sdelay $0x1  }
0xe3: {  	v16 =	vadd.f32 v17, v16;
	_ =	sdelay $0x1  }
0xe4: {  	[tilespmem:$0x102FF] =	vst v16  }
0xe5: {  	v16 =	vld.idx.msk [tilespmem:v0+s9+$0x0], $0xffff  }
0xe6: {  	v17 =	vld.idx.msk [tilespmem:v1+s9+$0x0], $0xffff  }
0xe7: {  	v18 =	vld.idx.msk [tilespmem:v2+s9+$0x0], $0xffff  }
0xe8: {  	v19 =	vld.idx.msk [tilespmem:v3+s9+$0x0], $0xffff  }
0xe9: {  	v20 =	vld.idx.msk [tilespmem:v4+s9+$0x0], $0xffff  }
0xea: {  	v21 =	vld.idx.msk [tilespmem:v5+s9+$0x0], $0xffff  }
0xeb: {  	v22 =	vld.idx.msk [tilespmem:v6+s9+$0x0], $0xffff  }
0xec: {  	v16 =	vadd.f32 v17, v16;
	v17 =	vld.idx.msk [tilespmem:v7+s9+$0x0], $0xffff  }
0xed: {  	v23 =	vld.idx.msk [tilespmem:v8+s9+$0x0], $0xffff  }
0xee: {  	v16 =	vadd.f32 v18, v16;
	v18 =	vld.idx.msk [tilespmem:v9+s9+$0x0], $0xffff  }
0xef: {  	v24 =	vld.idx.msk [tilespmem:v10+s9+$0x0], $0xffff  }
0xf0: {  	v16 =	vadd.f32 v19, v16;
	v19 =	vld.idx.msk [tilespmem:v11+s9+$0x0], $0xffff  }
0xf1: {  	v25 =	vld.idx.msk [tilespmem:v12+s9+$0x0], $0xffff  }
0xf2: {  	v16 =	vadd.f32 v20, v16;
	v20 =	vld.idx.msk [tilespmem:v13+s9+$0x0], $0xffff  }
0xf3: {  	v26 =	vld.idx.msk [tilespmem:v14+s9+$0x0], $0xffff  }
0xf4: {  	v16 =	vadd.f32 v21, v16;
	v21 =	vld.idx.msk [tilespmem:v15+s9+$0x0], $0xffff;
	_ =	sdelay $0x1  }
0xf5: {  	v16 =	vadd.f32 v22, v16;
	_ =	sdelay $0x1  }
0xf6: {  	v16 =	vadd.f32 v17, v16;
	_ =	sdelay $0x1  }
0xf7: {  	v16 =	vadd.f32 v23, v16;
	_ =	sdelay $0x1  }
0xf8: {  	v16 =	vadd.f32 v18, v16;
	_ =	sdelay $0x1  }
0xf9: {  	v16 =	vadd.f32 v24, v16;
	_ =	sdelay $0x1  }
0xfa: {  	v16 =	vadd.f32 v19, v16;
	_ =	sdelay $0x1  }
0xfb: {  	v16 =	vadd.f32 v25, v16;
	_ =	sdelay $0x1  }
0xfc: {  	v16 =	vadd.f32 v20, v16;
	_ =	sdelay $0x1  }
0xfd: {  	v16 =	vadd.f32 v26, v16;
	_ =	sdelay $0x1  }
0xfe: {  	v16 =	vadd.f32 v21, v16;
	_ =	sdelay $0x1  }
0xff: {  	s13 =	sshra.s32 s17, $0x2;
	[tilespmem:s14+$0x0] =	vst v16;
	s14 =	smov.u32 s16  }
0x100: {  	v16 =	vld [tilespmem:s13+$0x8010]  }
0x101: {  	v17 =	vld [tilespmem:s13+$0x0]  }
0x102: {  	v18 =	vld [tilespmem:s13+$0x10]  }
0x103: {  	v19 =	vld [tilespmem:s13+$0x8000]  }
0x104: {  	v20 =	vld [tilespmem:s13+$0x8020]  }
0x105: {  	v21 =	vld [tilespmem:s13+$0x20]  }
0x106: {  	v22 =	vld [tilespmem:s13+$0x8030]  }
0x107: {  	v16 =	vmul.f32 v16, v18;
	v18 =	vld [tilespmem:s13+$0x30]  }
0x108: {  	v17 =	vmul.f32 v19, v17;
	_ =	sdelay $0x1  }
0x109: {  	v16 =	vadd.f32 v16, v17;
	v17 =	vmul.f32 v20, v21;
	_ =	sdelay $0x1  }
0x10a: {  	v16 =	vadd.f32 v17, v16;
	v17 =	vmul.f32 v22, v18;
	_ =	sdelay $0x1  }
0x10b: {  	v16 =	vadd.f32 v17, v16;
	_ =	sdelay $0x1  }
0x10c: {  	[tilespmem:$0x10200] =	vst v16  }
0x10d: {  	v16 =	vld [tilespmem:s13+$0x40]  }
0x10e: {  	v17 =	vld [tilespmem:s13+$0x8040]  }
0x10f: {  	v18 =	vld [tilespmem:s13+$0x50]  }
0x110: {  	v19 =	vld [tilespmem:s13+$0x8050]  }
0x111: {  	v20 =	vld [tilespmem:s13+$0x8060]  }
0x112: {  	v21 =	vld [tilespmem:s13+$0x60]  }
0x113: {  	v16 =	vmul.f32 v17, v16;
	v17 =	vld [tilespmem:s13+$0x8070]  }
0x114: {  	v22 =	vld [tilespmem:s13+$0x70]  }
0x115: {  	v18 =	vmul.f32 v19, v18;
	_ =	sdelay $0x1  }
0x116: {  	v16 =	vadd.f32 v18, v16;
	v18 =	vmul.f32 v20, v21;
	_ =	sdelay $0x1  }
0x117: {  	v16 =	vadd.f32 v18, v16;
	v17 =	vmul.f32 v17, v22;
	_ =	sdelay $0x1  }
0x118: {  	v16 =	vadd.f32 v17, v16;
	_ =	sdelay $0x1  }
0x119: {  	[tilespmem:$0x10211] =	vst v16  }
0x11a: {  	v16 =	vld [tilespmem:s13+$0x8090]  }
0x11b: {  	v17 =	vld [tilespmem:s13+$0x80]  }
0x11c: {  	v18 =	vld [tilespmem:s13+$0x8080]  }
0x11d: {  	v19 =	vld [tilespmem:s13+$0x90]  }
0x11e: {  	v20 =	vld [tilespmem:s13+$0x80A0]  }
0x11f: {  	v21 =	vld [tilespmem:s13+$0xA0]  }
0x120: {  	v22 =	vld [tilespmem:s13+$0x80B0]  }
0x121: {  	v17 =	vmul.f32 v18, v17;
	v18 =	vld [tilespmem:s13+$0xB0]  }
0x122: {  	v16 =	vmul.f32 v16, v19;
	_ =	sdelay $0x1  }
0x123: {  	v16 =	vadd.f32 v16, v17;
	v17 =	vmul.f32 v20, v21;
	_ =	sdelay $0x1  }
0x124: {  	v16 =	vadd.f32 v17, v16;
	v17 =	vmul.f32 v22, v18;
	_ =	sdelay $0x1  }
0x125: {  	v16 =	vadd.f32 v17, v16;
	_ =	sdelay $0x1  }
0x126: {  	[tilespmem:$0x10222] =	vst v16  }
0x127: {  	v16 =	vld [tilespmem:s13+$0x80D0]  }
0x128: {  	v17 =	vld [tilespmem:s13+$0xC0]  }
0x129: {  	v18 =	vld [tilespmem:s13+$0x80C0]  }
0x12a: {  	v19 =	vld [tilespmem:s13+$0xD0]  }
0x12b: {  	v20 =	vld [tilespmem:s13+$0xE0]  }
0x12c: {  	v21 =	vld [tilespmem:s13+$0x80E0]  }
0x12d: {  	v22 =	vld [tilespmem:s13+$0x80F0]  }
0x12e: {  	v17 =	vmul.f32 v18, v17;
	v18 =	vld [tilespmem:s13+$0xF0]  }
0x12f: {  	v16 =	vmul.f32 v16, v19;
	_ =	sdelay $0x1  }
0x130: {  	v16 =	vadd.f32 v16, v17;
	v17 =	vmul.f32 v21, v20;
	_ =	sdelay $0x1  }
0x131: {  	v16 =	vadd.f32 v17, v16;
	v17 =	vmul.f32 v22, v18;
	_ =	sdelay $0x1  }
0x132: {  	v16 =	vadd.f32 v17, v16;
	_ =	sdelay $0x1  }
0x133: {  	[tilespmem:$0x10233] =	vst v16  }
0x134: {  	v16 =	vld [tilespmem:s13+$0x8100]  }
0x135: {  	v17 =	vld [tilespmem:s13+$0x8110]  }
0x136: {  	v18 =	vld [tilespmem:s13+$0x100]  }
0x137: {  	v19 =	vld [tilespmem:s13+$0x110]  }
0x138: {  	v20 =	vld [tilespmem:s13+$0x120]  }
0x139: {  	v21 =	vld [tilespmem:s13+$0x8120]  }
0x13a: {  	v22 =	vld [tilespmem:s13+$0x8130]  }
0x13b: {  	v16 =	vmul.f32 v16, v18;
	v18 =	vld [tilespmem:s13+$0x130]  }
0x13c: {  	v17 =	vmul.f32 v17, v19;
	_ =	sdelay $0x1  }
0x13d: {  	v16 =	vadd.f32 v17, v16;
	v17 =	vmul.f32 v21, v20;
	_ =	sdelay $0x1  }
0x13e: {  	v16 =	vadd.f32 v17, v16;
	v17 =	vmul.f32 v22, v18;
	_ =	sdelay $0x1  }
0x13f: {  	v16 =	vadd.f32 v17, v16;
	_ =	sdelay $0x1  }
0x140: {  	[tilespmem:$0x10244] =	vst v16  }
0x141: {  	v16 =	vld [tilespmem:s13+$0x8140]  }
0x142: {  	v17 =	vld [tilespmem:s13+$0x8150]  }
0x143: {  	v18 =	vld [tilespmem:s13+$0x140]  }
0x144: {  	v19 =	vld [tilespmem:s13+$0x150]  }
0x145: {  	v20 =	vld [tilespmem:s13+$0x160]  }
0x146: {  	v21 =	vld [tilespmem:s13+$0x8160]  }
0x147: {  	v22 =	vld [tilespmem:s13+$0x8170]  }
0x148: {  	v16 =	vmul.f32 v16, v18;
	v18 =	vld [tilespmem:s13+$0x170]  }
0x149: {  	v17 =	vmul.f32 v17, v19;
	_ =	sdelay $0x1  }
0x14a: {  	v16 =	vadd.f32 v17, v16;
	v17 =	vmul.f32 v21, v20;
	_ =	sdelay $0x1  }
0x14b: {  	v16 =	vadd.f32 v17, v16;
	v17 =	vmul.f32 v22, v18;
	_ =	sdelay $0x1  }
0x14c: {  	v16 =	vadd.f32 v17, v16;
	_ =	sdelay $0x1  }
0x14d: {  	[tilespmem:$0x10255] =	vst v16  }
0x14e: {  	v16 =	vld [tilespmem:s13+$0x8180]  }
0x14f: {  	v17 =	vld [tilespmem:s13+$0x8190]  }
0x150: {  	v18 =	vld [tilespmem:s13+$0x190]  }
0x151: {  	v19 =	vld [tilespmem:s13+$0x180]  }
0x152: {  	v20 =	vld [tilespmem:s13+$0x81A0]  }
0x153: {  	v21 =	vld [tilespmem:s13+$0x1A0]  }
0x154: {  	v22 =	vld [tilespmem:s13+$0x81B0]  }
0x155: {  	v17 =	vmul.f32 v17, v18;
	v18 =	vld [tilespmem:s13+$0x1B0]  }
0x156: {  	v16 =	vmul.f32 v16, v19;
	_ =	sdelay $0x1  }
0x157: {  	v16 =	vadd.f32 v17, v16;
	v17 =	vmul.f32 v20, v21;
	_ =	sdelay $0x1  }
0x158: {  	v16 =	vadd.f32 v17, v16;
	v17 =	vmul.f32 v22, v18;
	_ =	sdelay $0x1  }
0x159: {  	v16 =	vadd.f32 v17, v16;
	_ =	sdelay $0x1  }
0x15a: {  	[tilespmem:$0x10266] =	vst v16  }
0x15b: {  	v16 =	vld [tilespmem:s13+$0x1C0]  }
0x15c: {  	v17 =	vld [tilespmem:s13+$0x81C0]  }
0x15d: {  	v18 =	vld [tilespmem:s13+$0x81D0]  }
0x15e: {  	v19 =	vld [tilespmem:s13+$0x1D0]  }
0x15f: {  	v20 =	vld [tilespmem:s13+$0x81E0]  }
0x160: {  	v21 =	vld [tilespmem:s13+$0x1E0]  }
0x161: {  	v16 =	vmul.f32 v17, v16;
	v17 =	vld [tilespmem:s13+$0x81F0]  }
0x162: {  	v22 =	vld [tilespmem:s13+$0x1F0]  }
0x163: {  	v18 =	vmul.f32 v18, v19;
	_ =	sdelay $0x1  }
0x164: {  	v16 =	vadd.f32 v18, v16;
	v18 =	vmul.f32 v20, v21;
	_ =	sdelay $0x1  }
0x165: {  	v16 =	vadd.f32 v18, v16;
	v17 =	vmul.f32 v17, v22;
	_ =	sdelay $0x1  }
0x166: {  	v16 =	vadd.f32 v17, v16;
	_ =	sdelay $0x1  }
0x167: {  	[tilespmem:$0x10277] =	vst v16  }
0x168: {  	v16 =	vld [tilespmem:s13+$0x8200]  }
0x169: {  	v17 =	vld [tilespmem:s13+$0x8210]  }
0x16a: {  	v18 =	vld [tilespmem:s13+$0x200]  }
0x16b: {  	v19 =	vld [tilespmem:s13+$0x210]  }
0x16c: {  	v20 =	vld [tilespmem:s13+$0x8220]  }
0x16d: {  	v21 =	vld [tilespmem:s13+$0x220]  }
0x16e: {  	v22 =	vld [tilespmem:s13+$0x8230]  }
0x16f: {  	v16 =	vmul.f32 v16, v18;
	v18 =	vld [tilespmem:s13+$0x230]  }
0x170: {  	v17 =	vmul.f32 v17, v19;
	_ =	sdelay $0x1  }
0x171: {  	v16 =	vadd.f32 v17, v16;
	v17 =	vmul.f32 v20, v21;
	_ =	sdelay $0x1  }
0x172: {  	v16 =	vadd.f32 v17, v16;
	v17 =	vmul.f32 v22, v18;
	_ =	sdelay $0x1  }
0x173: {  	v16 =	vadd.f32 v17, v16;
	_ =	sdelay $0x1  }
0x174: {  	[tilespmem:$0x10288] =	vst v16  }
0x175: {  	v16 =	vld [tilespmem:s13+$0x8240]  }
0x176: {  	v17 =	vld [tilespmem:s13+$0x8250]  }
0x177: {  	v18 =	vld [tilespmem:s13+$0x250]  }
0x178: {  	v19 =	vld [tilespmem:s13+$0x240]  }
0x179: {  	v20 =	vld [tilespmem:s13+$0x260]  }
0x17a: {  	v21 =	vld [tilespmem:s13+$0x8260]  }
0x17b: {  	v22 =	vld [tilespmem:s13+$0x270]  }
0x17c: {  	v17 =	vmul.f32 v17, v18;
	v18 =	vld [tilespmem:s13+$0x8270]  }
0x17d: {  	v16 =	vmul.f32 v16, v19;
	_ =	sdelay $0x1  }
0x17e: {  	v16 =	vadd.f32 v17, v16;
	v17 =	vmul.f32 v21, v20;
	_ =	sdelay $0x1  }
0x17f: {  	v16 =	vadd.f32 v17, v16;
	v17 =	vmul.f32 v18, v22;
	_ =	sdelay $0x1  }
0x180: {  	v16 =	vadd.f32 v17, v16;
	_ =	sdelay $0x1  }
0x181: {  	[tilespmem:$0x10299] =	vst v16  }
0x182: {  	v16 =	vld [tilespmem:s13+$0x8290]  }
0x183: {  	v17 =	vld [tilespmem:s13+$0x8280]  }
0x184: {  	v18 =	vld [tilespmem:s13+$0x280]  }
0x185: {  	v19 =	vld [tilespmem:s13+$0x290]  }
0x186: {  	v20 =	vld [tilespmem:s13+$0x2A0]  }
0x187: {  	v21 =	vld [tilespmem:s13+$0x82A0]  }
0x188: {  	v22 =	vld [tilespmem:s13+$0x2B0]  }
0x189: {  	v17 =	vmul.f32 v17, v18;
	v18 =	vld [tilespmem:s13+$0x82B0]  }
0x18a: {  	v16 =	vmul.f32 v16, v19;
	_ =	sdelay $0x1  }
0x18b: {  	v16 =	vadd.f32 v16, v17;
	v17 =	vmul.f32 v21, v20;
	_ =	sdelay $0x1  }
0x18c: {  	v16 =	vadd.f32 v17, v16;
	v17 =	vmul.f32 v18, v22;
	_ =	sdelay $0x1  }
0x18d: {  	v16 =	vadd.f32 v17, v16;
	_ =	sdelay $0x1  }
0x18e: {  	[tilespmem:$0x102AA] =	vst v16  }
0x18f: {  	v16 =	vld [tilespmem:s13+$0x82C0]  }
0x190: {  	v17 =	vld [tilespmem:s13+$0x82D0]  }
0x191: {  	v18 =	vld [tilespmem:s13+$0x2C0]  }
0x192: {  	v19 =	vld [tilespmem:s13+$0x2D0]  }
0x193: {  	v20 =	vld [tilespmem:s13+$0x2E0]  }
0x194: {  	v21 =	vld [tilespmem:s13+$0x82E0]  }
0x195: {  	v22 =	vld [tilespmem:s13+$0x2F0]  }
0x196: {  	v16 =	vmul.f32 v16, v18;
	v18 =	vld [tilespmem:s13+$0x82F0]  }
0x197: {  	v17 =	vmul.f32 v17, v19;
	_ =	sdelay $0x1  }
0x198: {  	v16 =	vadd.f32 v17, v16;
	v17 =	vmul.f32 v21, v20;
	_ =	sdelay $0x1  }
0x199: {  	v16 =	vadd.f32 v17, v16;
	v17 =	vmul.f32 v18, v22;
	_ =	sdelay $0x1  }
0x19a: {  	v16 =	vadd.f32 v17, v16;
	_ =	sdelay $0x1  }
0x19b: {  	[tilespmem:$0x102BB] =	vst v16  }
0x19c: {  	v16 =	vld [tilespmem:s13+$0x8300]  }
0x19d: {  	v17 =	vld [tilespmem:s13+$0x8310]  }
0x19e: {  	v18 =	vld [tilespmem:s13+$0x300]  }
0x19f: {  	v19 =	vld [tilespmem:s13+$0x310]  }
0x1a0: {  	v20 =	vld [tilespmem:s13+$0x320]  }
0x1a1: {  	v21 =	vld [tilespmem:s13+$0x8320]  }
0x1a2: {  	v22 =	vld [tilespmem:s13+$0x330]  }
0x1a3: {  	v16 =	vmul.f32 v16, v18;
	v18 =	vld [tilespmem:s13+$0x8330]  }
0x1a4: {  	v17 =	vmul.f32 v17, v19;
	_ =	sdelay $0x1  }
0x1a5: {  	v16 =	vadd.f32 v17, v16;
	v17 =	vmul.f32 v21, v20;
	_ =	sdelay $0x1  }
0x1a6: {  	v16 =	vadd.f32 v17, v16;
	v17 =	vmul.f32 v18, v22;
	_ =	sdelay $0x1  }
0x1a7: {  	v16 =	vadd.f32 v17, v16;
	_ =	sdelay $0x1  }
0x1a8: {  	[tilespmem:$0x102CC] =	vst v16  }
0x1a9: {  	v16 =	vld [tilespmem:s13+$0x8340]  }
0x1aa: {  	v17 =	vld [tilespmem:s13+$0x8350]  }
0x1ab: {  	v18 =	vld [tilespmem:s13+$0x340]  }
0x1ac: {  	v19 =	vld [tilespmem:s13+$0x350]  }
0x1ad: {  	v20 =	vld [tilespmem:s13+$0x360]  }
0x1ae: {  	v21 =	vld [tilespmem:s13+$0x8360]  }
0x1af: {  	v22 =	vld [tilespmem:s13+$0x370]  }
0x1b0: {  	v16 =	vmul.f32 v16, v18;
	v18 =	vld [tilespmem:s13+$0x8370]  }
0x1b1: {  	v17 =	vmul.f32 v17, v19;
	_ =	sdelay $0x1  }
0x1b2: {  	v16 =	vadd.f32 v17, v16;
	v17 =	vmul.f32 v21, v20;
	_ =	sdelay $0x1  }
0x1b3: {  	v16 =	vadd.f32 v17, v16;
	v17 =	vmul.f32 v18, v22;
	_ =	sdelay $0x1  }
0x1b4: {  	v16 =	vadd.f32 v17, v16;
	_ =	sdelay $0x1  }
0x1b5: {  	[tilespmem:$0x102DD] =	vst v16  }
0x1b6: {  	v16 =	vld [tilespmem:s13+$0x8380]  }
0x1b7: {  	v17 =	vld [tilespmem:s13+$0x8390]  }
0x1b8: {  	v18 =	vld [tilespmem:s13+$0x380]  }
0x1b9: {  	v19 =	vld [tilespmem:s13+$0x390]  }
0x1ba: {  	v20 =	vld [tilespmem:s13+$0x3A0]  }
0x1bb: {  	v21 =	vld [tilespmem:s13+$0x83A0]  }
0x1bc: {  	v22 =	vld [tilespmem:s13+$0x3B0]  }
0x1bd: {  	v16 =	vmul.f32 v16, v18;
	v18 =	vld [tilespmem:s13+$0x83B0]  }
0x1be: {  	v17 =	vmul.f32 v17, v19;
	_ =	sdelay $0x1  }
0x1bf: {  	v16 =	vadd.f32 v17, v16;
	v17 =	vmul.f32 v21, v20;
	_ =	sdelay $0x1  }
0x1c0: {  	v16 =	vadd.f32 v17, v16;
	v17 =	vmul.f32 v18, v22;
	_ =	sdelay $0x1  }
0x1c1: {  	v16 =	vadd.f32 v17, v16;
	_ =	sdelay $0x1  }
0x1c2: {  	[tilespmem:$0x102EE] =	vst v16  }
.Ltmp0:
0x1c3: {  	v16 =	vld [tilespmem:s13+$0x83C0];
	(pc) =	sbr.rel @p0 .LBB2_2-.Ltmp0, $4  }
0x1c4: {  	v19 =	vld [tilespmem:s13+$0x3C0]  }
0x1c5: {  	v17 =	vld [tilespmem:s13+$0x83D0]  }
0x1c6: {  	v20 =	vld [tilespmem:s13+$0x3D0]  }
0x1c7: {  	v18 =	vld [tilespmem:s13+$0x3E0]  }
0x1c8: {  	v21 =	vld [tilespmem:s13+$0x83E0]  }
0x1c9: {  	v22 =	vld [tilespmem:s13+$0x3F0]  }
0x1ca: {  	v23 =	vld [tilespmem:s13+$0x83F0]  }
0x1cb: {  	v16 =	vmul.f32 v16, v19;
	v17 =	vmul.f32 v17, v20;
	_ =	sdelay $0x1  }
0x1cc: {  	v16 =	vadd.f32 v17, v16;
	v17 =	vmul.f32 v21, v18;
	_ =	sdelay $0x1  }
0x1cd: {  	v16 =	vadd.f32 v17, v16;
	v17 =	vmul.f32 v23, v22;
	_ =	sdelay $0x1  }
0x1ce: {  	v16 =	vadd.f32 v17, v16;
	_ =	sdelay $0x1  }
0x1cf: {  	[tilespmem:$0x102FF] =	vst v16  }
0x1d0: {  	v16 =	vld.idx.msk [tilespmem:v0+s9+$0x0], $0xffff  }
0x1d1: {  	v17 =	vld.idx.msk [tilespmem:v1+s9+$0x0], $0xffff;
	_ =	sdelay $0x1  }
0x1d2: {  	v54 =	vld.idx.msk [tilespmem:v2+s9+$0x0], $0xffff;
	_ =	sdelay $0x1  }
0x1d3: {  	v55 =	vld.idx.msk [tilespmem:v3+s9+$0x0], $0xffff  }
0x1d4: {  	v16 =	vadd.f32 v17, v16  }
0x1d5: {  	v17 =	vld.idx.msk [tilespmem:v4+s9+$0x0], $0xffff  }
0x1d6: {  	v16 =	vadd.f32 v54, v16  }
0x1d7: {  	v56 =	vld.idx.msk [tilespmem:v5+s9+$0x0], $0xffff  }
0x1d8: {  	v16 =	vadd.f32 v55, v16  }
0x1d9: {  	v57 =	vld.idx.msk [tilespmem:v6+s9+$0x0], $0xffff  }
0x1da: {  	v16 =	vadd.f32 v17, v16  }
0x1db: {  	v17 =	vld.idx.msk [tilespmem:v7+s9+$0x0], $0xffff  }
0x1dc: {  	v16 =	vadd.f32 v56, v16  }
0x1dd: {  	v58 =	vld.idx.msk [tilespmem:v8+s9+$0x0], $0xffff  }
0x1de: {  	v16 =	vadd.f32 v57, v16  }
0x1df: {  	v59 =	vld.idx.msk [tilespmem:v9+s9+$0x0], $0xffff  }
0x1e0: {  	v16 =	vadd.f32 v17, v16  }
0x1e1: {  	v17 =	vld.idx.msk [tilespmem:v10+s9+$0x0], $0xffff  }
0x1e2: {  	v16 =	vadd.f32 v58, v16  }
0x1e3: {  	v60 =	vld.idx.msk [tilespmem:v11+s9+$0x0], $0xffff  }
0x1e4: {  	v16 =	vadd.f32 v59, v16  }
0x1e5: {  	v61 =	vld.idx.msk [tilespmem:v12+s9+$0x0], $0xffff  }
0x1e6: {  	v16 =	vadd.f32 v17, v16  }
0x1e7: {  	v17 =	vld.idx.msk [tilespmem:v13+s9+$0x0], $0xffff  }
0x1e8: {  	v16 =	vadd.f32 v60, v16  }
0x1e9: {  	v62 =	vld.idx.msk [tilespmem:v14+s9+$0x0], $0xffff  }
0x1ea: {  	v16 =	vadd.f32 v61, v16  }
0x1eb: {  	v63 =	vld.idx.msk [tilespmem:v15+s9+$0x0], $0xffff  }
0x1ec: {  	v16 =	vadd.f32 v17, v16;
	_ =	sdelay $0x1  }
0x1ed: {  	v16 =	vadd.f32 v62, v16;
	_ =	sdelay $0x1  }
0x1ee: {  	s12 =	sadd.s32 $0x1, s12;
	v16 =	vadd.f32 v63, v16  }
0x1ef: {  	p0 =	sne.s32 s12, s6  }
.Ltmp1:
0x1f0: {  	[tilespmem:s14+$0x0] =	vst v16;
	(pc) =	sbr.rel @p0 .LBB2_1-.Ltmp1, $4  }
0x1f1: {  	[hbm4b:s5+s2] =	stream.linear.scatter [tilespmem:s10], [sflag:$0x2], $0x200, $0x38;
	[tilespmem:$0x10380] =	vst v63  }
0x1f2: {  	_ =	swait.ge [sflag:s11], $0x200  }
0x1f3: {  	[sflag:s11] =	ssyncset.done $0x0  }
0x1f4: {  	[sflag:s11] =	ssyncadd.s32 $0xFFFFFE00  }
0x1f5: {  	_ =	sfence.sel $0x180000  }
0x1f6: {  	[bflag:$0x0] =	sbarrier.arrive $0xFFFF  }
0x1f7: {  	p0 =	sne.s32 s0, $0x0;
	_ =	strace $0x9000004D  }
0x1f8: {  	s0 =	sadd.s32 @!p0 $0x100000, s1;
	[bflag:$0x2] =	sbarrier.arrive $0xFFFF  }
0x1f9: {  	[sflag:s0] =	ssyncadd.tile.s32 @!p0 $0x1;
	_ =	shalt  }
.Lfunc_end2:
_tile_overlayer_lowered:
.L_overlay_start_2:
0x1fa: {  	(tag) =	ssettag $0x2  }
0x1fb: {  	s0 =	rddreg [dreg:$0x0];
	s2 =	stileid.u32  }
0x1fc: {  	s1 =	rddreg [dreg:$0x1];
	p0 =	sne.s32 s2, $0x0  }
0x1fd: {  	s3 =	rddreg [dreg:$0x2];
	[bflag:$0x3] =	sbarrier.arrive $0xFFFF;
	s2 =	simm.s32 @!p0 $0x1C02  }
0x1fe: {  	[timem:s3], [sflag:s2] =	dma.local @!p0 [hbm:s0], s1  }
0x1ff: {  	s0 =	simm.s32 @!p0 $0x2  }
0x200: {  	_ =	swait.ge @!p0 [sflag:s0], s1  }
0x201: {  	s1 =	ssub.s32 @!p0 $0x0, s1;
	[sflag:s0] =	ssyncset.done @!p0 $0x0  }
0x202: {  	[sflag:s0] =	ssyncadd.s32 @!p0 s1  }
0x203: {  	[bflag:$0x3] =	sbarrier.arrive $0xFFFF  }
0x204: {  	_ =	shalt  }

// kernel: kernel.5.cloned.1.call-start
scs
__scs_entry_jumppad:
0x0: {  	(pc) =	sbr.rel $0x88, $3  }
0x1: {  	(tag) =	ssettag $0x0;
	lr =	simm.s32 $0x1  }
0x2: {  	[smem:$0x3F9D] =	sst lr;
	_ =	strace $0xD0000000  }
0x3: {  	_ = 	snop  }
0x4: {  	_ = 	snop  }
0x5: {  	_ = 	snop  }
0x6: {  	_ = 	snop  }
0x7: {  	_ = 	snop  }
__scs_overlays_trampoline_lowered:
0x8: {  	[smem:$0x3FAC] =	sst s0  }
0x9: {  	[smem:$0x3FAD] =	sst s1  }
0xa: {  	[smem:$0x3FAE] =	sst s2  }
0xb: {  	[smem:$0x3FAF] =	sst s3  }
0xc: {  	[smem:$0x3FB0] =	sst s4  }
0xd: {  	[smem:$0x3FB1] =	sst s5  }
0xe: {  	[smem:$0x3FB2] =	sst s6  }
0xf: {  	[smem:$0x3FB3] =	sst s7  }
0x10: {  	[smem:$0x3FB4] =	sst s8  }
0x11: {  	[smem:$0x3FB5] =	sst s9;
	s0 =	simm.s32 @!p0 $0x0  }
0x12: {  	s1 =	sld [smem:$0x3F9B];
	s0 =	simm.s32 @p0 $0x1  }
0x13: {  	[smem:$0x3FB6] =	sst s0;
	s0 =	simm.s32 @!p1 $0x0  }
0x14: {  	s2 =	sld [smem:$0x3F9A];
	s0 =	simm.s32 @p1 $0x1  }
0x15: {  	[smem:$0x3FB7] =	sst s0;
	s0 =	simm.s32 @!p2 $0x0  }
0x16: {  	s3 =	sld [smem:$0x3FDB];
	s0 =	simm.s32 @p2 $0x1  }
0x17: {  	s4 =	simm.s32 $0x1BF5;
	[smem:$0x3FB9] =	sst s0  }
0x18: {  	s0 =	sld [smem:$0x3F9C];
	_ =	swait.ge [sflag:s4], $0x0  }
0x19: {  	s7 =	sld [smem:$0x3F9D]  }
0x1a: {  	s8 =	sadd.s32 $0xFFFFE003, lr  }
0x1b: {  	s9 =	sadd.s32 $0xFFFFFEF7, lr;
	s5 =	simm.s32 $0xFFFFFFFF;
	p2 =	slt.u32 s8, $0xFFFFF086  }
0x1c: {  	p1 =	slt.u32 s9, $0xF7A;
	s5 =	simm.s32 @!p2 $0x0  }
0x1d: {  	s5 =	simm.s32 @p1 $0x1;
	p0 =	seq.s32 s7, s2  }
0x1e: {  	s7 =	smul.u32 @!p0 $0xF7A, s2;
	p2 =	seq.s32 @!p0 s5, $0x0  }
0x1f: {  	s9 =	smul.u32 $0xF7A, s1;
	s8 =	simm.s32 @!p0 $0x1BF5;
	p2 =	por !p2, p0  }
0x20: {  	[sflag:s8] =	ssyncset.s32 @!p0 $0xFFFFF086;
	s6 =	sadd.s32 @!p0 s3, s7;
	s7 =	simm.s32 @!p0 $0x108  }
0x21: {  	s3 =	sadd.s32 s3, s9;
	s6 =	sadd.s32 @!p0 $0x88, s6;
	s7 =	simm.s32 @p2 $0x1082  }
0x22: {  	[simem:s7], [sflag:s8] =	dma.local @!p0 [hbm:s6], $0xF7A  }
0x23: {  	s9 =	sor.u32 $0xD0000000, s2;
	s6 =	simm.s32 $0x108;
	_ =	swait.ge @!p0 [sflag:s8], $0x0  }
0x24: {  	s3 =	sadd.s32 $0x88, s3;
	s6 =	simm.s32 @!p1 $0x1082;
	[sflag:s4] =	ssyncset.s32 $0xFFFFF086  }
0x25: {  	[simem:s6], [sflag:s4] =	dma.local [hbm:s3], $0xF7A  }
0x26: {  	[smem:$0x3F9D] =	sst s1;
	(tag) =	ssettag s2;
	_ =	strace s9  }
0x27: {  	s1 =	sld [smem:$0x3FAD]  }
0x28: {  	s2 =	sld [smem:$0x3FAE]  }
0x29: {  	s4 =	sld [smem:$0x3FB0]  }
0x2a: {  	p0 =	seq.s32 s5, $0x0;
	s5 =	sld [smem:$0x3FB1]  }
0x2b: {  	s6 =	sld [smem:$0x3FB2]  }
0x2c: {  	s7 =	sld [smem:$0x3FB3]  }
0x2d: {  	s3 =	simm.s32 $0x108;
	s8 =	sld [smem:$0x3FB4]  }
0x2e: {  	s3 =	simm.s32 @!p0 $0x1082;
	s9 =	sld [smem:$0x3FB5]  }
0x2f: {  	lr =	sadd.s32 s0, s3;
	s0 =	sld [smem:$0x3FAC]  }
0x30: {  	s3 =	sld [smem:$0x3FAF]  }
0x31: {  	[smem:$0x3FB8] =	sst s10  }
0x32: {  	s10 =	sld [smem:$0x3FB6];
	_ =	sdelay $0x3  }
0x33: {  	p0 =	seq.s32 s10, $0x1;
	s10 =	sld [smem:$0x3FB8];
	_ =	sdelay $0x3  }
0x34: {  	[smem:$0x3FB8] =	sst s10  }
0x35: {  	s10 =	sld [smem:$0x3FB7];
	_ =	sdelay $0x3  }
0x36: {  	p1 =	seq.s32 s10, $0x1;
	s10 =	sld [smem:$0x3FB8];
	_ =	sdelay $0x3  }
0x37: {  	[smem:$0x3FB8] =	sst s10  }
0x38: {  	s10 =	sld [smem:$0x3FB9]  }
0x39: {  	_ = 	snop;
	(pc) =	sbr.ind lr, $3  }
0x3a: {  	_ = 	snop  }
0x3b: {  	_ = 	snop  }
0x3c: {  	p2 =	seq.s32 s10, $0x1;
	s10 =	sld [smem:$0x3FB8]  }
0x3d: {  	_ =	shalt  }
0x3e: {  	_ =	shalt  }
0x3f: {  	_ =	shalt  }
0x40: {  	_ =	shalt  }
0x41: {  	_ =	shalt  }
0x42: {  	_ =	shalt  }
0x43: {  	_ =	shalt  }
0x44: {  	_ =	shalt  }
0x45: {  	_ =	shalt  }
0x46: {  	_ =	shalt  }
0x47: {  	_ =	shalt  }
0x48: {  	_ =	shalt  }
0x49: {  	_ =	shalt  }
0x4a: {  	_ =	shalt  }
0x4b: {  	_ =	shalt  }
0x4c: {  	_ =	shalt  }
0x4d: {  	_ =	shalt  }
0x4e: {  	_ =	shalt  }
0x4f: {  	_ =	shalt  }
0x50: {  	_ =	shalt  }
0x51: {  	_ =	shalt  }
0x52: {  	_ =	shalt  }
0x53: {  	_ =	shalt  }
0x54: {  	_ =	shalt  }
0x55: {  	_ =	shalt  }
0x56: {  	_ =	shalt  }
0x57: {  	_ =	shalt  }
0x58: {  	_ =	shalt  }
0x59: {  	_ =	shalt  }
0x5a: {  	_ =	shalt  }
0x5b: {  	_ =	shalt  }
0x5c: {  	_ =	shalt  }
0x5d: {  	_ =	shalt  }
0x5e: {  	_ =	shalt  }
0x5f: {  	_ =	shalt  }
0x60: {  	_ =	shalt  }
0x61: {  	_ =	shalt  }
0x62: {  	_ =	shalt  }
0x63: {  	_ =	shalt  }
0x64: {  	_ =	shalt  }
0x65: {  	_ =	shalt  }
0x66: {  	_ =	shalt  }
0x67: {  	_ =	shalt  }
0x68: {  	_ =	shalt  }
0x69: {  	_ =	shalt  }
0x6a: {  	_ =	shalt  }
0x6b: {  	_ =	shalt  }
0x6c: {  	_ =	shalt  }
0x6d: {  	_ =	shalt  }
0x6e: {  	_ =	shalt  }
0x6f: {  	_ =	shalt  }
0x70: {  	_ =	shalt  }
0x71: {  	_ =	shalt  }
0x72: {  	_ =	shalt  }
0x73: {  	_ =	shalt  }
0x74: {  	_ =	shalt  }
0x75: {  	_ =	shalt  }
0x76: {  	_ =	shalt  }
0x77: {  	_ =	shalt  }
0x78: {  	_ =	shalt  }
0x79: {  	_ =	shalt  }
0x7a: {  	_ =	shalt  }
0x7b: {  	_ =	shalt  }
0x7c: {  	_ =	shalt  }
0x7d: {  	_ =	shalt  }
0x7e: {  	_ =	shalt  }
0x7f: {  	_ =	shalt  }
0x80: {  	_ =	shalt  }
0x81: {  	_ =	shalt  }
0x82: {  	_ =	shalt  }
0x83: {  	_ =	shalt  }
0x84: {  	_ =	shalt  }
0x85: {  	_ =	shalt  }
0x86: {  	_ =	shalt  }
0x87: {  	_ =	shalt  }
.Lfunc_end0:
.L_simem_size_0:
called_computation_lowered:
.L_overlay_start_0:
0x88: {  	s2 =	sld [smem:$0x3FD9]  }
0x89: {  	s3 =	sld [smem:$0x3FFE];
	_ =	sdelay $0x1  }
0x8a: {  	s1 =	srdreg.scid  }
0x8b: {  	s0 =	sand.u32 $0x1, s1  }
0x8c: {  	s17 =	sshll.u32 s0, $0xA;
	s2 =	sadd.s32 s3, s2  }
0x8d: {  	s2 =	sadd.s32 s2, s17  }
0x8e: {  	[smem:$0x3FC4] =	sst s2  }
0x8f: {  	_ = 	snop  }
0x90: {  	s2 =	sld [smem:$0x3FC9]  }
0x91: {  	s18 =	sld [smem:$0x3FC7];
	(tm) =	ssettm $0x1  }
0x92: {  	s4 =	sld [smem:$0x3FFB];
	_ =	sdelay $0x3  }
0x93: {  	_ =	strace s4  }
0x94: {  	s4 =	sld [smem:$0x3FFC];
	_ =	sdelay $0x3  }
0x95: {  	_ =	strace s4  }
0x96: {  	s4 =	sld [smem:$0x3FFD];
	_ =	sdelay $0x3  }
0x97: {  	_ =	strace s4  }
0x98: {  	_ =	strace $0x8FFFFFFF  }
0x99: {  	s19 =	sld [smem:$0x3FDB];
	_ =	sdelay $0x1  }
0x9a: {  	s5 =	simm.s32 $_scs_section_size  }
0x9b: {  	s6 =	simm.s32 $_size__tile_overlayer_lowered;
	s7 =	simm.s32 $_tile_overlayer_lowered  }
0x9c: {  	s22 =	simm.s32 $0x1BFF;
	s21 =	sshll.u32 s7, $0x1;
	s4 =	sadd.s32 s5, s19  }
0x9d: {  	s8 =	simm.s32 $0x0;
	s20 =	sshll.u32 s6, $0x1;
	s6 =	sadd.s32 s21, s4  }
0x9e: {  	[timem:s8], [sflag:s22] =	dma.local [hbm:s6], s20  }
0x9f: {  	_ =	swait.ge [sflag:s22], s20  }
0xa0: {  	s5 =	ssub.s32 $0x0, s20;
	[sflag:s22] =	ssyncset.done $0x0  }
0xa1: {  	[sflag:s22] =	ssyncadd.s32 s5;
	_ =	sdelay $0x1  }
0xa2: {  	s23 =	simm.s32 $0x1B8B  }
0xa3: {  	_ =	swait.ge [sflag:s23], $0x1  }
0xa4: {  	[sflag:s23] =	ssyncset.done $0x0  }
0xa5: {  	s25 =	simm.s32 $0x1B8E;
	s24 =	sld [smem:$0x3FFE];
	[sflag:s23] =	ssyncadd.s32 $0xFFFFFFFF  }
0xa6: {  	s26 =	simm.s32 $execute0_lowered;
	[smem:$0x3FD2] =	sst s25  }
0xa7: {  	s6 =	sshll.u32 s26, $0x1;
	_ =	strace $0x80000046;
	[dreg:$0x1] =	wrdreg $0xFFFFFFFF  }
0xa8: {  	s28 =	simm.s32 $_size_execute0_lowered;
	s4 =	sadd.s32 s4, s6;
	[dreg:$0x0] =	wrdreg $0x0  }
0xa9: {  	s6 =	sshll.u32 s28, $0x1;
	[dreg:$0x2] =	wrdreg s4  }
0xaa: {  	[dreg:$0x3] =	wrdreg s6  }
0xab: {  	[dreg:$0x4] =	wrdreg $0xC0  }
0xac: {  	_ =	task [dreg:s8], $0x5FFFF  }
0xad: {  	[dreg:$0x1] =	wrdreg $0xFFFFFFFF  }
0xae: {  	[dreg:$0x0] =	wrdreg $0x60  }
0xaf: {  	[dreg:$0x2] =	wrdreg s2  }
0xb0: {  	[dreg:$0x3] =	wrdreg s18  }
0xb1: {  	[dreg:$0x4] =	wrdreg s24  }
0xb2: {  	[dreg:$0x5] =	wrdreg $0x9  }
0xb3: {  	_ =	task.clear_ibuf [dreg:s8], $0x6FFFF;
	_ =	strace $0x90000046  }
0xb4: {  	s29 =	simm.s32 $0x9;
	_ =	strace $0x80000048  }
0xb5: {  	_ =	swait.ge [sflag:s29], $0x1  }
0xb6: {  	[sflag:s29] =	ssyncadd.s32 $0xFFFFFFFF  }
0xb7: {  	_ =	strace $0x90000048  }
0xb8: {  	_ =	sfence  }
0xb9: {  	s30 =	sld [smem:$0x0];
	_ =	sdelay $0x2  }
0xba: {  	s31 =	sshll.u32 s1, $0xD;
	s1 =	sshrl.u32 s1, $0x2  }
0xbb: {  	s3 =	sand.u32 $0x4000, s31;
	s1 =	sadd.s32 s1, s30  }
0xbc: {  	s0 =	sor.u32 s3, s0;
	s1 =	sshll.u32 s1, $0x11  }
0xbd: {  	s0 =	sor.u32 s1, s0  }
0xbe: {  	s0 =	sadd.s32 $0x8F2B, s0  }
0xbf: {  	[sflag:s0] =	ssyncadd.remote.s32 $0x1  }
0xc0: {  	_ =	sfence.sel $0xFFFF  }
0xc1: {  	[dreg:$0x0] =	wrdreg $0xFFFFFFFF;
	(pc) =	sbr.abs _section_cstart, $3  }
0xc2: {  	[dreg:$0x1] =	wrdreg $0xFFFFFFFF  }
0xc3: {  	_ =	task.clear_ibuf [dreg:s8], $0x2FFFF;
	_ =	strace $0x9FFFFFFF  }
0xc4: {  	(tm) =	ssettm $0x7FFFFFFF  }
0xc5: {  	_ =	shalt  }
tec
execute0_lowered:
.L_overlay_start_1:
0x0: {  	(tag) =	ssettag $0x1  }
0x1: {  	v0 =	vimm.s32 $0x1780;
	vm14 =	vcmask $0x300  }
0x2: {  	vm13 =	vcmask $0x704;
	vm12 =	vcmask $0xB08;
	vm11 =	vcmask $0xF0C  }
0x3: {  	vm10 =	vcmask $0x1310;
	vm9 =	vcmask $0x1714;
	vm8 =	vcmask $0x1B18  }
0x4: {  	vm7 =	vcmask $0x1F1C;
	vm6 =	vcmask $0x2320;
	vm5 =	vcmask $0x2724  }
0x5: {  	vm4 =	vcmask $0x2B28;
	vm3 =	vcmask $0x2F2C;
	vm2 =	vcmask $0x3330  }
0x6: {  	vm1 =	vcmask $0x3734;
	vm0 =	vcmask $0x3B38;
	v3 =	vimm.s32 $0x0  }
0x7: {  	v5 =	vimm.s32 $0x3F80;
	v6 =	vimm.s32 $0x6780;
	v7 =	vimm.s32 $0x8F80  }
0x8: {  	v0 =	vsel vm14, $0x0, v0;
	v5 =	vsel vm14, $0x2800, v5;
	v6 =	vsel vm14, $0x5000, v6  }
0x9: {  	v7 =	vsel vm14, $0x7800, v7;
	v0 =	vsel vm13, $0x80, v0;
	v5 =	vsel vm13, $0x2880, v5  }
0xa: {  	v6 =	vsel vm13, $0x5080, v6;
	v7 =	vsel vm13, $0x7880, v7;
	v0 =	vsel vm12, $0x100, v0  }
0xb: {  	v5 =	vsel vm12, $0x2900, v5;
	v6 =	vsel vm12, $0x5100, v6;
	v7 =	vsel vm12, $0x7900, v7  }
0xc: {  	v0 =	vsel vm11, $0x180, v0;
	v5 =	vsel vm11, $0x2980, v5;
	v6 =	vsel vm11, $0x5180, v6  }
0xd: {  	v7 =	vsel vm11, $0x7980, v7;
	v0 =	vsel vm10, $0x200, v0;
	v5 =	vsel vm10, $0x2A00, v5  }
0xe: {  	v6 =	vsel vm10, $0x5200, v6;
	v7 =	vsel vm10, $0x7A00, v7;
	v0 =	vsel vm9, $0x280, v0  }
0xf: {  	v5 =	vsel vm9, $0x2A80, v5;
	v6 =	vsel vm9, $0x5280, v6;
	v7 =	vsel vm9, $0x7A80, v7  }
0x10: {  	s1 =	srdreg.scid;
	s0 =	stileid.u32;
	v0 =	vsel vm8, $0x300, v0;
	v5 =	vsel vm8, $0x2B00, v5;
	v6 =	vsel vm8, $0x5300, v6  }
0x11: {  	s4 =	simm.s32 $0xF5;
	s7 =	rddreg [dreg:$0x2];
	s5 =	simm.s32 $0x0;
	v7 =	vsel vm8, $0x7B00, v7;
	v0 =	vsel vm7, $0x380, v0;
	v5 =	vsel vm7, $0x2B80, v5  }
0x12: {  	s11 =	simm.s32 $0x7A1400;
	s6 =	sand.u32 $0x1, s1;
	s30 =	sshll.u32 s0, $0x1;
	v6 =	vsel vm7, $0x5380, v6;
	v7 =	vsel vm7, $0x7B80, v7;
	v0 =	vsel vm6, $0x1400, v0  }
0x13: {  	s12 =	simm.s32 $0x1900;
	s13 =	simm.s32 $0xB900;
	s1 =	sor.u32 s6, s30;
	v5 =	vsel vm6, $0x3C00, v5;
	v6 =	vsel vm6, $0x6400, v6;
	v7 =	vsel vm6, $0x8C00, v7  }
0x14: {  	s14 =	simm.s32 $0x3;
	s15 =	simm.s32 $0x1;
	s2 =	smul.u32 $0xF4, s1;
	v0 =	vsel vm5, $0x1480, v0;
	v5 =	vsel vm5, $0x3C80, v5;
	v6 =	vsel vm5, $0x6480, v6  }
0x15: {  	s16 =	simm.s32 $0x2;
	s3 =	smin.u32 s1, $0x5;
	p0 =	slt.u32 s1, $0x5;
	v7 =	vsel vm5, $0x8C80, v7;
	v0 =	vsel vm4, $0x1500, v0;
	v5 =	vsel vm4, $0x3D00, v5  }
0x16: {  	s17 =	simm.s32 $0x0;
	s4 =	simm.s32 @!p0 $0xF4;
	s1 =	sadd.s32 s3, s2;
	v6 =	vsel vm4, $0x6500, v6;
	v7 =	vsel vm4, $0x8D00, v7;
	v1 =	vsel vm3, $0x1580, v0  }
0x17: {  	[smem:$0x7FF] =	sst s5;
	s9 =	ssub.s32 $0x2, s6;
	s2 =	sadd.s32 s4, s1;
	v0 =	vmov s1;
	v5 =	vsel vm3, $0x3D80, v5;
	v6 =	vsel vm3, $0x6580, v6  }
.Ltmp0:
0x18: {  	s31 =	sshrl.u32 s9, $0x1;
	s8 =	sshll.u32 s1, $0x7;
	v7 =	vsel vm3, $0x8D80, v7;
	v2 =	vsel vm2, $0x1600, v1;
	v1 =	vmov s2;
	(pc) =	sbr.rel .LBB2_1-.Ltmp0, $4  }
0x19: {  	s6 =	sadd.s32 $0xC00, s7;
	s9 =	ssub.s32 s9, s31;
	s10 =	sadd.s32 $0x280, s8;
	v5 =	vsel vm2, $0x3E00, v5;
	v6 =	vsel vm2, $0x6600, v6;
	v7 =	vsel vm2, $0x8E00, v7  }
0x1a: {  	s3 =	rddreg [dreg:$0x1];
	s9 =	smax.u32 s9, $0x1;
	s10 =	sand.u32 $0x1FFFFF80, s10;
	v4 =	vsel vm1, $0x1680, v2;
	v2 =	vlaneseq.u32;
	v5 =	vsel vm1, $0x3E80, v5  }
0x1b: {  	s4 =	rddreg [dreg:$0x3];
	s7 =	sadd.s32 s3, s8;
	s8 =	sadd.s32 s3, s10;
	v6 =	vsel vm1, $0x6680, v6;
	v7 =	vsel vm1, $0x8E80, v7;
	v4 =	vsel vm0, $0x1700, v4  }
0x1c: {  	s10 =	simm.s32 $0x1400;
	s2 =	rddreg [dreg:$0x0];
	_ =	strace $0x80000047;
	v5 =	vsel vm0, $0x3F00, v5;
	v6 =	vsel vm0, $0x6700, v6;
	v7 =	vsel vm0, $0x8F00, v7  }
.LBB2_20:
0x1d: {  	s17 =	sadd.s32 $0x1, s17  }
0x1e: {  	p0 =	sne.s32 s17, s9  }
.Ltmp1:
0x1f: {  	_ = 	snop;
	(pc) =	sbr.rel @!p0 .LBB2_21-.Ltmp1, $1  }
0x20: {  	_ =	sdelay $0x3  }
.LBB2_1:
0x21: {  	[tilespmem:s12], [sflag:$0x1] =	stream.strided.gather [hbm4b:s7+s10], $0xA000, s11, s10, $0x38;
	[tilespmem:$0x1FB00] =	vst v63  }
0x22: {  	s19 =	simm.s32 $0x0;
	s18 =	simm.s32 $0x0;
	s20 =	simm.s32 $0x0  }
0x23: {  	[tilespmem:s13], [sflag:$0x1] =	stream.strided.gather [hbm4b:s8+s10], $0xA000, s11, s10, $0x38;
	[tilespmem:$0x1FB00] =	vst v63  }
.LBB2_2:
0x24: {  	s21 =	sshll.u32 s20, $0x8  }
0x25: {  	s22 =	simm.s32 $0x0;
	s21 =	sadd.s32 s2, s21  }
0x26: {  	[tilespmem:s22], [sflag:$0x3] =	stream.linear.gather [hbm4b:s21+s22], $0x800, $0x38;
	[tilespmem:$0x1FB00] =	vst v63  }
0x27: {  	_ =	swait.ge [sflag:s14], $0x800  }
0x28: {  	[sflag:s14] =	ssyncset.done $0x0  }
0x29: {  	s31 =	simm.s32 $0x0;
	[sflag:s14] =	ssyncadd.s32 $0xFFFFF800  }
0x2a: {  	v8 =	vld [tilespmem:s31+$0x0];
	_ =	sdelay $0x4  }
0x2b: {  	v9 =	vshra.s32 v8, $0x7  }
0x2c: {  	vm0 =	vge.s32 v9, v0;
	vm1 =	vlt.s32 v9, v1  }
0x2d: {  	vm0 =	vmand vm0, vm1  }
0x2e: {  	v63 =	vmpcnt.ones.xlane vm0;
	_ =	sdelay $0x1  }
0x2f: {  	(v2sf) =	vpush v63, $0x0;
	_ =	sdelay $0x2  }
0x30: {  	v10 =	vor.u32 s19, v2  }
0x31: {  	[tilespmem:s18+$0x800] =	vst.msk vm0, v10  }
0x32: {  	s23 =	simm.s32 $0x10;
	s22 =	simm.s32 $0x80;
	s21 =	smov.u32 s19;
	[tilespmem:s18+$0x1080] =	vst.msk vm0, v8  }
.LBB2_3:
0x33: {  	p0 =	sne.s32 s22, $0x1FC0;
	v8 =	vld [tilespmem:s23+$0x0];
	_ =	sdelay $0x4  }
0x34: {  	v9 =	vshra.s32 v8, $0x7  }
0x35: {  	vm0 =	vge.s32 v9, v0;
	vm1 =	vlt.s32 v9, v1  }
0x36: {  	vm0 =	vmand vm0, vm1  }
0x37: {  	v9 =	vmpcnt.ones.xlane vm0  }
0x38: {  	s21 =	sadd.s32 $0x10, s21;
	s23 =	spop (v2sf)  }
0x39: {  	v10 =	vor.u32 s21, v2;
	(v2sf) =	vpush v9, $0x0;
	s18 =	sadd.s32 s18, s23  }
.Ltmp2:
0x3a: {  	[tilespmem:s18+$0x800] =	vst.msk vm0, v10;
	(pc) =	sbr.rel @p0 .LBB2_3-.Ltmp2, $2  }
0x3b: {  	[tilespmem:s18+$0x1080] =	vst.msk vm0, v8;
	_ =	sdelay $0x2  }
0x3c: {  	s23 =	sshra.s32 s22, $0x2;
	s22 =	sadd.s32 $0x40, s22  }
0x3d: {  	v8 =	vld [tilespmem:s23+$0x0];
	_ =	sdelay $0x4  }
0x3e: {  	v9 =	vshra.s32 v8, $0x7  }
0x3f: {  	vm0 =	vge.s32 v9, v0;
	vm1 =	vlt.s32 v9, v1  }
0x40: {  	vm0 =	vmand vm0, vm1  }
0x41: {  	v62 =	vmpcnt.ones.xlane vm0;
	_ =	sdelay $0x1  }
0x42: {  	(v2sf) =	vpush v62, $0x0;
	_ =	sdelay $0x9  }
0x43: {  	s20 =	sadd.s32 $0x1, s20  }
0x44: {  	p0 =	sne.s32 s20, $0x8  }
.Ltmp3:
0x45: {  	_ = 	snop;
	(pc) =	sbr.rel @p0 .LBB2_2-.Ltmp3, $4  }
0x46: {  	s21 =	sadd.s32 $0x10, s21;
	s22 =	spop (v2sf)  }
0x47: {  	v63 =	vor.u32 s21, v2;
	s18 =	sadd.s32 s18, s22  }
0x48: {  	[tilespmem:s18+$0x800] =	vst.msk vm0, v63;
	s31 =	spop (v2sf)  }
0x49: {  	s19 =	sadd.s32 $0x800, s19;
	[tilespmem:s18+$0x1080] =	vst.msk vm0, v8;
	s18 =	sadd.s32 s18, s31  }
0x4a: {  	s19 =	sadd.s32 $0xF, s18  }
0x4b: {  	s20 =	sand.u32 $0xF, s19  }
0x4c: {  	s31 =	sshra.s32 s19, $0x1F;
	p1 =	slt.s32 s19, $0x1;
	p0 =	sne.s32 s20, $0x0  }
.Ltmp4:
0x4d: {  	s20 =	sshrl.u32 s31, $0x1C;
	p0 =	por !p1, !p0;
	(pc) =	sbr.rel .LBB2_6-.Ltmp4, $4  }
0x4e: {  	s19 =	sadd.s32 s20, s19;
	s20 =	simm.s32 $0x1;
	p0 =	por !p0, !p0  }
0x4f: {  	s19 =	sshra.s32 s19, $0x4;
	s20 =	simm.s32 @!p0 $0x0  }
0x50: {  	s19 =	ssub.s32 s19, s20  }
0x51: {  	v8 =	vmov s18;
	s18 =	simm.s32 $0x0;
	s20 =	simm.s32 $0x0;
	p0 =	slt.s32 s19, $0x1  }
.LBB2_17:
0x52: {  	s20 =	sadd.s32 $0x1, s20  }
0x53: {  	p1 =	seq.s32 s20, $0x31  }
.Ltmp5:
0x54: {  	_ = 	snop;
	(pc) =	sbr.rel @p1 .LBB2_18-.Ltmp5, $1  }
0x55: {  	_ =	sdelay $0x3  }
.LBB2_6:
0x56: {  	p1 =	sgt.u32 s20, $0x2E  }
0x57: {  	s21 =	sadd.s32 @!p1 $0x2, s20  }
0x58: {  	s22 =	smul.u32 @!p1 $0xAB, s21;
	_ =	sdelay $0x1  }
0x59: {  	s22 =	sshrl.u32 @!p1 s22, $0x9  }
0x5a: {  	s23 =	smul.u32 @!p1 $0x5, s21;
	s22 =	sand.u32 @!p1 $0x7F, s22  }
0x5b: {  	s22 =	smul.u32 @!p1 $0x3, s22;
	_ =	sdelay $0x1  }
0x5c: {  	s21 =	ssub.s32 @!p1 s21, s22;
	s22 =	sadd.s32 @!p1 s1, s23  }
0x5d: {  	s21 =	sand.u32 @!p1 $0xFF, s21;
	p2 =	slt.s32 @!p1 s22, $0x1E80  }
0x5e: {  	s21 =	smul.u32 @!p1 $0x28000, s21;
	p2 =	por !p2, p1  }
0x5f: {  	s24 =	simm.s32 @!p1 $0x7A1400;
	s22 =	simm.s32 @p2 $0x1E80  }
0x60: {  	s23 =	simm.s32 @!p1 $0x1400;
	s21 =	sshrl.u32 @!p1 s21, $0x2;
	s22 =	sshll.u32 @!p1 s22, $0x7  }
.Ltmp6:
0x61: {  	s21 =	sor.u32 @!p1 $0x1900, s21;
	s22 =	sadd.s32 @!p1 s3, s22;
	(pc) =	sbr.rel @p0 .LBB2_17-.Ltmp6, $4  }
0x62: {  	[tilespmem:s21], [sflag:$0x1] =	stream.strided.gather @!p1 [hbm4b:s22+s23], $0xA000, s24, s23, $0x38;
	[tilespmem:$0x1FB00] =	vst v63  }
0x63: {  	_ =	swait.ge [sflag:s15], $0xA000  }
0x64: {  	[sflag:s15] =	ssyncset.done $0x0  }
0x65: {  	[sflag:s15] =	ssyncadd.s32 $0xFFFF6000  }
0x66: {  	s21 =	smul.u32 $0xAB, s20;
	_ =	sdelay $0x1  }
0x67: {  	s21 =	sshrl.u32 s21, $0x9  }
0x68: {  	s21 =	sand.u32 $0x7F, s21  }
0x69: {  	s21 =	smul.u32 $0x3, s21  }
0x6a: {  	s22 =	smul.u32 $0x5, s20  }
0x6b: {  	s21 =	ssub.s32 s20, s21  }
.Ltmp7:
0x6c: {  	s22 =	sadd.s32 s1, s22;
	s21 =	sand.u32 $0xFF, s21;
	(pc) =	sbr.rel .LBB2_8-.Ltmp7, $4  }
0x6d: {  	p1 =	slt.s32 s22, $0x1E80;
	s21 =	smul.u32 $0x28000, s21  }
0x6e: {  	s22 =	simm.s32 @!p1 $0x1E80  }
0x6f: {  	s23 =	sadd.s32 $0x5, s22;
	s24 =	sshrl.u32 s21, $0x2  }
0x70: {  	v9 =	vmov s22;
	v10 =	vmov s23;
	s23 =	simm.s32 $0x0;
	s21 =	sshll.u32 s22, $0x7;
	s22 =	sor.u32 $0x1900, s24  }
.LBB2_10:
0x71: {  	_ = 	snop  }
.LBB2_15:
0x72: {  	s24 =	simm.s32 @!p3 $0x2;
	[tilespmem:s25+$0x1F930] =	vst @p1 v16  }
0x73: {  	[hbm4b:s30+s5] =	stream.linear.scatter @p1 [tilespmem:s29], [sflag:$0x2], $0x40, $0x38;
	[tilespmem:$0x1FB00] =	vst v63  }
0x74: {  	_ =	swait.ge @!p3 [sflag:s24], $0x40  }
0x75: {  	s29 =	sshra.s32 s18, $0x1F;
	[sflag:s24] =	ssyncset.done @!p3 $0x0  }
0x76: {  	s25 =	sshrl.u32 s29, $0x1D;
	[sflag:s24] =	ssyncadd.s32 @!p3 $0xFFFFFFC0  }
0x77: {  	s30 =	sadd.s32 s25, s18;
	v11 =	vld.idx.msk [tilespmem:v15+s22+$0x0], $0xffff  }
0x78: {  	v12 =	vadd.s32 v5, v13;
	s24 =	sand.u32 $0xFFFFFFF8, s30  }
0x79: {  	s24 =	ssub.s32 s18, s24  }
0x7a: {  	s24 =	sshll.u32 s24, $0x8  }
0x7b: {  	s24 =	sshra.s32 s24, $0x2  }
0x7c: {  	[tilespmem:s24+$0x1F900] =	vst v11  }
0x7d: {  	v11 =	vld.idx.msk [tilespmem:v12+s22+$0x0], $0xffff  }
0x7e: {  	v62 =	vadd.s32 v6, v13;
	_ =	sdelay $0x3  }
0x7f: {  	[tilespmem:s24+$0x1F910] =	vst v11  }
0x80: {  	v11 =	vld.idx.msk [tilespmem:v62+s22+$0x0], $0xffff  }
0x81: {  	v63 =	vadd.s32 v7, v13;
	_ =	sdelay $0x3  }
0x82: {  	[tilespmem:s24+$0x1F920] =	vst v11  }
0x83: {  	v11 =	vld.idx.msk [tilespmem:v63+s22+$0x0], $0xffff;
	_ =	sdelay $0x4  }
0x84: {  	s26 =	sadd.s32 s6, s26;
	s18 =	sadd.s32 $0x1, s18;
	s31 =	sadd.s32 $0x1F900, s24;
	[tilespmem:s24+$0x1F930] =	vst v11  }
0x85: {  	[hbm4b:s26+s5] =	stream.linear.scatter [tilespmem:s31], [sflag:$0x2], $0x40, $0x38;
	[tilespmem:$0x1FB00] =	vst v63  }
.LBB2_16:
0x86: {  	s23 =	sadd.s32 $0x1, s23  }
0x87: {  	p1 =	sne.s32 s23, s19  }
.Ltmp8:
0x88: {  	_ = 	snop;
	(pc) =	sbr.rel @!p1 .LBB2_17-.Ltmp8, $1  }
0x89: {  	_ =	sdelay $0x3  }
.LBB2_8:
0x8a: {  	s25 =	sshll.u32 s23, $0x4  }
0x8b: {  	v11 =	vld [tilespmem:s25+$0x1080];
	_ =	sdelay $0x4  }
0x8c: {  	v12 =	vor.u32 s25, v2;
	v13 =	vshra.s32 v11, $0x7  }
0x8d: {  	vm0 =	vlt.s32 v12, v8;
	vm1 =	vlt.s32 v13, v10  }
0x8e: {  	vm2 =	vge.s32 v13, v9;
	vm0 =	vmand vm1, vm0  }
0x8f: {  	vm0 =	vmand vm0, vm2  }
0x90: {  	v12 =	vmpcnt.ones.xlane vm0;
	_ =	sdelay $0x1  }
0x91: {  	(v2sf) =	vpush v12, $0x0;
	_ =	sdelay $0xe  }
0x92: {  	s24 =	spop (v2sf)  }
0x93: {  	p1 =	slt.s32 s24, $0x1  }
.Ltmp9:
0x94: {  	_ = 	snop;
	(pc) =	sbr.rel @p1 .LBB2_16-.Ltmp9, $2  }
0x95: {  	_ =	sdelay $0x2  }
0x96: {  	v12 =	vld [tilespmem:s25+$0x800]  }
0x97: {  	v14 =	vsel vm0, $0x1, v3  }
0x98: {  	vm0 =	vne.s32 v14, $0x0  }
0x99: {  	v13 =	vmctz.xlane vm0;
	_ =	sdelay $0x1  }
0x9a: {  	v15 =	vperm.xlane v11, v13;
	_ =	sdelay $0x1  }
0x9b: {  	(v2sf) =	vpush v15, $0x0;
	_ =	sdelay $0x1  }
0x9c: {  	v15 =	vperm.xlane v12, v13;
	_ =	sdelay $0x1  }
0x9d: {  	(v2sf) =	vpush v15, $0x0;
	_ =	sdelay $0xa  }
0x9e: {  	s24 =	sadd.s32 $0xFFFFFFFF, s24;
	s25 =	spop (v2sf)  }
0x9f: {  	p2 =	sne.s32 s24, $0x0;
	s25 =	ssub.s32 s25, s21  }
.Ltmp10:
0xa0: {  	v15 =	vmov s25;
	(pc) =	sbr.rel @!p2 .LBB2_10-.Ltmp10, $4  }
0xa1: {  	v13 =	vbroadcast v13, $0x0;
	v16 =	vshll.u32 v15, $0x3  }
0xa2: {  	s31 =	spop (v2sf);
	v15 =	vand.u32 $0x7F, v15;
	v16 =	vand.u32 $0xFFFFFC00, v16  }
0xa3: {  	vm15 =	veq.s32 v13, v2;
	s25 =	sshll.u32 s31, $0x3;
	v13 =	vor.u32 v15, v16  }
0xa4: {  	p3 =	slt.s32 s18, $0x8;
	p1 =	por $0x0, $0x0;
	v14 =	vsel vm15, $0x0, v14;
	s26 =	sand.u32 $0x1FFFFFF8, s25;
	v15 =	vadd.s32 v4, v13  }
0xa5: {  	vm0 =	vne.s32 v14, $0x0  }
0xa6: {  	v16 =	vmctz.xlane vm0  }
0xa7: {  	s25 =	simm.s32 @!p3 $0x2  }
0xa8: {  	_ =	swait.ge @!p3 [sflag:s25], $0x40;
	v17 =	vperm.xlane v11, v16  }
0xa9: {  	s28 =	sshra.s32 s18, $0x1F;
	[sflag:s25] =	ssyncset.done @!p3 $0x0  }
0xaa: {  	s28 =	sshrl.u32 s28, $0x1D;
	[sflag:s25] =	ssyncadd.s32 @!p3 $0xFFFFFFC0;
	(v2sf) =	vpush v17, $0x0;
	v17 =	vperm.xlane v12, v16  }
0xab: {  	s31 =	sadd.s32 s28, s18;
	v15 =	vld.idx.msk [tilespmem:v15+s22+$0x0], $0xffff  }
0xac: {  	s25 =	sand.u32 $0xFFFFFFF8, s31;
	(v2sf) =	vpush v17, $0x0;
	v17 =	vadd.s32 v5, v13  }
0xad: {  	s25 =	ssub.s32 s18, s25  }
0xae: {  	s25 =	sshll.u32 s25, $0x8  }
0xaf: {  	s25 =	sshra.s32 s25, $0x2  }
0xb0: {  	[tilespmem:s25+$0x1F900] =	vst v15  }
0xb1: {  	v15 =	vld.idx.msk [tilespmem:v17+s22+$0x0], $0xffff  }
0xb2: {  	v17 =	vadd.s32 v6, v13;
	_ =	sdelay $0x3  }
0xb3: {  	[tilespmem:s25+$0x1F910] =	vst v15  }
0xb4: {  	v15 =	vld.idx.msk [tilespmem:v17+s22+$0x0], $0xffff  }
0xb5: {  	v17 =	vadd.s32 v7, v13;
	_ =	sdelay $0x2  }
0xb6: {  	s24 =	sadd.s32 $0xFFFFFFFF, s24;
	v16 =	vbroadcast v16, $0x0;
	s28 =	spop (v2sf)  }
0xb7: {  	p2 =	sne.s32 s24, $0x0;
	s28 =	ssub.s32 s28, s21;
	[tilespmem:s25+$0x1F920] =	vst v15  }
.Ltmp11:
0xb8: {  	vm15 =	veq.s32 v16, v2;
	v13 =	vmov s28;
	v16 =	vld.idx.msk [tilespmem:v17+s22+$0x0], $0xffff;
	(pc) =	sbr.rel @!p2 .LBB2_12-.Ltmp11, $4  }
0xb9: {  	v18 =	vshll.u32 v13, $0x3  }
0xba: {  	s30 =	sadd.s32 s6, s26;
	s28 =	spop (v2sf);
	v13 =	vand.u32 $0x7F, v13;
	v18 =	vand.u32 $0xFFFFFC00, v18  }
0xbb: {  	p1 =	por $0x1, $0x1;
	s18 =	sadd.s32 $0x1, s18;
	s28 =	sshll.u32 s28, $0x3;
	v13 =	vor.u32 v13, v18  }
0xbc: {  	p3 =	slt.s32 s18, $0x8;
	s29 =	sadd.s32 $0x1F900, s25;
	v14 =	vsel vm15, $0x0, v14;
	s28 =	sand.u32 $0x1FFFFFF8, s28;
	v15 =	vadd.s32 v4, v13  }
.LBB2_13:
0xbd: {  	s24 =	sadd.s32 $0xFFFFFFFF, s24;
	s31 =	simm.s32 @!p3 $0x2;
	[tilespmem:s25+$0x1F930] =	vst v16;
	s26 =	smov.u32 s28  }
0xbe: {  	[hbm4b:s30+s5] =	stream.linear.scatter [tilespmem:s29], [sflag:$0x2], $0x40, $0x38;
	[tilespmem:$0x1FB00] =	vst v63  }
0xbf: {  	p2 =	sne.s32 s24, $0x0;
	_ =	swait.ge @!p3 [sflag:s31], $0x40  }
0xc0: {  	s25 =	sshra.s32 s18, $0x1F;
	[sflag:s31] =	ssyncset.done @!p3 $0x0  }
0xc1: {  	s25 =	sshrl.u32 s25, $0x1D;
	[sflag:s31] =	ssyncadd.s32 @!p3 $0xFFFFFFC0  }
0xc2: {  	vm0 =	vne.s32 v14, $0x0;
	s25 =	sadd.s32 s25, s18;
	v15 =	vld.idx.msk [tilespmem:v15+s22+$0x0], $0xffff  }
0xc3: {  	v17 =	vadd.s32 v5, v13;
	v16 =	vmctz.xlane vm0;
	s25 =	sand.u32 $0xFFFFFFF8, s25  }
0xc4: {  	s25 =	ssub.s32 s18, s25  }
0xc5: {  	v18 =	vperm.xlane v11, v16;
	v19 =	vbroadcast v16, $0x0;
	s25 =	sshll.u32 s25, $0x8  }
0xc6: {  	v16 =	vperm.xlane v12, v16;
	s25 =	sshra.s32 s25, $0x2  }
0xc7: {  	vm0 =	veq.s32 v19, v2;
	(v2sf) =	vpush v18, $0x0  }
0xc8: {  	v14 =	vsel vm0, $0x0, v14;
	(v2sf) =	vpush v16, $0x0;
	[tilespmem:s25+$0x1F900] =	vst v15  }
0xc9: {  	v15 =	vld.idx.msk [tilespmem:v17+s22+$0x0], $0xffff  }
0xca: {  	v16 =	vadd.s32 v6, v13;
	_ =	sdelay $0x4  }
0xcb: {  	[tilespmem:s25+$0x1F910] =	vst v15  }
0xcc: {  	v15 =	vld.idx.msk [tilespmem:v16+s22+$0x0], $0xffff  }
0xcd: {  	v13 =	vadd.s32 v7, v13;
	_ =	sdelay $0x4  }
0xce: {  	s28 =	spop (v2sf);
	[tilespmem:s25+$0x1F920] =	vst v15  }
0xcf: {  	s28 =	ssub.s32 s28, s21;
	s29 =	spop (v2sf);
	v16 =	vld.idx.msk [tilespmem:v13+s22+$0x0], $0xffff  }
.Ltmp12:
0xd0: {  	v13 =	vmov s28;
	s28 =	sshll.u32 s29, $0x3;
	(pc) =	sbr.rel @p2 .LBB2_13-.Ltmp12, $4  }
0xd1: {  	v15 =	vshll.u32 v13, $0x3;
	s28 =	sand.u32 $0x1FFFFFF8, s28  }
0xd2: {  	v13 =	vand.u32 $0x7F, v13;
	v15 =	vand.u32 $0xFFFFFC00, v15  }
0xd3: {  	s18 =	sadd.s32 $0x1, s18;
	v13 =	vor.u32 v13, v15  }
0xd4: {  	s30 =	sadd.s32 s6, s26;
	p3 =	slt.s32 s18, $0x8;
	s29 =	sadd.s32 $0x1F900, s25;
	v15 =	vadd.s32 v4, v13  }
.Ltmp13:
0xd5: {  	(pc) =	sbr.rel .LBB2_15-.Ltmp13, $2  }
0xd6: {  	_ =	sdelay $0x2  }
0xd7: {  	s26 =	smov.u32 s28  }
.LBB2_12:
.Ltmp14:
0xd8: {  	(pc) =	sbr.rel .LBB2_15-.Ltmp14, $2  }
0xd9: {  	_ =	sdelay $0x2  }
0xda: {  	s26 =	smov.u32 s28  }
.LBB2_18:
0xdb: {  	p0 =	sgt.s32 s18, $0x0  }
0xdc: {  	s19 =	simm.s32 @p0 $0x2  }
0xdd: {  	p1 =	seq.s32 @p0 s18, $0x1;
	_ =	swait.ge @p0 [sflag:s19], $0x40  }
0xde: {  	p1 =	por !p0, p1;
	[sflag:s19] =	ssyncset.done @p0 $0x0  }
0xdf: {  	[sflag:s19] =	ssyncadd.s32 @p0 $0xFFFFFFC0;
	p0 =	slt.u32 @!p1 s18, $0x3  }
0xe0: {  	p0 =	por p1, p0  }
.Ltmp15:
0xe1: {  	_ = 	snop;
	(pc) =	sbr.rel @p0 .LBB2_20-.Ltmp15, $4  }
0xe2: {  	s19 =	simm.s32 @!p1 $0x2  }
0xe3: {  	_ =	swait.ge @!p1 [sflag:s19], $0x40  }
0xe4: {  	[sflag:s19] =	ssyncset.done @!p1 $0x0  }
0xe5: {  	[sflag:s19] =	ssyncadd.s32 @!p1 $0xFFFFFFC0  }
0xe6: {  	p0 =	seq.s32 s18, $0x3  }
0xe7: {  	p1 =	slt.u32 @!p0 s18, $0x5  }
0xe8: {  	p2 =	por p1, p0  }
0xe9: {  	_ =	swait.ge [sflag:s16], $0x40;
	p3 =	seq.s32 @!p2 s18, $0x5  }
0xea: {  	[sflag:s16] =	ssyncset.done $0x0;
	s20 =	simm.s32 @!p3 $0x0;
	p4 =	por @!p0 p3, p1  }
0xeb: {  	s19 =	simm.s32 @!p0 $0x2;
	s20 =	simm.s32 @p3 $0x1;
	p4 =	por p4, p0  }
0xec: {  	[sflag:s16] =	ssyncadd.s32 $0xFFFFFFC0;
	[smem:$0x7FD] =	sst s20;
	p5 =	slt.u32 @!p4 s18, $0x7  }
0xed: {  	_ =	swait.ge @!p0 [sflag:s19], $0x40;
	s20 =	simm.s32 @!p5 $0x0  }
0xee: {  	[sflag:s19] =	ssyncset.done @!p0 $0x0;
	s20 =	simm.s32 @p5 $0x1  }
0xef: {  	[sflag:s19] =	ssyncadd.s32 @!p0 $0xFFFFFFC0;
	s19 =	simm.s32 @!p2 $0x2;
	[smem:$0x7FC] =	sst s20  }
0xf0: {  	_ =	swait.ge @!p2 [sflag:s19], $0x40  }
0xf1: {  	[sflag:s19] =	ssyncset.done @!p2 $0x0  }
0xf2: {  	[sflag:s19] =	ssyncadd.s32 @!p2 $0xFFFFFFC0;
	s19 =	simm.s32 @!p4 $0x2  }
0xf3: {  	_ =	swait.ge @!p4 [sflag:s19], $0x40  }
0xf4: {  	p6 =	por @!p2 p5, p3;
	s30 =	sld [smem:$0x7FC]  }
0xf5: {  	p6 =	por @!p0 p6, p1;
	s31 =	sld [smem:$0x7FD]  }
0xf6: {  	p6 =	por p6, p0  }
0xf7: {  	p5 =	seq.s32 @!p6 s18, $0x7;
	p3 =	seq.s32 s30, $0x1  }
0xf8: {  	[sflag:s19] =	ssyncset.done @!p4 $0x0;
	p5 =	por @!p4 p5, p3;
	p3 =	seq.s32 s31, $0x1  }
0xf9: {  	s18 =	simm.s32 @!p6 $0x2;
	[sflag:s19] =	ssyncadd.s32 @!p4 $0xFFFFFFC0;
	p2 =	por @!p2 p5, p3  }
0xfa: {  	_ =	swait.ge @!p6 [sflag:s18], $0x40;
	p1 =	por @!p0 p2, p1  }
.Ltmp16:
0xfb: {  	[sflag:s18] =	ssyncset.done @!p6 $0x0;
	p0 =	por p1, p0;
	(pc) =	sbr.rel .LBB2_20-.Ltmp16, $4  }
0xfc: {  	[sflag:s18] =	ssyncadd.s32 @!p6 $0xFFFFFFC0;
	s18 =	simm.s32 @!p0 $0x2  }
0xfd: {  	_ =	swait.ge @!p0 [sflag:s18], $0x40  }
0xfe: {  	[sflag:s18] =	ssyncset.done @!p0 $0x0  }
0xff: {  	[sflag:s18] =	ssyncadd.s32 @!p0 $0xFFFFFFC0  }
.LBB2_21:
0x100: {  	_ =	sfence.sel $0x180000  }
0x101: {  	[bflag:$0x0] =	sbarrier.arrive $0xFFFF  }
0x102: {  	p0 =	sne.s32 s0, $0x0;
	_ =	strace $0x90000047  }
0x103: {  	s0 =	sadd.s32 @!p0 $0x100000, s4;
	[bflag:$0x2] =	sbarrier.arrive $0xFFFF  }
0x104: {  	[sflag:s0] =	ssyncadd.tile.s32 @!p0 $0x1;
	_ =	shalt  }
.Lfunc_end2:
_tile_overlayer_lowered:
.L_overlay_start_2:
0x105: {  	(tag) =	ssettag $0x2  }
0x106: {  	s0 =	rddreg [dreg:$0x0];
	s2 =	stileid.u32  }
0x107: {  	s1 =	rddreg [dreg:$0x1];
	p0 =	sne.s32 s2, $0x0  }
0x108: {  	s3 =	rddreg [dreg:$0x2];
	[bflag:$0x3] =	sbarrier.arrive $0xFFFF;
	s2 =	simm.s32 @!p0 $0x1C03  }
0x109: {  	[timem:s3], [sflag:s2] =	dma.local @!p0 [hbm:s0], s1  }
0x10a: {  	s0 =	simm.s32 @!p0 $0x3  }
0x10b: {  	_ =	swait.ge @!p0 [sflag:s0], s1  }
0x10c: {  	s1 =	ssub.s32 @!p0 $0x0, s1;
	[sflag:s0] =	ssyncset.done @!p0 $0x0  }
0x10d: {  	[sflag:s0] =	ssyncadd.s32 @!p0 s1  }
0x10e: {  	[bflag:$0x3] =	sbarrier.arrive $0xFFFF  }
0x10f: {  	_ =	shalt  }

// kernel: kernel.8.cloned.1.call-start
scs
__scs_entry_jumppad:
0x0: {  	(pc) =	sbr.rel $0x88, $3  }
0x1: {  	(tag) =	ssettag $0x0;
	lr =	simm.s32 $0x1  }
0x2: {  	[smem:$0x3F9D] =	sst lr;
	_ =	strace $0xD0000000  }
0x3: {  	_ = 	snop  }
0x4: {  	_ = 	snop  }
0x5: {  	_ = 	snop  }
0x6: {  	_ = 	snop  }
0x7: {  	_ = 	snop  }
__scs_overlays_trampoline_lowered:
0x8: {  	[smem:$0x3FAC] =	sst s0  }
0x9: {  	[smem:$0x3FAD] =	sst s1  }
0xa: {  	[smem:$0x3FAE] =	sst s2  }
0xb: {  	[smem:$0x3FAF] =	sst s3  }
0xc: {  	[smem:$0x3FB0] =	sst s4  }
0xd: {  	[smem:$0x3FB1] =	sst s5  }
0xe: {  	[smem:$0x3FB2] =	sst s6  }
0xf: {  	[smem:$0x3FB3] =	sst s7  }
0x10: {  	[smem:$0x3FB4] =	sst s8  }
0x11: {  	[smem:$0x3FB5] =	sst s9;
	s0 =	simm.s32 @!p0 $0x0  }
0x12: {  	s1 =	sld [smem:$0x3F9B];
	s0 =	simm.s32 @p0 $0x1  }
0x13: {  	[smem:$0x3FB6] =	sst s0;
	s0 =	simm.s32 @!p1 $0x0  }
0x14: {  	s2 =	sld [smem:$0x3F9A];
	s0 =	simm.s32 @p1 $0x1  }
0x15: {  	[smem:$0x3FB7] =	sst s0;
	s0 =	simm.s32 @!p2 $0x0  }
0x16: {  	s3 =	sld [smem:$0x3FDB];
	s0 =	simm.s32 @p2 $0x1  }
0x17: {  	s4 =	simm.s32 $0x1BF5;
	[smem:$0x3FB9] =	sst s0  }
0x18: {  	s0 =	sld [smem:$0x3F9C];
	_ =	swait.ge [sflag:s4], $0x0  }
0x19: {  	s7 =	sld [smem:$0x3F9D]  }
0x1a: {  	s8 =	sadd.s32 $0xFFFFE003, lr  }
0x1b: {  	s9 =	sadd.s32 $0xFFFFFEF7, lr;
	s5 =	simm.s32 $0xFFFFFFFF;
	p2 =	slt.u32 s8, $0xFFFFF086  }
0x1c: {  	p1 =	slt.u32 s9, $0xF7A;
	s5 =	simm.s32 @!p2 $0x0  }
0x1d: {  	s5 =	simm.s32 @p1 $0x1;
	p0 =	seq.s32 s7, s2  }
0x1e: {  	s7 =	smul.u32 @!p0 $0xF7A, s2;
	p2 =	seq.s32 @!p0 s5, $0x0  }
0x1f: {  	s9 =	smul.u32 $0xF7A, s1;
	s8 =	simm.s32 @!p0 $0x1BF5;
	p2 =	por !p2, p0  }
0x20: {  	[sflag:s8] =	ssyncset.s32 @!p0 $0xFFFFF086;
	s6 =	sadd.s32 @!p0 s3, s7;
	s7 =	simm.s32 @!p0 $0x108  }
0x21: {  	s3 =	sadd.s32 s3, s9;
	s6 =	sadd.s32 @!p0 $0x88, s6;
	s7 =	simm.s32 @p2 $0x1082  }
0x22: {  	[simem:s7], [sflag:s8] =	dma.local @!p0 [hbm:s6], $0xF7A  }
0x23: {  	s9 =	sor.u32 $0xD0000000, s2;
	s6 =	simm.s32 $0x108;
	_ =	swait.ge @!p0 [sflag:s8], $0x0  }
0x24: {  	s3 =	sadd.s32 $0x88, s3;
	s6 =	simm.s32 @!p1 $0x1082;
	[sflag:s4] =	ssyncset.s32 $0xFFFFF086  }
0x25: {  	[simem:s6], [sflag:s4] =	dma.local [hbm:s3], $0xF7A  }
0x26: {  	[smem:$0x3F9D] =	sst s1;
	(tag) =	ssettag s2;
	_ =	strace s9  }
0x27: {  	s1 =	sld [smem:$0x3FAD]  }
0x28: {  	s2 =	sld [smem:$0x3FAE]  }
0x29: {  	s4 =	sld [smem:$0x3FB0]  }
0x2a: {  	p0 =	seq.s32 s5, $0x0;
	s5 =	sld [smem:$0x3FB1]  }
0x2b: {  	s6 =	sld [smem:$0x3FB2]  }
0x2c: {  	s7 =	sld [smem:$0x3FB3]  }
0x2d: {  	s3 =	simm.s32 $0x108;
	s8 =	sld [smem:$0x3FB4]  }
0x2e: {  	s3 =	simm.s32 @!p0 $0x1082;
	s9 =	sld [smem:$0x3FB5]  }
0x2f: {  	lr =	sadd.s32 s0, s3;
	s0 =	sld [smem:$0x3FAC]  }
0x30: {  	s3 =	sld [smem:$0x3FAF]  }
0x31: {  	[smem:$0x3FB8] =	sst s10  }
0x32: {  	s10 =	sld [smem:$0x3FB6];
	_ =	sdelay $0x3  }
0x33: {  	p0 =	seq.s32 s10, $0x1;
	s10 =	sld [smem:$0x3FB8];
	_ =	sdelay $0x3  }
0x34: {  	[smem:$0x3FB8] =	sst s10  }
0x35: {  	s10 =	sld [smem:$0x3FB7];
	_ =	sdelay $0x3  }
0x36: {  	p1 =	seq.s32 s10, $0x1;
	s10 =	sld [smem:$0x3FB8];
	_ =	sdelay $0x3  }
0x37: {  	[smem:$0x3FB8] =	sst s10  }
0x38: {  	s10 =	sld [smem:$0x3FB9]  }
0x39: {  	_ = 	snop;
	(pc) =	sbr.ind lr, $3  }
0x3a: {  	_ = 	snop  }
0x3b: {  	_ = 	snop  }
0x3c: {  	p2 =	seq.s32 s10, $0x1;
	s10 =	sld [smem:$0x3FB8]  }
0x3d: {  	_ =	shalt  }
0x3e: {  	_ =	shalt  }
0x3f: {  	_ =	shalt  }
0x40: {  	_ =	shalt  }
0x41: {  	_ =	shalt  }
0x42: {  	_ =	shalt  }
0x43: {  	_ =	shalt  }
0x44: {  	_ =	shalt  }
0x45: {  	_ =	shalt  }
0x46: {  	_ =	shalt  }
0x47: {  	_ =	shalt  }
0x48: {  	_ =	shalt  }
0x49: {  	_ =	shalt  }
0x4a: {  	_ =	shalt  }
0x4b: {  	_ =	shalt  }
0x4c: {  	_ =	shalt  }
0x4d: {  	_ =	shalt  }
0x4e: {  	_ =	shalt  }
0x4f: {  	_ =	shalt  }
0x50: {  	_ =	shalt  }
0x51: {  	_ =	shalt  }
0x52: {  	_ =	shalt  }
0x53: {  	_ =	shalt  }
0x54: {  	_ =	shalt  }
0x55: {  	_ =	shalt  }
0x56: {  	_ =	shalt  }
0x57: {  	_ =	shalt  }
0x58: {  	_ =	shalt  }
0x59: {  	_ =	shalt  }
0x5a: {  	_ =	shalt  }
0x5b: {  	_ =	shalt  }
0x5c: {  	_ =	shalt  }
0x5d: {  	_ =	shalt  }
0x5e: {  	_ =	shalt  }
0x5f: {  	_ =	shalt  }
0x60: {  	_ =	shalt  }
0x61: {  	_ =	shalt  }
0x62: {  	_ =	shalt  }
0x63: {  	_ =	shalt  }
0x64: {  	_ =	shalt  }
0x65: {  	_ =	shalt  }
0x66: {  	_ =	shalt  }
0x67: {  	_ =	shalt  }
0x68: {  	_ =	shalt  }
0x69: {  	_ =	shalt  }
0x6a: {  	_ =	shalt  }
0x6b: {  	_ =	shalt  }
0x6c: {  	_ =	shalt  }
0x6d: {  	_ =	shalt  }
0x6e: {  	_ =	shalt  }
0x6f: {  	_ =	shalt  }
0x70: {  	_ =	shalt  }
0x71: {  	_ =	shalt  }
0x72: {  	_ =	shalt  }
0x73: {  	_ =	shalt  }
0x74: {  	_ =	shalt  }
0x75: {  	_ =	shalt  }
0x76: {  	_ =	shalt  }
0x77: {  	_ =	shalt  }
0x78: {  	_ =	shalt  }
0x79: {  	_ =	shalt  }
0x7a: {  	_ =	shalt  }
0x7b: {  	_ =	shalt  }
0x7c: {  	_ =	shalt  }
0x7d: {  	_ =	shalt  }
0x7e: {  	_ =	shalt  }
0x7f: {  	_ =	shalt  }
0x80: {  	_ =	shalt  }
0x81: {  	_ =	shalt  }
0x82: {  	_ =	shalt  }
0x83: {  	_ =	shalt  }
0x84: {  	_ =	shalt  }
0x85: {  	_ =	shalt  }
0x86: {  	_ =	shalt  }
0x87: {  	_ =	shalt  }
.Lfunc_end0:
.L_simem_size_0:
called_computation.1_lowered:
.L_overlay_start_0:
0x88: {  	s2 =	sld [smem:$0x3FD9]  }
0x89: {  	s3 =	sld [smem:$0x3FFE];
	_ =	sdelay $0x1  }
0x8a: {  	s1 =	srdreg.scid  }
0x8b: {  	s0 =	sand.u32 $0x1, s1  }
0x8c: {  	s17 =	sshll.u32 s0, $0xA;
	s2 =	sadd.s32 s3, s2  }
0x8d: {  	s2 =	sadd.s32 s2, s17  }
0x8e: {  	[smem:$0x3FC4] =	sst s2  }
0x8f: {  	_ = 	snop  }
0x90: {  	s18 =	sld [smem:$0x3FC8]  }
0x91: {  	s4 =	sld [smem:$0x3FC6];
	(tm) =	ssettm $0x1  }
0x92: {  	s19 =	sld [smem:$0x3FFB];
	_ =	sdelay $0x3  }
0x93: {  	_ =	strace s19  }
0x94: {  	s2 =	sld [smem:$0x3FFC];
	_ =	sdelay $0x3  }
0x95: {  	_ =	strace s2  }
0x96: {  	s2 =	sld [smem:$0x3FFD];
	_ =	sdelay $0x3  }
0x97: {  	_ =	strace s2  }
0x98: {  	_ =	strace $0x8FFFFFFF  }
0x99: {  	s20 =	sld [smem:$0x3FDB];
	_ =	sdelay $0x1  }
0x9a: {  	s5 =	simm.s32 $_scs_section_size  }
0x9b: {  	s6 =	simm.s32 $_size__tile_overlayer_lowered;
	s7 =	simm.s32 $_tile_overlayer_lowered  }
0x9c: {  	s8 =	simm.s32 $0x1BFF;
	s21 =	sshll.u32 s7, $0x1;
	s5 =	sadd.s32 s5, s20  }
0x9d: {  	s22 =	simm.s32 $0x0;
	s6 =	sshll.u32 s6, $0x1;
	s7 =	sadd.s32 s21, s5  }
0x9e: {  	[timem:s22], [sflag:s8] =	dma.local [hbm:s7], s6  }
0x9f: {  	_ =	swait.ge [sflag:s8], s6  }
0xa0: {  	s6 =	ssub.s32 $0x0, s6;
	[sflag:s8] =	ssyncset.done $0x0  }
0xa1: {  	[sflag:s8] =	ssyncadd.s32 s6;
	_ =	sdelay $0x1  }
0xa2: {  	s23 =	simm.s32 $0x1B8B  }
0xa3: {  	_ =	swait.ge [sflag:s23], $0x1  }
0xa4: {  	[sflag:s23] =	ssyncset.done $0x0  }
0xa5: {  	[sflag:s23] =	ssyncadd.s32 $0xFFFFFFFF  }
0xa6: {  	s6 =	sld [smem:$0x0]  }
0xa7: {  	s7 =	sand.u32 $0xFFFFFFFE, s1  }
0xa8: {  	p0 =	sne.s32 s1, s7  }
0xa9: {  	s7 =	sshll.u32 @p0 s7, $0xE  }
0xaa: {  	s7 =	sadd.s32 @p0 $0x11B8D, s7;
	s8 =	sshll.u32 @p0 s6, $0x11  }
0xab: {  	s7 =	sor.u32 @p0 s8, s7  }
0xac: {  	[sflag:s7] =	ssyncadd.remote.s32 @p0 $0x1;
	_ =	sdelay $0x1  }
0xad: {  	s7 =	simm.s32 @p0 $0x1B8D  }
0xae: {  	_ =	swait.eq @p0 [sflag:s7], $0x1  }
0xaf: {  	[sflag:s7] =	ssyncadd.s32 @p0 $0xFFFFFFFF  }
0xb0: {  	s8 =	sshll.u32 @!p0 s1, $0xE  }
0xb1: {  	s8 =	sor.u32 @!p0 $0x4000, s8;
	s7 =	simm.s32 @!p0 $0x1B8D  }
0xb2: {  	s6 =	sshll.u32 @!p0 s6, $0x11;
	s8 =	sadd.s32 @!p0 $0x11B8D, s8;
	_ =	swait.eq @!p0 [sflag:s7], $0x1  }
0xb3: {  	s6 =	sor.u32 @!p0 s6, s8;
	[sflag:s7] =	ssyncadd.s32 @!p0 $0xFFFFFFFF  }
0xb4: {  	s25 =	simm.s32 $0x1B8E;
	s24 =	sld [smem:$0x3FFE];
	[sflag:s6] =	ssyncadd.remote.s32 @!p0 $0x1  }
0xb5: {  	s26 =	simm.s32 $execute0_lowered;
	[smem:$0x3FD2] =	sst s25  }
0xb6: {  	s7 =	sshll.u32 s26, $0x1;
	_ =	strace $0x80000049;
	[dreg:$0x1] =	wrdreg $0xFFFFFFFF  }
0xb7: {  	s28 =	simm.s32 $_size_execute0_lowered;
	s5 =	sadd.s32 s5, s7;
	[dreg:$0x0] =	wrdreg $0x0  }
0xb8: {  	s7 =	sshll.u32 s28, $0x1;
	[dreg:$0x2] =	wrdreg s5  }
0xb9: {  	[dreg:$0x3] =	wrdreg s7  }
0xba: {  	[dreg:$0x4] =	wrdreg $0xC0  }
0xbb: {  	_ =	task [dreg:s22], $0x5FFFF  }
0xbc: {  	[dreg:$0x1] =	wrdreg $0xFFFFFFFF  }
0xbd: {  	[dreg:$0x0] =	wrdreg $0x60  }
0xbe: {  	[dreg:$0x2] =	wrdreg s18  }
0xbf: {  	[dreg:$0x3] =	wrdreg s4  }
0xc0: {  	[dreg:$0x4] =	wrdreg s24  }
0xc1: {  	[dreg:$0x5] =	wrdreg $0xA  }
0xc2: {  	_ =	task.clear_ibuf [dreg:s22], $0x6FFFF;
	_ =	strace $0x90000049  }
0xc3: {  	s29 =	simm.s32 $0xA;
	_ =	strace $0x8000004B  }
0xc4: {  	_ =	swait.ge [sflag:s29], $0x1  }
0xc5: {  	[sflag:s29] =	ssyncadd.s32 $0xFFFFFFFF  }
0xc6: {  	_ =	strace $0x9000004B  }
0xc7: {  	_ =	sfence  }
0xc8: {  	s30 =	sld [smem:$0x0];
	_ =	sdelay $0x2  }
0xc9: {  	s31 =	sshll.u32 s1, $0xD;
	s1 =	sshrl.u32 s1, $0x2  }
0xca: {  	s4 =	sand.u32 $0x4000, s31;
	s1 =	sadd.s32 s1, s30  }
0xcb: {  	s0 =	sor.u32 s4, s0;
	s1 =	sshll.u32 s1, $0x11  }
0xcc: {  	s0 =	sor.u32 s1, s0  }
0xcd: {  	s0 =	sadd.s32 $0x8F2B, s0  }
0xce: {  	[sflag:s0] =	ssyncadd.remote.s32 $0x1  }
0xcf: {  	_ =	sfence.sel $0xFFFF  }
0xd0: {  	[dreg:$0x0] =	wrdreg $0xFFFFFFFF;
	(pc) =	sbr.abs _section_cstart, $3  }
0xd1: {  	[dreg:$0x1] =	wrdreg $0xFFFFFFFF  }
0xd2: {  	_ =	task.clear_ibuf [dreg:s22], $0x2FFFF;
	_ =	strace $0x9FFFFFFF  }
0xd3: {  	(tm) =	ssettm $0x7FFFFFFF  }
tec
execute0_lowered:
.L_overlay_start_1:
0x0: {  	(tag) =	ssettag $0x1  }
0x1: {  	v0 =	vimm.s32 $0x1780;
	vm14 =	vcmask $0x300  }
0x2: {  	vm13 =	vcmask $0x704;
	vm12 =	vcmask $0xB08;
	vm11 =	vcmask $0xF0C  }
0x3: {  	vm10 =	vcmask $0x1310;
	vm9 =	vcmask $0x1714;
	vm8 =	vcmask $0x1B18  }
0x4: {  	vm7 =	vcmask $0x1F1C;
	vm6 =	vcmask $0x2320;
	vm5 =	vcmask $0x2724  }
0x5: {  	vm4 =	vcmask $0x2B28;
	vm3 =	vcmask $0x2F2C;
	vm2 =	vcmask $0x3330  }
0x6: {  	vm1 =	vcmask $0x3734;
	vm0 =	vcmask $0x3B38;
	v3 =	vimm.s32 $0x0  }
0x7: {  	v5 =	vimm.s32 $0x3F80;
	v6 =	vimm.s32 $0x6780;
	v7 =	vimm.s32 $0x8F80  }
0x8: {  	v0 =	vsel vm14, $0x0, v0;
	v5 =	vsel vm14, $0x2800, v5;
	v6 =	vsel vm14, $0x5000, v6  }
0x9: {  	v7 =	vsel vm14, $0x7800, v7;
	v0 =	vsel vm13, $0x80, v0;
	v5 =	vsel vm13, $0x2880, v5  }
0xa: {  	v6 =	vsel vm13, $0x5080, v6;
	v7 =	vsel vm13, $0x7880, v7;
	v0 =	vsel vm12, $0x100, v0  }
0xb: {  	v5 =	vsel vm12, $0x2900, v5;
	v6 =	vsel vm12, $0x5100, v6;
	v7 =	vsel vm12, $0x7900, v7  }
0xc: {  	v0 =	vsel vm11, $0x180, v0;
	v5 =	vsel vm11, $0x2980, v5;
	v6 =	vsel vm11, $0x5180, v6  }
0xd: {  	v7 =	vsel vm11, $0x7980, v7;
	v0 =	vsel vm10, $0x200, v0;
	v5 =	vsel vm10, $0x2A00, v5  }
0xe: {  	v6 =	vsel vm10, $0x5200, v6;
	v7 =	vsel vm10, $0x7A00, v7;
	v0 =	vsel vm9, $0x280, v0  }
0xf: {  	v5 =	vsel vm9, $0x2A80, v5;
	v6 =	vsel vm9, $0x5280, v6;
	v7 =	vsel vm9, $0x7A80, v7  }
0x10: {  	s1 =	srdreg.scid;
	s0 =	stileid.u32;
	v0 =	vsel vm8, $0x300, v0;
	v5 =	vsel vm8, $0x2B00, v5;
	v6 =	vsel vm8, $0x5300, v6  }
0x11: {  	s4 =	simm.s32 $0xF5;
	s7 =	rddreg [dreg:$0x2];
	s5 =	simm.s32 $0x0;
	v7 =	vsel vm8, $0x7B00, v7;
	v0 =	vsel vm7, $0x380, v0;
	v5 =	vsel vm7, $0x2B80, v5  }
0x12: {  	s11 =	simm.s32 $0x7A1400;
	s6 =	sand.u32 $0x1, s1;
	s30 =	sshll.u32 s0, $0x1;
	v6 =	vsel vm7, $0x5380, v6;
	v7 =	vsel vm7, $0x7B80, v7;
	v0 =	vsel vm6, $0x1400, v0  }
0x13: {  	s12 =	simm.s32 $0x1900;
	s13 =	simm.s32 $0xB900;
	s1 =	sor.u32 s6, s30;
	v5 =	vsel vm6, $0x3C00, v5;
	v6 =	vsel vm6, $0x6400, v6;
	v7 =	vsel vm6, $0x8C00, v7  }
0x14: {  	s14 =	simm.s32 $0x3;
	s15 =	simm.s32 $0x1;
	s2 =	smul.u32 $0xF4, s1;
	v0 =	vsel vm5, $0x1480, v0;
	v5 =	vsel vm5, $0x3C80, v5;
	v6 =	vsel vm5, $0x6480, v6  }
0x15: {  	s16 =	simm.s32 $0x2;
	s3 =	smin.u32 s1, $0x5;
	p0 =	slt.u32 s1, $0x5;
	v7 =	vsel vm5, $0x8C80, v7;
	v0 =	vsel vm4, $0x1500, v0;
	v5 =	vsel vm4, $0x3D00, v5  }
0x16: {  	s17 =	simm.s32 $0x0;
	s4 =	simm.s32 @!p0 $0xF4;
	s1 =	sadd.s32 s3, s2;
	v6 =	vsel vm4, $0x6500, v6;
	v7 =	vsel vm4, $0x8D00, v7;
	v1 =	vsel vm3, $0x1580, v0  }
0x17: {  	[smem:$0x7FF] =	sst s5;
	s9 =	ssub.s32 $0x2, s6;
	s2 =	sadd.s32 s4, s1;
	v0 =	vmov s1;
	v5 =	vsel vm3, $0x3D80, v5;
	v6 =	vsel vm3, $0x6580, v6  }
.Ltmp0:
0x18: {  	s31 =	sshrl.u32 s9, $0x1;
	s8 =	sshll.u32 s1, $0x7;
	v7 =	vsel vm3, $0x8D80, v7;
	v2 =	vsel vm2, $0x1600, v1;
	v1 =	vmov s2;
	(pc) =	sbr.rel .LBB2_1-.Ltmp0, $4  }
0x19: {  	s6 =	sadd.s32 $0x20C00, s7;
	s9 =	ssub.s32 s9, s31;
	s10 =	sadd.s32 $0x280, s8;
	v5 =	vsel vm2, $0x3E00, v5;
	v6 =	vsel vm2, $0x6600, v6;
	v7 =	vsel vm2, $0x8E00, v7  }
0x1a: {  	s3 =	rddreg [dreg:$0x1];
	s9 =	smax.u32 s9, $0x1;
	s10 =	sand.u32 $0x1FFFFF80, s10;
	v4 =	vsel vm1, $0x1680, v2;
	v2 =	vlaneseq.u32;
	v5 =	vsel vm1, $0x3E80, v5  }
0x1b: {  	s4 =	rddreg [dreg:$0x3];
	s7 =	sadd.s32 s3, s8;
	s8 =	sadd.s32 s3, s10;
	v6 =	vsel vm1, $0x6680, v6;
	v7 =	vsel vm1, $0x8E80, v7;
	v4 =	vsel vm0, $0x1700, v4  }
0x1c: {  	s10 =	simm.s32 $0x1400;
	s2 =	rddreg [dreg:$0x0];
	_ =	strace $0x8000004A;
	v5 =	vsel vm0, $0x3F00, v5;
	v6 =	vsel vm0, $0x6700, v6;
	v7 =	vsel vm0, $0x8F00, v7  }
.LBB2_20:
0x1d: {  	s17 =	sadd.s32 $0x1, s17  }
0x1e: {  	p0 =	sne.s32 s17, s9  }
.Ltmp1:
0x1f: {  	_ = 	snop;
	(pc) =	sbr.rel @!p0 .LBB2_21-.Ltmp1, $1  }
0x20: {  	_ =	sdelay $0x3  }
.LBB2_1:
0x21: {  	[tilespmem:s12], [sflag:$0x1] =	stream.strided.gather [hbm4b:s7+s10], $0xA000, s11, s10, $0x38;
	[tilespmem:$0x1FB00] =	vst v63  }
0x22: {  	s19 =	simm.s32 $0x0;
	s18 =	simm.s32 $0x0;
	s20 =	simm.s32 $0x0  }
0x23: {  	[tilespmem:s13], [sflag:$0x1] =	stream.strided.gather [hbm4b:s8+s10], $0xA000, s11, s10, $0x38;
	[tilespmem:$0x1FB00] =	vst v63  }
.LBB2_2:
0x24: {  	s21 =	sshll.u32 s20, $0x8  }
0x25: {  	s22 =	simm.s32 $0x0;
	s21 =	sadd.s32 s2, s21  }
0x26: {  	[tilespmem:s22], [sflag:$0x3] =	stream.linear.gather [hbm4b:s21+s22], $0x800, $0x38;
	[tilespmem:$0x1FB00] =	vst v63  }
0x27: {  	_ =	swait.ge [sflag:s14], $0x800  }
0x28: {  	[sflag:s14] =	ssyncset.done $0x0  }
0x29: {  	s31 =	simm.s32 $0x0;
	[sflag:s14] =	ssyncadd.s32 $0xFFFFF800  }
0x2a: {  	v8 =	vld [tilespmem:s31+$0x0];
	_ =	sdelay $0x4  }
0x2b: {  	v9 =	vshra.s32 v8, $0x7  }
0x2c: {  	vm0 =	vge.s32 v9, v0;
	vm1 =	vlt.s32 v9, v1  }
0x2d: {  	vm0 =	vmand vm0, vm1  }
0x2e: {  	v63 =	vmpcnt.ones.xlane vm0;
	_ =	sdelay $0x1  }
0x2f: {  	(v2sf) =	vpush v63, $0x0;
	_ =	sdelay $0x2  }
0x30: {  	v10 =	vor.u32 s19, v2  }
0x31: {  	[tilespmem:s18+$0x800] =	vst.msk vm0, v10  }
0x32: {  	s23 =	simm.s32 $0x10;
	s22 =	simm.s32 $0x80;
	s21 =	smov.u32 s19;
	[tilespmem:s18+$0x1080] =	vst.msk vm0, v8  }
.LBB2_3:
0x33: {  	p0 =	sne.s32 s22, $0x1FC0;
	v8 =	vld [tilespmem:s23+$0x0];
	_ =	sdelay $0x4  }
0x34: {  	v9 =	vshra.s32 v8, $0x7  }
0x35: {  	vm0 =	vge.s32 v9, v0;
	vm1 =	vlt.s32 v9, v1  }
0x36: {  	vm0 =	vmand vm0, vm1  }
0x37: {  	v9 =	vmpcnt.ones.xlane vm0  }
0x38: {  	s21 =	sadd.s32 $0x10, s21;
	s23 =	spop (v2sf)  }
0x39: {  	v10 =	vor.u32 s21, v2;
	(v2sf) =	vpush v9, $0x0;
	s18 =	sadd.s32 s18, s23  }
.Ltmp2:
0x3a: {  	[tilespmem:s18+$0x800] =	vst.msk vm0, v10;
	(pc) =	sbr.rel @p0 .LBB2_3-.Ltmp2, $2  }
0x3b: {  	[tilespmem:s18+$0x1080] =	vst.msk vm0, v8;
	_ =	sdelay $0x2  }
0x3c: {  	s23 =	sshra.s32 s22, $0x2;
	s22 =	sadd.s32 $0x40, s22  }
0x3d: {  	v8 =	vld [tilespmem:s23+$0x0];
	_ =	sdelay $0x4  }
0x3e: {  	v9 =	vshra.s32 v8, $0x7  }
0x3f: {  	vm0 =	vge.s32 v9, v0;
	vm1 =	vlt.s32 v9, v1  }
0x40: {  	vm0 =	vmand vm0, vm1  }
0x41: {  	v62 =	vmpcnt.ones.xlane vm0;
	_ =	sdelay $0x1  }
0x42: {  	(v2sf) =	vpush v62, $0x0;
	_ =	sdelay $0x9  }
0x43: {  	s20 =	sadd.s32 $0x1, s20  }
0x44: {  	p0 =	sne.s32 s20, $0x8  }
.Ltmp3:
0x45: {  	_ = 	snop;
	(pc) =	sbr.rel @p0 .LBB2_2-.Ltmp3, $4  }
0x46: {  	s21 =	sadd.s32 $0x10, s21;
	s22 =	spop (v2sf)  }
0x47: {  	v63 =	vor.u32 s21, v2;
	s18 =	sadd.s32 s18, s22  }
0x48: {  	[tilespmem:s18+$0x800] =	vst.msk vm0, v63;
	s31 =	spop (v2sf)  }
0x49: {  	s19 =	sadd.s32 $0x800, s19;
	[tilespmem:s18+$0x1080] =	vst.msk vm0, v8;
	s18 =	sadd.s32 s18, s31  }
0x4a: {  	s19 =	sadd.s32 $0xF, s18  }
0x4b: {  	s20 =	sand.u32 $0xF, s19  }
0x4c: {  	s31 =	sshra.s32 s19, $0x1F;
	p1 =	slt.s32 s19, $0x1;
	p0 =	sne.s32 s20, $0x0  }
.Ltmp4:
0x4d: {  	s20 =	sshrl.u32 s31, $0x1C;
	p0 =	por !p1, !p0;
	(pc) =	sbr.rel .LBB2_6-.Ltmp4, $4  }
0x4e: {  	s19 =	sadd.s32 s20, s19;
	s20 =	simm.s32 $0x1;
	p0 =	por !p0, !p0  }
0x4f: {  	s19 =	sshra.s32 s19, $0x4;
	s20 =	simm.s32 @!p0 $0x0  }
0x50: {  	s19 =	ssub.s32 s19, s20  }
0x51: {  	v8 =	vmov s18;
	s18 =	simm.s32 $0x0;
	s20 =	simm.s32 $0x0;
	p0 =	slt.s32 s19, $0x1  }
.LBB2_17:
0x52: {  	s20 =	sadd.s32 $0x1, s20  }
0x53: {  	p1 =	seq.s32 s20, $0x31  }
.Ltmp5:
0x54: {  	_ = 	snop;
	(pc) =	sbr.rel @p1 .LBB2_18-.Ltmp5, $1  }
0x55: {  	_ =	sdelay $0x3  }
.LBB2_6:
0x56: {  	p1 =	sgt.u32 s20, $0x2E  }
0x57: {  	s21 =	sadd.s32 @!p1 $0x2, s20  }
0x58: {  	s22 =	smul.u32 @!p1 $0xAB, s21;
	_ =	sdelay $0x1  }
0x59: {  	s22 =	sshrl.u32 @!p1 s22, $0x9  }
0x5a: {  	s23 =	smul.u32 @!p1 $0x5, s21;
	s22 =	sand.u32 @!p1 $0x7F, s22  }
0x5b: {  	s22 =	smul.u32 @!p1 $0x3, s22;
	_ =	sdelay $0x1  }
0x5c: {  	s21 =	ssub.s32 @!p1 s21, s22;
	s22 =	sadd.s32 @!p1 s1, s23  }
0x5d: {  	s21 =	sand.u32 @!p1 $0xFF, s21;
	p2 =	slt.s32 @!p1 s22, $0x1E80  }
0x5e: {  	s21 =	smul.u32 @!p1 $0x28000, s21;
	p2 =	por !p2, p1  }
0x5f: {  	s24 =	simm.s32 @!p1 $0x7A1400;
	s22 =	simm.s32 @p2 $0x1E80  }
0x60: {  	s23 =	simm.s32 @!p1 $0x1400;
	s21 =	sshrl.u32 @!p1 s21, $0x2;
	s22 =	sshll.u32 @!p1 s22, $0x7  }
.Ltmp6:
0x61: {  	s21 =	sor.u32 @!p1 $0x1900, s21;
	s22 =	sadd.s32 @!p1 s3, s22;
	(pc) =	sbr.rel @p0 .LBB2_17-.Ltmp6, $4  }
0x62: {  	[tilespmem:s21], [sflag:$0x1] =	stream.strided.gather @!p1 [hbm4b:s22+s23], $0xA000, s24, s23, $0x38;
	[tilespmem:$0x1FB00] =	vst v63  }
0x63: {  	_ =	swait.ge [sflag:s15], $0xA000  }
0x64: {  	[sflag:s15] =	ssyncset.done $0x0  }
0x65: {  	[sflag:s15] =	ssyncadd.s32 $0xFFFF6000  }
0x66: {  	s21 =	smul.u32 $0xAB, s20;
	_ =	sdelay $0x1  }
0x67: {  	s21 =	sshrl.u32 s21, $0x9  }
0x68: {  	s21 =	sand.u32 $0x7F, s21  }
0x69: {  	s21 =	smul.u32 $0x3, s21  }
0x6a: {  	s22 =	smul.u32 $0x5, s20  }
0x6b: {  	s21 =	ssub.s32 s20, s21  }
.Ltmp7:
0x6c: {  	s22 =	sadd.s32 s1, s22;
	s21 =	sand.u32 $0xFF, s21;
	(pc) =	sbr.rel .LBB2_8-.Ltmp7, $4  }
0x6d: {  	p1 =	slt.s32 s22, $0x1E80;
	s21 =	smul.u32 $0x28000, s21  }
0x6e: {  	s22 =	simm.s32 @!p1 $0x1E80  }
0x6f: {  	s23 =	sadd.s32 $0x5, s22;
	s24 =	sshrl.u32 s21, $0x2  }
0x70: {  	v9 =	vmov s22;
	v10 =	vmov s23;
	s23 =	simm.s32 $0x0;
	s21 =	sshll.u32 s22, $0x7;
	s22 =	sor.u32 $0x1900, s24  }
.LBB2_10:
0x71: {  	_ = 	snop  }
.LBB2_15:
0x72: {  	s24 =	simm.s32 @!p3 $0x2;
	[tilespmem:s25+$0x1F930] =	vst @p1 v16  }
0x73: {  	[hbm4b:s30+s5] =	stream.linear.scatter @p1 [tilespmem:s29], [sflag:$0x2], $0x40, $0x38;
	[tilespmem:$0x1FB00] =	vst v63  }
0x74: {  	_ =	swait.ge @!p3 [sflag:s24], $0x40  }
0x75: {  	s29 =	sshra.s32 s18, $0x1F;
	[sflag:s24] =	ssyncset.done @!p3 $0x0  }
0x76: {  	s25 =	sshrl.u32 s29, $0x1D;
	[sflag:s24] =	ssyncadd.s32 @!p3 $0xFFFFFFC0  }
0x77: {  	s30 =	sadd.s32 s25, s18;
	v11 =	vld.idx.msk [tilespmem:v15+s22+$0x0], $0xffff  }
0x78: {  	v12 =	vadd.s32 v5, v13;
	s24 =	sand.u32 $0xFFFFFFF8, s30  }
0x79: {  	s24 =	ssub.s32 s18, s24  }
0x7a: {  	s24 =	sshll.u32 s24, $0x8  }
0x7b: {  	s24 =	sshra.s32 s24, $0x2  }
0x7c: {  	[tilespmem:s24+$0x1F900] =	vst v11  }
0x7d: {  	v11 =	vld.idx.msk [tilespmem:v12+s22+$0x0], $0xffff  }
0x7e: {  	v62 =	vadd.s32 v6, v13;
	_ =	sdelay $0x3  }
0x7f: {  	[tilespmem:s24+$0x1F910] =	vst v11  }
0x80: {  	v11 =	vld.idx.msk [tilespmem:v62+s22+$0x0], $0xffff  }
0x81: {  	v63 =	vadd.s32 v7, v13;
	_ =	sdelay $0x3  }
0x82: {  	[tilespmem:s24+$0x1F920] =	vst v11  }
0x83: {  	v11 =	vld.idx.msk [tilespmem:v63+s22+$0x0], $0xffff;
	_ =	sdelay $0x4  }
0x84: {  	s26 =	sadd.s32 s6, s26;
	s18 =	sadd.s32 $0x1, s18;
	s31 =	sadd.s32 $0x1F900, s24;
	[tilespmem:s24+$0x1F930] =	vst v11  }
0x85: {  	[hbm4b:s26+s5] =	stream.linear.scatter [tilespmem:s31], [sflag:$0x2], $0x40, $0x38;
	[tilespmem:$0x1FB00] =	vst v63  }
.LBB2_16:
0x86: {  	s23 =	sadd.s32 $0x1, s23  }
0x87: {  	p1 =	sne.s32 s23, s19  }
.Ltmp8:
0x88: {  	_ = 	snop;
	(pc) =	sbr.rel @!p1 .LBB2_17-.Ltmp8, $1  }
0x89: {  	_ =	sdelay $0x3  }
.LBB2_8:
0x8a: {  	s25 =	sshll.u32 s23, $0x4  }
0x8b: {  	v11 =	vld [tilespmem:s25+$0x1080];
	_ =	sdelay $0x4  }
0x8c: {  	v12 =	vor.u32 s25, v2;
	v13 =	vshra.s32 v11, $0x7  }
0x8d: {  	vm0 =	vlt.s32 v12, v8;
	vm1 =	vlt.s32 v13, v10  }
0x8e: {  	vm2 =	vge.s32 v13, v9;
	vm0 =	vmand vm1, vm0  }
0x8f: {  	vm0 =	vmand vm0, vm2  }
0x90: {  	v12 =	vmpcnt.ones.xlane vm0;
	_ =	sdelay $0x1  }
0x91: {  	(v2sf) =	vpush v12, $0x0;
	_ =	sdelay $0xe  }
0x92: {  	s24 =	spop (v2sf)  }
0x93: {  	p1 =	slt.s32 s24, $0x1  }
.Ltmp9:
0x94: {  	_ = 	snop;
	(pc) =	sbr.rel @p1 .LBB2_16-.Ltmp9, $2  }
0x95: {  	_ =	sdelay $0x2  }
0x96: {  	v12 =	vld [tilespmem:s25+$0x800]  }
0x97: {  	v14 =	vsel vm0, $0x1, v3  }
0x98: {  	vm0 =	vne.s32 v14, $0x0  }
0x99: {  	v13 =	vmctz.xlane vm0;
	_ =	sdelay $0x1  }
0x9a: {  	v15 =	vperm.xlane v11, v13;
	_ =	sdelay $0x1  }
0x9b: {  	(v2sf) =	vpush v15, $0x0;
	_ =	sdelay $0x1  }
0x9c: {  	v15 =	vperm.xlane v12, v13;
	_ =	sdelay $0x1  }
0x9d: {  	(v2sf) =	vpush v15, $0x0;
	_ =	sdelay $0xa  }
0x9e: {  	s24 =	sadd.s32 $0xFFFFFFFF, s24;
	s25 =	spop (v2sf)  }
0x9f: {  	p2 =	sne.s32 s24, $0x0;
	s25 =	ssub.s32 s25, s21  }
.Ltmp10:
0xa0: {  	v15 =	vmov s25;
	(pc) =	sbr.rel @!p2 .LBB2_10-.Ltmp10, $4  }
0xa1: {  	v13 =	vbroadcast v13, $0x0;
	v16 =	vshll.u32 v15, $0x3  }
0xa2: {  	s31 =	spop (v2sf);
	v15 =	vand.u32 $0x7F, v15;
	v16 =	vand.u32 $0xFFFFFC00, v16  }
0xa3: {  	vm15 =	veq.s32 v13, v2;
	s25 =	sshll.u32 s31, $0x3;
	v13 =	vor.u32 v15, v16  }
0xa4: {  	p3 =	slt.s32 s18, $0x8;
	p1 =	por $0x0, $0x0;
	v14 =	vsel vm15, $0x0, v14;
	s26 =	sand.u32 $0x1FFFFFF8, s25;
	v15 =	vadd.s32 v4, v13  }
0xa5: {  	vm0 =	vne.s32 v14, $0x0  }
0xa6: {  	v16 =	vmctz.xlane vm0  }
0xa7: {  	s25 =	simm.s32 @!p3 $0x2  }
0xa8: {  	_ =	swait.ge @!p3 [sflag:s25], $0x40;
	v17 =	vperm.xlane v11, v16  }
0xa9: {  	s28 =	sshra.s32 s18, $0x1F;
	[sflag:s25] =	ssyncset.done @!p3 $0x0  }
0xaa: {  	s28 =	sshrl.u32 s28, $0x1D;
	[sflag:s25] =	ssyncadd.s32 @!p3 $0xFFFFFFC0;
	(v2sf) =	vpush v17, $0x0;
	v17 =	vperm.xlane v12, v16  }
0xab: {  	s31 =	sadd.s32 s28, s18;
	v15 =	vld.idx.msk [tilespmem:v15+s22+$0x0], $0xffff  }
0xac: {  	s25 =	sand.u32 $0xFFFFFFF8, s31;
	(v2sf) =	vpush v17, $0x0;
	v17 =	vadd.s32 v5, v13  }
0xad: {  	s25 =	ssub.s32 s18, s25  }
0xae: {  	s25 =	sshll.u32 s25, $0x8  }
0xaf: {  	s25 =	sshra.s32 s25, $0x2  }
0xb0: {  	[tilespmem:s25+$0x1F900] =	vst v15  }
0xb1: {  	v15 =	vld.idx.msk [tilespmem:v17+s22+$0x0], $0xffff  }
0xb2: {  	v17 =	vadd.s32 v6, v13;
	_ =	sdelay $0x3  }
0xb3: {  	[tilespmem:s25+$0x1F910] =	vst v15  }
0xb4: {  	v15 =	vld.idx.msk [tilespmem:v17+s22+$0x0], $0xffff  }
0xb5: {  	v17 =	vadd.s32 v7, v13;
	_ =	sdelay $0x2  }
0xb6: {  	s24 =	sadd.s32 $0xFFFFFFFF, s24;
	v16 =	vbroadcast v16, $0x0;
	s28 =	spop (v2sf)  }
0xb7: {  	p2 =	sne.s32 s24, $0x0;
	s28 =	ssub.s32 s28, s21;
	[tilespmem:s25+$0x1F920] =	vst v15  }
.Ltmp11:
0xb8: {  	vm15 =	veq.s32 v16, v2;
	v13 =	vmov s28;
	v16 =	vld.idx.msk [tilespmem:v17+s22+$0x0], $0xffff;
	(pc) =	sbr.rel @!p2 .LBB2_12-.Ltmp11, $4  }
0xb9: {  	v18 =	vshll.u32 v13, $0x3  }
0xba: {  	s30 =	sadd.s32 s6, s26;
	s28 =	spop (v2sf);
	v13 =	vand.u32 $0x7F, v13;
	v18 =	vand.u32 $0xFFFFFC00, v18  }
0xbb: {  	p1 =	por $0x1, $0x1;
	s18 =	sadd.s32 $0x1, s18;
	s28 =	sshll.u32 s28, $0x3;
	v13 =	vor.u32 v13, v18  }
0xbc: {  	p3 =	slt.s32 s18, $0x8;
	s29 =	sadd.s32 $0x1F900, s25;
	v14 =	vsel vm15, $0x0, v14;
	s28 =	sand.u32 $0x1FFFFFF8, s28;
	v15 =	vadd.s32 v4, v13  }
.LBB2_13:
0xbd: {  	s24 =	sadd.s32 $0xFFFFFFFF, s24;
	s31 =	simm.s32 @!p3 $0x2;
	[tilespmem:s25+$0x1F930] =	vst v16;
	s26 =	smov.u32 s28  }
0xbe: {  	[hbm4b:s30+s5] =	stream.linear.scatter [tilespmem:s29], [sflag:$0x2], $0x40, $0x38;
	[tilespmem:$0x1FB00] =	vst v63  }
0xbf: {  	p2 =	sne.s32 s24, $0x0;
	_ =	swait.ge @!p3 [sflag:s31], $0x40  }
0xc0: {  	s25 =	sshra.s32 s18, $0x1F;
	[sflag:s31] =	ssyncset.done @!p3 $0x0  }
0xc1: {  	s25 =	sshrl.u32 s25, $0x1D;
	[sflag:s31] =	ssyncadd.s32 @!p3 $0xFFFFFFC0  }
0xc2: {  	vm0 =	vne.s32 v14, $0x0;
	s25 =	sadd.s32 s25, s18;
	v15 =	vld.idx.msk [tilespmem:v15+s22+$0x0], $0xffff  }
0xc3: {  	v17 =	vadd.s32 v5, v13;
	v16 =	vmctz.xlane vm0;
	s25 =	sand.u32 $0xFFFFFFF8, s25  }
0xc4: {  	s25 =	ssub.s32 s18, s25  }
0xc5: {  	v18 =	vperm.xlane v11, v16;
	v19 =	vbroadcast v16, $0x0;
	s25 =	sshll.u32 s25, $0x8  }
0xc6: {  	v16 =	vperm.xlane v12, v16;
	s25 =	sshra.s32 s25, $0x2  }
0xc7: {  	vm0 =	veq.s32 v19, v2;
	(v2sf) =	vpush v18, $0x0  }
0xc8: {  	v14 =	vsel vm0, $0x0, v14;
	(v2sf) =	vpush v16, $0x0;
	[tilespmem:s25+$0x1F900] =	vst v15  }
0xc9: {  	v15 =	vld.idx.msk [tilespmem:v17+s22+$0x0], $0xffff  }
0xca: {  	v16 =	vadd.s32 v6, v13;
	_ =	sdelay $0x4  }
0xcb: {  	[tilespmem:s25+$0x1F910] =	vst v15  }
0xcc: {  	v15 =	vld.idx.msk [tilespmem:v16+s22+$0x0], $0xffff  }
0xcd: {  	v13 =	vadd.s32 v7, v13;
	_ =	sdelay $0x4  }
0xce: {  	s28 =	spop (v2sf);
	[tilespmem:s25+$0x1F920] =	vst v15  }
0xcf: {  	s28 =	ssub.s32 s28, s21;
	s29 =	spop (v2sf);
	v16 =	vld.idx.msk [tilespmem:v13+s22+$0x0], $0xffff  }
.Ltmp12:
0xd0: {  	v13 =	vmov s28;
	s28 =	sshll.u32 s29, $0x3;
	(pc) =	sbr.rel @p2 .LBB2_13-.Ltmp12, $4  }
0xd1: {  	v15 =	vshll.u32 v13, $0x3;
	s28 =	sand.u32 $0x1FFFFFF8, s28  }
0xd2: {  	v13 =	vand.u32 $0x7F, v13;
	v15 =	vand.u32 $0xFFFFFC00, v15  }
0xd3: {  	s18 =	sadd.s32 $0x1, s18;
	v13 =	vor.u32 v13, v15  }
0xd4: {  	s30 =	sadd.s32 s6, s26;
	p3 =	slt.s32 s18, $0x8;
	s29 =	sadd.s32 $0x1F900, s25;
	v15 =	vadd.s32 v4, v13  }
.Ltmp13:
0xd5: {  	(pc) =	sbr.rel .LBB2_15-.Ltmp13, $2  }
0xd6: {  	_ =	sdelay $0x2  }
0xd7: {  	s26 =	smov.u32 s28  }
.LBB2_12:
.Ltmp14:
0xd8: {  	(pc) =	sbr.rel .LBB2_15-.Ltmp14, $2  }
0xd9: {  	_ =	sdelay $0x2  }
0xda: {  	s26 =	smov.u32 s28  }
.LBB2_18:
0xdb: {  	p0 =	sgt.s32 s18, $0x0  }
0xdc: {  	s19 =	simm.s32 @p0 $0x2  }
0xdd: {  	p1 =	seq.s32 @p0 s18, $0x1;
	_ =	swait.ge @p0 [sflag:s19], $0x40  }
0xde: {  	p1 =	por !p0, p1;
	[sflag:s19] =	ssyncset.done @p0 $0x0  }
0xdf: {  	[sflag:s19] =	ssyncadd.s32 @p0 $0xFFFFFFC0;
	p0 =	slt.u32 @!p1 s18, $0x3  }
0xe0: {  	p0 =	por p1, p0  }
.Ltmp15:
0xe1: {  	_ = 	snop;
	(pc) =	sbr.rel @p0 .LBB2_20-.Ltmp15, $4  }
0xe2: {  	s19 =	simm.s32 @!p1 $0x2  }
0xe3: {  	_ =	swait.ge @!p1 [sflag:s19], $0x40  }
0xe4: {  	[sflag:s19] =	ssyncset.done @!p1 $0x0  }
0xe5: {  	[sflag:s19] =	ssyncadd.s32 @!p1 $0xFFFFFFC0  }
0xe6: {  	p0 =	seq.s32 s18, $0x3  }
0xe7: {  	p1 =	slt.u32 @!p0 s18, $0x5  }
0xe8: {  	p2 =	por p1, p0  }
0xe9: {  	_ =	swait.ge [sflag:s16], $0x40;
	p3 =	seq.s32 @!p2 s18, $0x5  }
0xea: {  	[sflag:s16] =	ssyncset.done $0x0;
	s20 =	simm.s32 @!p3 $0x0;
	p4 =	por @!p0 p3, p1  }
0xeb: {  	s19 =	simm.s32 @!p0 $0x2;
	s20 =	simm.s32 @p3 $0x1;
	p4 =	por p4, p0  }
0xec: {  	[sflag:s16] =	ssyncadd.s32 $0xFFFFFFC0;
	[smem:$0x7FD] =	sst s20;
	p5 =	slt.u32 @!p4 s18, $0x7  }
0xed: {  	_ =	swait.ge @!p0 [sflag:s19], $0x40;
	s20 =	simm.s32 @!p5 $0x0  }
0xee: {  	[sflag:s19] =	ssyncset.done @!p0 $0x0;
	s20 =	simm.s32 @p5 $0x1  }
0xef: {  	[sflag:s19] =	ssyncadd.s32 @!p0 $0xFFFFFFC0;
	s19 =	simm.s32 @!p2 $0x2;
	[smem:$0x7FC] =	sst s20  }
0xf0: {  	_ =	swait.ge @!p2 [sflag:s19], $0x40  }
0xf1: {  	[sflag:s19] =	ssyncset.done @!p2 $0x0  }
0xf2: {  	[sflag:s19] =	ssyncadd.s32 @!p2 $0xFFFFFFC0;
	s19 =	simm.s32 @!p4 $0x2  }
0xf3: {  	_ =	swait.ge @!p4 [sflag:s19], $0x40  }
0xf4: {  	p6 =	por @!p2 p5, p3;
	s30 =	sld [smem:$0x7FC]  }
0xf5: {  	p6 =	por @!p0 p6, p1;
	s31 =	sld [smem:$0x7FD]  }
0xf6: {  	p6 =	por p6, p0  }
0xf7: {  	p5 =	seq.s32 @!p6 s18, $0x7;
	p3 =	seq.s32 s30, $0x1  }
0xf8: {  	[sflag:s19] =	ssyncset.done @!p4 $0x0;
	p5 =	por @!p4 p5, p3;
	p3 =	seq.s32 s31, $0x1  }
0xf9: {  	s18 =	simm.s32 @!p6 $0x2;
	[sflag:s19] =	ssyncadd.s32 @!p4 $0xFFFFFFC0;
	p2 =	por @!p2 p5, p3  }
0xfa: {  	_ =	swait.ge @!p6 [sflag:s18], $0x40;
	p1 =	por @!p0 p2, p1  }
.Ltmp16:
0xfb: {  	[sflag:s18] =	ssyncset.done @!p6 $0x0;
	p0 =	por p1, p0;
	(pc) =	sbr.rel .LBB2_20-.Ltmp16, $4  }
0xfc: {  	[sflag:s18] =	ssyncadd.s32 @!p6 $0xFFFFFFC0;
	s18 =	simm.s32 @!p0 $0x2  }
0xfd: {  	_ =	swait.ge @!p0 [sflag:s18], $0x40  }
0xfe: {  	[sflag:s18] =	ssyncset.done @!p0 $0x0  }
0xff: {  	[sflag:s18] =	ssyncadd.s32 @!p0 $0xFFFFFFC0  }
.LBB2_21:
0x100: {  	_ =	sfence.sel $0x180000  }
0x101: {  	[bflag:$0x0] =	sbarrier.arrive $0xFFFF  }
0x102: {  	p0 =	sne.s32 s0, $0x0;
	_ =	strace $0x9000004A  }
0x103: {  	s0 =	sadd.s32 @!p0 $0x100000, s4;
	[bflag:$0x2] =	sbarrier.arrive $0xFFFF  }
0x104: {  	[sflag:s0] =	ssyncadd.tile.s32 @!p0 $0x1;
	_ =	shalt  }
.Lfunc_end2:
_tile_overlayer_lowered:
.L_overlay_start_2:
0x105: {  	(tag) =	ssettag $0x2  }
0x106: {  	s0 =	rddreg [dreg:$0x0];
	s2 =	stileid.u32  }
0x107: {  	s1 =	rddreg [dreg:$0x1];
	p0 =	sne.s32 s2, $0x0  }
0x108: {  	s3 =	rddreg [dreg:$0x2];
	[bflag:$0x3] =	sbarrier.arrive $0xFFFF;
	s2 =	simm.s32 @!p0 $0x1C03  }
0x109: {  	[timem:s3], [sflag:s2] =	dma.local @!p0 [hbm:s0], s1  }
0x10a: {  	s0 =	simm.s32 @!p0 $0x3  }
0x10b: {  	_ =	swait.ge @!p0 [sflag:s0], s1  }
0x10c: {  	s1 =	ssub.s32 @!p0 $0x0, s1;
	[sflag:s0] =	ssyncset.done @!p0 $0x0  }
0x10d: {  	[sflag:s0] =	ssyncadd.s32 @!p0 s1  }
0x10e: {  	[bflag:$0x3] =	sbarrier.arrive $0xFFFF  }
0x10f: {  	_ =	shalt  }

</sc_bundles>
